<compile_context>
chip_gen: v7x
topology: tpu7x:2x2x1
jax: 0.10.2.dev20260603
libtpu: 0.0.44.dev20260713+nightly
codegen_flags: <defaults>
</compile_context>

<pallas_src>
import functools

import jax
import jax.numpy as jnp
from jax import lax
from jax.experimental import pallas as pl
from jax.experimental.pallas import tpu as pltpu
from jax.experimental.pallas import tpu_sc as plsc

B = 16384
D = 64
NW = 32
BPW = B // NW
CH = 128
NC = BPW // CH

_mesh = plsc.VectorSubcoreMesh(core_axis_name="c", subcore_axis_name="s")


@functools.partial(
    pl.kernel,
    out_type=(jax.ShapeDtypeStruct((B, D), jnp.float32),
              jax.ShapeDtypeStruct((B, D), jnp.float32)),
    mesh=_mesh,
    scratch_types=[
        pltpu.VMEM((BPW,), jnp.int32),
        pltpu.VMEM((BPW,), jnp.int32),
        pltpu.VMEM((2, CH, D), jnp.float32),
        pltpu.VMEM((2, CH, D), jnp.float32),
        pltpu.SemaphoreType.DMA,
        pltpu.SemaphoreType.DMA,
        pltpu.SemaphoreType.DMA,
        pltpu.SemaphoreType.DMA,
    ],
)
def _sc_gather(uidx_hbm, iidx_hbm, utab_hbm, itab_hbm, uout_hbm, iout_hbm,
               uidx_v, iidx_v, ubuf, ibuf,
               semu0, semu1, semi0, semi1):
    wid = lax.axis_index("s") * _mesh.num_cores + lax.axis_index("c")
    base = wid * BPW
    pltpu.sync_copy(uidx_hbm.at[pl.ds(base, BPW)], uidx_v)
    pltpu.sync_copy(iidx_hbm.at[pl.ds(base, BPW)], iidx_v)

    semus = (semu0, semu1)
    semis = (semi0, semi1)

    def fire(ch, b):
        off = ch * CH

        def f(g, _):
            uvec = uidx_v[pl.ds(off + g * 16, 16)]
            ivec = iidx_v[pl.ds(off + g * 16, 16)]
            for l in range(16):
                ui = uvec[l]
                ii = ivec[l]
                pltpu.async_copy(utab_hbm.at[pl.ds(ui, 1)],
                                 ubuf.at[b, pl.ds(g * 16 + l, 1)], semus[b])
                pltpu.async_copy(itab_hbm.at[pl.ds(ii, 1)],
                                 ibuf.at[b, pl.ds(g * 16 + l, 1)], semis[b])
            return 0

        lax.fori_loop(0, CH // 16, f, 0)

    def drain_and_flush(ch, b):
        pltpu.make_async_copy(utab_hbm.at[pl.ds(0, CH)], ubuf.at[b],
                              semus[b]).wait()
        pltpu.make_async_copy(itab_hbm.at[pl.ds(0, CH)], ibuf.at[b],
                              semis[b]).wait()
        pltpu.sync_copy(ubuf.at[b], uout_hbm.at[pl.ds(base + ch * CH, CH)])
        pltpu.sync_copy(ibuf.at[b], iout_hbm.at[pl.ds(base + ch * CH, CH)])

    fire(0, 0)
    fire(1, 1)
    for ch in range(2, NC):
        drain_and_flush(ch - 2, (ch - 2) % 2)
        fire(ch, ch % 2)
    drain_and_flush(NC - 2, (NC - 2) % 2)
    drain_and_flush(NC - 1, (NC - 1) % 2)


BLK = 2048


def _mlp_body(u_ref, i_ref, w1u_ref, w1i_ref, b1_ref, w2_ref, b2_ref,
              w3_ref, b3_ref, o_ref):
    h = jnp.dot(u_ref[...], w1u_ref[...], preferred_element_type=jnp.float32)
    h = h + jnp.dot(i_ref[...], w1i_ref[...], preferred_element_type=jnp.float32)
    h = jnp.maximum(h + b1_ref[...], 0.0)
    h = jnp.dot(h, w2_ref[...], preferred_element_type=jnp.float32) + b2_ref[...]
    h = jnp.maximum(h, 0.0)
    z = jnp.dot(h, w3_ref[...], preferred_element_type=jnp.float32) + b3_ref[...]
    o_ref[...] = 1.0 / (1.0 + jnp.exp(-z))


def kernel(user_indices, item_indices, user_table, item_table,
           W1, b1, W2, b2, W3, b3):
    uidx = user_indices.astype(jnp.int32)
    iidx = item_indices.astype(jnp.int32)
    urows, irows = _sc_gather(uidx, iidx, user_table, item_table)

    w1u = W1[:, :D].T
    w1i = W1[:, D:].T
    w2 = W2.T
    w3 = W3.T

    return pl.pallas_call(
        _mlp_body,
        grid=(B // BLK,),
        in_specs=[
            pl.BlockSpec((BLK, D), lambda g: (g, 0)),
            pl.BlockSpec((BLK, D), lambda g: (g, 0)),
            pl.BlockSpec((D, 64), lambda g: (0, 0)),
            pl.BlockSpec((D, 64), lambda g: (0, 0)),
            pl.BlockSpec((1, 64), lambda g: (0, 0)),
            pl.BlockSpec((64, 32), lambda g: (0, 0)),
            pl.BlockSpec((1, 32), lambda g: (0, 0)),
            pl.BlockSpec((32, 1), lambda g: (0, 0)),
            pl.BlockSpec((1, 1), lambda g: (0, 0)),
        ],
        out_specs=pl.BlockSpec((BLK, 1), lambda g: (g, 0)),
        out_shape=jax.ShapeDtypeStruct((B, 1), jnp.float32),
    )(urows, irows, w1u, w1i, b1.reshape(1, 64), w2, b2.reshape(1, 32),
      w3, b3.reshape(1, 1))

# --- scband reference (transcript-rebuilt; emitter-appended) ---
"""Pipeline reference for scband-ncf-24472723653073 (READ-ONLY COPY).

The authoritative reference and input builder live on the scoring server;
editing this copy changes nothing except your own understanding.
"""

import jax, jax.numpy as jnp
import numpy as np

NUM_USERS = 1000000
NUM_ITEMS = 1000000
EMBED_DIM = 64
BATCH = 16384

def setup_inputs(seed: int = 0) -> dict:
    key = jax.random.key(seed)
    ks = jax.random.split(key, 12)
    user_indices = jax.random.randint(ks[0], (BATCH,), 0, NUM_USERS, dtype=jnp.int64 if jax.config.jax_enable_x64 else jnp.int32)
    item_indices = jax.random.randint(ks[1], (BATCH,), 0, NUM_ITEMS, dtype=jnp.int64 if jax.config.jax_enable_x64 else jnp.int32)
    user_table = jax.random.normal(ks[2], (NUM_USERS, EMBED_DIM), dtype=jnp.float32) * 0.02
    item_table = jax.random.normal(ks[3], (NUM_ITEMS, EMBED_DIM), dtype=jnp.float32) * 0.02
    # MLP: Linear(128 -> 64), ReLU, Dropout, Linear(64 -> 32), ReLU, Dropout
    W1 = jax.random.normal(ks[4], (64, EMBED_DIM * 2), dtype=jnp.float32) * (1.0 / np.sqrt(EMBED_DIM * 2))
    b1 = jnp.zeros((64,), dtype=jnp.float32)
    W2 = jax.random.normal(ks[5], (32, 64), dtype=jnp.float32) * (1.0 / np.sqrt(64))
    b2 = jnp.zeros((32,), dtype=jnp.float32)
    # Output: Linear(32 -> 1), Sigmoid
    W3 = jax.random.normal(ks[6], (1, 32), dtype=jnp.float32) * (1.0 / np.sqrt(32))
    b3 = jnp.zeros((1,), dtype=jnp.float32)
    return {
        "user_indices": user_indices,
        "item_indices": item_indices,
        "user_table": user_table,
        "item_table": item_table,
        "W1": W1, "b1": b1,
        "W2": W2, "b2": b2,
        "W3": W3, "b3": b3,
    }

def reference(user_indices, item_indices, user_table, item_table, W1, b1, W2, b2, W3, b3):
    # Embedding lookups (SparseCore gather)
    user_vector = jnp.take(user_table, user_indices, axis=0)
    item_vector = jnp.take(item_table, item_indices, axis=0)
    vector = jnp.concatenate([user_vector, item_vector], axis=-1)
    # MLP (dropout p=0.0 / eval mode -> identity)
    h = jnp.maximum(vector @ W1.T + b1, 0.0)
    h = jnp.maximum(h @ W2.T + b2, 0.0)
    # Output layer + sigmoid
    predict = jax.nn.sigmoid(h @ W3.T + b3)
    return predict

if __name__ == "__main__":
    import jax
    _d = setup_inputs()
    print(jax.jit(kernel)(*tuple(_d.values())))

</pallas_src>

<mosaic_0001>
#map = affine_map<(d0, d1) -> (0)>
#map1 = affine_map<(d0, d1) -> (0, 0)>
module attributes {stable_mosaic.version = 14 : i64} {
  func.func @_sc_gather(%arg0: i32, %arg1: i32, %arg2: memref<16384xi32, #tpu.memory_space<hbm>>, %arg3: memref<16384xi32, #tpu.memory_space<hbm>>, %arg4: memref<1000000x64xf32, #tpu.memory_space<hbm>>, %arg5: memref<1000000x64xf32, #tpu.memory_space<hbm>>, %arg6: memref<16384x64xf32, #tpu.memory_space<hbm>>, %arg7: memref<16384x64xf32, #tpu.memory_space<hbm>>, %arg8: memref<512xi32, #tpu.memory_space<vmem>>, %arg9: memref<512xi32, #tpu.memory_space<vmem>>, %arg10: memref<2x128x64xf32, #tpu.memory_space<vmem>>, %arg11: memref<2x128x64xf32, #tpu.memory_space<vmem>>, %arg12: memref<!tpu.dma_semaphore, #tpu.memory_space<semaphore_mem>>, %arg13: memref<!tpu.dma_semaphore, #tpu.memory_space<semaphore_mem>>, %arg14: memref<!tpu.dma_semaphore, #tpu.memory_space<semaphore_mem>>, %arg15: memref<!tpu.dma_semaphore, #tpu.memory_space<semaphore_mem>>) attributes {dimension_semantics = [#tpu.dimension_semantics<core_parallel>, #tpu.dimension_semantics<subcore_parallel>], iteration_bounds = array<i64: 2, 16>, scalar_prefetch = 0 : i64, scratch_operands = 8 : i64, tpu.core_type = #tpu.core_type<sc_vector_subcore>, window_params = [{transform_indices = #map}, {transform_indices = #map}, {transform_indices = #map1}, {transform_indices = #map1}, {transform_indices = #map1}, {transform_indices = #map1}]} {
    %mul3A = arith.constant 2 : i32
    %mul3A_0 = arith.muli %arg1, %mul3A : i32
    %add3A = arith.addi %mul3A_0, %arg0 : i32
    %mul3A_1 = arith.constant 512 : i32
    %mul3A_2 = arith.muli %add3A, %mul3A_1 : i32
    "tpu.region"() ({
      %run_scoped3A_172 = tpu.sem_alloc : memref<!tpu.dma_semaphore, #tpu.memory_space<semaphore_mem>>
      %dma_start3A = tpu.memref_slice %arg2[%mul3A_2] : memref<16384xi32, #tpu.memory_space<hbm>> -> memref<512xi32, #tpu.memory_space<hbm>>
      %dma_start3A_173 = tpu.memref_slice %arg2[%mul3A_2] : memref<16384xi32, #tpu.memory_space<hbm>> -> memref<512xi32, #tpu.memory_space<hbm>>
      tpu.enqueue_dma source(%dma_start3A_173 : memref<512xi32, #tpu.memory_space<hbm>>) target(%arg8 : memref<512xi32, #tpu.memory_space<vmem>>) target_semaphore(%run_scoped3A_172 : memref<!tpu.dma_semaphore, #tpu.memory_space<semaphore_mem>>)
      %dma_wait3A_174 = tpu.memref_slice %arg2[%mul3A_2] : memref<16384xi32, #tpu.memory_space<hbm>> -> memref<512xi32, #tpu.memory_space<hbm>>
      %dma_wait3A_175 = tpu.memref_slice %arg2[%mul3A_2] : memref<16384xi32, #tpu.memory_space<hbm>> -> memref<512xi32, #tpu.memory_space<hbm>>
      tpu.wait_dma2 semaphore(%run_scoped3A_172 : memref<!tpu.dma_semaphore, #tpu.memory_space<semaphore_mem>>) src(%dma_wait3A_175 : memref<512xi32, #tpu.memory_space<hbm>>) dst(%arg8 : memref<512xi32, #tpu.memory_space<vmem>>)
      tpu.yield
    }) : () -> ()
    "tpu.region"() ({
      %run_scoped3A_172 = tpu.sem_alloc : memref<!tpu.dma_semaphore, #tpu.memory_space<semaphore_mem>>
      %dma_start3A = tpu.memref_slice %arg3[%mul3A_2] : memref<16384xi32, #tpu.memory_space<hbm>> -> memref<512xi32, #tpu.memory_space<hbm>>
      %dma_start3A_173 = tpu.memref_slice %arg3[%mul3A_2] : memref<16384xi32, #tpu.memory_space<hbm>> -> memref<512xi32, #tpu.memory_space<hbm>>
      tpu.enqueue_dma source(%dma_start3A_173 : memref<512xi32, #tpu.memory_space<hbm>>) target(%arg9 : memref<512xi32, #tpu.memory_space<vmem>>) target_semaphore(%run_scoped3A_172 : memref<!tpu.dma_semaphore, #tpu.memory_space<semaphore_mem>>)
      %dma_wait3A_174 = tpu.memref_slice %arg3[%mul3A_2] : memref<16384xi32, #tpu.memory_space<hbm>> -> memref<512xi32, #tpu.memory_space<hbm>>
      %dma_wait3A_175 = tpu.memref_slice %arg3[%mul3A_2] : memref<16384xi32, #tpu.memory_space<hbm>> -> memref<512xi32, #tpu.memory_space<hbm>>
      tpu.wait_dma2 semaphore(%run_scoped3A_172 : memref<!tpu.dma_semaphore, #tpu.memory_space<semaphore_mem>>) src(%dma_wait3A_175 : memref<512xi32, #tpu.memory_space<hbm>>) dst(%arg9 : memref<512xi32, #tpu.memory_space<vmem>>)
      tpu.yield
    }) : () -> ()
    %scan3A = arith.constant 0 : i32
    %scan3A_3 = arith.constant 0 : i32
    %scan3A_4 = arith.constant 8 : i32
    %scan3A_5 = arith.addi %scan3A_3, %scan3A_4 : i32
    %scan3A_6 = arith.constant 1 : i32
    %scan3A_7 = scf.for %scan3A_172 = %scan3A_3 to %scan3A_5 step %scan3A_6 iter_args(%scan3A_173 = %scan3A) -> (i32)  : i32 {
      %mul3A_174 = arith.constant 16 : i32
      %mul3A_175 = arith.muli %scan3A_172, %mul3A_174 : i32
      %add3A_176 = arith.constant 0 : i32
      %add3A_177 = arith.addi %add3A_176, %mul3A_175 : i32
      %get3A = arith.index_cast %add3A_177 : i32 to index
      %get3A_178 = tpu.vector_load %arg8[%get3A] {strides = array<i32>} : memref<512xi32, #tpu.memory_space<vmem>>, vector<16xi32>,
      %get3A_179 = vector.shape_cast %get3A_178 : vector<16xi32> to vector<16xi32>
      %mul3A_180 = arith.constant 16 : i32
      %mul3A_181 = arith.muli %scan3A_172, %mul3A_180 : i32
      %add3A_182 = arith.constant 0 : i32
      %add3A_183 = arith.addi %add3A_182, %mul3A_181 : i32
      %get3A_184 = arith.index_cast %add3A_183 : i32 to index
      %get3A_185 = tpu.vector_load %arg9[%get3A_184] {strides = array<i32>} : memref<512xi32, #tpu.memory_space<vmem>>, vector<16xi32>,
      %get3A_186 = vector.shape_cast %get3A_185 : vector<16xi32> to vector<16xi32>
      %slice3A = vector.extract_strided_slice %get3A_179 {offsets = [0], sizes = [1], strides = [1]} : vector<16xi32> to vector<1xi32>
      %squeeze3A = vector.extract %slice3A[0] : i32 from vector<1xi32>
      %slice3A_187 = vector.extract_strided_slice %get3A_186 {offsets = [0], sizes = [1], strides = [1]} : vector<16xi32> to vector<1xi32>
      %squeeze3A_188 = vector.extract %slice3A_187[0] : i32 from vector<1xi32>
      %mul3A_189 = arith.constant 16 : i32
      %mul3A_190 = arith.muli %scan3A_172, %mul3A_189 : i32
      %add3A_191 = arith.constant 0 : i32
      %add3A_192 = arith.addi %mul3A_190, %add3A_191 : i32
      %dma_start3A = arith.constant 0 : i32
      %dma_start3A_193 = arith.constant 0 : i32
      %dma_start3A_194 = tpu.memref_slice %arg10[%dma_start3A, %add3A_192, %dma_start3A_193] : memref<2x128x64xf32, #tpu.memory_space<vmem>> -> memref<1x1x64xf32, #tpu.memory_space<vmem>>
      %dma_start3A_195 = tpu.memref_squeeze %dma_start3A_194 : memref<1x1x64xf32, #tpu.memory_space<vmem>> -> memref<1x64xf32, #tpu.memory_space<vmem>>
      %dma_start3A_196 = arith.constant 0 : i32
      %dma_start3A_197 = tpu.memref_slice %arg4[%squeeze3A, %dma_start3A_196] : memref<1000000x64xf32, #tpu.memory_space<hbm>> -> memref<1x64xf32, #tpu.memory_space<hbm>>
      %dma_start3A_198 = arith.constant 0 : i32
      %dma_start3A_199 = tpu.memref_slice %arg10[%dma_start3A, %add3A_192, %dma_start3A_198] : memref<2x128x64xf32, #tpu.memory_space<vmem>> -> memref<1x1x64xf32, #tpu.memory_space<vmem>>
      %dma_start3A_200 = tpu.memref_squeeze %dma_start3A_199 : memref<1x1x64xf32, #tpu.memory_space<vmem>> -> memref<1x64xf32, #tpu.memory_space<vmem>>
      %dma_start3A_201 = arith.constant 0 : i32
      %dma_start3A_202 = tpu.memref_slice %arg4[%squeeze3A, %dma_start3A_201] : memref<1000000x64xf32, #tpu.memory_space<hbm>> -> memref<1x64xf32, #tpu.memory_space<hbm>>
      tpu.enqueue_dma source(%dma_start3A_202 : memref<1x64xf32, #tpu.memory_space<hbm>>) target(%dma_start3A_200 : memref<1x64xf32, #tpu.memory_space<vmem>>) target_semaphore(%arg12 : memref<!tpu.dma_semaphore, #tpu.memory_space<semaphore_mem>>)
      %mul3A_203 = arith.constant 16 : i32
      %mul3A_204 = arith.muli %scan3A_172, %mul3A_203 : i32
      %add3A_205 = arith.constant 0 : i32
      %add3A_206 = arith.addi %mul3A_204, %add3A_205 : i32
      %dma_start3A_207 = arith.constant 0 : i32
      %dma_start3A_208 = arith.constant 0 : i32
      %dma_start3A_209 = tpu.memref_slice %arg11[%dma_start3A_207, %add3A_206, %dma_start3A_208] : memref<2x128x64xf32, #tpu.memory_space<vmem>> -> memref<1x1x64xf32, #tpu.memory_space<vmem>>
      %dma_start3A_210 = tpu.memref_squeeze %dma_start3A_209 : memref<1x1x64xf32, #tpu.memory_space<vmem>> -> memref<1x64xf32, #tpu.memory_space<vmem>>
      %dma_start3A_211 = arith.constant 0 : i32
      %dma_start3A_212 = tpu.memref_slice %arg5[%squeeze3A_188, %dma_start3A_211] : memref<1000000x64xf32, #tpu.memory_space<hbm>> -> memref<1x64xf32, #tpu.memory_space<hbm>>
      %dma_start3A_213 = arith.constant 0 : i32
      %dma_start3A_214 = tpu.memref_slice %arg11[%dma_start3A_207, %add3A_206, %dma_start3A_213] : memref<2x128x64xf32, #tpu.memory_space<vmem>> -> memref<1x1x64xf32, #tpu.memory_space<vmem>>
      %dma_start3A_215 = tpu.memref_squeeze %dma_start3A_214 : memref<1x1x64xf32, #tpu.memory_space<vmem>> -> memref<1x64xf32, #tpu.memory_space<vmem>>
      %dma_start3A_216 = arith.constant 0 : i32
      %dma_start3A_217 = tpu.memref_slice %arg5[%squeeze3A_188, %dma_start3A_216] : memref<1000000x64xf32, #tpu.memory_space<hbm>> -> memref<1x64xf32, #tpu.memory_space<hbm>>
      tpu.enqueue_dma source(%dma_start3A_217 : memref<1x64xf32, #tpu.memory_space<hbm>>) target(%dma_start3A_215 : memref<1x64xf32, #tpu.memory_space<vmem>>) target_semaphore(%arg14 : memref<!tpu.dma_semaphore, #tpu.memory_space<semaphore_mem>>)
      %slice3A_218 = vector.extract_strided_slice %get3A_179 {offsets = [1], sizes = [1], strides = [1]} : vector<16xi32> to vector<1xi32>
      %squeeze3A_219 = vector.extract %slice3A_218[0] : i32 from vector<1xi32>
      %slice3A_220 = vector.extract_strided_slice %get3A_186 {offsets = [1], sizes = [1], strides = [1]} : vector<16xi32> to vector<1xi32>
      %squeeze3A_221 = vector.extract %slice3A_220[0] : i32 from vector<1xi32>
      %mul3A_222 = arith.constant 16 : i32
      %mul3A_223 = arith.muli %scan3A_172, %mul3A_222 : i32
      %add3A_224 = arith.constant 1 : i32
      %add3A_225 = arith.addi %mul3A_223, %add3A_224 : i32
      %dma_start3A_226 = arith.constant 0 : i32
      %dma_start3A_227 = arith.constant 0 : i32
      %dma_start3A_228 = tpu.memref_slice %arg10[%dma_start3A_226, %add3A_225, %dma_start3A_227] : memref<2x128x64xf32, #tpu.memory_space<vmem>> -> memref<1x1x64xf32, #tpu.memory_space<vmem>>
      %dma_start3A_229 = tpu.memref_squeeze %dma_start3A_228 : memref<1x1x64xf32, #tpu.memory_space<vmem>> -> memref<1x64xf32, #tpu.memory_space<vmem>>
      %dma_start3A_230 = arith.constant 0 : i32
      %dma_start3A_231 = tpu.memref_slice %arg4[%squeeze3A_219, %dma_start3A_230] : memref<1000000x64xf32, #tpu.memory_space<hbm>> -> memref<1x64xf32, #tpu.memory_space<hbm>>
      %dma_start3A_232 = arith.constant 0 : i32
      %dma_start3A_233 = tpu.memref_slice %arg10[%dma_start3A_226, %add3A_225, %dma_start3A_232] : memref<2x128x64xf32, #tpu.memory_space<vmem>> -> memref<1x1x64xf32, #tpu.memory_space<vmem>>
      %dma_start3A_234 = tpu.memref_squeeze %dma_start3A_233 : memref<1x1x64xf32, #tpu.memory_space<vmem>> -> memref<1x64xf32, #tpu.memory_space<vmem>>
      %dma_start3A_235 = arith.constant 0 : i32
      %dma_start3A_236 = tpu.memref_slice %arg4[%squeeze3A_219, %dma_start3A_235] : memref<1000000x64xf32, #tpu.memory_space<hbm>> -> memref<1x64xf32, #tpu.memory_space<hbm>>
      tpu.enqueue_dma source(%dma_start3A_236 : memref<1x64xf32, #tpu.memory_space<hbm>>) target(%dma_start3A_234 : memref<1x64xf32, #tpu.memory_space<vmem>>) target_semaphore(%arg12 : memref<!tpu.dma_semaphore, #tpu.memory_space<semaphore_mem>>)
      %mul3A_237 = arith.constant 16 : i32
      %mul3A_238 = arith.muli %scan3A_172, %mul3A_237 : i32
      %add3A_239 = arith.constant 1 : i32
      %add3A_240 = arith.addi %mul3A_238, %add3A_239 : i32
      %dma_start3A_241 = arith.constant 0 : i32
      %dma_start3A_242 = arith.constant 0 : i32
      %dma_start3A_243 = tpu.memref_slice %arg11[%dma_start3A_241, %add3A_240, %dma_start3A_242] : memref<2x128x64xf32, #tpu.memory_space<vmem>> -> memref<1x1x64xf32, #tpu.memory_space<vmem>>
      %dma_start3A_244 = tpu.memref_squeeze %dma_start3A_243 : memref<1x1x64xf32, #tpu.memory_space<vmem>> -> memref<1x64xf32, #tpu.memory_space<vmem>>
      %dma_start3A_245 = arith.constant 0 : i32
      %dma_start3A_246 = tpu.memref_slice %arg5[%squeeze3A_221, %dma_start3A_245] : memref<1000000x64xf32, #tpu.memory_space<hbm>> -> memref<1x64xf32, #tpu.memory_space<hbm>>
      %dma_start3A_247 = arith.constant 0 : i32
      %dma_start3A_248 = tpu.memref_slice %arg11[%dma_start3A_241, %add3A_240, %dma_start3A_247] : memref<2x128x64xf32, #tpu.memory_space<vmem>> -> memref<1x1x64xf32, #tpu.memory_space<vmem>>
      %dma_start3A_249 = tpu.memref_squeeze %dma_start3A_248 : memref<1x1x64xf32, #tpu.memory_space<vmem>> -> memref<1x64xf32, #tpu.memory_space<vmem>>
      %dma_start3A_250 = arith.constant 0 : i32
      %dma_start3A_251 = tpu.memref_slice %arg5[%squeeze3A_221, %dma_start3A_250] : memref<1000000x64xf32, #tpu.memory_space<hbm>> -> memref<1x64xf32, #tpu.memory_space<hbm>>
      tpu.enqueue_dma source(%dma_start3A_251 : memref<1x64xf32, #tpu.memory_space<hbm>>) target(%dma_start3A_249 : memref<1x64xf32, #tpu.memory_space<vmem>>) target_semaphore(%arg14 : memref<!tpu.dma_semaphore, #tpu.memory_space<semaphore_mem>>)
      %slice3A_252 = vector.extract_strided_slice %get3A_179 {offsets = [2], sizes = [1], strides = [1]} : vector<16xi32> to vector<1xi32>
      %squeeze3A_253 = vector.extract %slice3A_252[0] : i32 from vector<1xi32>
      %slice3A_254 = vector.extract_strided_slice %get3A_186 {offsets = [2], sizes = [1], strides = [1]} : vector<16xi32> to vector<1xi32>
      %squeeze3A_255 = vector.extract %slice3A_254[0] : i32 from vector<1xi32>
      %mul3A_256 = arith.constant 16 : i32
      %mul3A_257 = arith.muli %scan3A_172, %mul3A_256 : i32
      %add3A_258 = arith.constant 2 : i32
      %add3A_259 = arith.addi %mul3A_257, %add3A_258 : i32
      %dma_start3A_260 = arith.constant 0 : i32
      %dma_start3A_261 = arith.constant 0 : i32
      %dma_start3A_262 = tpu.memref_slice %arg10[%dma_start3A_260, %add3A_259, %dma_start3A_261] : memref<2x128x64xf32, #tpu.memory_space<vmem>> -> memref<1x1x64xf32, #tpu.memory_space<vmem>>
      %dma_start3A_263 = tpu.memref_squeeze %dma_start3A_262 : memref<1x1x64xf32, #tpu.memory_space<vmem>> -> memref<1x64xf32, #tpu.memory_space<vmem>>
      %dma_start3A_264 = arith.constant 0 : i32
      %dma_start3A_265 = tpu.memref_slice %arg4[%squeeze3A_253, %dma_start3A_264] : memref<1000000x64xf32, #tpu.memory_space<hbm>> -> memref<1x64xf32, #tpu.memory_space<hbm>>
      %dma_start3A_266 = arith.constant 0 : i32
      %dma_start3A_267 = tpu.memref_slice %arg10[%dma_start3A_260, %add3A_259, %dma_start3A_266] : memref<2x128x64xf32, #tpu.memory_space<vmem>> -> memref<1x1x64xf32, #tpu.memory_space<vmem>>
      %dma_start3A_268 = tpu.memref_squeeze %dma_start3A_267 : memref<1x1x64xf32, #tpu.memory_space<vmem>> -> memref<1x64xf32, #tpu.memory_space<vmem>>
      %dma_start3A_269 = arith.constant 0 : i32
      %dma_start3A_270 = tpu.memref_slice %arg4[%squeeze3A_253, %dma_start3A_269] : memref<1000000x64xf32, #tpu.memory_space<hbm>> -> memref<1x64xf32, #tpu.memory_space<hbm>>
      tpu.enqueue_dma source(%dma_start3A_270 : memref<1x64xf32, #tpu.memory_space<hbm>>) target(%dma_start3A_268 : memref<1x64xf32, #tpu.memory_space<vmem>>) target_semaphore(%arg12 : memref<!tpu.dma_semaphore, #tpu.memory_space<semaphore_mem>>)
      %mul3A_271 = arith.constant 16 : i32
      %mul3A_272 = arith.muli %scan3A_172, %mul3A_271 : i32
      %add3A_273 = arith.constant 2 : i32
      %add3A_274 = arith.addi %mul3A_272, %add3A_273 : i32
      %dma_start3A_275 = arith.constant 0 : i32
      %dma_start3A_276 = arith.constant 0 : i32
      %dma_start3A_277 = tpu.memref_slice %arg11[%dma_start3A_275, %add3A_274, %dma_start3A_276] : memref<2x128x64xf32, #tpu.memory_space<vmem>> -> memref<1x1x64xf32, #tpu.memory_space<vmem>>
      %dma_start3A_278 = tpu.memref_squeeze %dma_start3A_277 : memref<1x1x64xf32, #tpu.memory_space<vmem>> -> memref<1x64xf32, #tpu.memory_space<vmem>>
      %dma_start3A_279 = arith.constant 0 : i32
      %dma_start3A_280 = tpu.memref_slice %arg5[%squeeze3A_255, %dma_start3A_279] : memref<1000000x64xf32, #tpu.memory_space<hbm>> -> memref<1x64xf32, #tpu.memory_space<hbm>>
      %dma_start3A_281 = arith.constant 0 : i32
      %dma_start3A_282 = tpu.memref_slice %arg11[%dma_start3A_275, %add3A_274, %dma_start3A_281] : memref<2x128x64xf32, #tpu.memory_space<vmem>> -> memref<1x1x64xf32, #tpu.memory_space<vmem>>
      %dma_start3A_283 = tpu.memref_squeeze %dma_start3A_282 : memref<1x1x64xf32, #tpu.memory_space<vmem>> -> memref<1x64xf32, #tpu.memory_space<vmem>>
      %dma_start3A_284 = arith.constant 0 : i32
      %dma_start3A_285 = tpu.memref_slice %arg5[%squeeze3A_255, %dma_start3A_284] : memref<1000000x64xf32, #tpu.memory_space<hbm>> -> memref<1x64xf32, #tpu.memory_space<hbm>>
      tpu.enqueue_dma source(%dma_start3A_285 : memref<1x64xf32, #tpu.memory_space<hbm>>) target(%dma_start3A_283 : memref<1x64xf32, #tpu.memory_space<vmem>>) target_semaphore(%arg14 : memref<!tpu.dma_semaphore, #tpu.memory_space<semaphore_mem>>)
      %slice3A_286 = vector.extract_strided_slice %get3A_179 {offsets = [3], sizes = [1], strides = [1]} : vector<16xi32> to vector<1xi32>
      %squeeze3A_287 = vector.extract %slice3A_286[0] : i32 from vector<1xi32>
      %slice3A_288 = vector.extract_strided_slice %get3A_186 {offsets = [3], sizes = [1], strides = [1]} : vector<16xi32> to vector<1xi32>
      %squeeze3A_289 = vector.extract %slice3A_288[0] : i32 from vector<1xi32>
      %mul3A_290 = arith.constant 16 : i32
      %mul3A_291 = arith.muli %scan3A_172, %mul3A_290 : i32
      %add3A_292 = arith.constant 3 : i32
      %add3A_293 = arith.addi %mul3A_291, %add3A_292 : i32
      %dma_start3A_294 = arith.constant 0 : i32
      %dma_start3A_295 = arith.constant 0 : i32
      %dma_start3A_296 = tpu.memref_slice %arg10[%dma_start3A_294, %add3A_293, %dma_start3A_295] : memref<2x128x64xf32, #tpu.memory_space<vmem>> -> memref<1x1x64xf32, #tpu.memory_space<vmem>>
      %dma_start3A_297 = tpu.memref_squeeze %dma_start3A_296 : memref<1x1x64xf32, #tpu.memory_space<vmem>> -> memref<1x64xf32, #tpu.memory_space<vmem>>
      %dma_start3A_298 = arith.constant 0 : i32
      %dma_start3A_299 = tpu.memref_slice %arg4[%squeeze3A_287, %dma_start3A_298] : memref<1000000x64xf32, #tpu.memory_space<hbm>> -> memref<1x64xf32, #tpu.memory_space<hbm>>
      %dma_start3A_300 = arith.constant 0 : i32
      %dma_start3A_301 = tpu.memref_slice %arg10[%dma_start3A_294, %add3A_293, %dma_start3A_300] : memref<2x128x64xf32, #tpu.memory_space<vmem>> -> memref<1x1x64xf32, #tpu.memory_space<vmem>>
      %dma_start3A_302 = tpu.memref_squeeze %dma_start3A_301 : memref<1x1x64xf32, #tpu.memory_space<vmem>> -> memref<1x64xf32, #tpu.memory_space<vmem>>
      %dma_start3A_303 = arith.constant 0 : i32
      %dma_start3A_304 = tpu.memref_slice %arg4[%squeeze3A_287, %dma_start3A_303] : memref<1000000x64xf32, #tpu.memory_space<hbm>> -> memref<1x64xf32, #tpu.memory_space<hbm>>
      tpu.enqueue_dma source(%dma_start3A_304 : memref<1x64xf32, #tpu.memory_space<hbm>>) target(%dma_start3A_302 : memref<1x64xf32, #tpu.memory_space<vmem>>) target_semaphore(%arg12 : memref<!tpu.dma_semaphore, #tpu.memory_space<semaphore_mem>>)
      %mul3A_305 = arith.constant 16 : i32
      %mul3A_306 = arith.muli %scan3A_172, %mul3A_305 : i32
      %add3A_307 = arith.constant 3 : i32
      %add3A_308 = arith.addi %mul3A_306, %add3A_307 : i32
      %dma_start3A_309 = arith.constant 0 : i32
      %dma_start3A_310 = arith.constant 0 : i32
      %dma_start3A_311 = tpu.memref_slice %arg11[%dma_start3A_309, %add3A_308, %dma_start3A_310] : memref<2x128x64xf32, #tpu.memory_space<vmem>> -> memref<1x1x64xf32, #tpu.memory_space<vmem>>
      %dma_start3A_312 = tpu.memref_squeeze %dma_start3A_311 : memref<1x1x64xf32, #tpu.memory_space<vmem>> -> memref<1x64xf32, #tpu.memory_space<vmem>>
      %dma_start3A_313 = arith.constant 0 : i32
      %dma_start3A_314 = tpu.memref_slice %arg5[%squeeze3A_289, %dma_start3A_313] : memref<1000000x64xf32, #tpu.memory_space<hbm>> -> memref<1x64xf32, #tpu.memory_space<hbm>>
      %dma_start3A_315 = arith.constant 0 : i32
      %dma_start3A_316 = tpu.memref_slice %arg11[%dma_start3A_309, %add3A_308, %dma_start3A_315] : memref<2x128x64xf32, #tpu.memory_space<vmem>> -> memref<1x1x64xf32, #tpu.memory_space<vmem>>
      %dma_start3A_317 = tpu.memref_squeeze %dma_start3A_316 : memref<1x1x64xf32, #tpu.memory_space<vmem>> -> memref<1x64xf32, #tpu.memory_space<vmem>>
      %dma_start3A_318 = arith.constant 0 : i32
      %dma_start3A_319 = tpu.memref_slice %arg5[%squeeze3A_289, %dma_start3A_318] : memref<1000000x64xf32, #tpu.memory_space<hbm>> -> memref<1x64xf32, #tpu.memory_space<hbm>>
      tpu.enqueue_dma source(%dma_start3A_319 : memref<1x64xf32, #tpu.memory_space<hbm>>) target(%dma_start3A_317 : memref<1x64xf32, #tpu.memory_space<vmem>>) target_semaphore(%arg14 : memref<!tpu.dma_semaphore, #tpu.memory_space<semaphore_mem>>)
      %slice3A_320 = vector.extract_strided_slice %get3A_179 {offsets = [4], sizes = [1], strides = [1]} : vector<16xi32> to vector<1xi32>
      %squeeze3A_321 = vector.extract %slice3A_320[0] : i32 from vector<1xi32>
      %slice3A_322 = vector.extract_strided_slice %get3A_186 {offsets = [4], sizes = [1], strides = [1]} : vector<16xi32> to vector<1xi32>
      %squeeze3A_323 = vector.extract %slice3A_322[0] : i32 from vector<1xi32>
      %mul3A_324 = arith.constant 16 : i32
      %mul3A_325 = arith.muli %scan3A_172, %mul3A_324 : i32
      %add3A_326 = arith.constant 4 : i32
      %add3A_327 = arith.addi %mul3A_325, %add3A_326 : i32
      %dma_start3A_328 = arith.constant 0 : i32
      %dma_start3A_329 = arith.constant 0 : i32
      %dma_start3A_330 = tpu.memref_slice %arg10[%dma_start3A_328, %add3A_327, %dma_start3A_329] : memref<2x128x64xf32, #tpu.memory_space<vmem>> -> memref<1x1x64xf32, #tpu.memory_space<vmem>>
      %dma_start3A_331 = tpu.memref_squeeze %dma_start3A_330 : memref<1x1x64xf32, #tpu.memory_space<vmem>> -> memref<1x64xf32, #tpu.memory_space<vmem>>
      %dma_start3A_332 = arith.constant 0 : i32
      %dma_start3A_333 = tpu.memref_slice %arg4[%squeeze3A_321, %dma_start3A_332] : memref<1000000x64xf32, #tpu.memory_space<hbm>> -> memref<1x64xf32, #tpu.memory_space<hbm>>
      %dma_start3A_334 = arith.constant 0 : i32
      %dma_start3A_335 = tpu.memref_slice %arg10[%dma_start3A_328, %add3A_327, %dma_start3A_334] : memref<2x128x64xf32, #tpu.memory_space<vmem>> -> memref<1x1x64xf32, #tpu.memory_space<vmem>>
      %dma_start3A_336 = tpu.memref_squeeze %dma_start3A_335 : memref<1x1x64xf32, #tpu.memory_space<vmem>> -> memref<1x64xf32, #tpu.memory_space<vmem>>
      %dma_start3A_337 = arith.constant 0 : i32
      %dma_start3A_338 = tpu.memref_slice %arg4[%squeeze3A_321, %dma_start3A_337] : memref<1000000x64xf32, #tpu.memory_space<hbm>> -> memref<1x64xf32, #tpu.memory_space<hbm>>
      tpu.enqueue_dma source(%dma_start3A_338 : memref<1x64xf32, #tpu.memory_space<hbm>>) target(%dma_start3A_336 : memref<1x64xf32, #tpu.memory_space<vmem>>) target_semaphore(%arg12 : memref<!tpu.dma_semaphore, #tpu.memory_space<semaphore_mem>>)
      %mul3A_339 = arith.constant 16 : i32
      %mul3A_340 = arith.muli %scan3A_172, %mul3A_339 : i32
      %add3A_341 = arith.constant 4 : i32
      %add3A_342 = arith.addi %mul3A_340, %add3A_341 : i32
      %dma_start3A_343 = arith.constant 0 : i32
      %dma_start3A_344 = arith.constant 0 : i32
      %dma_start3A_345 = tpu.memref_slice %arg11[%dma_start3A_343, %add3A_342, %dma_start3A_344] : memref<2x128x64xf32, #tpu.memory_space<vmem>> -> memref<1x1x64xf32, #tpu.memory_space<vmem>>
      %dma_start3A_346 = tpu.memref_squeeze %dma_start3A_345 : memref<1x1x64xf32, #tpu.memory_space<vmem>> -> memref<1x64xf32, #tpu.memory_space<vmem>>
      %dma_start3A_347 = arith.constant 0 : i32
      %dma_start3A_348 = tpu.memref_slice %arg5[%squeeze3A_323, %dma_start3A_347] : memref<1000000x64xf32, #tpu.memory_space<hbm>> -> memref<1x64xf32, #tpu.memory_space<hbm>>
      %dma_start3A_349 = arith.constant 0 : i32
      %dma_start3A_350 = tpu.memref_slice %arg11[%dma_start3A_343, %add3A_342, %dma_start3A_349] : memref<2x128x64xf32, #tpu.memory_space<vmem>> -> memref<1x1x64xf32, #tpu.memory_space<vmem>>
      %dma_start3A_351 = tpu.memref_squeeze %dma_start3A_350 : memref<1x1x64xf32, #tpu.memory_space<vmem>> -> memref<1x64xf32, #tpu.memory_space<vmem>>
      %dma_start3A_352 = arith.constant 0 : i32
      %dma_start3A_353 = tpu.memref_slice %arg5[%squeeze3A_323, %dma_start3A_352] : memref<1000000x64xf32, #tpu.memory_space<hbm>> -> memref<1x64xf32, #tpu.memory_space<hbm>>
      tpu.enqueue_dma source(%dma_start3A_353 : memref<1x64xf32, #tpu.memory_space<hbm>>) target(%dma_start3A_351 : memref<1x64xf32, #tpu.memory_space<vmem>>) target_semaphore(%arg14 : memref<!tpu.dma_semaphore, #tpu.memory_space<semaphore_mem>>)
      %slice3A_354 = vector.extract_strided_slice %get3A_179 {offsets = [5], sizes = [1], strides = [1]} : vector<16xi32> to vector<1xi32>
      %squeeze3A_355 = vector.extract %slice3A_354[0] : i32 from vector<1xi32>
      %slice3A_356 = vector.extract_strided_slice %get3A_186 {offsets = [5], sizes = [1], strides = [1]} : vector<16xi32> to vector<1xi32>
      %squeeze3A_357 = vector.extract %slice3A_356[0] : i32 from vector<1xi32>
      %mul3A_358 = arith.constant 16 : i32
      %mul3A_359 = arith.muli %scan3A_172, %mul3A_358 : i32
      %add3A_360 = arith.constant 5 : i32
      %add3A_361 = arith.addi %mul3A_359, %add3A_360 : i32
      %dma_start3A_362 = arith.constant 0 : i32
      %dma_start3A_363 = arith.constant 0 : i32
      %dma_start3A_364 = tpu.memref_slice %arg10[%dma_start3A_362, %add3A_361, %dma_start3A_363] : memref<2x128x64xf32, #tpu.memory_space<vmem>> -> memref<1x1x64xf32, #tpu.memory_space<vmem>>
      %dma_start3A_365 = tpu.memref_squeeze %dma_start3A_364 : memref<1x1x64xf32, #tpu.memory_space<vmem>> -> memref<1x64xf32, #tpu.memory_space<vmem>>
      %dma_start3A_366 = arith.constant 0 : i32
      %dma_start3A_367 = tpu.memref_slice %arg4[%squeeze3A_355, %dma_start3A_366] : memref<1000000x64xf32, #tpu.memory_space<hbm>> -> memref<1x64xf32, #tpu.memory_space<hbm>>
      %dma_start3A_368 = arith.constant 0 : i32
      %dma_start3A_369 = tpu.memref_slice %arg10[%dma_start3A_362, %add3A_361, %dma_start3A_368] : memref<2x128x64xf32, #tpu.memory_space<vmem>> -> memref<1x1x64xf32, #tpu.memory_space<vmem>>
      %dma_start3A_370 = tpu.memref_squeeze %dma_start3A_369 : memref<1x1x64xf32, #tpu.memory_space<vmem>> -> memref<1x64xf32, #tpu.memory_space<vmem>>
      %dma_start3A_371 = arith.constant 0 : i32
      %dma_start3A_372 = tpu.memref_slice %arg4[%squeeze3A_355, %dma_start3A_371] : memref<1000000x64xf32, #tpu.memory_space<hbm>> -> memref<1x64xf32, #tpu.memory_space<hbm>>
      tpu.enqueue_dma source(%dma_start3A_372 : memref<1x64xf32, #tpu.memory_space<hbm>>) target(%dma_start3A_370 : memref<1x64xf32, #tpu.memory_space<vmem>>) target_semaphore(%arg12 : memref<!tpu.dma_semaphore, #tpu.memory_space<semaphore_mem>>)
      %mul3A_373 = arith.constant 16 : i32
      %mul3A_374 = arith.muli %scan3A_172, %mul3A_373 : i32
      %add3A_375 = arith.constant 5 : i32
      %add3A_376 = arith.addi %mul3A_374, %add3A_375 : i32
      %dma_start3A_377 = arith.constant 0 : i32
      %dma_start3A_378 = arith.constant 0 : i32
      %dma_start3A_379 = tpu.memref_slice %arg11[%dma_start3A_377, %add3A_376, %dma_start3A_378] : memref<2x128x64xf32, #tpu.memory_space<vmem>> -> memref<1x1x64xf32, #tpu.memory_space<vmem>>
      %dma_start3A_380 = tpu.memref_squeeze %dma_start3A_379 : memref<1x1x64xf32, #tpu.memory_space<vmem>> -> memref<1x64xf32, #tpu.memory_space<vmem>>
      %dma_start3A_381 = arith.constant 0 : i32
      %dma_start3A_382 = tpu.memref_slice %arg5[%squeeze3A_357, %dma_start3A_381] : memref<1000000x64xf32, #tpu.memory_space<hbm>> -> memref<1x64xf32, #tpu.memory_space<hbm>>
      %dma_start3A_383 = arith.constant 0 : i32
      %dma_start3A_384 = tpu.memref_slice %arg11[%dma_start3A_377, %add3A_376, %dma_start3A_383] : memref<2x128x64xf32, #tpu.memory_space<vmem>> -> memref<1x1x64xf32, #tpu.memory_space<vmem>>
      %dma_start3A_385 = tpu.memref_squeeze %dma_start3A_384 : memref<1x1x64xf32, #tpu.memory_space<vmem>> -> memref<1x64xf32, #tpu.memory_space<vmem>>
      %dma_start3A_386 = arith.constant 0 : i32
      %dma_start3A_387 = tpu.memref_slice %arg5[%squeeze3A_357, %dma_start3A_386] : memref<1000000x64xf32, #tpu.memory_space<hbm>> -> memref<1x64xf32, #tpu.memory_space<hbm>>
      tpu.enqueue_dma source(%dma_start3A_387 : memref<1x64xf32, #tpu.memory_space<hbm>>) target(%dma_start3A_385 : memref<1x64xf32, #tpu.memory_space<vmem>>) target_semaphore(%arg14 : memref<!tpu.dma_semaphore, #tpu.memory_space<semaphore_mem>>)
      %slice3A_388 = vector.extract_strided_slice %get3A_179 {offsets = [6], sizes = [1], strides = [1]} : vector<16xi32> to vector<1xi32>
      %squeeze3A_389 = vector.extract %slice3A_388[0] : i32 from vector<1xi32>
      %slice3A_390 = vector.extract_strided_slice %get3A_186 {offsets = [6], sizes = [1], strides = [1]} : vector<16xi32> to vector<1xi32>
      %squeeze3A_391 = vector.extract %slice3A_390[0] : i32 from vector<1xi32>
      %mul3A_392 = arith.constant 16 : i32
      %mul3A_393 = arith.muli %scan3A_172, %mul3A_392 : i32
      %add3A_394 = arith.constant 6 : i32
      %add3A_395 = arith.addi %mul3A_393, %add3A_394 : i32
      %dma_start3A_396 = arith.constant 0 : i32
      %dma_start3A_397 = arith.constant 0 : i32
      %dma_start3A_398 = tpu.memref_slice %arg10[%dma_start3A_396, %add3A_395, %dma_start3A_397] : memref<2x128x64xf32, #tpu.memory_space<vmem>> -> memref<1x1x64xf32, #tpu.memory_space<vmem>>
      %dma_start3A_399 = tpu.memref_squeeze %dma_start3A_398 : memref<1x1x64xf32, #tpu.memory_space<vmem>> -> memref<1x64xf32, #tpu.memory_space<vmem>>
      %dma_start3A_400 = arith.constant 0 : i32
      %dma_start3A_401 = tpu.memref_slice %arg4[%squeeze3A_389, %dma_start3A_400] : memref<1000000x64xf32, #tpu.memory_space<hbm>> -> memref<1x64xf32, #tpu.memory_space<hbm>>
      %dma_start3A_402 = arith.constant 0 : i32
      %dma_start3A_403 = tpu.memref_slice %arg10[%dma_start3A_396, %add3A_395, %dma_start3A_402] : memref<2x128x64xf32, #tpu.memory_space<vmem>> -> memref<1x1x64xf32, #tpu.memory_space<vmem>>
      %dma_start3A_404 = tpu.memref_squeeze %dma_start3A_403 : memref<1x1x64xf32, #tpu.memory_space<vmem>> -> memref<1x64xf32, #tpu.memory_space<vmem>>
      %dma_start3A_405 = arith.constant 0 : i32
      %dma_start3A_406 = tpu.memref_slice %arg4[%squeeze3A_389, %dma_start3A_405] : memref<1000000x64xf32, #tpu.memory_space<hbm>> -> memref<1x64xf32, #tpu.memory_space<hbm>>
      tpu.enqueue_dma source(%dma_start3A_406 : memref<1x64xf32, #tpu.memory_space<hbm>>) target(%dma_start3A_404 : memref<1x64xf32, #tpu.memory_space<vmem>>) target_semaphore(%arg12 : memref<!tpu.dma_semaphore, #tpu.memory_space<semaphore_mem>>)
      %mul3A_407 = arith.constant 16 : i32
      %mul3A_408 = arith.muli %scan3A_172, %mul3A_407 : i32
      %add3A_409 = arith.constant 6 : i32
      %add3A_410 = arith.addi %mul3A_408, %add3A_409 : i32
      %dma_start3A_411 = arith.constant 0 : i32
      %dma_start3A_412 = arith.constant 0 : i32
      %dma_start3A_413 = tpu.memref_slice %arg11[%dma_start3A_411, %add3A_410, %dma_start3A_412] : memref<2x128x64xf32, #tpu.memory_space<vmem>> -> memref<1x1x64xf32, #tpu.memory_space<vmem>>
      %dma_start3A_414 = tpu.memref_squeeze %dma_start3A_413 : memref<1x1x64xf32, #tpu.memory_space<vmem>> -> memref<1x64xf32, #tpu.memory_space<vmem>>
      %dma_start3A_415 = arith.constant 0 : i32
      %dma_start3A_416 = tpu.memref_slice %arg5[%squeeze3A_391, %dma_start3A_415] : memref<1000000x64xf32, #tpu.memory_space<hbm>> -> memref<1x64xf32, #tpu.memory_space<hbm>>
      %dma_start3A_417 = arith.constant 0 : i32
      %dma_start3A_418 = tpu.memref_slice %arg11[%dma_start3A_411, %add3A_410, %dma_start3A_417] : memref<2x128x64xf32, #tpu.memory_space<vmem>> -> memref<1x1x64xf32, #tpu.memory_space<vmem>>
      %dma_start3A_419 = tpu.memref_squeeze %dma_start3A_418 : memref<1x1x64xf32, #tpu.memory_space<vmem>> -> memref<1x64xf32, #tpu.memory_space<vmem>>
      %dma_start3A_420 = arith.constant 0 : i32
      %dma_start3A_421 = tpu.memref_slice %arg5[%squeeze3A_391, %dma_start3A_420] : memref<1000000x64xf32, #tpu.memory_space<hbm>> -> memref<1x64xf32, #tpu.memory_space<hbm>>
      tpu.enqueue_dma source(%dma_start3A_421 : memref<1x64xf32, #tpu.memory_space<hbm>>) target(%dma_start3A_419 : memref<1x64xf32, #tpu.memory_space<vmem>>) target_semaphore(%arg14 : memref<!tpu.dma_semaphore, #tpu.memory_space<semaphore_mem>>)
      %slice3A_422 = vector.extract_strided_slice %get3A_179 {offsets = [7], sizes = [1], strides = [1]} : vector<16xi32> to vector<1xi32>
      %squeeze3A_423 = vector.extract %slice3A_422[0] : i32 from vector<1xi32>
      %slice3A_424 = vector.extract_strided_slice %get3A_186 {offsets = [7], sizes = [1], strides = [1]} : vector<16xi32> to vector<1xi32>
      %squeeze3A_425 = vector.extract %slice3A_424[0] : i32 from vector<1xi32>
      %mul3A_426 = arith.constant 16 : i32
      %mul3A_427 = arith.muli %scan3A_172, %mul3A_426 : i32
      %add3A_428 = arith.constant 7 : i32
      %add3A_429 = arith.addi %mul3A_427, %add3A_428 : i32
      %dma_start3A_430 = arith.constant 0 : i32
      %dma_start3A_431 = arith.constant 0 : i32
      %dma_start3A_432 = tpu.memref_slice %arg10[%dma_start3A_430, %add3A_429, %dma_start3A_431] : memref<2x128x64xf32, #tpu.memory_space<vmem>> -> memref<1x1x64xf32, #tpu.memory_space<vmem>>
      %dma_start3A_433 = tpu.memref_squeeze %dma_start3A_432 : memref<1x1x64xf32, #tpu.memory_space<vmem>> -> memref<1x64xf32, #tpu.memory_space<vmem>>
      %dma_start3A_434 = arith.constant 0 : i32
      %dma_start3A_435 = tpu.memref_slice %arg4[%squeeze3A_423, %dma_start3A_434] : memref<1000000x64xf32, #tpu.memory_space<hbm>> -> memref<1x64xf32, #tpu.memory_space<hbm>>
      %dma_start3A_436 = arith.constant 0 : i32
      %dma_start3A_437 = tpu.memref_slice %arg10[%dma_start3A_430, %add3A_429, %dma_start3A_436] : memref<2x128x64xf32, #tpu.memory_space<vmem>> -> memref<1x1x64xf32, #tpu.memory_space<vmem>>
      %dma_start3A_438 = tpu.memref_squeeze %dma_start3A_437 : memref<1x1x64xf32, #tpu.memory_space<vmem>> -> memref<1x64xf32, #tpu.memory_space<vmem>>
      %dma_start3A_439 = arith.constant 0 : i32
      %dma_start3A_440 = tpu.memref_slice %arg4[%squeeze3A_423, %dma_start3A_439] : memref<1000000x64xf32, #tpu.memory_space<hbm>> -> memref<1x64xf32, #tpu.memory_space<hbm>>
      tpu.enqueue_dma source(%dma_start3A_440 : memref<1x64xf32, #tpu.memory_space<hbm>>) target(%dma_start3A_438 : memref<1x64xf32, #tpu.memory_space<vmem>>) target_semaphore(%arg12 : memref<!tpu.dma_semaphore, #tpu.memory_space<semaphore_mem>>)
      %mul3A_441 = arith.constant 16 : i32
      %mul3A_442 = arith.muli %scan3A_172, %mul3A_441 : i32
      %add3A_443 = arith.constant 7 : i32
      %add3A_444 = arith.addi %mul3A_442, %add3A_443 : i32
      %dma_start3A_445 = arith.constant 0 : i32
      %dma_start3A_446 = arith.constant 0 : i32
      %dma_start3A_447 = tpu.memref_slice %arg11[%dma_start3A_445, %add3A_444, %dma_start3A_446] : memref<2x128x64xf32, #tpu.memory_space<vmem>> -> memref<1x1x64xf32, #tpu.memory_space<vmem>>
      %dma_start3A_448 = tpu.memref_squeeze %dma_start3A_447 : memref<1x1x64xf32, #tpu.memory_space<vmem>> -> memref<1x64xf32, #tpu.memory_space<vmem>>
      %dma_start3A_449 = arith.constant 0 : i32
      %dma_start3A_450 = tpu.memref_slice %arg5[%squeeze3A_425, %dma_start3A_449] : memref<1000000x64xf32, #tpu.memory_space<hbm>> -> memref<1x64xf32, #tpu.memory_space<hbm>>
      %dma_start3A_451 = arith.constant 0 : i32
      %dma_start3A_452 = tpu.memref_slice %arg11[%dma_start3A_445, %add3A_444, %dma_start3A_451] : memref<2x128x64xf32, #tpu.memory_space<vmem>> -> memref<1x1x64xf32, #tpu.memory_space<vmem>>
      %dma_start3A_453 = tpu.memref_squeeze %dma_start3A_452 : memref<1x1x64xf32, #tpu.memory_space<vmem>> -> memref<1x64xf32, #tpu.memory_space<vmem>>
      %dma_start3A_454 = arith.constant 0 : i32
      %dma_start3A_455 = tpu.memref_slice %arg5[%squeeze3A_425, %dma_start3A_454] : memref<1000000x64xf32, #tpu.memory_space<hbm>> -> memref<1x64xf32, #tpu.memory_space<hbm>>
      tpu.enqueue_dma source(%dma_start3A_455 : memref<1x64xf32, #tpu.memory_space<hbm>>) target(%dma_start3A_453 : memref<1x64xf32, #tpu.memory_space<vmem>>) target_semaphore(%arg14 : memref<!tpu.dma_semaphore, #tpu.memory_space<semaphore_mem>>)
      %slice3A_456 = vector.extract_strided_slice %get3A_179 {offsets = [8], sizes = [1], strides = [1]} : vector<16xi32> to vector<1xi32>
      %squeeze3A_457 = vector.extract %slice3A_456[0] : i32 from vector<1xi32>
      %slice3A_458 = vector.extract_strided_slice %get3A_186 {offsets = [8], sizes = [1], strides = [1]} : vector<16xi32> to vector<1xi32>
      %squeeze3A_459 = vector.extract %slice3A_458[0] : i32 from vector<1xi32>
      %mul3A_460 = arith.constant 16 : i32
      %mul3A_461 = arith.muli %scan3A_172, %mul3A_460 : i32
      %add3A_462 = arith.constant 8 : i32
      %add3A_463 = arith.addi %mul3A_461, %add3A_462 : i32
      %dma_start3A_464 = arith.constant 0 : i32
      %dma_start3A_465 = arith.constant 0 : i32
      %dma_start3A_466 = tpu.memref_slice %arg10[%dma_start3A_464, %add3A_463, %dma_start3A_465] : memref<2x128x64xf32, #tpu.memory_space<vmem>> -> memref<1x1x64xf32, #tpu.memory_space<vmem>>
      %dma_start3A_467 = tpu.memref_squeeze %dma_start3A_466 : memref<1x1x64xf32, #tpu.memory_space<vmem>> -> memref<1x64xf32, #tpu.memory_space<vmem>>
      %dma_start3A_468 = arith.constant 0 : i32
      %dma_start3A_469 = tpu.memref_slice %arg4[%squeeze3A_457, %dma_start3A_468] : memref<1000000x64xf32, #tpu.memory_space<hbm>> -> memref<1x64xf32, #tpu.memory_space<hbm>>
      %dma_start3A_470 = arith.constant 0 : i32
      %dma_start3A_471 = tpu.memref_slice %arg10[%dma_start3A_464, %add3A_463, %dma_start3A_470] : memref<2x128x64xf32, #tpu.memory_space<vmem>> -> memref<1x1x64xf32, #tpu.memory_space<vmem>>
      %dma_start3A_472 = tpu.memref_squeeze %dma_start3A_471 : memref<1x1x64xf32, #tpu.memory_space<vmem>> -> memref<1x64xf32, #tpu.memory_space<vmem>>
      %dma_start3A_473 = arith.constant 0 : i32
      %dma_start3A_474 = tpu.memref_slice %arg4[%squeeze3A_457, %dma_start3A_473] : memref<1000000x64xf32, #tpu.memory_space<hbm>> -> memref<1x64xf32, #tpu.memory_space<hbm>>
      tpu.enqueue_dma source(%dma_start3A_474 : memref<1x64xf32, #tpu.memory_space<hbm>>) target(%dma_start3A_472 : memref<1x64xf32, #tpu.memory_space<vmem>>) target_semaphore(%arg12 : memref<!tpu.dma_semaphore, #tpu.memory_space<semaphore_mem>>)
      %mul3A_475 = arith.constant 16 : i32
      %mul3A_476 = arith.muli %scan3A_172, %mul3A_475 : i32
      %add3A_477 = arith.constant 8 : i32
      %add3A_478 = arith.addi %mul3A_476, %add3A_477 : i32
      %dma_start3A_479 = arith.constant 0 : i32
      %dma_start3A_480 = arith.constant 0 : i32
      %dma_start3A_481 = tpu.memref_slice %arg11[%dma_start3A_479, %add3A_478, %dma_start3A_480] : memref<2x128x64xf32, #tpu.memory_space<vmem>> -> memref<1x1x64xf32, #tpu.memory_space<vmem>>
      %dma_start3A_482 = tpu.memref_squeeze %dma_start3A_481 : memref<1x1x64xf32, #tpu.memory_space<vmem>> -> memref<1x64xf32, #tpu.memory_space<vmem>>
      %dma_start3A_483 = arith.constant 0 : i32
      %dma_start3A_484 = tpu.memref_slice %arg5[%squeeze3A_459, %dma_start3A_483] : memref<1000000x64xf32, #tpu.memory_space<hbm>> -> memref<1x64xf32, #tpu.memory_space<hbm>>
      %dma_start3A_485 = arith.constant 0 : i32
      %dma_start3A_486 = tpu.memref_slice %arg11[%dma_start3A_479, %add3A_478, %dma_start3A_485] : memref<2x128x64xf32, #tpu.memory_space<vmem>> -> memref<1x1x64xf32, #tpu.memory_space<vmem>>
      %dma_start3A_487 = tpu.memref_squeeze %dma_start3A_486 : memref<1x1x64xf32, #tpu.memory_space<vmem>> -> memref<1x64xf32, #tpu.memory_space<vmem>>
      %dma_start3A_488 = arith.constant 0 : i32
      %dma_start3A_489 = tpu.memref_slice %arg5[%squeeze3A_459, %dma_start3A_488] : memref<1000000x64xf32, #tpu.memory_space<hbm>> -> memref<1x64xf32, #tpu.memory_space<hbm>>
      tpu.enqueue_dma source(%dma_start3A_489 : memref<1x64xf32, #tpu.memory_space<hbm>>) target(%dma_start3A_487 : memref<1x64xf32, #tpu.memory_space<vmem>>) target_semaphore(%arg14 : memref<!tpu.dma_semaphore, #tpu.memory_space<semaphore_mem>>)
      %slice3A_490 = vector.extract_strided_slice %get3A_179 {offsets = [9], sizes = [1], strides = [1]} : vector<16xi32> to vector<1xi32>
      %squeeze3A_491 = vector.extract %slice3A_490[0] : i32 from vector<1xi32>
      %slice3A_492 = vector.extract_strided_slice %get3A_186 {offsets = [9], sizes = [1], strides = [1]} : vector<16xi32> to vector<1xi32>
      %squeeze3A_493 = vector.extract %slice3A_492[0] : i32 from vector<1xi32>
      %mul3A_494 = arith.constant 16 : i32
      %mul3A_495 = arith.muli %scan3A_172, %mul3A_494 : i32
      %add3A_496 = arith.constant 9 : i32
      %add3A_497 = arith.addi %mul3A_495, %add3A_496 : i32
      %dma_start3A_498 = arith.constant 0 : i32
      %dma_start3A_499 = arith.constant 0 : i32
      %dma_start3A_500 = tpu.memref_slice %arg10[%dma_start3A_498, %add3A_497, %dma_start3A_499] : memref<2x128x64xf32, #tpu.memory_space<vmem>> -> memref<1x1x64xf32, #tpu.memory_space<vmem>>
      %dma_start3A_501 = tpu.memref_squeeze %dma_start3A_500 : memref<1x1x64xf32, #tpu.memory_space<vmem>> -> memref<1x64xf32, #tpu.memory_space<vmem>>
      %dma_start3A_502 = arith.constant 0 : i32
      %dma_start3A_503 = tpu.memref_slice %arg4[%squeeze3A_491, %dma_start3A_502] : memref<1000000x64xf32, #tpu.memory_space<hbm>> -> memref<1x64xf32, #tpu.memory_space<hbm>>
      %dma_start3A_504 = arith.constant 0 : i32
      %dma_start3A_505 = tpu.memref_slice %arg10[%dma_start3A_498, %add3A_497, %dma_start3A_504] : memref<2x128x64xf32, #tpu.memory_space<vmem>> -> memref<1x1x64xf32, #tpu.memory_space<vmem>>
      %dma_start3A_506 = tpu.memref_squeeze %dma_start3A_505 : memref<1x1x64xf32, #tpu.memory_space<vmem>> -> memref<1x64xf32, #tpu.memory_space<vmem>>
      %dma_start3A_507 = arith.constant 0 : i32
      %dma_start3A_508 = tpu.memref_slice %arg4[%squeeze3A_491, %dma_start3A_507] : memref<1000000x64xf32, #tpu.memory_space<hbm>> -> memref<1x64xf32, #tpu.memory_space<hbm>>
      tpu.enqueue_dma source(%dma_start3A_508 : memref<1x64xf32, #tpu.memory_space<hbm>>) target(%dma_start3A_506 : memref<1x64xf32, #tpu.memory_space<vmem>>) target_semaphore(%arg12 : memref<!tpu.dma_semaphore, #tpu.memory_space<semaphore_mem>>)
      %mul3A_509 = arith.constant 16 : i32
      %mul3A_510 = arith.muli %scan3A_172, %mul3A_509 : i32
      %add3A_511 = arith.constant 9 : i32
      %add3A_512 = arith.addi %mul3A_510, %add3A_511 : i32
      %dma_start3A_513 = arith.constant 0 : i32
      %dma_start3A_514 = arith.constant 0 : i32
      %dma_start3A_515 = tpu.memref_slice %arg11[%dma_start3A_513, %add3A_512, %dma_start3A_514] : memref<2x128x64xf32, #tpu.memory_space<vmem>> -> memref<1x1x64xf32, #tpu.memory_space<vmem>>
      %dma_start3A_516 = tpu.memref_squeeze %dma_start3A_515 : memref<1x1x64xf32, #tpu.memory_space<vmem>> -> memref<1x64xf32, #tpu.memory_space<vmem>>
      %dma_start3A_517 = arith.constant 0 : i32
      %dma_start3A_518 = tpu.memref_slice %arg5[%squeeze3A_493, %dma_start3A_517] : memref<1000000x64xf32, #tpu.memory_space<hbm>> -> memref<1x64xf32, #tpu.memory_space<hbm>>
      %dma_start3A_519 = arith.constant 0 : i32
      %dma_start3A_520 = tpu.memref_slice %arg11[%dma_start3A_513, %add3A_512, %dma_start3A_519] : memref<2x128x64xf32, #tpu.memory_space<vmem>> -> memref<1x1x64xf32, #tpu.memory_space<vmem>>
      %dma_start3A_521 = tpu.memref_squeeze %dma_start3A_520 : memref<1x1x64xf32, #tpu.memory_space<vmem>> -> memref<1x64xf32, #tpu.memory_space<vmem>>
      %dma_start3A_522 = arith.constant 0 : i32
      %dma_start3A_523 = tpu.memref_slice %arg5[%squeeze3A_493, %dma_start3A_522] : memref<1000000x64xf32, #tpu.memory_space<hbm>> -> memref<1x64xf32, #tpu.memory_space<hbm>>
      tpu.enqueue_dma source(%dma_start3A_523 : memref<1x64xf32, #tpu.memory_space<hbm>>) target(%dma_start3A_521 : memref<1x64xf32, #tpu.memory_space<vmem>>) target_semaphore(%arg14 : memref<!tpu.dma_semaphore, #tpu.memory_space<semaphore_mem>>)
      %slice3A_524 = vector.extract_strided_slice %get3A_179 {offsets = [10], sizes = [1], strides = [1]} : vector<16xi32> to vector<1xi32>
      %squeeze3A_525 = vector.extract %slice3A_524[0] : i32 from vector<1xi32>
      %slice3A_526 = vector.extract_strided_slice %get3A_186 {offsets = [10], sizes = [1], strides = [1]} : vector<16xi32> to vector<1xi32>
      %squeeze3A_527 = vector.extract %slice3A_526[0] : i32 from vector<1xi32>
      %mul3A_528 = arith.constant 16 : i32
      %mul3A_529 = arith.muli %scan3A_172, %mul3A_528 : i32
      %add3A_530 = arith.constant 10 : i32
      %add3A_531 = arith.addi %mul3A_529, %add3A_530 : i32
      %dma_start3A_532 = arith.constant 0 : i32
      %dma_start3A_533 = arith.constant 0 : i32
      %dma_start3A_534 = tpu.memref_slice %arg10[%dma_start3A_532, %add3A_531, %dma_start3A_533] : memref<2x128x64xf32, #tpu.memory_space<vmem>> -> memref<1x1x64xf32, #tpu.memory_space<vmem>>
      %dma_start3A_535 = tpu.memref_squeeze %dma_start3A_534 : memref<1x1x64xf32, #tpu.memory_space<vmem>> -> memref<1x64xf32, #tpu.memory_space<vmem>>
      %dma_start3A_536 = arith.constant 0 : i32
      %dma_start3A_537 = tpu.memref_slice %arg4[%squeeze3A_525, %dma_start3A_536] : memref<1000000x64xf32, #tpu.memory_space<hbm>> -> memref<1x64xf32, #tpu.memory_space<hbm>>
      %dma_start3A_538 = arith.constant 0 : i32
      %dma_start3A_539 = tpu.memref_slice %arg10[%dma_start3A_532, %add3A_531, %dma_start3A_538] : memref<2x128x64xf32, #tpu.memory_space<vmem>> -> memref<1x1x64xf32, #tpu.memory_space<vmem>>
      %dma_start3A_540 = tpu.memref_squeeze %dma_start3A_539 : memref<1x1x64xf32, #tpu.memory_space<vmem>> -> memref<1x64xf32, #tpu.memory_space<vmem>>
      %dma_start3A_541 = arith.constant 0 : i32
      %dma_start3A_542 = tpu.memref_slice %arg4[%squeeze3A_525, %dma_start3A_541] : memref<1000000x64xf32, #tpu.memory_space<hbm>> -> memref<1x64xf32, #tpu.memory_space<hbm>>
      tpu.enqueue_dma source(%dma_start3A_542 : memref<1x64xf32, #tpu.memory_space<hbm>>) target(%dma_start3A_540 : memref<1x64xf32, #tpu.memory_space<vmem>>) target_semaphore(%arg12 : memref<!tpu.dma_semaphore, #tpu.memory_space<semaphore_mem>>)
      %mul3A_543 = arith.constant 16 : i32
      %mul3A_544 = arith.muli %scan3A_172, %mul3A_543 : i32
      %add3A_545 = arith.constant 10 : i32
      %add3A_546 = arith.addi %mul3A_544, %add3A_545 : i32
      %dma_start3A_547 = arith.constant 0 : i32
      %dma_start3A_548 = arith.constant 0 : i32
      %dma_start3A_549 = tpu.memref_slice %arg11[%dma_start3A_547, %add3A_546, %dma_start3A_548] : memref<2x128x64xf32, #tpu.memory_space<vmem>> -> memref<1x1x64xf32, #tpu.memory_space<vmem>>
      %dma_start3A_550 = tpu.memref_squeeze %dma_start3A_549 : memref<1x1x64xf32, #tpu.memory_space<vmem>> -> memref<1x64xf32, #tpu.memory_space<vmem>>
      %dma_start3A_551 = arith.constant 0 : i32
      %dma_start3A_552 = tpu.memref_slice %arg5[%squeeze3A_527, %dma_start3A_551] : memref<1000000x64xf32, #tpu.memory_space<hbm>> -> memref<1x64xf32, #tpu.memory_space<hbm>>
      %dma_start3A_553 = arith.constant 0 : i32
      %dma_start3A_554 = tpu.memref_slice %arg11[%dma_start3A_547, %add3A_546, %dma_start3A_553] : memref<2x128x64xf32, #tpu.memory_space<vmem>> -> memref<1x1x64xf32, #tpu.memory_space<vmem>>
      %dma_start3A_555 = tpu.memref_squeeze %dma_start3A_554 : memref<1x1x64xf32, #tpu.memory_space<vmem>> -> memref<1x64xf32, #tpu.memory_space<vmem>>
      %dma_start3A_556 = arith.constant 0 : i32
      %dma_start3A_557 = tpu.memref_slice %arg5[%squeeze3A_527, %dma_start3A_556] : memref<1000000x64xf32, #tpu.memory_space<hbm>> -> memref<1x64xf32, #tpu.memory_space<hbm>>
      tpu.enqueue_dma source(%dma_start3A_557 : memref<1x64xf32, #tpu.memory_space<hbm>>) target(%dma_start3A_555 : memref<1x64xf32, #tpu.memory_space<vmem>>) target_semaphore(%arg14 : memref<!tpu.dma_semaphore, #tpu.memory_space<semaphore_mem>>)
      %slice3A_558 = vector.extract_strided_slice %get3A_179 {offsets = [11], sizes = [1], strides = [1]} : vector<16xi32> to vector<1xi32>
      %squeeze3A_559 = vector.extract %slice3A_558[0] : i32 from vector<1xi32>
      %slice3A_560 = vector.extract_strided_slice %get3A_186 {offsets = [11], sizes = [1], strides = [1]} : vector<16xi32> to vector<1xi32>
      %squeeze3A_561 = vector.extract %slice3A_560[0] : i32 from vector<1xi32>
      %mul3A_562 = arith.constant 16 : i32
      %mul3A_563 = arith.muli %scan3A_172, %mul3A_562 : i32
      %add3A_564 = arith.constant 11 : i32
      %add3A_565 = arith.addi %mul3A_563, %add3A_564 : i32
      %dma_start3A_566 = arith.constant 0 : i32
      %dma_start3A_567 = arith.constant 0 : i32
      %dma_start3A_568 = tpu.memref_slice %arg10[%dma_start3A_566, %add3A_565, %dma_start3A_567] : memref<2x128x64xf32, #tpu.memory_space<vmem>> -> memref<1x1x64xf32, #tpu.memory_space<vmem>>
      %dma_start3A_569 = tpu.memref_squeeze %dma_start3A_568 : memref<1x1x64xf32, #tpu.memory_space<vmem>> -> memref<1x64xf32, #tpu.memory_space<vmem>>
      %dma_start3A_570 = arith.constant 0 : i32
      %dma_start3A_571 = tpu.memref_slice %arg4[%squeeze3A_559, %dma_start3A_570] : memref<1000000x64xf32, #tpu.memory_space<hbm>> -> memref<1x64xf32, #tpu.memory_space<hbm>>
      %dma_start3A_572 = arith.constant 0 : i32
      %dma_start3A_573 = tpu.memref_slice %arg10[%dma_start3A_566, %add3A_565, %dma_start3A_572] : memref<2x128x64xf32, #tpu.memory_space<vmem>> -> memref<1x1x64xf32, #tpu.memory_space<vmem>>
      %dma_start3A_574 = tpu.memref_squeeze %dma_start3A_573 : memref<1x1x64xf32, #tpu.memory_space<vmem>> -> memref<1x64xf32, #tpu.memory_space<vmem>>
      %dma_start3A_575 = arith.constant 0 : i32
      %dma_start3A_576 = tpu.memref_slice %arg4[%squeeze3A_559, %dma_start3A_575] : memref<1000000x64xf32, #tpu.memory_space<hbm>> -> memref<1x64xf32, #tpu.memory_space<hbm>>
      tpu.enqueue_dma source(%dma_start3A_576 : memref<1x64xf32, #tpu.memory_space<hbm>>) target(%dma_start3A_574 : memref<1x64xf32, #tpu.memory_space<vmem>>) target_semaphore(%arg12 : memref<!tpu.dma_semaphore, #tpu.memory_space<semaphore_mem>>)
      %mul3A_577 = arith.constant 16 : i32
      %mul3A_578 = arith.muli %scan3A_172, %mul3A_577 : i32
      %add3A_579 = arith.constant 11 : i32
      %add3A_580 = arith.addi %mul3A_578, %add3A_579 : i32
      %dma_start3A_581 = arith.constant 0 : i32
      %dma_start3A_582 = arith.constant 0 : i32
      %dma_start3A_583 = tpu.memref_slice %arg11[%dma_start3A_581, %add3A_580, %dma_start3A_582] : memref<2x128x64xf32, #tpu.memory_space<vmem>> -> memref<1x1x64xf32, #tpu.memory_space<vmem>>
      %dma_start3A_584 = tpu.memref_squeeze %dma_start3A_583 : memref<1x1x64xf32, #tpu.memory_space<vmem>> -> memref<1x64xf32, #tpu.memory_space<vmem>>
      %dma_start3A_585 = arith.constant 0 : i32
      %dma_start3A_586 = tpu.memref_slice %arg5[%squeeze3A_561, %dma_start3A_585] : memref<1000000x64xf32, #tpu.memory_space<hbm>> -> memref<1x64xf32, #tpu.memory_space<hbm>>
      %dma_start3A_587 = arith.constant 0 : i32
      %dma_start3A_588 = tpu.memref_slice %arg11[%dma_start3A_581, %add3A_580, %dma_start3A_587] : memref<2x128x64xf32, #tpu.memory_space<vmem>> -> memref<1x1x64xf32, #tpu.memory_space<vmem>>
      %dma_start3A_589 = tpu.memref_squeeze %dma_start3A_588 : memref<1x1x64xf32, #tpu.memory_space<vmem>> -> memref<1x64xf32, #tpu.memory_space<vmem>>
      %dma_start3A_590 = arith.constant 0 : i32
      %dma_start3A_591 = tpu.memref_slice %arg5[%squeeze3A_561, %dma_start3A_590] : memref<1000000x64xf32, #tpu.memory_space<hbm>> -> memref<1x64xf32, #tpu.memory_space<hbm>>
      tpu.enqueue_dma source(%dma_start3A_591 : memref<1x64xf32, #tpu.memory_space<hbm>>) target(%dma_start3A_589 : memref<1x64xf32, #tpu.memory_space<vmem>>) target_semaphore(%arg14 : memref<!tpu.dma_semaphore, #tpu.memory_space<semaphore_mem>>)
      %slice3A_592 = vector.extract_strided_slice %get3A_179 {offsets = [12], sizes = [1], strides = [1]} : vector<16xi32> to vector<1xi32>
      %squeeze3A_593 = vector.extract %slice3A_592[0] : i32 from vector<1xi32>
      %slice3A_594 = vector.extract_strided_slice %get3A_186 {offsets = [12], sizes = [1], strides = [1]} : vector<16xi32> to vector<1xi32>
      %squeeze3A_595 = vector.extract %slice3A_594[0] : i32 from vector<1xi32>
      %mul3A_596 = arith.constant 16 : i32
      %mul3A_597 = arith.muli %scan3A_172, %mul3A_596 : i32
      %add3A_598 = arith.constant 12 : i32
      %add3A_599 = arith.addi %mul3A_597, %add3A_598 : i32
      %dma_start3A_600 = arith.constant 0 : i32
      %dma_start3A_601 = arith.constant 0 : i32
      %dma_start3A_602 = tpu.memref_slice %arg10[%dma_start3A_600, %add3A_599, %dma_start3A_601] : memref<2x128x64xf32, #tpu.memory_space<vmem>> -> memref<1x1x64xf32, #tpu.memory_space<vmem>>
      %dma_start3A_603 = tpu.memref_squeeze %dma_start3A_602 : memref<1x1x64xf32, #tpu.memory_space<vmem>> -> memref<1x64xf32, #tpu.memory_space<vmem>>
      %dma_start3A_604 = arith.constant 0 : i32
      %dma_start3A_605 = tpu.memref_slice %arg4[%squeeze3A_593, %dma_start3A_604] : memref<1000000x64xf32, #tpu.memory_space<hbm>> -> memref<1x64xf32, #tpu.memory_space<hbm>>
      %dma_start3A_606 = arith.constant 0 : i32
      %dma_start3A_607 = tpu.memref_slice %arg10[%dma_start3A_600, %add3A_599, %dma_start3A_606] : memref<2x128x64xf32, #tpu.memory_space<vmem>> -> memref<1x1x64xf32, #tpu.memory_space<vmem>>
      %dma_start3A_608 = tpu.memref_squeeze %dma_start3A_607 : memref<1x1x64xf32, #tpu.memory_space<vmem>> -> memref<1x64xf32, #tpu.memory_space<vmem>>
      %dma_start3A_609 = arith.constant 0 : i32
      %dma_start3A_610 = tpu.memref_slice %arg4[%squeeze3A_593, %dma_start3A_609] : memref<1000000x64xf32, #tpu.memory_space<hbm>> -> memref<1x64xf32, #tpu.memory_space<hbm>>
      tpu.enqueue_dma source(%dma_start3A_610 : memref<1x64xf32, #tpu.memory_space<hbm>>) target(%dma_start3A_608 : memref<1x64xf32, #tpu.memory_space<vmem>>) target_semaphore(%arg12 : memref<!tpu.dma_semaphore, #tpu.memory_space<semaphore_mem>>)
      %mul3A_611 = arith.constant 16 : i32
      %mul3A_612 = arith.muli %scan3A_172, %mul3A_611 : i32
      %add3A_613 = arith.constant 12 : i32
      %add3A_614 = arith.addi %mul3A_612, %add3A_613 : i32
      %dma_start3A_615 = arith.constant 0 : i32
      %dma_start3A_616 = arith.constant 0 : i32
      %dma_start3A_617 = tpu.memref_slice %arg11[%dma_start3A_615, %add3A_614, %dma_start3A_616] : memref<2x128x64xf32, #tpu.memory_space<vmem>> -> memref<1x1x64xf32, #tpu.memory_space<vmem>>
      %dma_start3A_618 = tpu.memref_squeeze %dma_start3A_617 : memref<1x1x64xf32, #tpu.memory_space<vmem>> -> memref<1x64xf32, #tpu.memory_space<vmem>>
      %dma_start3A_619 = arith.constant 0 : i32
      %dma_start3A_620 = tpu.memref_slice %arg5[%squeeze3A_595, %dma_start3A_619] : memref<1000000x64xf32, #tpu.memory_space<hbm>> -> memref<1x64xf32, #tpu.memory_space<hbm>>
      %dma_start3A_621 = arith.constant 0 : i32
      %dma_start3A_622 = tpu.memref_slice %arg11[%dma_start3A_615, %add3A_614, %dma_start3A_621] : memref<2x128x64xf32, #tpu.memory_space<vmem>> -> memref<1x1x64xf32, #tpu.memory_space<vmem>>
      %dma_start3A_623 = tpu.memref_squeeze %dma_start3A_622 : memref<1x1x64xf32, #tpu.memory_space<vmem>> -> memref<1x64xf32, #tpu.memory_space<vmem>>
      %dma_start3A_624 = arith.constant 0 : i32
      %dma_start3A_625 = tpu.memref_slice %arg5[%squeeze3A_595, %dma_start3A_624] : memref<1000000x64xf32, #tpu.memory_space<hbm>> -> memref<1x64xf32, #tpu.memory_space<hbm>>
      tpu.enqueue_dma source(%dma_start3A_625 : memref<1x64xf32, #tpu.memory_space<hbm>>) target(%dma_start3A_623 : memref<1x64xf32, #tpu.memory_space<vmem>>) target_semaphore(%arg14 : memref<!tpu.dma_semaphore, #tpu.memory_space<semaphore_mem>>)
      %slice3A_626 = vector.extract_strided_slice %get3A_179 {offsets = [13], sizes = [1], strides = [1]} : vector<16xi32> to vector<1xi32>
      %squeeze3A_627 = vector.extract %slice3A_626[0] : i32 from vector<1xi32>
      %slice3A_628 = vector.extract_strided_slice %get3A_186 {offsets = [13], sizes = [1], strides = [1]} : vector<16xi32> to vector<1xi32>
      %squeeze3A_629 = vector.extract %slice3A_628[0] : i32 from vector<1xi32>
      %mul3A_630 = arith.constant 16 : i32
      %mul3A_631 = arith.muli %scan3A_172, %mul3A_630 : i32
      %add3A_632 = arith.constant 13 : i32
      %add3A_633 = arith.addi %mul3A_631, %add3A_632 : i32
      %dma_start3A_634 = arith.constant 0 : i32
      %dma_start3A_635 = arith.constant 0 : i32
      %dma_start3A_636 = tpu.memref_slice %arg10[%dma_start3A_634, %add3A_633, %dma_start3A_635] : memref<2x128x64xf32, #tpu.memory_space<vmem>> -> memref<1x1x64xf32, #tpu.memory_space<vmem>>
      %dma_start3A_637 = tpu.memref_squeeze %dma_start3A_636 : memref<1x1x64xf32, #tpu.memory_space<vmem>> -> memref<1x64xf32, #tpu.memory_space<vmem>>
      %dma_start3A_638 = arith.constant 0 : i32
      %dma_start3A_639 = tpu.memref_slice %arg4[%squeeze3A_627, %dma_start3A_638] : memref<1000000x64xf32, #tpu.memory_space<hbm>> -> memref<1x64xf32, #tpu.memory_space<hbm>>
      %dma_start3A_640 = arith.constant 0 : i32
      %dma_start3A_641 = tpu.memref_slice %arg10[%dma_start3A_634, %add3A_633, %dma_start3A_640] : memref<2x128x64xf32, #tpu.memory_space<vmem>> -> memref<1x1x64xf32, #tpu.memory_space<vmem>>
      %dma_start3A_642 = tpu.memref_squeeze %dma_start3A_641 : memref<1x1x64xf32, #tpu.memory_space<vmem>> -> memref<1x64xf32, #tpu.memory_space<vmem>>
      %dma_start3A_643 = arith.constant 0 : i32
      %dma_start3A_644 = tpu.memref_slice %arg4[%squeeze3A_627, %dma_start3A_643] : memref<1000000x64xf32, #tpu.memory_space<hbm>> -> memref<1x64xf32, #tpu.memory_space<hbm>>
      tpu.enqueue_dma source(%dma_start3A_644 : memref<1x64xf32, #tpu.memory_space<hbm>>) target(%dma_start3A_642 : memref<1x64xf32, #tpu.memory_space<vmem>>) target_semaphore(%arg12 : memref<!tpu.dma_semaphore, #tpu.memory_space<semaphore_mem>>)
      %mul3A_645 = arith.constant 16 : i32
      %mul3A_646 = arith.muli %scan3A_172, %mul3A_645 : i32
      %add3A_647 = arith.constant 13 : i32
      %add3A_648 = arith.addi %mul3A_646, %add3A_647 : i32
      %dma_start3A_649 = arith.constant 0 : i32
      %dma_start3A_650 = arith.constant 0 : i32
      %dma_start3A_651 = tpu.memref_slice %arg11[%dma_start3A_649, %add3A_648, %dma_start3A_650] : memref<2x128x64xf32, #tpu.memory_space<vmem>> -> memref<1x1x64xf32, #tpu.memory_space<vmem>>
      %dma_start3A_652 = tpu.memref_squeeze %dma_start3A_651 : memref<1x1x64xf32, #tpu.memory_space<vmem>> -> memref<1x64xf32, #tpu.memory_space<vmem>>
      %dma_start3A_653 = arith.constant 0 : i32
      %dma_start3A_654 = tpu.memref_slice %arg5[%squeeze3A_629, %dma_start3A_653] : memref<1000000x64xf32, #tpu.memory_space<hbm>> -> memref<1x64xf32, #tpu.memory_space<hbm>>
      %dma_start3A_655 = arith.constant 0 : i32
      %dma_start3A_656 = tpu.memref_slice %arg11[%dma_start3A_649, %add3A_648, %dma_start3A_655] : memref<2x128x64xf32, #tpu.memory_space<vmem>> -> memref<1x1x64xf32, #tpu.memory_space<vmem>>
      %dma_start3A_657 = tpu.memref_squeeze %dma_start3A_656 : memref<1x1x64xf32, #tpu.memory_space<vmem>> -> memref<1x64xf32, #tpu.memory_space<vmem>>
      %dma_start3A_658 = arith.constant 0 : i32
      %dma_start3A_659 = tpu.memref_slice %arg5[%squeeze3A_629, %dma_start3A_658] : memref<1000000x64xf32, #tpu.memory_space<hbm>> -> memref<1x64xf32, #tpu.memory_space<hbm>>
      tpu.enqueue_dma source(%dma_start3A_659 : memref<1x64xf32, #tpu.memory_space<hbm>>) target(%dma_start3A_657 : memref<1x64xf32, #tpu.memory_space<vmem>>) target_semaphore(%arg14 : memref<!tpu.dma_semaphore, #tpu.memory_space<semaphore_mem>>)
      %slice3A_660 = vector.extract_strided_slice %get3A_179 {offsets = [14], sizes = [1], strides = [1]} : vector<16xi32> to vector<1xi32>
      %squeeze3A_661 = vector.extract %slice3A_660[0] : i32 from vector<1xi32>
      %slice3A_662 = vector.extract_strided_slice %get3A_186 {offsets = [14], sizes = [1], strides = [1]} : vector<16xi32> to vector<1xi32>
      %squeeze3A_663 = vector.extract %slice3A_662[0] : i32 from vector<1xi32>
      %mul3A_664 = arith.constant 16 : i32
      %mul3A_665 = arith.muli %scan3A_172, %mul3A_664 : i32
      %add3A_666 = arith.constant 14 : i32
      %add3A_667 = arith.addi %mul3A_665, %add3A_666 : i32
      %dma_start3A_668 = arith.constant 0 : i32
      %dma_start3A_669 = arith.constant 0 : i32
      %dma_start3A_670 = tpu.memref_slice %arg10[%dma_start3A_668, %add3A_667, %dma_start3A_669] : memref<2x128x64xf32, #tpu.memory_space<vmem>> -> memref<1x1x64xf32, #tpu.memory_space<vmem>>
      %dma_start3A_671 = tpu.memref_squeeze %dma_start3A_670 : memref<1x1x64xf32, #tpu.memory_space<vmem>> -> memref<1x64xf32, #tpu.memory_space<vmem>>
      %dma_start3A_672 = arith.constant 0 : i32
      %dma_start3A_673 = tpu.memref_slice %arg4[%squeeze3A_661, %dma_start3A_672] : memref<1000000x64xf32, #tpu.memory_space<hbm>> -> memref<1x64xf32, #tpu.memory_space<hbm>>
      %dma_start3A_674 = arith.constant 0 : i32
      %dma_start3A_675 = tpu.memref_slice %arg10[%dma_start3A_668, %add3A_667, %dma_start3A_674] : memref<2x128x64xf32, #tpu.memory_space<vmem>> -> memref<1x1x64xf32, #tpu.memory_space<vmem>>
      %dma_start3A_676 = tpu.memref_squeeze %dma_start3A_675 : memref<1x1x64xf32, #tpu.memory_space<vmem>> -> memref<1x64xf32, #tpu.memory_space<vmem>>
      %dma_start3A_677 = arith.constant 0 : i32
      %dma_start3A_678 = tpu.memref_slice %arg4[%squeeze3A_661, %dma_start3A_677] : memref<1000000x64xf32, #tpu.memory_space<hbm>> -> memref<1x64xf32, #tpu.memory_space<hbm>>
      tpu.enqueue_dma source(%dma_start3A_678 : memref<1x64xf32, #tpu.memory_space<hbm>>) target(%dma_start3A_676 : memref<1x64xf32, #tpu.memory_space<vmem>>) target_semaphore(%arg12 : memref<!tpu.dma_semaphore, #tpu.memory_space<semaphore_mem>>)
      %mul3A_679 = arith.constant 16 : i32
      %mul3A_680 = arith.muli %scan3A_172, %mul3A_679 : i32
      %add3A_681 = arith.constant 14 : i32
      %add3A_682 = arith.addi %mul3A_680, %add3A_681 : i32
      %dma_start3A_683 = arith.constant 0 : i32
      %dma_start3A_684 = arith.constant 0 : i32
      %dma_start3A_685 = tpu.memref_slice %arg11[%dma_start3A_683, %add3A_682, %dma_start3A_684] : memref<2x128x64xf32, #tpu.memory_space<vmem>> -> memref<1x1x64xf32, #tpu.memory_space<vmem>>
      %dma_start3A_686 = tpu.memref_squeeze %dma_start3A_685 : memref<1x1x64xf32, #tpu.memory_space<vmem>> -> memref<1x64xf32, #tpu.memory_space<vmem>>
      %dma_start3A_687 = arith.constant 0 : i32
      %dma_start3A_688 = tpu.memref_slice %arg5[%squeeze3A_663, %dma_start3A_687] : memref<1000000x64xf32, #tpu.memory_space<hbm>> -> memref<1x64xf32, #tpu.memory_space<hbm>>
      %dma_start3A_689 = arith.constant 0 : i32
      %dma_start3A_690 = tpu.memref_slice %arg11[%dma_start3A_683, %add3A_682, %dma_start3A_689] : memref<2x128x64xf32, #tpu.memory_space<vmem>> -> memref<1x1x64xf32, #tpu.memory_space<vmem>>
      %dma_start3A_691 = tpu.memref_squeeze %dma_start3A_690 : memref<1x1x64xf32, #tpu.memory_space<vmem>> -> memref<1x64xf32, #tpu.memory_space<vmem>>
      %dma_start3A_692 = arith.constant 0 : i32
      %dma_start3A_693 = tpu.memref_slice %arg5[%squeeze3A_663, %dma_start3A_692] : memref<1000000x64xf32, #tpu.memory_space<hbm>> -> memref<1x64xf32, #tpu.memory_space<hbm>>
      tpu.enqueue_dma source(%dma_start3A_693 : memref<1x64xf32, #tpu.memory_space<hbm>>) target(%dma_start3A_691 : memref<1x64xf32, #tpu.memory_space<vmem>>) target_semaphore(%arg14 : memref<!tpu.dma_semaphore, #tpu.memory_space<semaphore_mem>>)
      %slice3A_694 = vector.extract_strided_slice %get3A_179 {offsets = [15], sizes = [1], strides = [1]} : vector<16xi32> to vector<1xi32>
      %squeeze3A_695 = vector.extract %slice3A_694[0] : i32 from vector<1xi32>
      %slice3A_696 = vector.extract_strided_slice %get3A_186 {offsets = [15], sizes = [1], strides = [1]} : vector<16xi32> to vector<1xi32>
      %squeeze3A_697 = vector.extract %slice3A_696[0] : i32 from vector<1xi32>
      %mul3A_698 = arith.constant 16 : i32
      %mul3A_699 = arith.muli %scan3A_172, %mul3A_698 : i32
      %add3A_700 = arith.constant 15 : i32
      %add3A_701 = arith.addi %mul3A_699, %add3A_700 : i32
      %dma_start3A_702 = arith.constant 0 : i32
      %dma_start3A_703 = arith.constant 0 : i32
      %dma_start3A_704 = tpu.memref_slice %arg10[%dma_start3A_702, %add3A_701, %dma_start3A_703] : memref<2x128x64xf32, #tpu.memory_space<vmem>> -> memref<1x1x64xf32, #tpu.memory_space<vmem>>
      %dma_start3A_705 = tpu.memref_squeeze %dma_start3A_704 : memref<1x1x64xf32, #tpu.memory_space<vmem>> -> memref<1x64xf32, #tpu.memory_space<vmem>>
      %dma_start3A_706 = arith.constant 0 : i32
      %dma_start3A_707 = tpu.memref_slice %arg4[%squeeze3A_695, %dma_start3A_706] : memref<1000000x64xf32, #tpu.memory_space<hbm>> -> memref<1x64xf32, #tpu.memory_space<hbm>>
      %dma_start3A_708 = arith.constant 0 : i32
      %dma_start3A_709 = tpu.memref_slice %arg10[%dma_start3A_702, %add3A_701, %dma_start3A_708] : memref<2x128x64xf32, #tpu.memory_space<vmem>> -> memref<1x1x64xf32, #tpu.memory_space<vmem>>
      %dma_start3A_710 = tpu.memref_squeeze %dma_start3A_709 : memref<1x1x64xf32, #tpu.memory_space<vmem>> -> memref<1x64xf32, #tpu.memory_space<vmem>>
      %dma_start3A_711 = arith.constant 0 : i32
      %dma_start3A_712 = tpu.memref_slice %arg4[%squeeze3A_695, %dma_start3A_711] : memref<1000000x64xf32, #tpu.memory_space<hbm>> -> memref<1x64xf32, #tpu.memory_space<hbm>>
      tpu.enqueue_dma source(%dma_start3A_712 : memref<1x64xf32, #tpu.memory_space<hbm>>) target(%dma_start3A_710 : memref<1x64xf32, #tpu.memory_space<vmem>>) target_semaphore(%arg12 : memref<!tpu.dma_semaphore, #tpu.memory_space<semaphore_mem>>)
      %mul3A_713 = arith.constant 16 : i32
      %mul3A_714 = arith.muli %scan3A_172, %mul3A_713 : i32
      %add3A_715 = arith.constant 15 : i32
      %add3A_716 = arith.addi %mul3A_714, %add3A_715 : i32
      %dma_start3A_717 = arith.constant 0 : i32
      %dma_start3A_718 = arith.constant 0 : i32
      %dma_start3A_719 = tpu.memref_slice %arg11[%dma_start3A_717, %add3A_716, %dma_start3A_718] : memref<2x128x64xf32, #tpu.memory_space<vmem>> -> memref<1x1x64xf32, #tpu.memory_space<vmem>>
      %dma_start3A_720 = tpu.memref_squeeze %dma_start3A_719 : memref<1x1x64xf32, #tpu.memory_space<vmem>> -> memref<1x64xf32, #tpu.memory_space<vmem>>
      %dma_start3A_721 = arith.constant 0 : i32
      %dma_start3A_722 = tpu.memref_slice %arg5[%squeeze3A_697, %dma_start3A_721] : memref<1000000x64xf32, #tpu.memory_space<hbm>> -> memref<1x64xf32, #tpu.memory_space<hbm>>
      %dma_start3A_723 = arith.constant 0 : i32
      %dma_start3A_724 = tpu.memref_slice %arg11[%dma_start3A_717, %add3A_716, %dma_start3A_723] : memref<2x128x64xf32, #tpu.memory_space<vmem>> -> memref<1x1x64xf32, #tpu.memory_space<vmem>>
      %dma_start3A_725 = tpu.memref_squeeze %dma_start3A_724 : memref<1x1x64xf32, #tpu.memory_space<vmem>> -> memref<1x64xf32, #tpu.memory_space<vmem>>
      %dma_start3A_726 = arith.constant 0 : i32
      %dma_start3A_727 = tpu.memref_slice %arg5[%squeeze3A_697, %dma_start3A_726] : memref<1000000x64xf32, #tpu.memory_space<hbm>> -> memref<1x64xf32, #tpu.memory_space<hbm>>
      tpu.enqueue_dma source(%dma_start3A_727 : memref<1x64xf32, #tpu.memory_space<hbm>>) target(%dma_start3A_725 : memref<1x64xf32, #tpu.memory_space<vmem>>) target_semaphore(%arg14 : memref<!tpu.dma_semaphore, #tpu.memory_space<semaphore_mem>>)
      %scan3A_728 = arith.constant 0 : i32
      scf.yield %scan3A_728 : i32
    }
    %scan3A_8 = arith.constant 8 : i32
    %scan3A_9 = arith.constant 0 : i32
    %scan3A_10 = arith.constant 0 : i32
    %scan3A_11 = arith.constant 8 : i32
    %scan3A_12 = arith.addi %scan3A_10, %scan3A_11 : i32
    %scan3A_13 = arith.constant 1 : i32
    %scan3A_14 = scf.for %scan3A_172 = %scan3A_10 to %scan3A_12 step %scan3A_13 iter_args(%scan3A_173 = %scan3A_9) -> (i32)  : i32 {
      %mul3A_174 = arith.constant 16 : i32
      %mul3A_175 = arith.muli %scan3A_172, %mul3A_174 : i32
      %add3A_176 = arith.constant 128 : i32
      %add3A_177 = arith.addi %add3A_176, %mul3A_175 : i32
      %get3A = arith.index_cast %add3A_177 : i32 to index
      %get3A_178 = tpu.vector_load %arg8[%get3A] {strides = array<i32>} : memref<512xi32, #tpu.memory_space<vmem>>, vector<16xi32>,
      %get3A_179 = vector.shape_cast %get3A_178 : vector<16xi32> to vector<16xi32>
      %mul3A_180 = arith.constant 16 : i32
      %mul3A_181 = arith.muli %scan3A_172, %mul3A_180 : i32
      %add3A_182 = arith.constant 128 : i32
      %add3A_183 = arith.addi %add3A_182, %mul3A_181 : i32
      %get3A_184 = arith.index_cast %add3A_183 : i32 to index
      %get3A_185 = tpu.vector_load %arg9[%get3A_184] {strides = array<i32>} : memref<512xi32, #tpu.memory_space<vmem>>, vector<16xi32>,
      %get3A_186 = vector.shape_cast %get3A_185 : vector<16xi32> to vector<16xi32>
      %slice3A = vector.extract_strided_slice %get3A_179 {offsets = [0], sizes = [1], strides = [1]} : vector<16xi32> to vector<1xi32>
      %squeeze3A = vector.extract %slice3A[0] : i32 from vector<1xi32>
      %slice3A_187 = vector.extract_strided_slice %get3A_186 {offsets = [0], sizes = [1], strides = [1]} : vector<16xi32> to vector<1xi32>
      %squeeze3A_188 = vector.extract %slice3A_187[0] : i32 from vector<1xi32>
      %mul3A_189 = arith.constant 16 : i32
      %mul3A_190 = arith.muli %scan3A_172, %mul3A_189 : i32
      %add3A_191 = arith.constant 0 : i32
      %add3A_192 = arith.addi %mul3A_190, %add3A_191 : i32
      %dma_start3A = arith.constant 1 : i32
      %dma_start3A_193 = arith.constant 0 : i32
      %dma_start3A_194 = tpu.memref_slice %arg10[%dma_start3A, %add3A_192, %dma_start3A_193] : memref<2x128x64xf32, #tpu.memory_space<vmem>> -> memref<1x1x64xf32, #tpu.memory_space<vmem>>
      %dma_start3A_195 = tpu.memref_squeeze %dma_start3A_194 : memref<1x1x64xf32, #tpu.memory_space<vmem>> -> memref<1x64xf32, #tpu.memory_space<vmem>>
      %dma_start3A_196 = arith.constant 0 : i32
      %dma_start3A_197 = tpu.memref_slice %arg4[%squeeze3A, %dma_start3A_196] : memref<1000000x64xf32, #tpu.memory_space<hbm>> -> memref<1x64xf32, #tpu.memory_space<hbm>>
      %dma_start3A_198 = arith.constant 0 : i32
      %dma_start3A_199 = tpu.memref_slice %arg10[%dma_start3A, %add3A_192, %dma_start3A_198] : memref<2x128x64xf32, #tpu.memory_space<vmem>> -> memref<1x1x64xf32, #tpu.memory_space<vmem>>
      %dma_start3A_200 = tpu.memref_squeeze %dma_start3A_199 : memref<1x1x64xf32, #tpu.memory_space<vmem>> -> memref<1x64xf32, #tpu.memory_space<vmem>>
      %dma_start3A_201 = arith.constant 0 : i32
      %dma_start3A_202 = tpu.memref_slice %arg4[%squeeze3A, %dma_start3A_201] : memref<1000000x64xf32, #tpu.memory_space<hbm>> -> memref<1x64xf32, #tpu.memory_space<hbm>>
      tpu.enqueue_dma source(%dma_start3A_202 : memref<1x64xf32, #tpu.memory_space<hbm>>) target(%dma_start3A_200 : memref<1x64xf32, #tpu.memory_space<vmem>>) target_semaphore(%arg13 : memref<!tpu.dma_semaphore, #tpu.memory_space<semaphore_mem>>)
      %mul3A_203 = arith.constant 16 : i32
      %mul3A_204 = arith.muli %scan3A_172, %mul3A_203 : i32
      %add3A_205 = arith.constant 0 : i32
      %add3A_206 = arith.addi %mul3A_204, %add3A_205 : i32
      %dma_start3A_207 = arith.constant 1 : i32
      %dma_start3A_208 = arith.constant 0 : i32
      %dma_start3A_209 = tpu.memref_slice %arg11[%dma_start3A_207, %add3A_206, %dma_start3A_208] : memref<2x128x64xf32, #tpu.memory_space<vmem>> -> memref<1x1x64xf32, #tpu.memory_space<vmem>>
      %dma_start3A_210 = tpu.memref_squeeze %dma_start3A_209 : memref<1x1x64xf32, #tpu.memory_space<vmem>> -> memref<1x64xf32, #tpu.memory_space<vmem>>
      %dma_start3A_211 = arith.constant 0 : i32
      %dma_start3A_212 = tpu.memref_slice %arg5[%squeeze3A_188, %dma_start3A_211] : memref<1000000x64xf32, #tpu.memory_space<hbm>> -> memref<1x64xf32, #tpu.memory_space<hbm>>
      %dma_start3A_213 = arith.constant 0 : i32
      %dma_start3A_214 = tpu.memref_slice %arg11[%dma_start3A_207, %add3A_206, %dma_start3A_213] : memref<2x128x64xf32, #tpu.memory_space<vmem>> -> memref<1x1x64xf32, #tpu.memory_space<vmem>>
      %dma_start3A_215 = tpu.memref_squeeze %dma_start3A_214 : memref<1x1x64xf32, #tpu.memory_space<vmem>> -> memref<1x64xf32, #tpu.memory_space<vmem>>
      %dma_start3A_216 = arith.constant 0 : i32
      %dma_start3A_217 = tpu.memref_slice %arg5[%squeeze3A_188, %dma_start3A_216] : memref<1000000x64xf32, #tpu.memory_space<hbm>> -> memref<1x64xf32, #tpu.memory_space<hbm>>
      tpu.enqueue_dma source(%dma_start3A_217 : memref<1x64xf32, #tpu.memory_space<hbm>>) target(%dma_start3A_215 : memref<1x64xf32, #tpu.memory_space<vmem>>) target_semaphore(%arg15 : memref<!tpu.dma_semaphore, #tpu.memory_space<semaphore_mem>>)
      %slice3A_218 = vector.extract_strided_slice %get3A_179 {offsets = [1], sizes = [1], strides = [1]} : vector<16xi32> to vector<1xi32>
      %squeeze3A_219 = vector.extract %slice3A_218[0] : i32 from vector<1xi32>
      %slice3A_220 = vector.extract_strided_slice %get3A_186 {offsets = [1], sizes = [1], strides = [1]} : vector<16xi32> to vector<1xi32>
      %squeeze3A_221 = vector.extract %slice3A_220[0] : i32 from vector<1xi32>
      %mul3A_222 = arith.constant 16 : i32
      %mul3A_223 = arith.muli %scan3A_172, %mul3A_222 : i32
      %add3A_224 = arith.constant 1 : i32
      %add3A_225 = arith.addi %mul3A_223, %add3A_224 : i32
      %dma_start3A_226 = arith.constant 1 : i32
      %dma_start3A_227 = arith.constant 0 : i32
      %dma_start3A_228 = tpu.memref_slice %arg10[%dma_start3A_226, %add3A_225, %dma_start3A_227] : memref<2x128x64xf32, #tpu.memory_space<vmem>> -> memref<1x1x64xf32, #tpu.memory_space<vmem>>
      %dma_start3A_229 = tpu.memref_squeeze %dma_start3A_228 : memref<1x1x64xf32, #tpu.memory_space<vmem>> -> memref<1x64xf32, #tpu.memory_space<vmem>>
      %dma_start3A_230 = arith.constant 0 : i32
      %dma_start3A_231 = tpu.memref_slice %arg4[%squeeze3A_219, %dma_start3A_230] : memref<1000000x64xf32, #tpu.memory_space<hbm>> -> memref<1x64xf32, #tpu.memory_space<hbm>>
      %dma_start3A_232 = arith.constant 0 : i32
      %dma_start3A_233 = tpu.memref_slice %arg10[%dma_start3A_226, %add3A_225, %dma_start3A_232] : memref<2x128x64xf32, #tpu.memory_space<vmem>> -> memref<1x1x64xf32, #tpu.memory_space<vmem>>
      %dma_start3A_234 = tpu.memref_squeeze %dma_start3A_233 : memref<1x1x64xf32, #tpu.memory_space<vmem>> -> memref<1x64xf32, #tpu.memory_space<vmem>>
      %dma_start3A_235 = arith.constant 0 : i32
      %dma_start3A_236 = tpu.memref_slice %arg4[%squeeze3A_219, %dma_start3A_235] : memref<1000000x64xf32, #tpu.memory_space<hbm>> -> memref<1x64xf32, #tpu.memory_space<hbm>>
      tpu.enqueue_dma source(%dma_start3A_236 : memref<1x64xf32, #tpu.memory_space<hbm>>) target(%dma_start3A_234 : memref<1x64xf32, #tpu.memory_space<vmem>>) target_semaphore(%arg13 : memref<!tpu.dma_semaphore, #tpu.memory_space<semaphore_mem>>)
      %mul3A_237 = arith.constant 16 : i32
      %mul3A_238 = arith.muli %scan3A_172, %mul3A_237 : i32
      %add3A_239 = arith.constant 1 : i32
      %add3A_240 = arith.addi %mul3A_238, %add3A_239 : i32
      %dma_start3A_241 = arith.constant 1 : i32
      %dma_start3A_242 = arith.constant 0 : i32
      %dma_start3A_243 = tpu.memref_slice %arg11[%dma_start3A_241, %add3A_240, %dma_start3A_242] : memref<2x128x64xf32, #tpu.memory_space<vmem>> -> memref<1x1x64xf32, #tpu.memory_space<vmem>>
      %dma_start3A_244 = tpu.memref_squeeze %dma_start3A_243 : memref<1x1x64xf32, #tpu.memory_space<vmem>> -> memref<1x64xf32, #tpu.memory_space<vmem>>
      %dma_start3A_245 = arith.constant 0 : i32
      %dma_start3A_246 = tpu.memref_slice %arg5[%squeeze3A_221, %dma_start3A_245] : memref<1000000x64xf32, #tpu.memory_space<hbm>> -> memref<1x64xf32, #tpu.memory_space<hbm>>
      %dma_start3A_247 = arith.constant 0 : i32
      %dma_start3A_248 = tpu.memref_slice %arg11[%dma_start3A_241, %add3A_240, %dma_start3A_247] : memref<2x128x64xf32, #tpu.memory_space<vmem>> -> memref<1x1x64xf32, #tpu.memory_space<vmem>>
      %dma_start3A_249 = tpu.memref_squeeze %dma_start3A_248 : memref<1x1x64xf32, #tpu.memory_space<vmem>> -> memref<1x64xf32, #tpu.memory_space<vmem>>
      %dma_start3A_250 = arith.constant 0 : i32
      %dma_start3A_251 = tpu.memref_slice %arg5[%squeeze3A_221, %dma_start3A_250] : memref<1000000x64xf32, #tpu.memory_space<hbm>> -> memref<1x64xf32, #tpu.memory_space<hbm>>
      tpu.enqueue_dma source(%dma_start3A_251 : memref<1x64xf32, #tpu.memory_space<hbm>>) target(%dma_start3A_249 : memref<1x64xf32, #tpu.memory_space<vmem>>) target_semaphore(%arg15 : memref<!tpu.dma_semaphore, #tpu.memory_space<semaphore_mem>>)
      %slice3A_252 = vector.extract_strided_slice %get3A_179 {offsets = [2], sizes = [1], strides = [1]} : vector<16xi32> to vector<1xi32>
      %squeeze3A_253 = vector.extract %slice3A_252[0] : i32 from vector<1xi32>
      %slice3A_254 = vector.extract_strided_slice %get3A_186 {offsets = [2], sizes = [1], strides = [1]} : vector<16xi32> to vector<1xi32>
      %squeeze3A_255 = vector.extract %slice3A_254[0] : i32 from vector<1xi32>
      %mul3A_256 = arith.constant 16 : i32
      %mul3A_257 = arith.muli %scan3A_172, %mul3A_256 : i32
      %add3A_258 = arith.constant 2 : i32
      %add3A_259 = arith.addi %mul3A_257, %add3A_258 : i32
      %dma_start3A_260 = arith.constant 1 : i32
      %dma_start3A_261 = arith.constant 0 : i32
      %dma_start3A_262 = tpu.memref_slice %arg10[%dma_start3A_260, %add3A_259, %dma_start3A_261] : memref<2x128x64xf32, #tpu.memory_space<vmem>> -> memref<1x1x64xf32, #tpu.memory_space<vmem>>
      %dma_start3A_263 = tpu.memref_squeeze %dma_start3A_262 : memref<1x1x64xf32, #tpu.memory_space<vmem>> -> memref<1x64xf32, #tpu.memory_space<vmem>>
      %dma_start3A_264 = arith.constant 0 : i32
      %dma_start3A_265 = tpu.memref_slice %arg4[%squeeze3A_253, %dma_start3A_264] : memref<1000000x64xf32, #tpu.memory_space<hbm>> -> memref<1x64xf32, #tpu.memory_space<hbm>>
      %dma_start3A_266 = arith.constant 0 : i32
      %dma_start3A_267 = tpu.memref_slice %arg10[%dma_start3A_260, %add3A_259, %dma_start3A_266] : memref<2x128x64xf32, #tpu.memory_space<vmem>> -> memref<1x1x64xf32, #tpu.memory_space<vmem>>
      %dma_start3A_268 = tpu.memref_squeeze %dma_start3A_267 : memref<1x1x64xf32, #tpu.memory_space<vmem>> -> memref<1x64xf32, #tpu.memory_space<vmem>>
      %dma_start3A_269 = arith.constant 0 : i32
      %dma_start3A_270 = tpu.memref_slice %arg4[%squeeze3A_253, %dma_start3A_269] : memref<1000000x64xf32, #tpu.memory_space<hbm>> -> memref<1x64xf32, #tpu.memory_space<hbm>>
      tpu.enqueue_dma source(%dma_start3A_270 : memref<1x64xf32, #tpu.memory_space<hbm>>) target(%dma_start3A_268 : memref<1x64xf32, #tpu.memory_space<vmem>>) target_semaphore(%arg13 : memref<!tpu.dma_semaphore, #tpu.memory_space<semaphore_mem>>)
      %mul3A_271 = arith.constant 16 : i32
      %mul3A_272 = arith.muli %scan3A_172, %mul3A_271 : i32
      %add3A_273 = arith.constant 2 : i32
      %add3A_274 = arith.addi %mul3A_272, %add3A_273 : i32
      %dma_start3A_275 = arith.constant 1 : i32
      %dma_start3A_276 = arith.constant 0 : i32
      %dma_start3A_277 = tpu.memref_slice %arg11[%dma_start3A_275, %add3A_274, %dma_start3A_276] : memref<2x128x64xf32, #tpu.memory_space<vmem>> -> memref<1x1x64xf32, #tpu.memory_space<vmem>>
      %dma_start3A_278 = tpu.memref_squeeze %dma_start3A_277 : memref<1x1x64xf32, #tpu.memory_space<vmem>> -> memref<1x64xf32, #tpu.memory_space<vmem>>
      %dma_start3A_279 = arith.constant 0 : i32
      %dma_start3A_280 = tpu.memref_slice %arg5[%squeeze3A_255, %dma_start3A_279] : memref<1000000x64xf32, #tpu.memory_space<hbm>> -> memref<1x64xf32, #tpu.memory_space<hbm>>
      %dma_start3A_281 = arith.constant 0 : i32
      %dma_start3A_282 = tpu.memref_slice %arg11[%dma_start3A_275, %add3A_274, %dma_start3A_281] : memref<2x128x64xf32, #tpu.memory_space<vmem>> -> memref<1x1x64xf32, #tpu.memory_space<vmem>>
      %dma_start3A_283 = tpu.memref_squeeze %dma_start3A_282 : memref<1x1x64xf32, #tpu.memory_space<vmem>> -> memref<1x64xf32, #tpu.memory_space<vmem>>
      %dma_start3A_284 = arith.constant 0 : i32
      %dma_start3A_285 = tpu.memref_slice %arg5[%squeeze3A_255, %dma_start3A_284] : memref<1000000x64xf32, #tpu.memory_space<hbm>> -> memref<1x64xf32, #tpu.memory_space<hbm>>
      tpu.enqueue_dma source(%dma_start3A_285 : memref<1x64xf32, #tpu.memory_space<hbm>>) target(%dma_start3A_283 : memref<1x64xf32, #tpu.memory_space<vmem>>) target_semaphore(%arg15 : memref<!tpu.dma_semaphore, #tpu.memory_space<semaphore_mem>>)
      %slice3A_286 = vector.extract_strided_slice %get3A_179 {offsets = [3], sizes = [1], strides = [1]} : vector<16xi32> to vector<1xi32>
      %squeeze3A_287 = vector.extract %slice3A_286[0] : i32 from vector<1xi32>
      %slice3A_288 = vector.extract_strided_slice %get3A_186 {offsets = [3], sizes = [1], strides = [1]} : vector<16xi32> to vector<1xi32>
      %squeeze3A_289 = vector.extract %slice3A_288[0] : i32 from vector<1xi32>
      %mul3A_290 = arith.constant 16 : i32
      %mul3A_291 = arith.muli %scan3A_172, %mul3A_290 : i32
      %add3A_292 = arith.constant 3 : i32
      %add3A_293 = arith.addi %mul3A_291, %add3A_292 : i32
      %dma_start3A_294 = arith.constant 1 : i32
      %dma_start3A_295 = arith.constant 0 : i32
      %dma_start3A_296 = tpu.memref_slice %arg10[%dma_start3A_294, %add3A_293, %dma_start3A_295] : memref<2x128x64xf32, #tpu.memory_space<vmem>> -> memref<1x1x64xf32, #tpu.memory_space<vmem>>
      %dma_start3A_297 = tpu.memref_squeeze %dma_start3A_296 : memref<1x1x64xf32, #tpu.memory_space<vmem>> -> memref<1x64xf32, #tpu.memory_space<vmem>>
      %dma_start3A_298 = arith.constant 0 : i32
      %dma_start3A_299 = tpu.memref_slice %arg4[%squeeze3A_287, %dma_start3A_298] : memref<1000000x64xf32, #tpu.memory_space<hbm>> -> memref<1x64xf32, #tpu.memory_space<hbm>>
      %dma_start3A_300 = arith.constant 0 : i32
      %dma_start3A_301 = tpu.memref_slice %arg10[%dma_start3A_294, %add3A_293, %dma_start3A_300] : memref<2x128x64xf32, #tpu.memory_space<vmem>> -> memref<1x1x64xf32, #tpu.memory_space<vmem>>
      %dma_start3A_302 = tpu.memref_squeeze %dma_start3A_301 : memref<1x1x64xf32, #tpu.memory_space<vmem>> -> memref<1x64xf32, #tpu.memory_space<vmem>>
      %dma_start3A_303 = arith.constant 0 : i32
      %dma_start3A_304 = tpu.memref_slice %arg4[%squeeze3A_287, %dma_start3A_303] : memref<1000000x64xf32, #tpu.memory_space<hbm>> -> memref<1x64xf32, #tpu.memory_space<hbm>>
      tpu.enqueue_dma source(%dma_start3A_304 : memref<1x64xf32, #tpu.memory_space<hbm>>) target(%dma_start3A_302 : memref<1x64xf32, #tpu.memory_space<vmem>>) target_semaphore(%arg13 : memref<!tpu.dma_semaphore, #tpu.memory_space<semaphore_mem>>)
      %mul3A_305 = arith.constant 16 : i32
      %mul3A_306 = arith.muli %scan3A_172, %mul3A_305 : i32
      %add3A_307 = arith.constant 3 : i32
      %add3A_308 = arith.addi %mul3A_306, %add3A_307 : i32
      %dma_start3A_309 = arith.constant 1 : i32
      %dma_start3A_310 = arith.constant 0 : i32
      %dma_start3A_311 = tpu.memref_slice %arg11[%dma_start3A_309, %add3A_308, %dma_start3A_310] : memref<2x128x64xf32, #tpu.memory_space<vmem>> -> memref<1x1x64xf32, #tpu.memory_space<vmem>>
      %dma_start3A_312 = tpu.memref_squeeze %dma_start3A_311 : memref<1x1x64xf32, #tpu.memory_space<vmem>> -> memref<1x64xf32, #tpu.memory_space<vmem>>
      %dma_start3A_313 = arith.constant 0 : i32
      %dma_start3A_314 = tpu.memref_slice %arg5[%squeeze3A_289, %dma_start3A_313] : memref<1000000x64xf32, #tpu.memory_space<hbm>> -> memref<1x64xf32, #tpu.memory_space<hbm>>
      %dma_start3A_315 = arith.constant 0 : i32
      %dma_start3A_316 = tpu.memref_slice %arg11[%dma_start3A_309, %add3A_308, %dma_start3A_315] : memref<2x128x64xf32, #tpu.memory_space<vmem>> -> memref<1x1x64xf32, #tpu.memory_space<vmem>>
      %dma_start3A_317 = tpu.memref_squeeze %dma_start3A_316 : memref<1x1x64xf32, #tpu.memory_space<vmem>> -> memref<1x64xf32, #tpu.memory_space<vmem>>
      %dma_start3A_318 = arith.constant 0 : i32
      %dma_start3A_319 = tpu.memref_slice %arg5[%squeeze3A_289, %dma_start3A_318] : memref<1000000x64xf32, #tpu.memory_space<hbm>> -> memref<1x64xf32, #tpu.memory_space<hbm>>
      tpu.enqueue_dma source(%dma_start3A_319 : memref<1x64xf32, #tpu.memory_space<hbm>>) target(%dma_start3A_317 : memref<1x64xf32, #tpu.memory_space<vmem>>) target_semaphore(%arg15 : memref<!tpu.dma_semaphore, #tpu.memory_space<semaphore_mem>>)
      %slice3A_320 = vector.extract_strided_slice %get3A_179 {offsets = [4], sizes = [1], strides = [1]} : vector<16xi32> to vector<1xi32>
      %squeeze3A_321 = vector.extract %slice3A_320[0] : i32 from vector<1xi32>
      %slice3A_322 = vector.extract_strided_slice %get3A_186 {offsets = [4], sizes = [1], strides = [1]} : vector<16xi32> to vector<1xi32>
      %squeeze3A_323 = vector.extract %slice3A_322[0] : i32 from vector<1xi32>
      %mul3A_324 = arith.constant 16 : i32
      %mul3A_325 = arith.muli %scan3A_172, %mul3A_324 : i32
      %add3A_326 = arith.constant 4 : i32
      %add3A_327 = arith.addi %mul3A_325, %add3A_326 : i32
      %dma_start3A_328 = arith.constant 1 : i32
      %dma_start3A_329 = arith.constant 0 : i32
      %dma_start3A_330 = tpu.memref_slice %arg10[%dma_start3A_328, %add3A_327, %dma_start3A_329] : memref<2x128x64xf32, #tpu.memory_space<vmem>> -> memref<1x1x64xf32, #tpu.memory_space<vmem>>
      %dma_start3A_331 = tpu.memref_squeeze %dma_start3A_330 : memref<1x1x64xf32, #tpu.memory_space<vmem>> -> memref<1x64xf32, #tpu.memory_space<vmem>>
      %dma_start3A_332 = arith.constant 0 : i32
      %dma_start3A_333 = tpu.memref_slice %arg4[%squeeze3A_321, %dma_start3A_332] : memref<1000000x64xf32, #tpu.memory_space<hbm>> -> memref<1x64xf32, #tpu.memory_space<hbm>>
      %dma_start3A_334 = arith.constant 0 : i32
      %dma_start3A_335 = tpu.memref_slice %arg10[%dma_start3A_328, %add3A_327, %dma_start3A_334] : memref<2x128x64xf32, #tpu.memory_space<vmem>> -> memref<1x1x64xf32, #tpu.memory_space<vmem>>
      %dma_start3A_336 = tpu.memref_squeeze %dma_start3A_335 : memref<1x1x64xf32, #tpu.memory_space<vmem>> -> memref<1x64xf32, #tpu.memory_space<vmem>>
      %dma_start3A_337 = arith.constant 0 : i32
      %dma_start3A_338 = tpu.memref_slice %arg4[%squeeze3A_321, %dma_start3A_337] : memref<1000000x64xf32, #tpu.memory_space<hbm>> -> memref<1x64xf32, #tpu.memory_space<hbm>>
      tpu.enqueue_dma source(%dma_start3A_338 : memref<1x64xf32, #tpu.memory_space<hbm>>) target(%dma_start3A_336 : memref<1x64xf32, #tpu.memory_space<vmem>>) target_semaphore(%arg13 : memref<!tpu.dma_semaphore, #tpu.memory_space<semaphore_mem>>)
      %mul3A_339 = arith.constant 16 : i32
      %mul3A_340 = arith.muli %scan3A_172, %mul3A_339 : i32
      %add3A_341 = arith.constant 4 : i32
      %add3A_342 = arith.addi %mul3A_340, %add3A_341 : i32
      %dma_start3A_343 = arith.constant 1 : i32
      %dma_start3A_344 = arith.constant 0 : i32
      %dma_start3A_345 = tpu.memref_slice %arg11[%dma_start3A_343, %add3A_342, %dma_start3A_344] : memref<2x128x64xf32, #tpu.memory_space<vmem>> -> memref<1x1x64xf32, #tpu.memory_space<vmem>>
      %dma_start3A_346 = tpu.memref_squeeze %dma_start3A_345 : memref<1x1x64xf32, #tpu.memory_space<vmem>> -> memref<1x64xf32, #tpu.memory_space<vmem>>
      %dma_start3A_347 = arith.constant 0 : i32
      %dma_start3A_348 = tpu.memref_slice %arg5[%squeeze3A_323, %dma_start3A_347] : memref<1000000x64xf32, #tpu.memory_space<hbm>> -> memref<1x64xf32, #tpu.memory_space<hbm>>
      %dma_start3A_349 = arith.constant 0 : i32
      %dma_start3A_350 = tpu.memref_slice %arg11[%dma_start3A_343, %add3A_342, %dma_start3A_349] : memref<2x128x64xf32, #tpu.memory_space<vmem>> -> memref<1x1x64xf32, #tpu.memory_space<vmem>>
      %dma_start3A_351 = tpu.memref_squeeze %dma_start3A_350 : memref<1x1x64xf32, #tpu.memory_space<vmem>> -> memref<1x64xf32, #tpu.memory_space<vmem>>
      %dma_start3A_352 = arith.constant 0 : i32
      %dma_start3A_353 = tpu.memref_slice %arg5[%squeeze3A_323, %dma_start3A_352] : memref<1000000x64xf32, #tpu.memory_space<hbm>> -> memref<1x64xf32, #tpu.memory_space<hbm>>
      tpu.enqueue_dma source(%dma_start3A_353 : memref<1x64xf32, #tpu.memory_space<hbm>>) target(%dma_start3A_351 : memref<1x64xf32, #tpu.memory_space<vmem>>) target_semaphore(%arg15 : memref<!tpu.dma_semaphore, #tpu.memory_space<semaphore_mem>>)
      %slice3A_354 = vector.extract_strided_slice %get3A_179 {offsets = [5], sizes = [1], strides = [1]} : vector<16xi32> to vector<1xi32>
      %squeeze3A_355 = vector.extract %slice3A_354[0] : i32 from vector<1xi32>
      %slice3A_356 = vector.extract_strided_slice %get3A_186 {offsets = [5], sizes = [1], strides = [1]} : vector<16xi32> to vector<1xi32>
      %squeeze3A_357 = vector.extract %slice3A_356[0] : i32 from vector<1xi32>
      %mul3A_358 = arith.constant 16 : i32
      %mul3A_359 = arith.muli %scan3A_172, %mul3A_358 : i32
      %add3A_360 = arith.constant 5 : i32
      %add3A_361 = arith.addi %mul3A_359, %add3A_360 : i32
      %dma_start3A_362 = arith.constant 1 : i32
      %dma_start3A_363 = arith.constant 0 : i32
      %dma_start3A_364 = tpu.memref_slice %arg10[%dma_start3A_362, %add3A_361, %dma_start3A_363] : memref<2x128x64xf32, #tpu.memory_space<vmem>> -> memref<1x1x64xf32, #tpu.memory_space<vmem>>
      %dma_start3A_365 = tpu.memref_squeeze %dma_start3A_364 : memref<1x1x64xf32, #tpu.memory_space<vmem>> -> memref<1x64xf32, #tpu.memory_space<vmem>>
      %dma_start3A_366 = arith.constant 0 : i32
      %dma_start3A_367 = tpu.memref_slice %arg4[%squeeze3A_355, %dma_start3A_366] : memref<1000000x64xf32, #tpu.memory_space<hbm>> -> memref<1x64xf32, #tpu.memory_space<hbm>>
      %dma_start3A_368 = arith.constant 0 : i32
      %dma_start3A_369 = tpu.memref_slice %arg10[%dma_start3A_362, %add3A_361, %dma_start3A_368] : memref<2x128x64xf32, #tpu.memory_space<vmem>> -> memref<1x1x64xf32, #tpu.memory_space<vmem>>
      %dma_start3A_370 = tpu.memref_squeeze %dma_start3A_369 : memref<1x1x64xf32, #tpu.memory_space<vmem>> -> memref<1x64xf32, #tpu.memory_space<vmem>>
      %dma_start3A_371 = arith.constant 0 : i32
      %dma_start3A_372 = tpu.memref_slice %arg4[%squeeze3A_355, %dma_start3A_371] : memref<1000000x64xf32, #tpu.memory_space<hbm>> -> memref<1x64xf32, #tpu.memory_space<hbm>>
      tpu.enqueue_dma source(%dma_start3A_372 : memref<1x64xf32, #tpu.memory_space<hbm>>) target(%dma_start3A_370 : memref<1x64xf32, #tpu.memory_space<vmem>>) target_semaphore(%arg13 : memref<!tpu.dma_semaphore, #tpu.memory_space<semaphore_mem>>)
      %mul3A_373 = arith.constant 16 : i32
      %mul3A_374 = arith.muli %scan3A_172, %mul3A_373 : i32
      %add3A_375 = arith.constant 5 : i32
      %add3A_376 = arith.addi %mul3A_374, %add3A_375 : i32
      %dma_start3A_377 = arith.constant 1 : i32
      %dma_start3A_378 = arith.constant 0 : i32
      %dma_start3A_379 = tpu.memref_slice %arg11[%dma_start3A_377, %add3A_376, %dma_start3A_378] : memref<2x128x64xf32, #tpu.memory_space<vmem>> -> memref<1x1x64xf32, #tpu.memory_space<vmem>>
      %dma_start3A_380 = tpu.memref_squeeze %dma_start3A_379 : memref<1x1x64xf32, #tpu.memory_space<vmem>> -> memref<1x64xf32, #tpu.memory_space<vmem>>
      %dma_start3A_381 = arith.constant 0 : i32
      %dma_start3A_382 = tpu.memref_slice %arg5[%squeeze3A_357, %dma_start3A_381] : memref<1000000x64xf32, #tpu.memory_space<hbm>> -> memref<1x64xf32, #tpu.memory_space<hbm>>
      %dma_start3A_383 = arith.constant 0 : i32
      %dma_start3A_384 = tpu.memref_slice %arg11[%dma_start3A_377, %add3A_376, %dma_start3A_383] : memref<2x128x64xf32, #tpu.memory_space<vmem>> -> memref<1x1x64xf32, #tpu.memory_space<vmem>>
      %dma_start3A_385 = tpu.memref_squeeze %dma_start3A_384 : memref<1x1x64xf32, #tpu.memory_space<vmem>> -> memref<1x64xf32, #tpu.memory_space<vmem>>
      %dma_start3A_386 = arith.constant 0 : i32
      %dma_start3A_387 = tpu.memref_slice %arg5[%squeeze3A_357, %dma_start3A_386] : memref<1000000x64xf32, #tpu.memory_space<hbm>> -> memref<1x64xf32, #tpu.memory_space<hbm>>
      tpu.enqueue_dma source(%dma_start3A_387 : memref<1x64xf32, #tpu.memory_space<hbm>>) target(%dma_start3A_385 : memref<1x64xf32, #tpu.memory_space<vmem>>) target_semaphore(%arg15 : memref<!tpu.dma_semaphore, #tpu.memory_space<semaphore_mem>>)
      %slice3A_388 = vector.extract_strided_slice %get3A_179 {offsets = [6], sizes = [1], strides = [1]} : vector<16xi32> to vector<1xi32>
      %squeeze3A_389 = vector.extract %slice3A_388[0] : i32 from vector<1xi32>
      %slice3A_390 = vector.extract_strided_slice %get3A_186 {offsets = [6], sizes = [1], strides = [1]} : vector<16xi32> to vector<1xi32>
      %squeeze3A_391 = vector.extract %slice3A_390[0] : i32 from vector<1xi32>
      %mul3A_392 = arith.constant 16 : i32
      %mul3A_393 = arith.muli %scan3A_172, %mul3A_392 : i32
      %add3A_394 = arith.constant 6 : i32
      %add3A_395 = arith.addi %mul3A_393, %add3A_394 : i32
      %dma_start3A_396 = arith.constant 1 : i32
      %dma_start3A_397 = arith.constant 0 : i32
      %dma_start3A_398 = tpu.memref_slice %arg10[%dma_start3A_396, %add3A_395, %dma_start3A_397] : memref<2x128x64xf32, #tpu.memory_space<vmem>> -> memref<1x1x64xf32, #tpu.memory_space<vmem>>
      %dma_start3A_399 = tpu.memref_squeeze %dma_start3A_398 : memref<1x1x64xf32, #tpu.memory_space<vmem>> -> memref<1x64xf32, #tpu.memory_space<vmem>>
      %dma_start3A_400 = arith.constant 0 : i32
      %dma_start3A_401 = tpu.memref_slice %arg4[%squeeze3A_389, %dma_start3A_400] : memref<1000000x64xf32, #tpu.memory_space<hbm>> -> memref<1x64xf32, #tpu.memory_space<hbm>>
      %dma_start3A_402 = arith.constant 0 : i32
      %dma_start3A_403 = tpu.memref_slice %arg10[%dma_start3A_396, %add3A_395, %dma_start3A_402] : memref<2x128x64xf32, #tpu.memory_space<vmem>> -> memref<1x1x64xf32, #tpu.memory_space<vmem>>
      %dma_start3A_404 = tpu.memref_squeeze %dma_start3A_403 : memref<1x1x64xf32, #tpu.memory_space<vmem>> -> memref<1x64xf32, #tpu.memory_space<vmem>>
      %dma_start3A_405 = arith.constant 0 : i32
      %dma_start3A_406 = tpu.memref_slice %arg4[%squeeze3A_389, %dma_start3A_405] : memref<1000000x64xf32, #tpu.memory_space<hbm>> -> memref<1x64xf32, #tpu.memory_space<hbm>>
      tpu.enqueue_dma source(%dma_start3A_406 : memref<1x64xf32, #tpu.memory_space<hbm>>) target(%dma_start3A_404 : memref<1x64xf32, #tpu.memory_space<vmem>>) target_semaphore(%arg13 : memref<!tpu.dma_semaphore, #tpu.memory_space<semaphore_mem>>)
      %mul3A_407 = arith.constant 16 : i32
      %mul3A_408 = arith.muli %scan3A_172, %mul3A_407 : i32
      %add3A_409 = arith.constant 6 : i32
      %add3A_410 = arith.addi %mul3A_408, %add3A_409 : i32
      %dma_start3A_411 = arith.constant 1 : i32
      %dma_start3A_412 = arith.constant 0 : i32
      %dma_start3A_413 = tpu.memref_slice %arg11[%dma_start3A_411, %add3A_410, %dma_start3A_412] : memref<2x128x64xf32, #tpu.memory_space<vmem>> -> memref<1x1x64xf32, #tpu.memory_space<vmem>>
      %dma_start3A_414 = tpu.memref_squeeze %dma_start3A_413 : memref<1x1x64xf32, #tpu.memory_space<vmem>> -> memref<1x64xf32, #tpu.memory_space<vmem>>
      %dma_start3A_415 = arith.constant 0 : i32
      %dma_start3A_416 = tpu.memref_slice %arg5[%squeeze3A_391, %dma_start3A_415] : memref<1000000x64xf32, #tpu.memory_space<hbm>> -> memref<1x64xf32, #tpu.memory_space<hbm>>
      %dma_start3A_417 = arith.constant 0 : i32
      %dma_start3A_418 = tpu.memref_slice %arg11[%dma_start3A_411, %add3A_410, %dma_start3A_417] : memref<2x128x64xf32, #tpu.memory_space<vmem>> -> memref<1x1x64xf32, #tpu.memory_space<vmem>>
      %dma_start3A_419 = tpu.memref_squeeze %dma_start3A_418 : memref<1x1x64xf32, #tpu.memory_space<vmem>> -> memref<1x64xf32, #tpu.memory_space<vmem>>
      %dma_start3A_420 = arith.constant 0 : i32
      %dma_start3A_421 = tpu.memref_slice %arg5[%squeeze3A_391, %dma_start3A_420] : memref<1000000x64xf32, #tpu.memory_space<hbm>> -> memref<1x64xf32, #tpu.memory_space<hbm>>
      tpu.enqueue_dma source(%dma_start3A_421 : memref<1x64xf32, #tpu.memory_space<hbm>>) target(%dma_start3A_419 : memref<1x64xf32, #tpu.memory_space<vmem>>) target_semaphore(%arg15 : memref<!tpu.dma_semaphore, #tpu.memory_space<semaphore_mem>>)
      %slice3A_422 = vector.extract_strided_slice %get3A_179 {offsets = [7], sizes = [1], strides = [1]} : vector<16xi32> to vector<1xi32>
      %squeeze3A_423 = vector.extract %slice3A_422[0] : i32 from vector<1xi32>
      %slice3A_424 = vector.extract_strided_slice %get3A_186 {offsets = [7], sizes = [1], strides = [1]} : vector<16xi32> to vector<1xi32>
      %squeeze3A_425 = vector.extract %slice3A_424[0] : i32 from vector<1xi32>
      %mul3A_426 = arith.constant 16 : i32
      %mul3A_427 = arith.muli %scan3A_172, %mul3A_426 : i32
      %add3A_428 = arith.constant 7 : i32
      %add3A_429 = arith.addi %mul3A_427, %add3A_428 : i32
      %dma_start3A_430 = arith.constant 1 : i32
      %dma_start3A_431 = arith.constant 0 : i32
      %dma_start3A_432 = tpu.memref_slice %arg10[%dma_start3A_430, %add3A_429, %dma_start3A_431] : memref<2x128x64xf32, #tpu.memory_space<vmem>> -> memref<1x1x64xf32, #tpu.memory_space<vmem>>
      %dma_start3A_433 = tpu.memref_squeeze %dma_start3A_432 : memref<1x1x64xf32, #tpu.memory_space<vmem>> -> memref<1x64xf32, #tpu.memory_space<vmem>>
      %dma_start3A_434 = arith.constant 0 : i32
      %dma_start3A_435 = tpu.memref_slice %arg4[%squeeze3A_423, %dma_start3A_434] : memref<1000000x64xf32, #tpu.memory_space<hbm>> -> memref<1x64xf32, #tpu.memory_space<hbm>>
      %dma_start3A_436 = arith.constant 0 : i32
      %dma_start3A_437 = tpu.memref_slice %arg10[%dma_start3A_430, %add3A_429, %dma_start3A_436] : memref<2x128x64xf32, #tpu.memory_space<vmem>> -> memref<1x1x64xf32, #tpu.memory_space<vmem>>
      %dma_start3A_438 = tpu.memref_squeeze %dma_start3A_437 : memref<1x1x64xf32, #tpu.memory_space<vmem>> -> memref<1x64xf32, #tpu.memory_space<vmem>>
      %dma_start3A_439 = arith.constant 0 : i32
      %dma_start3A_440 = tpu.memref_slice %arg4[%squeeze3A_423, %dma_start3A_439] : memref<1000000x64xf32, #tpu.memory_space<hbm>> -> memref<1x64xf32, #tpu.memory_space<hbm>>
      tpu.enqueue_dma source(%dma_start3A_440 : memref<1x64xf32, #tpu.memory_space<hbm>>) target(%dma_start3A_438 : memref<1x64xf32, #tpu.memory_space<vmem>>) target_semaphore(%arg13 : memref<!tpu.dma_semaphore, #tpu.memory_space<semaphore_mem>>)
      %mul3A_441 = arith.constant 16 : i32
      %mul3A_442 = arith.muli %scan3A_172, %mul3A_441 : i32
      %add3A_443 = arith.constant 7 : i32
      %add3A_444 = arith.addi %mul3A_442, %add3A_443 : i32
      %dma_start3A_445 = arith.constant 1 : i32
      %dma_start3A_446 = arith.constant 0 : i32
      %dma_start3A_447 = tpu.memref_slice %arg11[%dma_start3A_445, %add3A_444, %dma_start3A_446] : memref<2x128x64xf32, #tpu.memory_space<vmem>> -> memref<1x1x64xf32, #tpu.memory_space<vmem>>
      %dma_start3A_448 = tpu.memref_squeeze %dma_start3A_447 : memref<1x1x64xf32, #tpu.memory_space<vmem>> -> memref<1x64xf32, #tpu.memory_space<vmem>>
      %dma_start3A_449 = arith.constant 0 : i32
      %dma_start3A_450 = tpu.memref_slice %arg5[%squeeze3A_425, %dma_start3A_449] : memref<1000000x64xf32, #tpu.memory_space<hbm>> -> memref<1x64xf32, #tpu.memory_space<hbm>>
      %dma_start3A_451 = arith.constant 0 : i32
      %dma_start3A_452 = tpu.memref_slice %arg11[%dma_start3A_445, %add3A_444, %dma_start3A_451] : memref<2x128x64xf32, #tpu.memory_space<vmem>> -> memref<1x1x64xf32, #tpu.memory_space<vmem>>
      %dma_start3A_453 = tpu.memref_squeeze %dma_start3A_452 : memref<1x1x64xf32, #tpu.memory_space<vmem>> -> memref<1x64xf32, #tpu.memory_space<vmem>>
      %dma_start3A_454 = arith.constant 0 : i32
      %dma_start3A_455 = tpu.memref_slice %arg5[%squeeze3A_425, %dma_start3A_454] : memref<1000000x64xf32, #tpu.memory_space<hbm>> -> memref<1x64xf32, #tpu.memory_space<hbm>>
      tpu.enqueue_dma source(%dma_start3A_455 : memref<1x64xf32, #tpu.memory_space<hbm>>) target(%dma_start3A_453 : memref<1x64xf32, #tpu.memory_space<vmem>>) target_semaphore(%arg15 : memref<!tpu.dma_semaphore, #tpu.memory_space<semaphore_mem>>)
      %slice3A_456 = vector.extract_strided_slice %get3A_179 {offsets = [8], sizes = [1], strides = [1]} : vector<16xi32> to vector<1xi32>
      %squeeze3A_457 = vector.extract %slice3A_456[0] : i32 from vector<1xi32>
      %slice3A_458 = vector.extract_strided_slice %get3A_186 {offsets = [8], sizes = [1], strides = [1]} : vector<16xi32> to vector<1xi32>
      %squeeze3A_459 = vector.extract %slice3A_458[0] : i32 from vector<1xi32>
      %mul3A_460 = arith.constant 16 : i32
      %mul3A_461 = arith.muli %scan3A_172, %mul3A_460 : i32
      %add3A_462 = arith.constant 8 : i32
      %add3A_463 = arith.addi %mul3A_461, %add3A_462 : i32
      %dma_start3A_464 = arith.constant 1 : i32
      %dma_start3A_465 = arith.constant 0 : i32
      %dma_start3A_466 = tpu.memref_slice %arg10[%dma_start3A_464, %add3A_463, %dma_start3A_465] : memref<2x128x64xf32, #tpu.memory_space<vmem>> -> memref<1x1x64xf32, #tpu.memory_space<vmem>>
      %dma_start3A_467 = tpu.memref_squeeze %dma_start3A_466 : memref<1x1x64xf32, #tpu.memory_space<vmem>> -> memref<1x64xf32, #tpu.memory_space<vmem>>
      %dma_start3A_468 = arith.constant 0 : i32
      %dma_start3A_469 = tpu.memref_slice %arg4[%squeeze3A_457, %dma_start3A_468] : memref<1000000x64xf32, #tpu.memory_space<hbm>> -> memref<1x64xf32, #tpu.memory_space<hbm>>
      %dma_start3A_470 = arith.constant 0 : i32
      %dma_start3A_471 = tpu.memref_slice %arg10[%dma_start3A_464, %add3A_463, %dma_start3A_470] : memref<2x128x64xf32, #tpu.memory_space<vmem>> -> memref<1x1x64xf32, #tpu.memory_space<vmem>>
      %dma_start3A_472 = tpu.memref_squeeze %dma_start3A_471 : memref<1x1x64xf32, #tpu.memory_space<vmem>> -> memref<1x64xf32, #tpu.memory_space<vmem>>
      %dma_start3A_473 = arith.constant 0 : i32
      %dma_start3A_474 = tpu.memref_slice %arg4[%squeeze3A_457, %dma_start3A_473] : memref<1000000x64xf32, #tpu.memory_space<hbm>> -> memref<1x64xf32, #tpu.memory_space<hbm>>
      tpu.enqueue_dma source(%dma_start3A_474 : memref<1x64xf32, #tpu.memory_space<hbm>>) target(%dma_start3A_472 : memref<1x64xf32, #tpu.memory_space<vmem>>) target_semaphore(%arg13 : memref<!tpu.dma_semaphore, #tpu.memory_space<semaphore_mem>>)
      %mul3A_475 = arith.constant 16 : i32
      %mul3A_476 = arith.muli %scan3A_172, %mul3A_475 : i32
      %add3A_477 = arith.constant 8 : i32
      %add3A_478 = arith.addi %mul3A_476, %add3A_477 : i32
      %dma_start3A_479 = arith.constant 1 : i32
      %dma_start3A_480 = arith.constant 0 : i32
      %dma_start3A_481 = tpu.memref_slice %arg11[%dma_start3A_479, %add3A_478, %dma_start3A_480] : memref<2x128x64xf32, #tpu.memory_space<vmem>> -> memref<1x1x64xf32, #tpu.memory_space<vmem>>
      %dma_start3A_482 = tpu.memref_squeeze %dma_start3A_481 : memref<1x1x64xf32, #tpu.memory_space<vmem>> -> memref<1x64xf32, #tpu.memory_space<vmem>>
      %dma_start3A_483 = arith.constant 0 : i32
      %dma_start3A_484 = tpu.memref_slice %arg5[%squeeze3A_459, %dma_start3A_483] : memref<1000000x64xf32, #tpu.memory_space<hbm>> -> memref<1x64xf32, #tpu.memory_space<hbm>>
      %dma_start3A_485 = arith.constant 0 : i32
      %dma_start3A_486 = tpu.memref_slice %arg11[%dma_start3A_479, %add3A_478, %dma_start3A_485] : memref<2x128x64xf32, #tpu.memory_space<vmem>> -> memref<1x1x64xf32, #tpu.memory_space<vmem>>
      %dma_start3A_487 = tpu.memref_squeeze %dma_start3A_486 : memref<1x1x64xf32, #tpu.memory_space<vmem>> -> memref<1x64xf32, #tpu.memory_space<vmem>>
      %dma_start3A_488 = arith.constant 0 : i32
      %dma_start3A_489 = tpu.memref_slice %arg5[%squeeze3A_459, %dma_start3A_488] : memref<1000000x64xf32, #tpu.memory_space<hbm>> -> memref<1x64xf32, #tpu.memory_space<hbm>>
      tpu.enqueue_dma source(%dma_start3A_489 : memref<1x64xf32, #tpu.memory_space<hbm>>) target(%dma_start3A_487 : memref<1x64xf32, #tpu.memory_space<vmem>>) target_semaphore(%arg15 : memref<!tpu.dma_semaphore, #tpu.memory_space<semaphore_mem>>)
      %slice3A_490 = vector.extract_strided_slice %get3A_179 {offsets = [9], sizes = [1], strides = [1]} : vector<16xi32> to vector<1xi32>
      %squeeze3A_491 = vector.extract %slice3A_490[0] : i32 from vector<1xi32>
      %slice3A_492 = vector.extract_strided_slice %get3A_186 {offsets = [9], sizes = [1], strides = [1]} : vector<16xi32> to vector<1xi32>
      %squeeze3A_493 = vector.extract %slice3A_492[0] : i32 from vector<1xi32>
      %mul3A_494 = arith.constant 16 : i32
      %mul3A_495 = arith.muli %scan3A_172, %mul3A_494 : i32
      %add3A_496 = arith.constant 9 : i32
      %add3A_497 = arith.addi %mul3A_495, %add3A_496 : i32
      %dma_start3A_498 = arith.constant 1 : i32
      %dma_start3A_499 = arith.constant 0 : i32
      %dma_start3A_500 = tpu.memref_slice %arg10[%dma_start3A_498, %add3A_497, %dma_start3A_499] : memref<2x128x64xf32, #tpu.memory_space<vmem>> -> memref<1x1x64xf32, #tpu.memory_space<vmem>>
      %dma_start3A_501 = tpu.memref_squeeze %dma_start3A_500 : memref<1x1x64xf32, #tpu.memory_space<vmem>> -> memref<1x64xf32, #tpu.memory_space<vmem>>
      %dma_start3A_502 = arith.constant 0 : i32
      %dma_start3A_503 = tpu.memref_slice %arg4[%squeeze3A_491, %dma_start3A_502] : memref<1000000x64xf32, #tpu.memory_space<hbm>> -> memref<1x64xf32, #tpu.memory_space<hbm>>
      %dma_start3A_504 = arith.constant 0 : i32
      %dma_start3A_505 = tpu.memref_slice %arg10[%dma_start3A_498, %add3A_497, %dma_start3A_504] : memref<2x128x64xf32, #tpu.memory_space<vmem>> -> memref<1x1x64xf32, #tpu.memory_space<vmem>>
      %dma_start3A_506 = tpu.memref_squeeze %dma_start3A_505 : memref<1x1x64xf32, #tpu.memory_space<vmem>> -> memref<1x64xf32, #tpu.memory_space<vmem>>
      %dma_start3A_507 = arith.constant 0 : i32
      %dma_start3A_508 = tpu.memref_slice %arg4[%squeeze3A_491, %dma_start3A_507] : memref<1000000x64xf32, #tpu.memory_space<hbm>> -> memref<1x64xf32, #tpu.memory_space<hbm>>
      tpu.enqueue_dma source(%dma_start3A_508 : memref<1x64xf32, #tpu.memory_space<hbm>>) target(%dma_start3A_506 : memref<1x64xf32, #tpu.memory_space<vmem>>) target_semaphore(%arg13 : memref<!tpu.dma_semaphore, #tpu.memory_space<semaphore_mem>>)
      %mul3A_509 = arith.constant 16 : i32
      %mul3A_510 = arith.muli %scan3A_172, %mul3A_509 : i32
      %add3A_511 = arith.constant 9 : i32
      %add3A_512 = arith.addi %mul3A_510, %add3A_511 : i32
      %dma_start3A_513 = arith.constant 1 : i32
      %dma_start3A_514 = arith.constant 0 : i32
      %dma_start3A_515 = tpu.memref_slice %arg11[%dma_start3A_513, %add3A_512, %dma_start3A_514] : memref<2x128x64xf32, #tpu.memory_space<vmem>> -> memref<1x1x64xf32, #tpu.memory_space<vmem>>
      %dma_start3A_516 = tpu.memref_squeeze %dma_start3A_515 : memref<1x1x64xf32, #tpu.memory_space<vmem>> -> memref<1x64xf32, #tpu.memory_space<vmem>>
      %dma_start3A_517 = arith.constant 0 : i32
      %dma_start3A_518 = tpu.memref_slice %arg5[%squeeze3A_493, %dma_start3A_517] : memref<1000000x64xf32, #tpu.memory_space<hbm>> -> memref<1x64xf32, #tpu.memory_space<hbm>>
      %dma_start3A_519 = arith.constant 0 : i32
      %dma_start3A_520 = tpu.memref_slice %arg11[%dma_start3A_513, %add3A_512, %dma_start3A_519] : memref<2x128x64xf32, #tpu.memory_space<vmem>> -> memref<1x1x64xf32, #tpu.memory_space<vmem>>
      %dma_start3A_521 = tpu.memref_squeeze %dma_start3A_520 : memref<1x1x64xf32, #tpu.memory_space<vmem>> -> memref<1x64xf32, #tpu.memory_space<vmem>>
      %dma_start3A_522 = arith.constant 0 : i32
      %dma_start3A_523 = tpu.memref_slice %arg5[%squeeze3A_493, %dma_start3A_522] : memref<1000000x64xf32, #tpu.memory_space<hbm>> -> memref<1x64xf32, #tpu.memory_space<hbm>>
      tpu.enqueue_dma source(%dma_start3A_523 : memref<1x64xf32, #tpu.memory_space<hbm>>) target(%dma_start3A_521 : memref<1x64xf32, #tpu.memory_space<vmem>>) target_semaphore(%arg15 : memref<!tpu.dma_semaphore, #tpu.memory_space<semaphore_mem>>)
      %slice3A_524 = vector.extract_strided_slice %get3A_179 {offsets = [10], sizes = [1], strides = [1]} : vector<16xi32> to vector<1xi32>
      %squeeze3A_525 = vector.extract %slice3A_524[0] : i32 from vector<1xi32>
      %slice3A_526 = vector.extract_strided_slice %get3A_186 {offsets = [10], sizes = [1], strides = [1]} : vector<16xi32> to vector<1xi32>
      %squeeze3A_527 = vector.extract %slice3A_526[0] : i32 from vector<1xi32>
      %mul3A_528 = arith.constant 16 : i32
      %mul3A_529 = arith.muli %scan3A_172, %mul3A_528 : i32
      %add3A_530 = arith.constant 10 : i32
      %add3A_531 = arith.addi %mul3A_529, %add3A_530 : i32
      %dma_start3A_532 = arith.constant 1 : i32
      %dma_start3A_533 = arith.constant 0 : i32
      %dma_start3A_534 = tpu.memref_slice %arg10[%dma_start3A_532, %add3A_531, %dma_start3A_533] : memref<2x128x64xf32, #tpu.memory_space<vmem>> -> memref<1x1x64xf32, #tpu.memory_space<vmem>>
      %dma_start3A_535 = tpu.memref_squeeze %dma_start3A_534 : memref<1x1x64xf32, #tpu.memory_space<vmem>> -> memref<1x64xf32, #tpu.memory_space<vmem>>
      %dma_start3A_536 = arith.constant 0 : i32
      %dma_start3A_537 = tpu.memref_slice %arg4[%squeeze3A_525, %dma_start3A_536] : memref<1000000x64xf32, #tpu.memory_space<hbm>> -> memref<1x64xf32, #tpu.memory_space<hbm>>
      %dma_start3A_538 = arith.constant 0 : i32
      %dma_start3A_539 = tpu.memref_slice %arg10[%dma_start3A_532, %add3A_531, %dma_start3A_538] : memref<2x128x64xf32, #tpu.memory_space<vmem>> -> memref<1x1x64xf32, #tpu.memory_space<vmem>>
      %dma_start3A_540 = tpu.memref_squeeze %dma_start3A_539 : memref<1x1x64xf32, #tpu.memory_space<vmem>> -> memref<1x64xf32, #tpu.memory_space<vmem>>
      %dma_start3A_541 = arith.constant 0 : i32
      %dma_start3A_542 = tpu.memref_slice %arg4[%squeeze3A_525, %dma_start3A_541] : memref<1000000x64xf32, #tpu.memory_space<hbm>> -> memref<1x64xf32, #tpu.memory_space<hbm>>
      tpu.enqueue_dma source(%dma_start3A_542 : memref<1x64xf32, #tpu.memory_space<hbm>>) target(%dma_start3A_540 : memref<1x64xf32, #tpu.memory_space<vmem>>) target_semaphore(%arg13 : memref<!tpu.dma_semaphore, #tpu.memory_space<semaphore_mem>>)
      %mul3A_543 = arith.constant 16 : i32
      %mul3A_544 = arith.muli %scan3A_172, %mul3A_543 : i32
      %add3A_545 = arith.constant 10 : i32
      %add3A_546 = arith.addi %mul3A_544, %add3A_545 : i32
      %dma_start3A_547 = arith.constant 1 : i32
      %dma_start3A_548 = arith.constant 0 : i32
      %dma_start3A_549 = tpu.memref_slice %arg11[%dma_start3A_547, %add3A_546, %dma_start3A_548] : memref<2x128x64xf32, #tpu.memory_space<vmem>> -> memref<1x1x64xf32, #tpu.memory_space<vmem>>
      %dma_start3A_550 = tpu.memref_squeeze %dma_start3A_549 : memref<1x1x64xf32, #tpu.memory_space<vmem>> -> memref<1x64xf32, #tpu.memory_space<vmem>>
      %dma_start3A_551 = arith.constant 0 : i32
      %dma_start3A_552 = tpu.memref_slice %arg5[%squeeze3A_527, %dma_start3A_551] : memref<1000000x64xf32, #tpu.memory_space<hbm>> -> memref<1x64xf32, #tpu.memory_space<hbm>>
      %dma_start3A_553 = arith.constant 0 : i32
      %dma_start3A_554 = tpu.memref_slice %arg11[%dma_start3A_547, %add3A_546, %dma_start3A_553] : memref<2x128x64xf32, #tpu.memory_space<vmem>> -> memref<1x1x64xf32, #tpu.memory_space<vmem>>
      %dma_start3A_555 = tpu.memref_squeeze %dma_start3A_554 : memref<1x1x64xf32, #tpu.memory_space<vmem>> -> memref<1x64xf32, #tpu.memory_space<vmem>>
      %dma_start3A_556 = arith.constant 0 : i32
      %dma_start3A_557 = tpu.memref_slice %arg5[%squeeze3A_527, %dma_start3A_556] : memref<1000000x64xf32, #tpu.memory_space<hbm>> -> memref<1x64xf32, #tpu.memory_space<hbm>>
      tpu.enqueue_dma source(%dma_start3A_557 : memref<1x64xf32, #tpu.memory_space<hbm>>) target(%dma_start3A_555 : memref<1x64xf32, #tpu.memory_space<vmem>>) target_semaphore(%arg15 : memref<!tpu.dma_semaphore, #tpu.memory_space<semaphore_mem>>)
      %slice3A_558 = vector.extract_strided_slice %get3A_179 {offsets = [11], sizes = [1], strides = [1]} : vector<16xi32> to vector<1xi32>
      %squeeze3A_559 = vector.extract %slice3A_558[0] : i32 from vector<1xi32>
      %slice3A_560 = vector.extract_strided_slice %get3A_186 {offsets = [11], sizes = [1], strides = [1]} : vector<16xi32> to vector<1xi32>
      %squeeze3A_561 = vector.extract %slice3A_560[0] : i32 from vector<1xi32>
      %mul3A_562 = arith.constant 16 : i32
      %mul3A_563 = arith.muli %scan3A_172, %mul3A_562 : i32
      %add3A_564 = arith.constant 11 : i32
      %add3A_565 = arith.addi %mul3A_563, %add3A_564 : i32
      %dma_start3A_566 = arith.constant 1 : i32
      %dma_start3A_567 = arith.constant 0 : i32
      %dma_start3A_568 = tpu.memref_slice %arg10[%dma_start3A_566, %add3A_565, %dma_start3A_567] : memref<2x128x64xf32, #tpu.memory_space<vmem>> -> memref<1x1x64xf32, #tpu.memory_space<vmem>>
      %dma_start3A_569 = tpu.memref_squeeze %dma_start3A_568 : memref<1x1x64xf32, #tpu.memory_space<vmem>> -> memref<1x64xf32, #tpu.memory_space<vmem>>
      %dma_start3A_570 = arith.constant 0 : i32
      %dma_start3A_571 = tpu.memref_slice %arg4[%squeeze3A_559, %dma_start3A_570] : memref<1000000x64xf32, #tpu.memory_space<hbm>> -> memref<1x64xf32, #tpu.memory_space<hbm>>
      %dma_start3A_572 = arith.constant 0 : i32
      %dma_start3A_573 = tpu.memref_slice %arg10[%dma_start3A_566, %add3A_565, %dma_start3A_572] : memref<2x128x64xf32, #tpu.memory_space<vmem>> -> memref<1x1x64xf32, #tpu.memory_space<vmem>>
      %dma_start3A_574 = tpu.memref_squeeze %dma_start3A_573 : memref<1x1x64xf32, #tpu.memory_space<vmem>> -> memref<1x64xf32, #tpu.memory_space<vmem>>
      %dma_start3A_575 = arith.constant 0 : i32
      %dma_start3A_576 = tpu.memref_slice %arg4[%squeeze3A_559, %dma_start3A_575] : memref<1000000x64xf32, #tpu.memory_space<hbm>> -> memref<1x64xf32, #tpu.memory_space<hbm>>
      tpu.enqueue_dma source(%dma_start3A_576 : memref<1x64xf32, #tpu.memory_space<hbm>>) target(%dma_start3A_574 : memref<1x64xf32, #tpu.memory_space<vmem>>) target_semaphore(%arg13 : memref<!tpu.dma_semaphore, #tpu.memory_space<semaphore_mem>>)
      %mul3A_577 = arith.constant 16 : i32
      %mul3A_578 = arith.muli %scan3A_172, %mul3A_577 : i32
      %add3A_579 = arith.constant 11 : i32
      %add3A_580 = arith.addi %mul3A_578, %add3A_579 : i32
      %dma_start3A_581 = arith.constant 1 : i32
      %dma_start3A_582 = arith.constant 0 : i32
      %dma_start3A_583 = tpu.memref_slice %arg11[%dma_start3A_581, %add3A_580, %dma_start3A_582] : memref<2x128x64xf32, #tpu.memory_space<vmem>> -> memref<1x1x64xf32, #tpu.memory_space<vmem>>
      %dma_start3A_584 = tpu.memref_squeeze %dma_start3A_583 : memref<1x1x64xf32, #tpu.memory_space<vmem>> -> memref<1x64xf32, #tpu.memory_space<vmem>>
      %dma_start3A_585 = arith.constant 0 : i32
      %dma_start3A_586 = tpu.memref_slice %arg5[%squeeze3A_561, %dma_start3A_585] : memref<1000000x64xf32, #tpu.memory_space<hbm>> -> memref<1x64xf32, #tpu.memory_space<hbm>>
      %dma_start3A_587 = arith.constant 0 : i32
      %dma_start3A_588 = tpu.memref_slice %arg11[%dma_start3A_581, %add3A_580, %dma_start3A_587] : memref<2x128x64xf32, #tpu.memory_space<vmem>> -> memref<1x1x64xf32, #tpu.memory_space<vmem>>
      %dma_start3A_589 = tpu.memref_squeeze %dma_start3A_588 : memref<1x1x64xf32, #tpu.memory_space<vmem>> -> memref<1x64xf32, #tpu.memory_space<vmem>>
      %dma_start3A_590 = arith.constant 0 : i32
      %dma_start3A_591 = tpu.memref_slice %arg5[%squeeze3A_561, %dma_start3A_590] : memref<1000000x64xf32, #tpu.memory_space<hbm>> -> memref<1x64xf32, #tpu.memory_space<hbm>>
      tpu.enqueue_dma source(%dma_start3A_591 : memref<1x64xf32, #tpu.memory_space<hbm>>) target(%dma_start3A_589 : memref<1x64xf32, #tpu.memory_space<vmem>>) target_semaphore(%arg15 : memref<!tpu.dma_semaphore, #tpu.memory_space<semaphore_mem>>)
      %slice3A_592 = vector.extract_strided_slice %get3A_179 {offsets = [12], sizes = [1], strides = [1]} : vector<16xi32> to vector<1xi32>
      %squeeze3A_593 = vector.extract %slice3A_592[0] : i32 from vector<1xi32>
      %slice3A_594 = vector.extract_strided_slice %get3A_186 {offsets = [12], sizes = [1], strides = [1]} : vector<16xi32> to vector<1xi32>
      %squeeze3A_595 = vector.extract %slice3A_594[0] : i32 from vector<1xi32>
      %mul3A_596 = arith.constant 16 : i32
      %mul3A_597 = arith.muli %scan3A_172, %mul3A_596 : i32
      %add3A_598 = arith.constant 12 : i32
      %add3A_599 = arith.addi %mul3A_597, %add3A_598 : i32
      %dma_start3A_600 = arith.constant 1 : i32
      %dma_start3A_601 = arith.constant 0 : i32
      %dma_start3A_602 = tpu.memref_slice %arg10[%dma_start3A_600, %add3A_599, %dma_start3A_601] : memref<2x128x64xf32, #tpu.memory_space<vmem>> -> memref<1x1x64xf32, #tpu.memory_space<vmem>>
      %dma_start3A_603 = tpu.memref_squeeze %dma_start3A_602 : memref<1x1x64xf32, #tpu.memory_space<vmem>> -> memref<1x64xf32, #tpu.memory_space<vmem>>
      %dma_start3A_604 = arith.constant 0 : i32
      %dma_start3A_605 = tpu.memref_slice %arg4[%squeeze3A_593, %dma_start3A_604] : memref<1000000x64xf32, #tpu.memory_space<hbm>> -> memref<1x64xf32, #tpu.memory_space<hbm>>
      %dma_start3A_606 = arith.constant 0 : i32
      %dma_start3A_607 = tpu.memref_slice %arg10[%dma_start3A_600, %add3A_599, %dma_start3A_606] : memref<2x128x64xf32, #tpu.memory_space<vmem>> -> memref<1x1x64xf32, #tpu.memory_space<vmem>>
      %dma_start3A_608 = tpu.memref_squeeze %dma_start3A_607 : memref<1x1x64xf32, #tpu.memory_space<vmem>> -> memref<1x64xf32, #tpu.memory_space<vmem>>
      %dma_start3A_609 = arith.constant 0 : i32
      %dma_start3A_610 = tpu.memref_slice %arg4[%squeeze3A_593, %dma_start3A_609] : memref<1000000x64xf32, #tpu.memory_space<hbm>> -> memref<1x64xf32, #tpu.memory_space<hbm>>
      tpu.enqueue_dma source(%dma_start3A_610 : memref<1x64xf32, #tpu.memory_space<hbm>>) target(%dma_start3A_608 : memref<1x64xf32, #tpu.memory_space<vmem>>) target_semaphore(%arg13 : memref<!tpu.dma_semaphore, #tpu.memory_space<semaphore_mem>>)
      %mul3A_611 = arith.constant 16 : i32
      %mul3A_612 = arith.muli %scan3A_172, %mul3A_611 : i32
      %add3A_613 = arith.constant 12 : i32
      %add3A_614 = arith.addi %mul3A_612, %add3A_613 : i32
      %dma_start3A_615 = arith.constant 1 : i32
      %dma_start3A_616 = arith.constant 0 : i32
      %dma_start3A_617 = tpu.memref_slice %arg11[%dma_start3A_615, %add3A_614, %dma_start3A_616] : memref<2x128x64xf32, #tpu.memory_space<vmem>> -> memref<1x1x64xf32, #tpu.memory_space<vmem>>
      %dma_start3A_618 = tpu.memref_squeeze %dma_start3A_617 : memref<1x1x64xf32, #tpu.memory_space<vmem>> -> memref<1x64xf32, #tpu.memory_space<vmem>>
      %dma_start3A_619 = arith.constant 0 : i32
      %dma_start3A_620 = tpu.memref_slice %arg5[%squeeze3A_595, %dma_start3A_619] : memref<1000000x64xf32, #tpu.memory_space<hbm>> -> memref<1x64xf32, #tpu.memory_space<hbm>>
      %dma_start3A_621 = arith.constant 0 : i32
      %dma_start3A_622 = tpu.memref_slice %arg11[%dma_start3A_615, %add3A_614, %dma_start3A_621] : memref<2x128x64xf32, #tpu.memory_space<vmem>> -> memref<1x1x64xf32, #tpu.memory_space<vmem>>
      %dma_start3A_623 = tpu.memref_squeeze %dma_start3A_622 : memref<1x1x64xf32, #tpu.memory_space<vmem>> -> memref<1x64xf32, #tpu.memory_space<vmem>>
      %dma_start3A_624 = arith.constant 0 : i32
      %dma_start3A_625 = tpu.memref_slice %arg5[%squeeze3A_595, %dma_start3A_624] : memref<1000000x64xf32, #tpu.memory_space<hbm>> -> memref<1x64xf32, #tpu.memory_space<hbm>>
      tpu.enqueue_dma source(%dma_start3A_625 : memref<1x64xf32, #tpu.memory_space<hbm>>) target(%dma_start3A_623 : memref<1x64xf32, #tpu.memory_space<vmem>>) target_semaphore(%arg15 : memref<!tpu.dma_semaphore, #tpu.memory_space<semaphore_mem>>)
      %slice3A_626 = vector.extract_strided_slice %get3A_179 {offsets = [13], sizes = [1], strides = [1]} : vector<16xi32> to vector<1xi32>
      %squeeze3A_627 = vector.extract %slice3A_626[0] : i32 from vector<1xi32>
      %slice3A_628 = vector.extract_strided_slice %get3A_186 {offsets = [13], sizes = [1], strides = [1]} : vector<16xi32> to vector<1xi32>
      %squeeze3A_629 = vector.extract %slice3A_628[0] : i32 from vector<1xi32>
      %mul3A_630 = arith.constant 16 : i32
      %mul3A_631 = arith.muli %scan3A_172, %mul3A_630 : i32
      %add3A_632 = arith.constant 13 : i32
      %add3A_633 = arith.addi %mul3A_631, %add3A_632 : i32
      %dma_start3A_634 = arith.constant 1 : i32
      %dma_start3A_635 = arith.constant 0 : i32
      %dma_start3A_636 = tpu.memref_slice %arg10[%dma_start3A_634, %add3A_633, %dma_start3A_635] : memref<2x128x64xf32, #tpu.memory_space<vmem>> -> memref<1x1x64xf32, #tpu.memory_space<vmem>>
      %dma_start3A_637 = tpu.memref_squeeze %dma_start3A_636 : memref<1x1x64xf32, #tpu.memory_space<vmem>> -> memref<1x64xf32, #tpu.memory_space<vmem>>
      %dma_start3A_638 = arith.constant 0 : i32
      %dma_start3A_639 = tpu.memref_slice %arg4[%squeeze3A_627, %dma_start3A_638] : memref<1000000x64xf32, #tpu.memory_space<hbm>> -> memref<1x64xf32, #tpu.memory_space<hbm>>
      %dma_start3A_640 = arith.constant 0 : i32
      %dma_start3A_641 = tpu.memref_slice %arg10[%dma_start3A_634, %add3A_633, %dma_start3A_640] : memref<2x128x64xf32, #tpu.memory_space<vmem>> -> memref<1x1x64xf32, #tpu.memory_space<vmem>>
      %dma_start3A_642 = tpu.memref_squeeze %dma_start3A_641 : memref<1x1x64xf32, #tpu.memory_space<vmem>> -> memref<1x64xf32, #tpu.memory_space<vmem>>
      %dma_start3A_643 = arith.constant 0 : i32
      %dma_start3A_644 = tpu.memref_slice %arg4[%squeeze3A_627, %dma_start3A_643] : memref<1000000x64xf32, #tpu.memory_space<hbm>> -> memref<1x64xf32, #tpu.memory_space<hbm>>
      tpu.enqueue_dma source(%dma_start3A_644 : memref<1x64xf32, #tpu.memory_space<hbm>>) target(%dma_start3A_642 : memref<1x64xf32, #tpu.memory_space<vmem>>) target_semaphore(%arg13 : memref<!tpu.dma_semaphore, #tpu.memory_space<semaphore_mem>>)
      %mul3A_645 = arith.constant 16 : i32
      %mul3A_646 = arith.muli %scan3A_172, %mul3A_645 : i32
      %add3A_647 = arith.constant 13 : i32
      %add3A_648 = arith.addi %mul3A_646, %add3A_647 : i32
      %dma_start3A_649 = arith.constant 1 : i32
      %dma_start3A_650 = arith.constant 0 : i32
      %dma_start3A_651 = tpu.memref_slice %arg11[%dma_start3A_649, %add3A_648, %dma_start3A_650] : memref<2x128x64xf32, #tpu.memory_space<vmem>> -> memref<1x1x64xf32, #tpu.memory_space<vmem>>
      %dma_start3A_652 = tpu.memref_squeeze %dma_start3A_651 : memref<1x1x64xf32, #tpu.memory_space<vmem>> -> memref<1x64xf32, #tpu.memory_space<vmem>>
      %dma_start3A_653 = arith.constant 0 : i32
      %dma_start3A_654 = tpu.memref_slice %arg5[%squeeze3A_629, %dma_start3A_653] : memref<1000000x64xf32, #tpu.memory_space<hbm>> -> memref<1x64xf32, #tpu.memory_space<hbm>>
      %dma_start3A_655 = arith.constant 0 : i32
      %dma_start3A_656 = tpu.memref_slice %arg11[%dma_start3A_649, %add3A_648, %dma_start3A_655] : memref<2x128x64xf32, #tpu.memory_space<vmem>> -> memref<1x1x64xf32, #tpu.memory_space<vmem>>
      %dma_start3A_657 = tpu.memref_squeeze %dma_start3A_656 : memref<1x1x64xf32, #tpu.memory_space<vmem>> -> memref<1x64xf32, #tpu.memory_space<vmem>>
      %dma_start3A_658 = arith.constant 0 : i32
      %dma_start3A_659 = tpu.memref_slice %arg5[%squeeze3A_629, %dma_start3A_658] : memref<1000000x64xf32, #tpu.memory_space<hbm>> -> memref<1x64xf32, #tpu.memory_space<hbm>>
      tpu.enqueue_dma source(%dma_start3A_659 : memref<1x64xf32, #tpu.memory_space<hbm>>) target(%dma_start3A_657 : memref<1x64xf32, #tpu.memory_space<vmem>>) target_semaphore(%arg15 : memref<!tpu.dma_semaphore, #tpu.memory_space<semaphore_mem>>)
      %slice3A_660 = vector.extract_strided_slice %get3A_179 {offsets = [14], sizes = [1], strides = [1]} : vector<16xi32> to vector<1xi32>
      %squeeze3A_661 = vector.extract %slice3A_660[0] : i32 from vector<1xi32>
      %slice3A_662 = vector.extract_strided_slice %get3A_186 {offsets = [14], sizes = [1], strides = [1]} : vector<16xi32> to vector<1xi32>
      %squeeze3A_663 = vector.extract %slice3A_662[0] : i32 from vector<1xi32>
      %mul3A_664 = arith.constant 16 : i32
      %mul3A_665 = arith.muli %scan3A_172, %mul3A_664 : i32
      %add3A_666 = arith.constant 14 : i32
      %add3A_667 = arith.addi %mul3A_665, %add3A_666 : i32
      %dma_start3A_668 = arith.constant 1 : i32
      %dma_start3A_669 = arith.constant 0 : i32
      %dma_start3A_670 = tpu.memref_slice %arg10[%dma_start3A_668, %add3A_667, %dma_start3A_669] : memref<2x128x64xf32, #tpu.memory_space<vmem>> -> memref<1x1x64xf32, #tpu.memory_space<vmem>>
      %dma_start3A_671 = tpu.memref_squeeze %dma_start3A_670 : memref<1x1x64xf32, #tpu.memory_space<vmem>> -> memref<1x64xf32, #tpu.memory_space<vmem>>
      %dma_start3A_672 = arith.constant 0 : i32
      %dma_start3A_673 = tpu.memref_slice %arg4[%squeeze3A_661, %dma_start3A_672] : memref<1000000x64xf32, #tpu.memory_space<hbm>> -> memref<1x64xf32, #tpu.memory_space<hbm>>
      %dma_start3A_674 = arith.constant 0 : i32
      %dma_start3A_675 = tpu.memref_slice %arg10[%dma_start3A_668, %add3A_667, %dma_start3A_674] : memref<2x128x64xf32, #tpu.memory_space<vmem>> -> memref<1x1x64xf32, #tpu.memory_space<vmem>>
      %dma_start3A_676 = tpu.memref_squeeze %dma_start3A_675 : memref<1x1x64xf32, #tpu.memory_space<vmem>> -> memref<1x64xf32, #tpu.memory_space<vmem>>
      %dma_start3A_677 = arith.constant 0 : i32
      %dma_start3A_678 = tpu.memref_slice %arg4[%squeeze3A_661, %dma_start3A_677] : memref<1000000x64xf32, #tpu.memory_space<hbm>> -> memref<1x64xf32, #tpu.memory_space<hbm>>
      tpu.enqueue_dma source(%dma_start3A_678 : memref<1x64xf32, #tpu.memory_space<hbm>>) target(%dma_start3A_676 : memref<1x64xf32, #tpu.memory_space<vmem>>) target_semaphore(%arg13 : memref<!tpu.dma_semaphore, #tpu.memory_space<semaphore_mem>>)
      %mul3A_679 = arith.constant 16 : i32
      %mul3A_680 = arith.muli %scan3A_172, %mul3A_679 : i32
      %add3A_681 = arith.constant 14 : i32
      %add3A_682 = arith.addi %mul3A_680, %add3A_681 : i32
      %dma_start3A_683 = arith.constant 1 : i32
      %dma_start3A_684 = arith.constant 0 : i32
      %dma_start3A_685 = tpu.memref_slice %arg11[%dma_start3A_683, %add3A_682, %dma_start3A_684] : memref<2x128x64xf32, #tpu.memory_space<vmem>> -> memref<1x1x64xf32, #tpu.memory_space<vmem>>
      %dma_start3A_686 = tpu.memref_squeeze %dma_start3A_685 : memref<1x1x64xf32, #tpu.memory_space<vmem>> -> memref<1x64xf32, #tpu.memory_space<vmem>>
      %dma_start3A_687 = arith.constant 0 : i32
      %dma_start3A_688 = tpu.memref_slice %arg5[%squeeze3A_663, %dma_start3A_687] : memref<1000000x64xf32, #tpu.memory_space<hbm>> -> memref<1x64xf32, #tpu.memory_space<hbm>>
      %dma_start3A_689 = arith.constant 0 : i32
      %dma_start3A_690 = tpu.memref_slice %arg11[%dma_start3A_683, %add3A_682, %dma_start3A_689] : memref<2x128x64xf32, #tpu.memory_space<vmem>> -> memref<1x1x64xf32, #tpu.memory_space<vmem>>
      %dma_start3A_691 = tpu.memref_squeeze %dma_start3A_690 : memref<1x1x64xf32, #tpu.memory_space<vmem>> -> memref<1x64xf32, #tpu.memory_space<vmem>>
      %dma_start3A_692 = arith.constant 0 : i32
      %dma_start3A_693 = tpu.memref_slice %arg5[%squeeze3A_663, %dma_start3A_692] : memref<1000000x64xf32, #tpu.memory_space<hbm>> -> memref<1x64xf32, #tpu.memory_space<hbm>>
      tpu.enqueue_dma source(%dma_start3A_693 : memref<1x64xf32, #tpu.memory_space<hbm>>) target(%dma_start3A_691 : memref<1x64xf32, #tpu.memory_space<vmem>>) target_semaphore(%arg15 : memref<!tpu.dma_semaphore, #tpu.memory_space<semaphore_mem>>)
      %slice3A_694 = vector.extract_strided_slice %get3A_179 {offsets = [15], sizes = [1], strides = [1]} : vector<16xi32> to vector<1xi32>
      %squeeze3A_695 = vector.extract %slice3A_694[0] : i32 from vector<1xi32>
      %slice3A_696 = vector.extract_strided_slice %get3A_186 {offsets = [15], sizes = [1], strides = [1]} : vector<16xi32> to vector<1xi32>
      %squeeze3A_697 = vector.extract %slice3A_696[0] : i32 from vector<1xi32>
      %mul3A_698 = arith.constant 16 : i32
      %mul3A_699 = arith.muli %scan3A_172, %mul3A_698 : i32
      %add3A_700 = arith.constant 15 : i32
      %add3A_701 = arith.addi %mul3A_699, %add3A_700 : i32
      %dma_start3A_702 = arith.constant 1 : i32
      %dma_start3A_703 = arith.constant 0 : i32
      %dma_start3A_704 = tpu.memref_slice %arg10[%dma_start3A_702, %add3A_701, %dma_start3A_703] : memref<2x128x64xf32, #tpu.memory_space<vmem>> -> memref<1x1x64xf32, #tpu.memory_space<vmem>>
      %dma_start3A_705 = tpu.memref_squeeze %dma_start3A_704 : memref<1x1x64xf32, #tpu.memory_space<vmem>> -> memref<1x64xf32, #tpu.memory_space<vmem>>
      %dma_start3A_706 = arith.constant 0 : i32
      %dma_start3A_707 = tpu.memref_slice %arg4[%squeeze3A_695, %dma_start3A_706] : memref<1000000x64xf32, #tpu.memory_space<hbm>> -> memref<1x64xf32, #tpu.memory_space<hbm>>
      %dma_start3A_708 = arith.constant 0 : i32
      %dma_start3A_709 = tpu.memref_slice %arg10[%dma_start3A_702, %add3A_701, %dma_start3A_708] : memref<2x128x64xf32, #tpu.memory_space<vmem>> -> memref<1x1x64xf32, #tpu.memory_space<vmem>>
      %dma_start3A_710 = tpu.memref_squeeze %dma_start3A_709 : memref<1x1x64xf32, #tpu.memory_space<vmem>> -> memref<1x64xf32, #tpu.memory_space<vmem>>
      %dma_start3A_711 = arith.constant 0 : i32
      %dma_start3A_712 = tpu.memref_slice %arg4[%squeeze3A_695, %dma_start3A_711] : memref<1000000x64xf32, #tpu.memory_space<hbm>> -> memref<1x64xf32, #tpu.memory_space<hbm>>
      tpu.enqueue_dma source(%dma_start3A_712 : memref<1x64xf32, #tpu.memory_space<hbm>>) target(%dma_start3A_710 : memref<1x64xf32, #tpu.memory_space<vmem>>) target_semaphore(%arg13 : memref<!tpu.dma_semaphore, #tpu.memory_space<semaphore_mem>>)
      %mul3A_713 = arith.constant 16 : i32
      %mul3A_714 = arith.muli %scan3A_172, %mul3A_713 : i32
      %add3A_715 = arith.constant 15 : i32
      %add3A_716 = arith.addi %mul3A_714, %add3A_715 : i32
      %dma_start3A_717 = arith.constant 1 : i32
      %dma_start3A_718 = arith.constant 0 : i32
      %dma_start3A_719 = tpu.memref_slice %arg11[%dma_start3A_717, %add3A_716, %dma_start3A_718] : memref<2x128x64xf32, #tpu.memory_space<vmem>> -> memref<1x1x64xf32, #tpu.memory_space<vmem>>
      %dma_start3A_720 = tpu.memref_squeeze %dma_start3A_719 : memref<1x1x64xf32, #tpu.memory_space<vmem>> -> memref<1x64xf32, #tpu.memory_space<vmem>>
      %dma_start3A_721 = arith.constant 0 : i32
      %dma_start3A_722 = tpu.memref_slice %arg5[%squeeze3A_697, %dma_start3A_721] : memref<1000000x64xf32, #tpu.memory_space<hbm>> -> memref<1x64xf32, #tpu.memory_space<hbm>>
      %dma_start3A_723 = arith.constant 0 : i32
      %dma_start3A_724 = tpu.memref_slice %arg11[%dma_start3A_717, %add3A_716, %dma_start3A_723] : memref<2x128x64xf32, #tpu.memory_space<vmem>> -> memref<1x1x64xf32, #tpu.memory_space<vmem>>
      %dma_start3A_725 = tpu.memref_squeeze %dma_start3A_724 : memref<1x1x64xf32, #tpu.memory_space<vmem>> -> memref<1x64xf32, #tpu.memory_space<vmem>>
      %dma_start3A_726 = arith.constant 0 : i32
      %dma_start3A_727 = tpu.memref_slice %arg5[%squeeze3A_697, %dma_start3A_726] : memref<1000000x64xf32, #tpu.memory_space<hbm>> -> memref<1x64xf32, #tpu.memory_space<hbm>>
      tpu.enqueue_dma source(%dma_start3A_727 : memref<1x64xf32, #tpu.memory_space<hbm>>) target(%dma_start3A_725 : memref<1x64xf32, #tpu.memory_space<vmem>>) target_semaphore(%arg15 : memref<!tpu.dma_semaphore, #tpu.memory_space<semaphore_mem>>)
      %scan3A_728 = arith.constant 0 : i32
      scf.yield %scan3A_728 : i32
    }
    %scan3A_15 = arith.constant 8 : i32
    %dma_wait3A = arith.constant 0 : i32
    %dma_wait3A_16 = arith.constant 0 : i32
    %dma_wait3A_17 = arith.constant 0 : i32
    %dma_wait3A_18 = tpu.memref_slice %arg10[%dma_wait3A, %dma_wait3A_16, %dma_wait3A_17] : memref<2x128x64xf32, #tpu.memory_space<vmem>> -> memref<1x128x64xf32, #tpu.memory_space<vmem>>
    %dma_wait3A_19 = tpu.memref_squeeze %dma_wait3A_18 : memref<1x128x64xf32, #tpu.memory_space<vmem>> -> memref<128x64xf32, #tpu.memory_space<vmem>>
    %dma_wait3A_20 = arith.constant 0 : i32
    %dma_wait3A_21 = arith.constant 0 : i32
    %dma_wait3A_22 = tpu.memref_slice %arg4[%dma_wait3A_20, %dma_wait3A_21] : memref<1000000x64xf32, #tpu.memory_space<hbm>> -> memref<128x64xf32, #tpu.memory_space<hbm>>
    %dma_wait3A_23 = arith.constant 0 : i32
    %dma_wait3A_24 = arith.constant 0 : i32
    %dma_wait3A_25 = tpu.memref_slice %arg10[%dma_wait3A, %dma_wait3A_23, %dma_wait3A_24] : memref<2x128x64xf32, #tpu.memory_space<vmem>> -> memref<1x128x64xf32, #tpu.memory_space<vmem>>
    %dma_wait3A_26 = tpu.memref_squeeze %dma_wait3A_25 : memref<1x128x64xf32, #tpu.memory_space<vmem>> -> memref<128x64xf32, #tpu.memory_space<vmem>>
    %dma_wait3A_27 = arith.constant 0 : i32
    %dma_wait3A_28 = arith.constant 0 : i32
    %dma_wait3A_29 = tpu.memref_slice %arg4[%dma_wait3A_27, %dma_wait3A_28] : memref<1000000x64xf32, #tpu.memory_space<hbm>> -> memref<128x64xf32, #tpu.memory_space<hbm>>
    tpu.wait_dma2 semaphore(%arg12 : memref<!tpu.dma_semaphore, #tpu.memory_space<semaphore_mem>>) src(%dma_wait3A_29 : memref<128x64xf32, #tpu.memory_space<hbm>>) dst(%dma_wait3A_26 : memref<128x64xf32, #tpu.memory_space<vmem>>)
    %dma_wait3A_30 = arith.constant 0 : i32
    %dma_wait3A_31 = arith.constant 0 : i32
    %dma_wait3A_32 = arith.constant 0 : i32
    %dma_wait3A_33 = tpu.memref_slice %arg11[%dma_wait3A_30, %dma_wait3A_31, %dma_wait3A_32] : memref<2x128x64xf32, #tpu.memory_space<vmem>> -> memref<1x128x64xf32, #tpu.memory_space<vmem>>
    %dma_wait3A_34 = tpu.memref_squeeze %dma_wait3A_33 : memref<1x128x64xf32, #tpu.memory_space<vmem>> -> memref<128x64xf32, #tpu.memory_space<vmem>>
    %dma_wait3A_35 = arith.constant 0 : i32
    %dma_wait3A_36 = arith.constant 0 : i32
    %dma_wait3A_37 = tpu.memref_slice %arg5[%dma_wait3A_35, %dma_wait3A_36] : memref<1000000x64xf32, #tpu.memory_space<hbm>> -> memref<128x64xf32, #tpu.memory_space<hbm>>
    %dma_wait3A_38 = arith.constant 0 : i32
    %dma_wait3A_39 = arith.constant 0 : i32
    %dma_wait3A_40 = tpu.memref_slice %arg11[%dma_wait3A_30, %dma_wait3A_38, %dma_wait3A_39] : memref<2x128x64xf32, #tpu.memory_space<vmem>> -> memref<1x128x64xf32, #tpu.memory_space<vmem>>
    %dma_wait3A_41 = tpu.memref_squeeze %dma_wait3A_40 : memref<1x128x64xf32, #tpu.memory_space<vmem>> -> memref<128x64xf32, #tpu.memory_space<vmem>>
    %dma_wait3A_42 = arith.constant 0 : i32
    %dma_wait3A_43 = arith.constant 0 : i32
    %dma_wait3A_44 = tpu.memref_slice %arg5[%dma_wait3A_42, %dma_wait3A_43] : memref<1000000x64xf32, #tpu.memory_space<hbm>> -> memref<128x64xf32, #tpu.memory_space<hbm>>
    tpu.wait_dma2 semaphore(%arg14 : memref<!tpu.dma_semaphore, #tpu.memory_space<semaphore_mem>>) src(%dma_wait3A_44 : memref<128x64xf32, #tpu.memory_space<hbm>>) dst(%dma_wait3A_41 : memref<128x64xf32, #tpu.memory_space<vmem>>)
    %add3A_45 = arith.constant 0 : i32
    %add3A_46 = arith.addi %mul3A_2, %add3A_45 : i32
    %run_scoped3A = arith.constant 0 : i32
    "tpu.region"() ({
      %run_scoped3A_172 = tpu.sem_alloc : memref<!tpu.dma_semaphore, #tpu.memory_space<semaphore_mem>>
      %dma_start3A = arith.constant 0 : i32
      %dma_start3A_173 = arith.constant 0 : i32
      %dma_start3A_174 = tpu.memref_slice %arg10[%run_scoped3A, %dma_start3A, %dma_start3A_173] : memref<2x128x64xf32, #tpu.memory_space<vmem>> -> memref<1x128x64xf32, #tpu.memory_space<vmem>>
      %dma_start3A_175 = tpu.memref_squeeze %dma_start3A_174 : memref<1x128x64xf32, #tpu.memory_space<vmem>> -> memref<128x64xf32, #tpu.memory_space<vmem>>
      %dma_start3A_176 = arith.constant 0 : i32
      %dma_start3A_177 = tpu.memref_slice %arg6[%add3A_46, %dma_start3A_176] : memref<16384x64xf32, #tpu.memory_space<hbm>> -> memref<128x64xf32, #tpu.memory_space<hbm>>
      %dma_start3A_178 = arith.constant 0 : i32
      %dma_start3A_179 = tpu.memref_slice %arg6[%add3A_46, %dma_start3A_178] : memref<16384x64xf32, #tpu.memory_space<hbm>> -> memref<128x64xf32, #tpu.memory_space<hbm>>
      %dma_start3A_180 = arith.constant 0 : i32
      %dma_start3A_181 = arith.constant 0 : i32
      %dma_start3A_182 = tpu.memref_slice %arg10[%run_scoped3A, %dma_start3A_180, %dma_start3A_181] : memref<2x128x64xf32, #tpu.memory_space<vmem>> -> memref<1x128x64xf32, #tpu.memory_space<vmem>>
      %dma_start3A_183 = tpu.memref_squeeze %dma_start3A_182 : memref<1x128x64xf32, #tpu.memory_space<vmem>> -> memref<128x64xf32, #tpu.memory_space<vmem>>
      tpu.enqueue_dma source(%dma_start3A_183 : memref<128x64xf32, #tpu.memory_space<vmem>>) target(%dma_start3A_179 : memref<128x64xf32, #tpu.memory_space<hbm>>) target_semaphore(%run_scoped3A_172 : memref<!tpu.dma_semaphore, #tpu.memory_space<semaphore_mem>>)
      %dma_wait3A_184 = arith.constant 0 : i32
      %dma_wait3A_185 = arith.constant 0 : i32
      %dma_wait3A_186 = tpu.memref_slice %arg10[%run_scoped3A, %dma_wait3A_184, %dma_wait3A_185] : memref<2x128x64xf32, #tpu.memory_space<vmem>> -> memref<1x128x64xf32, #tpu.memory_space<vmem>>
      %dma_wait3A_187 = tpu.memref_squeeze %dma_wait3A_186 : memref<1x128x64xf32, #tpu.memory_space<vmem>> -> memref<128x64xf32, #tpu.memory_space<vmem>>
      %dma_wait3A_188 = arith.constant 0 : i32
      %dma_wait3A_189 = tpu.memref_slice %arg6[%add3A_46, %dma_wait3A_188] : memref<16384x64xf32, #tpu.memory_space<hbm>> -> memref<128x64xf32, #tpu.memory_space<hbm>>
      %dma_wait3A_190 = arith.constant 0 : i32
      %dma_wait3A_191 = tpu.memref_slice %arg6[%add3A_46, %dma_wait3A_190] : memref<16384x64xf32, #tpu.memory_space<hbm>> -> memref<128x64xf32, #tpu.memory_space<hbm>>
      %dma_wait3A_192 = arith.constant 0 : i32
      %dma_wait3A_193 = arith.constant 0 : i32
      %dma_wait3A_194 = tpu.memref_slice %arg10[%run_scoped3A, %dma_wait3A_192, %dma_wait3A_193] : memref<2x128x64xf32, #tpu.memory_space<vmem>> -> memref<1x128x64xf32, #tpu.memory_space<vmem>>
      %dma_wait3A_195 = tpu.memref_squeeze %dma_wait3A_194 : memref<1x128x64xf32, #tpu.memory_space<vmem>> -> memref<128x64xf32, #tpu.memory_space<vmem>>
      tpu.wait_dma2 semaphore(%run_scoped3A_172 : memref<!tpu.dma_semaphore, #tpu.memory_space<semaphore_mem>>) src(%dma_wait3A_195 : memref<128x64xf32, #tpu.memory_space<vmem>>) dst(%dma_wait3A_191 : memref<128x64xf32, #tpu.memory_space<hbm>>)
      tpu.yield
    }) : () -> ()
    %add3A_47 = arith.constant 0 : i32
    %add3A_48 = arith.addi %mul3A_2, %add3A_47 : i32
    %run_scoped3A_49 = arith.constant 0 : i32
    "tpu.region"() ({
      %run_scoped3A_172 = tpu.sem_alloc : memref<!tpu.dma_semaphore, #tpu.memory_space<semaphore_mem>>
      %dma_start3A = arith.constant 0 : i32
      %dma_start3A_173 = arith.constant 0 : i32
      %dma_start3A_174 = tpu.memref_slice %arg11[%run_scoped3A_49, %dma_start3A, %dma_start3A_173] : memref<2x128x64xf32, #tpu.memory_space<vmem>> -> memref<1x128x64xf32, #tpu.memory_space<vmem>>
      %dma_start3A_175 = tpu.memref_squeeze %dma_start3A_174 : memref<1x128x64xf32, #tpu.memory_space<vmem>> -> memref<128x64xf32, #tpu.memory_space<vmem>>
      %dma_start3A_176 = arith.constant 0 : i32
      %dma_start3A_177 = tpu.memref_slice %arg7[%add3A_48, %dma_start3A_176] : memref<16384x64xf32, #tpu.memory_space<hbm>> -> memref<128x64xf32, #tpu.memory_space<hbm>>
      %dma_start3A_178 = arith.constant 0 : i32
      %dma_start3A_179 = tpu.memref_slice %arg7[%add3A_48, %dma_start3A_178] : memref<16384x64xf32, #tpu.memory_space<hbm>> -> memref<128x64xf32, #tpu.memory_space<hbm>>
      %dma_start3A_180 = arith.constant 0 : i32
      %dma_start3A_181 = arith.constant 0 : i32
      %dma_start3A_182 = tpu.memref_slice %arg11[%run_scoped3A_49, %dma_start3A_180, %dma_start3A_181] : memref<2x128x64xf32, #tpu.memory_space<vmem>> -> memref<1x128x64xf32, #tpu.memory_space<vmem>>
      %dma_start3A_183 = tpu.memref_squeeze %dma_start3A_182 : memref<1x128x64xf32, #tpu.memory_space<vmem>> -> memref<128x64xf32, #tpu.memory_space<vmem>>
      tpu.enqueue_dma source(%dma_start3A_183 : memref<128x64xf32, #tpu.memory_space<vmem>>) target(%dma_start3A_179 : memref<128x64xf32, #tpu.memory_space<hbm>>) target_semaphore(%run_scoped3A_172 : memref<!tpu.dma_semaphore, #tpu.memory_space<semaphore_mem>>)
      %dma_wait3A_184 = arith.constant 0 : i32
      %dma_wait3A_185 = arith.constant 0 : i32
      %dma_wait3A_186 = tpu.memref_slice %arg11[%run_scoped3A_49, %dma_wait3A_184, %dma_wait3A_185] : memref<2x128x64xf32, #tpu.memory_space<vmem>> -> memref<1x128x64xf32, #tpu.memory_space<vmem>>
      %dma_wait3A_187 = tpu.memref_squeeze %dma_wait3A_186 : memref<1x128x64xf32, #tpu.memory_space<vmem>> -> memref<128x64xf32, #tpu.memory_space<vmem>>
      %dma_wait3A_188 = arith.constant 0 : i32
      %dma_wait3A_189 = tpu.memref_slice %arg7[%add3A_48, %dma_wait3A_188] : memref<16384x64xf32, #tpu.memory_space<hbm>> -> memref<128x64xf32, #tpu.memory_space<hbm>>
      %dma_wait3A_190 = arith.constant 0 : i32
      %dma_wait3A_191 = tpu.memref_slice %arg7[%add3A_48, %dma_wait3A_190] : memref<16384x64xf32, #tpu.memory_space<hbm>> -> memref<128x64xf32, #tpu.memory_space<hbm>>
      %dma_wait3A_192 = arith.constant 0 : i32
      %dma_wait3A_193 = arith.constant 0 : i32
      %dma_wait3A_194 = tpu.memref_slice %arg11[%run_scoped3A_49, %dma_wait3A_192, %dma_wait3A_193] : memref<2x128x64xf32, #tpu.memory_space<vmem>> -> memref<1x128x64xf32, #tpu.memory_space<vmem>>
      %dma_wait3A_195 = tpu.memref_squeeze %dma_wait3A_194 : memref<1x128x64xf32, #tpu.memory_space<vmem>> -> memref<128x64xf32, #tpu.memory_space<vmem>>
      tpu.wait_dma2 semaphore(%run_scoped3A_172 : memref<!tpu.dma_semaphore, #tpu.memory_space<semaphore_mem>>) src(%dma_wait3A_195 : memref<128x64xf32, #tpu.memory_space<vmem>>) dst(%dma_wait3A_191 : memref<128x64xf32, #tpu.memory_space<hbm>>)
      tpu.yield
    }) : () -> ()
    %scan3A_50 = arith.constant 0 : i32
    %scan3A_51 = arith.constant 0 : i32
    %scan3A_52 = arith.constant 8 : i32
    %scan3A_53 = arith.addi %scan3A_51, %scan3A_52 : i32
    %scan3A_54 = arith.constant 1 : i32
    %scan3A_55 = scf.for %scan3A_172 = %scan3A_51 to %scan3A_53 step %scan3A_54 iter_args(%scan3A_173 = %scan3A_50) -> (i32)  : i32 {
      %mul3A_174 = arith.constant 16 : i32
      %mul3A_175 = arith.muli %scan3A_172, %mul3A_174 : i32
      %add3A_176 = arith.constant 256 : i32
      %add3A_177 = arith.addi %add3A_176, %mul3A_175 : i32
      %get3A = arith.index_cast %add3A_177 : i32 to index
      %get3A_178 = tpu.vector_load %arg8[%get3A] {strides = array<i32>} : memref<512xi32, #tpu.memory_space<vmem>>, vector<16xi32>,
      %get3A_179 = vector.shape_cast %get3A_178 : vector<16xi32> to vector<16xi32>
      %mul3A_180 = arith.constant 16 : i32
      %mul3A_181 = arith.muli %scan3A_172, %mul3A_180 : i32
      %add3A_182 = arith.constant 256 : i32
      %add3A_183 = arith.addi %add3A_182, %mul3A_181 : i32
      %get3A_184 = arith.index_cast %add3A_183 : i32 to index
      %get3A_185 = tpu.vector_load %arg9[%get3A_184] {strides = array<i32>} : memref<512xi32, #tpu.memory_space<vmem>>, vector<16xi32>,
      %get3A_186 = vector.shape_cast %get3A_185 : vector<16xi32> to vector<16xi32>
      %slice3A = vector.extract_strided_slice %get3A_179 {offsets = [0], sizes = [1], strides = [1]} : vector<16xi32> to vector<1xi32>
      %squeeze3A = vector.extract %slice3A[0] : i32 from vector<1xi32>
      %slice3A_187 = vector.extract_strided_slice %get3A_186 {offsets = [0], sizes = [1], strides = [1]} : vector<16xi32> to vector<1xi32>
      %squeeze3A_188 = vector.extract %slice3A_187[0] : i32 from vector<1xi32>
      %mul3A_189 = arith.constant 16 : i32
      %mul3A_190 = arith.muli %scan3A_172, %mul3A_189 : i32
      %add3A_191 = arith.constant 0 : i32
      %add3A_192 = arith.addi %mul3A_190, %add3A_191 : i32
      %dma_start3A = arith.constant 0 : i32
      %dma_start3A_193 = arith.constant 0 : i32
      %dma_start3A_194 = tpu.memref_slice %arg10[%dma_start3A, %add3A_192, %dma_start3A_193] : memref<2x128x64xf32, #tpu.memory_space<vmem>> -> memref<1x1x64xf32, #tpu.memory_space<vmem>>
      %dma_start3A_195 = tpu.memref_squeeze %dma_start3A_194 : memref<1x1x64xf32, #tpu.memory_space<vmem>> -> memref<1x64xf32, #tpu.memory_space<vmem>>
      %dma_start3A_196 = arith.constant 0 : i32
      %dma_start3A_197 = tpu.memref_slice %arg4[%squeeze3A, %dma_start3A_196] : memref<1000000x64xf32, #tpu.memory_space<hbm>> -> memref<1x64xf32, #tpu.memory_space<hbm>>
      %dma_start3A_198 = arith.constant 0 : i32
      %dma_start3A_199 = tpu.memref_slice %arg10[%dma_start3A, %add3A_192, %dma_start3A_198] : memref<2x128x64xf32, #tpu.memory_space<vmem>> -> memref<1x1x64xf32, #tpu.memory_space<vmem>>
      %dma_start3A_200 = tpu.memref_squeeze %dma_start3A_199 : memref<1x1x64xf32, #tpu.memory_space<vmem>> -> memref<1x64xf32, #tpu.memory_space<vmem>>
      %dma_start3A_201 = arith.constant 0 : i32
      %dma_start3A_202 = tpu.memref_slice %arg4[%squeeze3A, %dma_start3A_201] : memref<1000000x64xf32, #tpu.memory_space<hbm>> -> memref<1x64xf32, #tpu.memory_space<hbm>>
      tpu.enqueue_dma source(%dma_start3A_202 : memref<1x64xf32, #tpu.memory_space<hbm>>) target(%dma_start3A_200 : memref<1x64xf32, #tpu.memory_space<vmem>>) target_semaphore(%arg12 : memref<!tpu.dma_semaphore, #tpu.memory_space<semaphore_mem>>)
      %mul3A_203 = arith.constant 16 : i32
      %mul3A_204 = arith.muli %scan3A_172, %mul3A_203 : i32
      %add3A_205 = arith.constant 0 : i32
      %add3A_206 = arith.addi %mul3A_204, %add3A_205 : i32
      %dma_start3A_207 = arith.constant 0 : i32
      %dma_start3A_208 = arith.constant 0 : i32
      %dma_start3A_209 = tpu.memref_slice %arg11[%dma_start3A_207, %add3A_206, %dma_start3A_208] : memref<2x128x64xf32, #tpu.memory_space<vmem>> -> memref<1x1x64xf32, #tpu.memory_space<vmem>>
      %dma_start3A_210 = tpu.memref_squeeze %dma_start3A_209 : memref<1x1x64xf32, #tpu.memory_space<vmem>> -> memref<1x64xf32, #tpu.memory_space<vmem>>
      %dma_start3A_211 = arith.constant 0 : i32
      %dma_start3A_212 = tpu.memref_slice %arg5[%squeeze3A_188, %dma_start3A_211] : memref<1000000x64xf32, #tpu.memory_space<hbm>> -> memref<1x64xf32, #tpu.memory_space<hbm>>
      %dma_start3A_213 = arith.constant 0 : i32
      %dma_start3A_214 = tpu.memref_slice %arg11[%dma_start3A_207, %add3A_206, %dma_start3A_213] : memref<2x128x64xf32, #tpu.memory_space<vmem>> -> memref<1x1x64xf32, #tpu.memory_space<vmem>>
      %dma_start3A_215 = tpu.memref_squeeze %dma_start3A_214 : memref<1x1x64xf32, #tpu.memory_space<vmem>> -> memref<1x64xf32, #tpu.memory_space<vmem>>
      %dma_start3A_216 = arith.constant 0 : i32
      %dma_start3A_217 = tpu.memref_slice %arg5[%squeeze3A_188, %dma_start3A_216] : memref<1000000x64xf32, #tpu.memory_space<hbm>> -> memref<1x64xf32, #tpu.memory_space<hbm>>
      tpu.enqueue_dma source(%dma_start3A_217 : memref<1x64xf32, #tpu.memory_space<hbm>>) target(%dma_start3A_215 : memref<1x64xf32, #tpu.memory_space<vmem>>) target_semaphore(%arg14 : memref<!tpu.dma_semaphore, #tpu.memory_space<semaphore_mem>>)
      %slice3A_218 = vector.extract_strided_slice %get3A_179 {offsets = [1], sizes = [1], strides = [1]} : vector<16xi32> to vector<1xi32>
      %squeeze3A_219 = vector.extract %slice3A_218[0] : i32 from vector<1xi32>
      %slice3A_220 = vector.extract_strided_slice %get3A_186 {offsets = [1], sizes = [1], strides = [1]} : vector<16xi32> to vector<1xi32>
      %squeeze3A_221 = vector.extract %slice3A_220[0] : i32 from vector<1xi32>
      %mul3A_222 = arith.constant 16 : i32
      %mul3A_223 = arith.muli %scan3A_172, %mul3A_222 : i32
      %add3A_224 = arith.constant 1 : i32
      %add3A_225 = arith.addi %mul3A_223, %add3A_224 : i32
      %dma_start3A_226 = arith.constant 0 : i32
      %dma_start3A_227 = arith.constant 0 : i32
      %dma_start3A_228 = tpu.memref_slice %arg10[%dma_start3A_226, %add3A_225, %dma_start3A_227] : memref<2x128x64xf32, #tpu.memory_space<vmem>> -> memref<1x1x64xf32, #tpu.memory_space<vmem>>
      %dma_start3A_229 = tpu.memref_squeeze %dma_start3A_228 : memref<1x1x64xf32, #tpu.memory_space<vmem>> -> memref<1x64xf32, #tpu.memory_space<vmem>>
      %dma_start3A_230 = arith.constant 0 : i32
      %dma_start3A_231 = tpu.memref_slice %arg4[%squeeze3A_219, %dma_start3A_230] : memref<1000000x64xf32, #tpu.memory_space<hbm>> -> memref<1x64xf32, #tpu.memory_space<hbm>>
      %dma_start3A_232 = arith.constant 0 : i32
      %dma_start3A_233 = tpu.memref_slice %arg10[%dma_start3A_226, %add3A_225, %dma_start3A_232] : memref<2x128x64xf32, #tpu.memory_space<vmem>> -> memref<1x1x64xf32, #tpu.memory_space<vmem>>
      %dma_start3A_234 = tpu.memref_squeeze %dma_start3A_233 : memref<1x1x64xf32, #tpu.memory_space<vmem>> -> memref<1x64xf32, #tpu.memory_space<vmem>>
      %dma_start3A_235 = arith.constant 0 : i32
      %dma_start3A_236 = tpu.memref_slice %arg4[%squeeze3A_219, %dma_start3A_235] : memref<1000000x64xf32, #tpu.memory_space<hbm>> -> memref<1x64xf32, #tpu.memory_space<hbm>>
      tpu.enqueue_dma source(%dma_start3A_236 : memref<1x64xf32, #tpu.memory_space<hbm>>) target(%dma_start3A_234 : memref<1x64xf32, #tpu.memory_space<vmem>>) target_semaphore(%arg12 : memref<!tpu.dma_semaphore, #tpu.memory_space<semaphore_mem>>)
      %mul3A_237 = arith.constant 16 : i32
      %mul3A_238 = arith.muli %scan3A_172, %mul3A_237 : i32
      %add3A_239 = arith.constant 1 : i32
      %add3A_240 = arith.addi %mul3A_238, %add3A_239 : i32
      %dma_start3A_241 = arith.constant 0 : i32
      %dma_start3A_242 = arith.constant 0 : i32
      %dma_start3A_243 = tpu.memref_slice %arg11[%dma_start3A_241, %add3A_240, %dma_start3A_242] : memref<2x128x64xf32, #tpu.memory_space<vmem>> -> memref<1x1x64xf32, #tpu.memory_space<vmem>>
      %dma_start3A_244 = tpu.memref_squeeze %dma_start3A_243 : memref<1x1x64xf32, #tpu.memory_space<vmem>> -> memref<1x64xf32, #tpu.memory_space<vmem>>
      %dma_start3A_245 = arith.constant 0 : i32
      %dma_start3A_246 = tpu.memref_slice %arg5[%squeeze3A_221, %dma_start3A_245] : memref<1000000x64xf32, #tpu.memory_space<hbm>> -> memref<1x64xf32, #tpu.memory_space<hbm>>
      %dma_start3A_247 = arith.constant 0 : i32
      %dma_start3A_248 = tpu.memref_slice %arg11[%dma_start3A_241, %add3A_240, %dma_start3A_247] : memref<2x128x64xf32, #tpu.memory_space<vmem>> -> memref<1x1x64xf32, #tpu.memory_space<vmem>>
      %dma_start3A_249 = tpu.memref_squeeze %dma_start3A_248 : memref<1x1x64xf32, #tpu.memory_space<vmem>> -> memref<1x64xf32, #tpu.memory_space<vmem>>
      %dma_start3A_250 = arith.constant 0 : i32
      %dma_start3A_251 = tpu.memref_slice %arg5[%squeeze3A_221, %dma_start3A_250] : memref<1000000x64xf32, #tpu.memory_space<hbm>> -> memref<1x64xf32, #tpu.memory_space<hbm>>
      tpu.enqueue_dma source(%dma_start3A_251 : memref<1x64xf32, #tpu.memory_space<hbm>>) target(%dma_start3A_249 : memref<1x64xf32, #tpu.memory_space<vmem>>) target_semaphore(%arg14 : memref<!tpu.dma_semaphore, #tpu.memory_space<semaphore_mem>>)
      %slice3A_252 = vector.extract_strided_slice %get3A_179 {offsets = [2], sizes = [1], strides = [1]} : vector<16xi32> to vector<1xi32>
      %squeeze3A_253 = vector.extract %slice3A_252[0] : i32 from vector<1xi32>
      %slice3A_254 = vector.extract_strided_slice %get3A_186 {offsets = [2], sizes = [1], strides = [1]} : vector<16xi32> to vector<1xi32>
      %squeeze3A_255 = vector.extract %slice3A_254[0] : i32 from vector<1xi32>
      %mul3A_256 = arith.constant 16 : i32
      %mul3A_257 = arith.muli %scan3A_172, %mul3A_256 : i32
      %add3A_258 = arith.constant 2 : i32
      %add3A_259 = arith.addi %mul3A_257, %add3A_258 : i32
      %dma_start3A_260 = arith.constant 0 : i32
      %dma_start3A_261 = arith.constant 0 : i32
      %dma_start3A_262 = tpu.memref_slice %arg10[%dma_start3A_260, %add3A_259, %dma_start3A_261] : memref<2x128x64xf32, #tpu.memory_space<vmem>> -> memref<1x1x64xf32, #tpu.memory_space<vmem>>
      %dma_start3A_263 = tpu.memref_squeeze %dma_start3A_262 : memref<1x1x64xf32, #tpu.memory_space<vmem>> -> memref<1x64xf32, #tpu.memory_space<vmem>>
      %dma_start3A_264 = arith.constant 0 : i32
      %dma_start3A_265 = tpu.memref_slice %arg4[%squeeze3A_253, %dma_start3A_264] : memref<1000000x64xf32, #tpu.memory_space<hbm>> -> memref<1x64xf32, #tpu.memory_space<hbm>>
      %dma_start3A_266 = arith.constant 0 : i32
      %dma_start3A_267 = tpu.memref_slice %arg10[%dma_start3A_260, %add3A_259, %dma_start3A_266] : memref<2x128x64xf32, #tpu.memory_space<vmem>> -> memref<1x1x64xf32, #tpu.memory_space<vmem>>
      %dma_start3A_268 = tpu.memref_squeeze %dma_start3A_267 : memref<1x1x64xf32, #tpu.memory_space<vmem>> -> memref<1x64xf32, #tpu.memory_space<vmem>>
      %dma_start3A_269 = arith.constant 0 : i32
      %dma_start3A_270 = tpu.memref_slice %arg4[%squeeze3A_253, %dma_start3A_269] : memref<1000000x64xf32, #tpu.memory_space<hbm>> -> memref<1x64xf32, #tpu.memory_space<hbm>>
      tpu.enqueue_dma source(%dma_start3A_270 : memref<1x64xf32, #tpu.memory_space<hbm>>) target(%dma_start3A_268 : memref<1x64xf32, #tpu.memory_space<vmem>>) target_semaphore(%arg12 : memref<!tpu.dma_semaphore, #tpu.memory_space<semaphore_mem>>)
      %mul3A_271 = arith.constant 16 : i32
      %mul3A_272 = arith.muli %scan3A_172, %mul3A_271 : i32
      %add3A_273 = arith.constant 2 : i32
      %add3A_274 = arith.addi %mul3A_272, %add3A_273 : i32
      %dma_start3A_275 = arith.constant 0 : i32
      %dma_start3A_276 = arith.constant 0 : i32
      %dma_start3A_277 = tpu.memref_slice %arg11[%dma_start3A_275, %add3A_274, %dma_start3A_276] : memref<2x128x64xf32, #tpu.memory_space<vmem>> -> memref<1x1x64xf32, #tpu.memory_space<vmem>>
      %dma_start3A_278 = tpu.memref_squeeze %dma_start3A_277 : memref<1x1x64xf32, #tpu.memory_space<vmem>> -> memref<1x64xf32, #tpu.memory_space<vmem>>
      %dma_start3A_279 = arith.constant 0 : i32
      %dma_start3A_280 = tpu.memref_slice %arg5[%squeeze3A_255, %dma_start3A_279] : memref<1000000x64xf32, #tpu.memory_space<hbm>> -> memref<1x64xf32, #tpu.memory_space<hbm>>
      %dma_start3A_281 = arith.constant 0 : i32
      %dma_start3A_282 = tpu.memref_slice %arg11[%dma_start3A_275, %add3A_274, %dma_start3A_281] : memref<2x128x64xf32, #tpu.memory_space<vmem>> -> memref<1x1x64xf32, #tpu.memory_space<vmem>>
      %dma_start3A_283 = tpu.memref_squeeze %dma_start3A_282 : memref<1x1x64xf32, #tpu.memory_space<vmem>> -> memref<1x64xf32, #tpu.memory_space<vmem>>
      %dma_start3A_284 = arith.constant 0 : i32
      %dma_start3A_285 = tpu.memref_slice %arg5[%squeeze3A_255, %dma_start3A_284] : memref<1000000x64xf32, #tpu.memory_space<hbm>> -> memref<1x64xf32, #tpu.memory_space<hbm>>
      tpu.enqueue_dma source(%dma_start3A_285 : memref<1x64xf32, #tpu.memory_space<hbm>>) target(%dma_start3A_283 : memref<1x64xf32, #tpu.memory_space<vmem>>) target_semaphore(%arg14 : memref<!tpu.dma_semaphore, #tpu.memory_space<semaphore_mem>>)
      %slice3A_286 = vector.extract_strided_slice %get3A_179 {offsets = [3], sizes = [1], strides = [1]} : vector<16xi32> to vector<1xi32>
      %squeeze3A_287 = vector.extract %slice3A_286[0] : i32 from vector<1xi32>
      %slice3A_288 = vector.extract_strided_slice %get3A_186 {offsets = [3], sizes = [1], strides = [1]} : vector<16xi32> to vector<1xi32>
      %squeeze3A_289 = vector.extract %slice3A_288[0] : i32 from vector<1xi32>
      %mul3A_290 = arith.constant 16 : i32
      %mul3A_291 = arith.muli %scan3A_172, %mul3A_290 : i32
      %add3A_292 = arith.constant 3 : i32
      %add3A_293 = arith.addi %mul3A_291, %add3A_292 : i32
      %dma_start3A_294 = arith.constant 0 : i32
      %dma_start3A_295 = arith.constant 0 : i32
      %dma_start3A_296 = tpu.memref_slice %arg10[%dma_start3A_294, %add3A_293, %dma_start3A_295] : memref<2x128x64xf32, #tpu.memory_space<vmem>> -> memref<1x1x64xf32, #tpu.memory_space<vmem>>
      %dma_start3A_297 = tpu.memref_squeeze %dma_start3A_296 : memref<1x1x64xf32, #tpu.memory_space<vmem>> -> memref<1x64xf32, #tpu.memory_space<vmem>>
      %dma_start3A_298 = arith.constant 0 : i32
      %dma_start3A_299 = tpu.memref_slice %arg4[%squeeze3A_287, %dma_start3A_298] : memref<1000000x64xf32, #tpu.memory_space<hbm>> -> memref<1x64xf32, #tpu.memory_space<hbm>>
      %dma_start3A_300 = arith.constant 0 : i32
      %dma_start3A_301 = tpu.memref_slice %arg10[%dma_start3A_294, %add3A_293, %dma_start3A_300] : memref<2x128x64xf32, #tpu.memory_space<vmem>> -> memref<1x1x64xf32, #tpu.memory_space<vmem>>
      %dma_start3A_302 = tpu.memref_squeeze %dma_start3A_301 : memref<1x1x64xf32, #tpu.memory_space<vmem>> -> memref<1x64xf32, #tpu.memory_space<vmem>>
      %dma_start3A_303 = arith.constant 0 : i32
      %dma_start3A_304 = tpu.memref_slice %arg4[%squeeze3A_287, %dma_start3A_303] : memref<1000000x64xf32, #tpu.memory_space<hbm>> -> memref<1x64xf32, #tpu.memory_space<hbm>>
      tpu.enqueue_dma source(%dma_start3A_304 : memref<1x64xf32, #tpu.memory_space<hbm>>) target(%dma_start3A_302 : memref<1x64xf32, #tpu.memory_space<vmem>>) target_semaphore(%arg12 : memref<!tpu.dma_semaphore, #tpu.memory_space<semaphore_mem>>)
      %mul3A_305 = arith.constant 16 : i32
      %mul3A_306 = arith.muli %scan3A_172, %mul3A_305 : i32
      %add3A_307 = arith.constant 3 : i32
      %add3A_308 = arith.addi %mul3A_306, %add3A_307 : i32
      %dma_start3A_309 = arith.constant 0 : i32
      %dma_start3A_310 = arith.constant 0 : i32
      %dma_start3A_311 = tpu.memref_slice %arg11[%dma_start3A_309, %add3A_308, %dma_start3A_310] : memref<2x128x64xf32, #tpu.memory_space<vmem>> -> memref<1x1x64xf32, #tpu.memory_space<vmem>>
      %dma_start3A_312 = tpu.memref_squeeze %dma_start3A_311 : memref<1x1x64xf32, #tpu.memory_space<vmem>> -> memref<1x64xf32, #tpu.memory_space<vmem>>
      %dma_start3A_313 = arith.constant 0 : i32
      %dma_start3A_314 = tpu.memref_slice %arg5[%squeeze3A_289, %dma_start3A_313] : memref<1000000x64xf32, #tpu.memory_space<hbm>> -> memref<1x64xf32, #tpu.memory_space<hbm>>
      %dma_start3A_315 = arith.constant 0 : i32
      %dma_start3A_316 = tpu.memref_slice %arg11[%dma_start3A_309, %add3A_308, %dma_start3A_315] : memref<2x128x64xf32, #tpu.memory_space<vmem>> -> memref<1x1x64xf32, #tpu.memory_space<vmem>>
      %dma_start3A_317 = tpu.memref_squeeze %dma_start3A_316 : memref<1x1x64xf32, #tpu.memory_space<vmem>> -> memref<1x64xf32, #tpu.memory_space<vmem>>
      %dma_start3A_318 = arith.constant 0 : i32
      %dma_start3A_319 = tpu.memref_slice %arg5[%squeeze3A_289, %dma_start3A_318] : memref<1000000x64xf32, #tpu.memory_space<hbm>> -> memref<1x64xf32, #tpu.memory_space<hbm>>
      tpu.enqueue_dma source(%dma_start3A_319 : memref<1x64xf32, #tpu.memory_space<hbm>>) target(%dma_start3A_317 : memref<1x64xf32, #tpu.memory_space<vmem>>) target_semaphore(%arg14 : memref<!tpu.dma_semaphore, #tpu.memory_space<semaphore_mem>>)
      %slice3A_320 = vector.extract_strided_slice %get3A_179 {offsets = [4], sizes = [1], strides = [1]} : vector<16xi32> to vector<1xi32>
      %squeeze3A_321 = vector.extract %slice3A_320[0] : i32 from vector<1xi32>
      %slice3A_322 = vector.extract_strided_slice %get3A_186 {offsets = [4], sizes = [1], strides = [1]} : vector<16xi32> to vector<1xi32>
      %squeeze3A_323 = vector.extract %slice3A_322[0] : i32 from vector<1xi32>
      %mul3A_324 = arith.constant 16 : i32
      %mul3A_325 = arith.muli %scan3A_172, %mul3A_324 : i32
      %add3A_326 = arith.constant 4 : i32
      %add3A_327 = arith.addi %mul3A_325, %add3A_326 : i32
      %dma_start3A_328 = arith.constant 0 : i32
      %dma_start3A_329 = arith.constant 0 : i32
      %dma_start3A_330 = tpu.memref_slice %arg10[%dma_start3A_328, %add3A_327, %dma_start3A_329] : memref<2x128x64xf32, #tpu.memory_space<vmem>> -> memref<1x1x64xf32, #tpu.memory_space<vmem>>
      %dma_start3A_331 = tpu.memref_squeeze %dma_start3A_330 : memref<1x1x64xf32, #tpu.memory_space<vmem>> -> memref<1x64xf32, #tpu.memory_space<vmem>>
      %dma_start3A_332 = arith.constant 0 : i32
      %dma_start3A_333 = tpu.memref_slice %arg4[%squeeze3A_321, %dma_start3A_332] : memref<1000000x64xf32, #tpu.memory_space<hbm>> -> memref<1x64xf32, #tpu.memory_space<hbm>>
      %dma_start3A_334 = arith.constant 0 : i32
      %dma_start3A_335 = tpu.memref_slice %arg10[%dma_start3A_328, %add3A_327, %dma_start3A_334] : memref<2x128x64xf32, #tpu.memory_space<vmem>> -> memref<1x1x64xf32, #tpu.memory_space<vmem>>
      %dma_start3A_336 = tpu.memref_squeeze %dma_start3A_335 : memref<1x1x64xf32, #tpu.memory_space<vmem>> -> memref<1x64xf32, #tpu.memory_space<vmem>>
      %dma_start3A_337 = arith.constant 0 : i32
      %dma_start3A_338 = tpu.memref_slice %arg4[%squeeze3A_321, %dma_start3A_337] : memref<1000000x64xf32, #tpu.memory_space<hbm>> -> memref<1x64xf32, #tpu.memory_space<hbm>>
      tpu.enqueue_dma source(%dma_start3A_338 : memref<1x64xf32, #tpu.memory_space<hbm>>) target(%dma_start3A_336 : memref<1x64xf32, #tpu.memory_space<vmem>>) target_semaphore(%arg12 : memref<!tpu.dma_semaphore, #tpu.memory_space<semaphore_mem>>)
      %mul3A_339 = arith.constant 16 : i32
      %mul3A_340 = arith.muli %scan3A_172, %mul3A_339 : i32
      %add3A_341 = arith.constant 4 : i32
      %add3A_342 = arith.addi %mul3A_340, %add3A_341 : i32
      %dma_start3A_343 = arith.constant 0 : i32
      %dma_start3A_344 = arith.constant 0 : i32
      %dma_start3A_345 = tpu.memref_slice %arg11[%dma_start3A_343, %add3A_342, %dma_start3A_344] : memref<2x128x64xf32, #tpu.memory_space<vmem>> -> memref<1x1x64xf32, #tpu.memory_space<vmem>>
      %dma_start3A_346 = tpu.memref_squeeze %dma_start3A_345 : memref<1x1x64xf32, #tpu.memory_space<vmem>> -> memref<1x64xf32, #tpu.memory_space<vmem>>
      %dma_start3A_347 = arith.constant 0 : i32
      %dma_start3A_348 = tpu.memref_slice %arg5[%squeeze3A_323, %dma_start3A_347] : memref<1000000x64xf32, #tpu.memory_space<hbm>> -> memref<1x64xf32, #tpu.memory_space<hbm>>
      %dma_start3A_349 = arith.constant 0 : i32
      %dma_start3A_350 = tpu.memref_slice %arg11[%dma_start3A_343, %add3A_342, %dma_start3A_349] : memref<2x128x64xf32, #tpu.memory_space<vmem>> -> memref<1x1x64xf32, #tpu.memory_space<vmem>>
      %dma_start3A_351 = tpu.memref_squeeze %dma_start3A_350 : memref<1x1x64xf32, #tpu.memory_space<vmem>> -> memref<1x64xf32, #tpu.memory_space<vmem>>
      %dma_start3A_352 = arith.constant 0 : i32
      %dma_start3A_353 = tpu.memref_slice %arg5[%squeeze3A_323, %dma_start3A_352] : memref<1000000x64xf32, #tpu.memory_space<hbm>> -> memref<1x64xf32, #tpu.memory_space<hbm>>
      tpu.enqueue_dma source(%dma_start3A_353 : memref<1x64xf32, #tpu.memory_space<hbm>>) target(%dma_start3A_351 : memref<1x64xf32, #tpu.memory_space<vmem>>) target_semaphore(%arg14 : memref<!tpu.dma_semaphore, #tpu.memory_space<semaphore_mem>>)
      %slice3A_354 = vector.extract_strided_slice %get3A_179 {offsets = [5], sizes = [1], strides = [1]} : vector<16xi32> to vector<1xi32>
      %squeeze3A_355 = vector.extract %slice3A_354[0] : i32 from vector<1xi32>
      %slice3A_356 = vector.extract_strided_slice %get3A_186 {offsets = [5], sizes = [1], strides = [1]} : vector<16xi32> to vector<1xi32>
      %squeeze3A_357 = vector.extract %slice3A_356[0] : i32 from vector<1xi32>
      %mul3A_358 = arith.constant 16 : i32
      %mul3A_359 = arith.muli %scan3A_172, %mul3A_358 : i32
      %add3A_360 = arith.constant 5 : i32
      %add3A_361 = arith.addi %mul3A_359, %add3A_360 : i32
      %dma_start3A_362 = arith.constant 0 : i32
      %dma_start3A_363 = arith.constant 0 : i32
      %dma_start3A_364 = tpu.memref_slice %arg10[%dma_start3A_362, %add3A_361, %dma_start3A_363] : memref<2x128x64xf32, #tpu.memory_space<vmem>> -> memref<1x1x64xf32, #tpu.memory_space<vmem>>
      %dma_start3A_365 = tpu.memref_squeeze %dma_start3A_364 : memref<1x1x64xf32, #tpu.memory_space<vmem>> -> memref<1x64xf32, #tpu.memory_space<vmem>>
      %dma_start3A_366 = arith.constant 0 : i32
      %dma_start3A_367 = tpu.memref_slice %arg4[%squeeze3A_355, %dma_start3A_366] : memref<1000000x64xf32, #tpu.memory_space<hbm>> -> memref<1x64xf32, #tpu.memory_space<hbm>>
      %dma_start3A_368 = arith.constant 0 : i32
      %dma_start3A_369 = tpu.memref_slice %arg10[%dma_start3A_362, %add3A_361, %dma_start3A_368] : memref<2x128x64xf32, #tpu.memory_space<vmem>> -> memref<1x1x64xf32, #tpu.memory_space<vmem>>
      %dma_start3A_370 = tpu.memref_squeeze %dma_start3A_369 : memref<1x1x64xf32, #tpu.memory_space<vmem>> -> memref<1x64xf32, #tpu.memory_space<vmem>>
      %dma_start3A_371 = arith.constant 0 : i32
      %dma_start3A_372 = tpu.memref_slice %arg4[%squeeze3A_355, %dma_start3A_371] : memref<1000000x64xf32, #tpu.memory_space<hbm>> -> memref<1x64xf32, #tpu.memory_space<hbm>>
      tpu.enqueue_dma source(%dma_start3A_372 : memref<1x64xf32, #tpu.memory_space<hbm>>) target(%dma_start3A_370 : memref<1x64xf32, #tpu.memory_space<vmem>>) target_semaphore(%arg12 : memref<!tpu.dma_semaphore, #tpu.memory_space<semaphore_mem>>)
      %mul3A_373 = arith.constant 16 : i32
      %mul3A_374 = arith.muli %scan3A_172, %mul3A_373 : i32
      %add3A_375 = arith.constant 5 : i32
      %add3A_376 = arith.addi %mul3A_374, %add3A_375 : i32
      %dma_start3A_377 = arith.constant 0 : i32
      %dma_start3A_378 = arith.constant 0 : i32
      %dma_start3A_379 = tpu.memref_slice %arg11[%dma_start3A_377, %add3A_376, %dma_start3A_378] : memref<2x128x64xf32, #tpu.memory_space<vmem>> -> memref<1x1x64xf32, #tpu.memory_space<vmem>>
      %dma_start3A_380 = tpu.memref_squeeze %dma_start3A_379 : memref<1x1x64xf32, #tpu.memory_space<vmem>> -> memref<1x64xf32, #tpu.memory_space<vmem>>
      %dma_start3A_381 = arith.constant 0 : i32
      %dma_start3A_382 = tpu.memref_slice %arg5[%squeeze3A_357, %dma_start3A_381] : memref<1000000x64xf32, #tpu.memory_space<hbm>> -> memref<1x64xf32, #tpu.memory_space<hbm>>
      %dma_start3A_383 = arith.constant 0 : i32
      %dma_start3A_384 = tpu.memref_slice %arg11[%dma_start3A_377, %add3A_376, %dma_start3A_383] : memref<2x128x64xf32, #tpu.memory_space<vmem>> -> memref<1x1x64xf32, #tpu.memory_space<vmem>>
      %dma_start3A_385 = tpu.memref_squeeze %dma_start3A_384 : memref<1x1x64xf32, #tpu.memory_space<vmem>> -> memref<1x64xf32, #tpu.memory_space<vmem>>
      %dma_start3A_386 = arith.constant 0 : i32
      %dma_start3A_387 = tpu.memref_slice %arg5[%squeeze3A_357, %dma_start3A_386] : memref<1000000x64xf32, #tpu.memory_space<hbm>> -> memref<1x64xf32, #tpu.memory_space<hbm>>
      tpu.enqueue_dma source(%dma_start3A_387 : memref<1x64xf32, #tpu.memory_space<hbm>>) target(%dma_start3A_385 : memref<1x64xf32, #tpu.memory_space<vmem>>) target_semaphore(%arg14 : memref<!tpu.dma_semaphore, #tpu.memory_space<semaphore_mem>>)
      %slice3A_388 = vector.extract_strided_slice %get3A_179 {offsets = [6], sizes = [1], strides = [1]} : vector<16xi32> to vector<1xi32>
      %squeeze3A_389 = vector.extract %slice3A_388[0] : i32 from vector<1xi32>
      %slice3A_390 = vector.extract_strided_slice %get3A_186 {offsets = [6], sizes = [1], strides = [1]} : vector<16xi32> to vector<1xi32>
      %squeeze3A_391 = vector.extract %slice3A_390[0] : i32 from vector<1xi32>
      %mul3A_392 = arith.constant 16 : i32
      %mul3A_393 = arith.muli %scan3A_172, %mul3A_392 : i32
      %add3A_394 = arith.constant 6 : i32
      %add3A_395 = arith.addi %mul3A_393, %add3A_394 : i32
      %dma_start3A_396 = arith.constant 0 : i32
      %dma_start3A_397 = arith.constant 0 : i32
      %dma_start3A_398 = tpu.memref_slice %arg10[%dma_start3A_396, %add3A_395, %dma_start3A_397] : memref<2x128x64xf32, #tpu.memory_space<vmem>> -> memref<1x1x64xf32, #tpu.memory_space<vmem>>
      %dma_start3A_399 = tpu.memref_squeeze %dma_start3A_398 : memref<1x1x64xf32, #tpu.memory_space<vmem>> -> memref<1x64xf32, #tpu.memory_space<vmem>>
      %dma_start3A_400 = arith.constant 0 : i32
      %dma_start3A_401 = tpu.memref_slice %arg4[%squeeze3A_389, %dma_start3A_400] : memref<1000000x64xf32, #tpu.memory_space<hbm>> -> memref<1x64xf32, #tpu.memory_space<hbm>>
      %dma_start3A_402 = arith.constant 0 : i32
      %dma_start3A_403 = tpu.memref_slice %arg10[%dma_start3A_396, %add3A_395, %dma_start3A_402] : memref<2x128x64xf32, #tpu.memory_space<vmem>> -> memref<1x1x64xf32, #tpu.memory_space<vmem>>
      %dma_start3A_404 = tpu.memref_squeeze %dma_start3A_403 : memref<1x1x64xf32, #tpu.memory_space<vmem>> -> memref<1x64xf32, #tpu.memory_space<vmem>>
      %dma_start3A_405 = arith.constant 0 : i32
      %dma_start3A_406 = tpu.memref_slice %arg4[%squeeze3A_389, %dma_start3A_405] : memref<1000000x64xf32, #tpu.memory_space<hbm>> -> memref<1x64xf32, #tpu.memory_space<hbm>>
      tpu.enqueue_dma source(%dma_start3A_406 : memref<1x64xf32, #tpu.memory_space<hbm>>) target(%dma_start3A_404 : memref<1x64xf32, #tpu.memory_space<vmem>>) target_semaphore(%arg12 : memref<!tpu.dma_semaphore, #tpu.memory_space<semaphore_mem>>)
      %mul3A_407 = arith.constant 16 : i32
      %mul3A_408 = arith.muli %scan3A_172, %mul3A_407 : i32
      %add3A_409 = arith.constant 6 : i32
      %add3A_410 = arith.addi %mul3A_408, %add3A_409 : i32
      %dma_start3A_411 = arith.constant 0 : i32
      %dma_start3A_412 = arith.constant 0 : i32
      %dma_start3A_413 = tpu.memref_slice %arg11[%dma_start3A_411, %add3A_410, %dma_start3A_412] : memref<2x128x64xf32, #tpu.memory_space<vmem>> -> memref<1x1x64xf32, #tpu.memory_space<vmem>>
      %dma_start3A_414 = tpu.memref_squeeze %dma_start3A_413 : memref<1x1x64xf32, #tpu.memory_space<vmem>> -> memref<1x64xf32, #tpu.memory_space<vmem>>
      %dma_start3A_415 = arith.constant 0 : i32
      %dma_start3A_416 = tpu.memref_slice %arg5[%squeeze3A_391, %dma_start3A_415] : memref<1000000x64xf32, #tpu.memory_space<hbm>> -> memref<1x64xf32, #tpu.memory_space<hbm>>
      %dma_start3A_417 = arith.constant 0 : i32
      %dma_start3A_418 = tpu.memref_slice %arg11[%dma_start3A_411, %add3A_410, %dma_start3A_417] : memref<2x128x64xf32, #tpu.memory_space<vmem>> -> memref<1x1x64xf32, #tpu.memory_space<vmem>>
      %dma_start3A_419 = tpu.memref_squeeze %dma_start3A_418 : memref<1x1x64xf32, #tpu.memory_space<vmem>> -> memref<1x64xf32, #tpu.memory_space<vmem>>
      %dma_start3A_420 = arith.constant 0 : i32
      %dma_start3A_421 = tpu.memref_slice %arg5[%squeeze3A_391, %dma_start3A_420] : memref<1000000x64xf32, #tpu.memory_space<hbm>> -> memref<1x64xf32, #tpu.memory_space<hbm>>
      tpu.enqueue_dma source(%dma_start3A_421 : memref<1x64xf32, #tpu.memory_space<hbm>>) target(%dma_start3A_419 : memref<1x64xf32, #tpu.memory_space<vmem>>) target_semaphore(%arg14 : memref<!tpu.dma_semaphore, #tpu.memory_space<semaphore_mem>>)
      %slice3A_422 = vector.extract_strided_slice %get3A_179 {offsets = [7], sizes = [1], strides = [1]} : vector<16xi32> to vector<1xi32>
      %squeeze3A_423 = vector.extract %slice3A_422[0] : i32 from vector<1xi32>
      %slice3A_424 = vector.extract_strided_slice %get3A_186 {offsets = [7], sizes = [1], strides = [1]} : vector<16xi32> to vector<1xi32>
      %squeeze3A_425 = vector.extract %slice3A_424[0] : i32 from vector<1xi32>
      %mul3A_426 = arith.constant 16 : i32
      %mul3A_427 = arith.muli %scan3A_172, %mul3A_426 : i32
      %add3A_428 = arith.constant 7 : i32
      %add3A_429 = arith.addi %mul3A_427, %add3A_428 : i32
      %dma_start3A_430 = arith.constant 0 : i32
      %dma_start3A_431 = arith.constant 0 : i32
      %dma_start3A_432 = tpu.memref_slice %arg10[%dma_start3A_430, %add3A_429, %dma_start3A_431] : memref<2x128x64xf32, #tpu.memory_space<vmem>> -> memref<1x1x64xf32, #tpu.memory_space<vmem>>
      %dma_start3A_433 = tpu.memref_squeeze %dma_start3A_432 : memref<1x1x64xf32, #tpu.memory_space<vmem>> -> memref<1x64xf32, #tpu.memory_space<vmem>>
      %dma_start3A_434 = arith.constant 0 : i32
      %dma_start3A_435 = tpu.memref_slice %arg4[%squeeze3A_423, %dma_start3A_434] : memref<1000000x64xf32, #tpu.memory_space<hbm>> -> memref<1x64xf32, #tpu.memory_space<hbm>>
      %dma_start3A_436 = arith.constant 0 : i32
      %dma_start3A_437 = tpu.memref_slice %arg10[%dma_start3A_430, %add3A_429, %dma_start3A_436] : memref<2x128x64xf32, #tpu.memory_space<vmem>> -> memref<1x1x64xf32, #tpu.memory_space<vmem>>
      %dma_start3A_438 = tpu.memref_squeeze %dma_start3A_437 : memref<1x1x64xf32, #tpu.memory_space<vmem>> -> memref<1x64xf32, #tpu.memory_space<vmem>>
      %dma_start3A_439 = arith.constant 0 : i32
      %dma_start3A_440 = tpu.memref_slice %arg4[%squeeze3A_423, %dma_start3A_439] : memref<1000000x64xf32, #tpu.memory_space<hbm>> -> memref<1x64xf32, #tpu.memory_space<hbm>>
      tpu.enqueue_dma source(%dma_start3A_440 : memref<1x64xf32, #tpu.memory_space<hbm>>) target(%dma_start3A_438 : memref<1x64xf32, #tpu.memory_space<vmem>>) target_semaphore(%arg12 : memref<!tpu.dma_semaphore, #tpu.memory_space<semaphore_mem>>)
      %mul3A_441 = arith.constant 16 : i32
      %mul3A_442 = arith.muli %scan3A_172, %mul3A_441 : i32
      %add3A_443 = arith.constant 7 : i32
      %add3A_444 = arith.addi %mul3A_442, %add3A_443 : i32
      %dma_start3A_445 = arith.constant 0 : i32
      %dma_start3A_446 = arith.constant 0 : i32
      %dma_start3A_447 = tpu.memref_slice %arg11[%dma_start3A_445, %add3A_444, %dma_start3A_446] : memref<2x128x64xf32, #tpu.memory_space<vmem>> -> memref<1x1x64xf32, #tpu.memory_space<vmem>>
      %dma_start3A_448 = tpu.memref_squeeze %dma_start3A_447 : memref<1x1x64xf32, #tpu.memory_space<vmem>> -> memref<1x64xf32, #tpu.memory_space<vmem>>
      %dma_start3A_449 = arith.constant 0 : i32
      %dma_start3A_450 = tpu.memref_slice %arg5[%squeeze3A_425, %dma_start3A_449] : memref<1000000x64xf32, #tpu.memory_space<hbm>> -> memref<1x64xf32, #tpu.memory_space<hbm>>
      %dma_start3A_451 = arith.constant 0 : i32
      %dma_start3A_452 = tpu.memref_slice %arg11[%dma_start3A_445, %add3A_444, %dma_start3A_451] : memref<2x128x64xf32, #tpu.memory_space<vmem>> -> memref<1x1x64xf32, #tpu.memory_space<vmem>>
      %dma_start3A_453 = tpu.memref_squeeze %dma_start3A_452 : memref<1x1x64xf32, #tpu.memory_space<vmem>> -> memref<1x64xf32, #tpu.memory_space<vmem>>
      %dma_start3A_454 = arith.constant 0 : i32
      %dma_start3A_455 = tpu.memref_slice %arg5[%squeeze3A_425, %dma_start3A_454] : memref<1000000x64xf32, #tpu.memory_space<hbm>> -> memref<1x64xf32, #tpu.memory_space<hbm>>
      tpu.enqueue_dma source(%dma_start3A_455 : memref<1x64xf32, #tpu.memory_space<hbm>>) target(%dma_start3A_453 : memref<1x64xf32, #tpu.memory_space<vmem>>) target_semaphore(%arg14 : memref<!tpu.dma_semaphore, #tpu.memory_space<semaphore_mem>>)
      %slice3A_456 = vector.extract_strided_slice %get3A_179 {offsets = [8], sizes = [1], strides = [1]} : vector<16xi32> to vector<1xi32>
      %squeeze3A_457 = vector.extract %slice3A_456[0] : i32 from vector<1xi32>
      %slice3A_458 = vector.extract_strided_slice %get3A_186 {offsets = [8], sizes = [1], strides = [1]} : vector<16xi32> to vector<1xi32>
      %squeeze3A_459 = vector.extract %slice3A_458[0] : i32 from vector<1xi32>
      %mul3A_460 = arith.constant 16 : i32
      %mul3A_461 = arith.muli %scan3A_172, %mul3A_460 : i32
      %add3A_462 = arith.constant 8 : i32
      %add3A_463 = arith.addi %mul3A_461, %add3A_462 : i32
      %dma_start3A_464 = arith.constant 0 : i32
      %dma_start3A_465 = arith.constant 0 : i32
      %dma_start3A_466 = tpu.memref_slice %arg10[%dma_start3A_464, %add3A_463, %dma_start3A_465] : memref<2x128x64xf32, #tpu.memory_space<vmem>> -> memref<1x1x64xf32, #tpu.memory_space<vmem>>
      %dma_start3A_467 = tpu.memref_squeeze %dma_start3A_466 : memref<1x1x64xf32, #tpu.memory_space<vmem>> -> memref<1x64xf32, #tpu.memory_space<vmem>>
      %dma_start3A_468 = arith.constant 0 : i32
      %dma_start3A_469 = tpu.memref_slice %arg4[%squeeze3A_457, %dma_start3A_468] : memref<1000000x64xf32, #tpu.memory_space<hbm>> -> memref<1x64xf32, #tpu.memory_space<hbm>>
      %dma_start3A_470 = arith.constant 0 : i32
      %dma_start3A_471 = tpu.memref_slice %arg10[%dma_start3A_464, %add3A_463, %dma_start3A_470] : memref<2x128x64xf32, #tpu.memory_space<vmem>> -> memref<1x1x64xf32, #tpu.memory_space<vmem>>
      %dma_start3A_472 = tpu.memref_squeeze %dma_start3A_471 : memref<1x1x64xf32, #tpu.memory_space<vmem>> -> memref<1x64xf32, #tpu.memory_space<vmem>>
      %dma_start3A_473 = arith.constant 0 : i32
      %dma_start3A_474 = tpu.memref_slice %arg4[%squeeze3A_457, %dma_start3A_473] : memref<1000000x64xf32, #tpu.memory_space<hbm>> -> memref<1x64xf32, #tpu.memory_space<hbm>>
      tpu.enqueue_dma source(%dma_start3A_474 : memref<1x64xf32, #tpu.memory_space<hbm>>) target(%dma_start3A_472 : memref<1x64xf32, #tpu.memory_space<vmem>>) target_semaphore(%arg12 : memref<!tpu.dma_semaphore, #tpu.memory_space<semaphore_mem>>)
      %mul3A_475 = arith.constant 16 : i32
      %mul3A_476 = arith.muli %scan3A_172, %mul3A_475 : i32
      %add3A_477 = arith.constant 8 : i32
      %add3A_478 = arith.addi %mul3A_476, %add3A_477 : i32
      %dma_start3A_479 = arith.constant 0 : i32
      %dma_start3A_480 = arith.constant 0 : i32
      %dma_start3A_481 = tpu.memref_slice %arg11[%dma_start3A_479, %add3A_478, %dma_start3A_480] : memref<2x128x64xf32, #tpu.memory_space<vmem>> -> memref<1x1x64xf32, #tpu.memory_space<vmem>>
      %dma_start3A_482 = tpu.memref_squeeze %dma_start3A_481 : memref<1x1x64xf32, #tpu.memory_space<vmem>> -> memref<1x64xf32, #tpu.memory_space<vmem>>
      %dma_start3A_483 = arith.constant 0 : i32
      %dma_start3A_484 = tpu.memref_slice %arg5[%squeeze3A_459, %dma_start3A_483] : memref<1000000x64xf32, #tpu.memory_space<hbm>> -> memref<1x64xf32, #tpu.memory_space<hbm>>
      %dma_start3A_485 = arith.constant 0 : i32
      %dma_start3A_486 = tpu.memref_slice %arg11[%dma_start3A_479, %add3A_478, %dma_start3A_485] : memref<2x128x64xf32, #tpu.memory_space<vmem>> -> memref<1x1x64xf32, #tpu.memory_space<vmem>>
      %dma_start3A_487 = tpu.memref_squeeze %dma_start3A_486 : memref<1x1x64xf32, #tpu.memory_space<vmem>> -> memref<1x64xf32, #tpu.memory_space<vmem>>
      %dma_start3A_488 = arith.constant 0 : i32
      %dma_start3A_489 = tpu.memref_slice %arg5[%squeeze3A_459, %dma_start3A_488] : memref<1000000x64xf32, #tpu.memory_space<hbm>> -> memref<1x64xf32, #tpu.memory_space<hbm>>
      tpu.enqueue_dma source(%dma_start3A_489 : memref<1x64xf32, #tpu.memory_space<hbm>>) target(%dma_start3A_487 : memref<1x64xf32, #tpu.memory_space<vmem>>) target_semaphore(%arg14 : memref<!tpu.dma_semaphore, #tpu.memory_space<semaphore_mem>>)
      %slice3A_490 = vector.extract_strided_slice %get3A_179 {offsets = [9], sizes = [1], strides = [1]} : vector<16xi32> to vector<1xi32>
      %squeeze3A_491 = vector.extract %slice3A_490[0] : i32 from vector<1xi32>
      %slice3A_492 = vector.extract_strided_slice %get3A_186 {offsets = [9], sizes = [1], strides = [1]} : vector<16xi32> to vector<1xi32>
      %squeeze3A_493 = vector.extract %slice3A_492[0] : i32 from vector<1xi32>
      %mul3A_494 = arith.constant 16 : i32
      %mul3A_495 = arith.muli %scan3A_172, %mul3A_494 : i32
      %add3A_496 = arith.constant 9 : i32
      %add3A_497 = arith.addi %mul3A_495, %add3A_496 : i32
      %dma_start3A_498 = arith.constant 0 : i32
      %dma_start3A_499 = arith.constant 0 : i32
      %dma_start3A_500 = tpu.memref_slice %arg10[%dma_start3A_498, %add3A_497, %dma_start3A_499] : memref<2x128x64xf32, #tpu.memory_space<vmem>> -> memref<1x1x64xf32, #tpu.memory_space<vmem>>
      %dma_start3A_501 = tpu.memref_squeeze %dma_start3A_500 : memref<1x1x64xf32, #tpu.memory_space<vmem>> -> memref<1x64xf32, #tpu.memory_space<vmem>>
      %dma_start3A_502 = arith.constant 0 : i32
      %dma_start3A_503 = tpu.memref_slice %arg4[%squeeze3A_491, %dma_start3A_502] : memref<1000000x64xf32, #tpu.memory_space<hbm>> -> memref<1x64xf32, #tpu.memory_space<hbm>>
      %dma_start3A_504 = arith.constant 0 : i32
      %dma_start3A_505 = tpu.memref_slice %arg10[%dma_start3A_498, %add3A_497, %dma_start3A_504] : memref<2x128x64xf32, #tpu.memory_space<vmem>> -> memref<1x1x64xf32, #tpu.memory_space<vmem>>
      %dma_start3A_506 = tpu.memref_squeeze %dma_start3A_505 : memref<1x1x64xf32, #tpu.memory_space<vmem>> -> memref<1x64xf32, #tpu.memory_space<vmem>>
      %dma_start3A_507 = arith.constant 0 : i32
      %dma_start3A_508 = tpu.memref_slice %arg4[%squeeze3A_491, %dma_start3A_507] : memref<1000000x64xf32, #tpu.memory_space<hbm>> -> memref<1x64xf32, #tpu.memory_space<hbm>>
      tpu.enqueue_dma source(%dma_start3A_508 : memref<1x64xf32, #tpu.memory_space<hbm>>) target(%dma_start3A_506 : memref<1x64xf32, #tpu.memory_space<vmem>>) target_semaphore(%arg12 : memref<!tpu.dma_semaphore, #tpu.memory_space<semaphore_mem>>)
      %mul3A_509 = arith.constant 16 : i32
      %mul3A_510 = arith.muli %scan3A_172, %mul3A_509 : i32
      %add3A_511 = arith.constant 9 : i32
      %add3A_512 = arith.addi %mul3A_510, %add3A_511 : i32
      %dma_start3A_513 = arith.constant 0 : i32
      %dma_start3A_514 = arith.constant 0 : i32
      %dma_start3A_515 = tpu.memref_slice %arg11[%dma_start3A_513, %add3A_512, %dma_start3A_514] : memref<2x128x64xf32, #tpu.memory_space<vmem>> -> memref<1x1x64xf32, #tpu.memory_space<vmem>>
      %dma_start3A_516 = tpu.memref_squeeze %dma_start3A_515 : memref<1x1x64xf32, #tpu.memory_space<vmem>> -> memref<1x64xf32, #tpu.memory_space<vmem>>
      %dma_start3A_517 = arith.constant 0 : i32
      %dma_start3A_518 = tpu.memref_slice %arg5[%squeeze3A_493, %dma_start3A_517] : memref<1000000x64xf32, #tpu.memory_space<hbm>> -> memref<1x64xf32, #tpu.memory_space<hbm>>
      %dma_start3A_519 = arith.constant 0 : i32
      %dma_start3A_520 = tpu.memref_slice %arg11[%dma_start3A_513, %add3A_512, %dma_start3A_519] : memref<2x128x64xf32, #tpu.memory_space<vmem>> -> memref<1x1x64xf32, #tpu.memory_space<vmem>>
      %dma_start3A_521 = tpu.memref_squeeze %dma_start3A_520 : memref<1x1x64xf32, #tpu.memory_space<vmem>> -> memref<1x64xf32, #tpu.memory_space<vmem>>
      %dma_start3A_522 = arith.constant 0 : i32
      %dma_start3A_523 = tpu.memref_slice %arg5[%squeeze3A_493, %dma_start3A_522] : memref<1000000x64xf32, #tpu.memory_space<hbm>> -> memref<1x64xf32, #tpu.memory_space<hbm>>
      tpu.enqueue_dma source(%dma_start3A_523 : memref<1x64xf32, #tpu.memory_space<hbm>>) target(%dma_start3A_521 : memref<1x64xf32, #tpu.memory_space<vmem>>) target_semaphore(%arg14 : memref<!tpu.dma_semaphore, #tpu.memory_space<semaphore_mem>>)
      %slice3A_524 = vector.extract_strided_slice %get3A_179 {offsets = [10], sizes = [1], strides = [1]} : vector<16xi32> to vector<1xi32>
      %squeeze3A_525 = vector.extract %slice3A_524[0] : i32 from vector<1xi32>
      %slice3A_526 = vector.extract_strided_slice %get3A_186 {offsets = [10], sizes = [1], strides = [1]} : vector<16xi32> to vector<1xi32>
      %squeeze3A_527 = vector.extract %slice3A_526[0] : i32 from vector<1xi32>
      %mul3A_528 = arith.constant 16 : i32
      %mul3A_529 = arith.muli %scan3A_172, %mul3A_528 : i32
      %add3A_530 = arith.constant 10 : i32
      %add3A_531 = arith.addi %mul3A_529, %add3A_530 : i32
      %dma_start3A_532 = arith.constant 0 : i32
      %dma_start3A_533 = arith.constant 0 : i32
      %dma_start3A_534 = tpu.memref_slice %arg10[%dma_start3A_532, %add3A_531, %dma_start3A_533] : memref<2x128x64xf32, #tpu.memory_space<vmem>> -> memref<1x1x64xf32, #tpu.memory_space<vmem>>
      %dma_start3A_535 = tpu.memref_squeeze %dma_start3A_534 : memref<1x1x64xf32, #tpu.memory_space<vmem>> -> memref<1x64xf32, #tpu.memory_space<vmem>>
      %dma_start3A_536 = arith.constant 0 : i32
      %dma_start3A_537 = tpu.memref_slice %arg4[%squeeze3A_525, %dma_start3A_536] : memref<1000000x64xf32, #tpu.memory_space<hbm>> -> memref<1x64xf32, #tpu.memory_space<hbm>>
      %dma_start3A_538 = arith.constant 0 : i32
      %dma_start3A_539 = tpu.memref_slice %arg10[%dma_start3A_532, %add3A_531, %dma_start3A_538] : memref<2x128x64xf32, #tpu.memory_space<vmem>> -> memref<1x1x64xf32, #tpu.memory_space<vmem>>
      %dma_start3A_540 = tpu.memref_squeeze %dma_start3A_539 : memref<1x1x64xf32, #tpu.memory_space<vmem>> -> memref<1x64xf32, #tpu.memory_space<vmem>>
      %dma_start3A_541 = arith.constant 0 : i32
      %dma_start3A_542 = tpu.memref_slice %arg4[%squeeze3A_525, %dma_start3A_541] : memref<1000000x64xf32, #tpu.memory_space<hbm>> -> memref<1x64xf32, #tpu.memory_space<hbm>>
      tpu.enqueue_dma source(%dma_start3A_542 : memref<1x64xf32, #tpu.memory_space<hbm>>) target(%dma_start3A_540 : memref<1x64xf32, #tpu.memory_space<vmem>>) target_semaphore(%arg12 : memref<!tpu.dma_semaphore, #tpu.memory_space<semaphore_mem>>)
      %mul3A_543 = arith.constant 16 : i32
      %mul3A_544 = arith.muli %scan3A_172, %mul3A_543 : i32
      %add3A_545 = arith.constant 10 : i32
      %add3A_546 = arith.addi %mul3A_544, %add3A_545 : i32
      %dma_start3A_547 = arith.constant 0 : i32
      %dma_start3A_548 = arith.constant 0 : i32
      %dma_start3A_549 = tpu.memref_slice %arg11[%dma_start3A_547, %add3A_546, %dma_start3A_548] : memref<2x128x64xf32, #tpu.memory_space<vmem>> -> memref<1x1x64xf32, #tpu.memory_space<vmem>>
      %dma_start3A_550 = tpu.memref_squeeze %dma_start3A_549 : memref<1x1x64xf32, #tpu.memory_space<vmem>> -> memref<1x64xf32, #tpu.memory_space<vmem>>
      %dma_start3A_551 = arith.constant 0 : i32
      %dma_start3A_552 = tpu.memref_slice %arg5[%squeeze3A_527, %dma_start3A_551] : memref<1000000x64xf32, #tpu.memory_space<hbm>> -> memref<1x64xf32, #tpu.memory_space<hbm>>
      %dma_start3A_553 = arith.constant 0 : i32
      %dma_start3A_554 = tpu.memref_slice %arg11[%dma_start3A_547, %add3A_546, %dma_start3A_553] : memref<2x128x64xf32, #tpu.memory_space<vmem>> -> memref<1x1x64xf32, #tpu.memory_space<vmem>>
      %dma_start3A_555 = tpu.memref_squeeze %dma_start3A_554 : memref<1x1x64xf32, #tpu.memory_space<vmem>> -> memref<1x64xf32, #tpu.memory_space<vmem>>
      %dma_start3A_556 = arith.constant 0 : i32
      %dma_start3A_557 = tpu.memref_slice %arg5[%squeeze3A_527, %dma_start3A_556] : memref<1000000x64xf32, #tpu.memory_space<hbm>> -> memref<1x64xf32, #tpu.memory_space<hbm>>
      tpu.enqueue_dma source(%dma_start3A_557 : memref<1x64xf32, #tpu.memory_space<hbm>>) target(%dma_start3A_555 : memref<1x64xf32, #tpu.memory_space<vmem>>) target_semaphore(%arg14 : memref<!tpu.dma_semaphore, #tpu.memory_space<semaphore_mem>>)
      %slice3A_558 = vector.extract_strided_slice %get3A_179 {offsets = [11], sizes = [1], strides = [1]} : vector<16xi32> to vector<1xi32>
      %squeeze3A_559 = vector.extract %slice3A_558[0] : i32 from vector<1xi32>
      %slice3A_560 = vector.extract_strided_slice %get3A_186 {offsets = [11], sizes = [1], strides = [1]} : vector<16xi32> to vector<1xi32>
      %squeeze3A_561 = vector.extract %slice3A_560[0] : i32 from vector<1xi32>
      %mul3A_562 = arith.constant 16 : i32
      %mul3A_563 = arith.muli %scan3A_172, %mul3A_562 : i32
      %add3A_564 = arith.constant 11 : i32
      %add3A_565 = arith.addi %mul3A_563, %add3A_564 : i32
      %dma_start3A_566 = arith.constant 0 : i32
      %dma_start3A_567 = arith.constant 0 : i32
      %dma_start3A_568 = tpu.memref_slice %arg10[%dma_start3A_566, %add3A_565, %dma_start3A_567] : memref<2x128x64xf32, #tpu.memory_space<vmem>> -> memref<1x1x64xf32, #tpu.memory_space<vmem>>
      %dma_start3A_569 = tpu.memref_squeeze %dma_start3A_568 : memref<1x1x64xf32, #tpu.memory_space<vmem>> -> memref<1x64xf32, #tpu.memory_space<vmem>>
      %dma_start3A_570 = arith.constant 0 : i32
      %dma_start3A_571 = tpu.memref_slice %arg4[%squeeze3A_559, %dma_start3A_570] : memref<1000000x64xf32, #tpu.memory_space<hbm>> -> memref<1x64xf32, #tpu.memory_space<hbm>>
      %dma_start3A_572 = arith.constant 0 : i32
      %dma_start3A_573 = tpu.memref_slice %arg10[%dma_start3A_566, %add3A_565, %dma_start3A_572] : memref<2x128x64xf32, #tpu.memory_space<vmem>> -> memref<1x1x64xf32, #tpu.memory_space<vmem>>
      %dma_start3A_574 = tpu.memref_squeeze %dma_start3A_573 : memref<1x1x64xf32, #tpu.memory_space<vmem>> -> memref<1x64xf32, #tpu.memory_space<vmem>>
      %dma_start3A_575 = arith.constant 0 : i32
      %dma_start3A_576 = tpu.memref_slice %arg4[%squeeze3A_559, %dma_start3A_575] : memref<1000000x64xf32, #tpu.memory_space<hbm>> -> memref<1x64xf32, #tpu.memory_space<hbm>>
      tpu.enqueue_dma source(%dma_start3A_576 : memref<1x64xf32, #tpu.memory_space<hbm>>) target(%dma_start3A_574 : memref<1x64xf32, #tpu.memory_space<vmem>>) target_semaphore(%arg12 : memref<!tpu.dma_semaphore, #tpu.memory_space<semaphore_mem>>)
      %mul3A_577 = arith.constant 16 : i32
      %mul3A_578 = arith.muli %scan3A_172, %mul3A_577 : i32
      %add3A_579 = arith.constant 11 : i32
      %add3A_580 = arith.addi %mul3A_578, %add3A_579 : i32
      %dma_start3A_581 = arith.constant 0 : i32
      %dma_start3A_582 = arith.constant 0 : i32
      %dma_start3A_583 = tpu.memref_slice %arg11[%dma_start3A_581, %add3A_580, %dma_start3A_582] : memref<2x128x64xf32, #tpu.memory_space<vmem>> -> memref<1x1x64xf32, #tpu.memory_space<vmem>>
      %dma_start3A_584 = tpu.memref_squeeze %dma_start3A_583 : memref<1x1x64xf32, #tpu.memory_space<vmem>> -> memref<1x64xf32, #tpu.memory_space<vmem>>
      %dma_start3A_585 = arith.constant 0 : i32
      %dma_start3A_586 = tpu.memref_slice %arg5[%squeeze3A_561, %dma_start3A_585] : memref<1000000x64xf32, #tpu.memory_space<hbm>> -> memref<1x64xf32, #tpu.memory_space<hbm>>
      %dma_start3A_587 = arith.constant 0 : i32
      %dma_start3A_588 = tpu.memref_slice %arg11[%dma_start3A_581, %add3A_580, %dma_start3A_587] : memref<2x128x64xf32, #tpu.memory_space<vmem>> -> memref<1x1x64xf32, #tpu.memory_space<vmem>>
      %dma_start3A_589 = tpu.memref_squeeze %dma_start3A_588 : memref<1x1x64xf32, #tpu.memory_space<vmem>> -> memref<1x64xf32, #tpu.memory_space<vmem>>
      %dma_start3A_590 = arith.constant 0 : i32
      %dma_start3A_591 = tpu.memref_slice %arg5[%squeeze3A_561, %dma_start3A_590] : memref<1000000x64xf32, #tpu.memory_space<hbm>> -> memref<1x64xf32, #tpu.memory_space<hbm>>
      tpu.enqueue_dma source(%dma_start3A_591 : memref<1x64xf32, #tpu.memory_space<hbm>>) target(%dma_start3A_589 : memref<1x64xf32, #tpu.memory_space<vmem>>) target_semaphore(%arg14 : memref<!tpu.dma_semaphore, #tpu.memory_space<semaphore_mem>>)
      %slice3A_592 = vector.extract_strided_slice %get3A_179 {offsets = [12], sizes = [1], strides = [1]} : vector<16xi32> to vector<1xi32>
      %squeeze3A_593 = vector.extract %slice3A_592[0] : i32 from vector<1xi32>
      %slice3A_594 = vector.extract_strided_slice %get3A_186 {offsets = [12], sizes = [1], strides = [1]} : vector<16xi32> to vector<1xi32>
      %squeeze3A_595 = vector.extract %slice3A_594[0] : i32 from vector<1xi32>
      %mul3A_596 = arith.constant 16 : i32
      %mul3A_597 = arith.muli %scan3A_172, %mul3A_596 : i32
      %add3A_598 = arith.constant 12 : i32
      %add3A_599 = arith.addi %mul3A_597, %add3A_598 : i32
      %dma_start3A_600 = arith.constant 0 : i32
      %dma_start3A_601 = arith.constant 0 : i32
      %dma_start3A_602 = tpu.memref_slice %arg10[%dma_start3A_600, %add3A_599, %dma_start3A_601] : memref<2x128x64xf32, #tpu.memory_space<vmem>> -> memref<1x1x64xf32, #tpu.memory_space<vmem>>
      %dma_start3A_603 = tpu.memref_squeeze %dma_start3A_602 : memref<1x1x64xf32, #tpu.memory_space<vmem>> -> memref<1x64xf32, #tpu.memory_space<vmem>>
      %dma_start3A_604 = arith.constant 0 : i32
      %dma_start3A_605 = tpu.memref_slice %arg4[%squeeze3A_593, %dma_start3A_604] : memref<1000000x64xf32, #tpu.memory_space<hbm>> -> memref<1x64xf32, #tpu.memory_space<hbm>>
      %dma_start3A_606 = arith.constant 0 : i32
      %dma_start3A_607 = tpu.memref_slice %arg10[%dma_start3A_600, %add3A_599, %dma_start3A_606] : memref<2x128x64xf32, #tpu.memory_space<vmem>> -> memref<1x1x64xf32, #tpu.memory_space<vmem>>
      %dma_start3A_608 = tpu.memref_squeeze %dma_start3A_607 : memref<1x1x64xf32, #tpu.memory_space<vmem>> -> memref<1x64xf32, #tpu.memory_space<vmem>>
      %dma_start3A_609 = arith.constant 0 : i32
      %dma_start3A_610 = tpu.memref_slice %arg4[%squeeze3A_593, %dma_start3A_609] : memref<1000000x64xf32, #tpu.memory_space<hbm>> -> memref<1x64xf32, #tpu.memory_space<hbm>>
      tpu.enqueue_dma source(%dma_start3A_610 : memref<1x64xf32, #tpu.memory_space<hbm>>) target(%dma_start3A_608 : memref<1x64xf32, #tpu.memory_space<vmem>>) target_semaphore(%arg12 : memref<!tpu.dma_semaphore, #tpu.memory_space<semaphore_mem>>)
      %mul3A_611 = arith.constant 16 : i32
      %mul3A_612 = arith.muli %scan3A_172, %mul3A_611 : i32
      %add3A_613 = arith.constant 12 : i32
      %add3A_614 = arith.addi %mul3A_612, %add3A_613 : i32
      %dma_start3A_615 = arith.constant 0 : i32
      %dma_start3A_616 = arith.constant 0 : i32
      %dma_start3A_617 = tpu.memref_slice %arg11[%dma_start3A_615, %add3A_614, %dma_start3A_616] : memref<2x128x64xf32, #tpu.memory_space<vmem>> -> memref<1x1x64xf32, #tpu.memory_space<vmem>>
      %dma_start3A_618 = tpu.memref_squeeze %dma_start3A_617 : memref<1x1x64xf32, #tpu.memory_space<vmem>> -> memref<1x64xf32, #tpu.memory_space<vmem>>
      %dma_start3A_619 = arith.constant 0 : i32
      %dma_start3A_620 = tpu.memref_slice %arg5[%squeeze3A_595, %dma_start3A_619] : memref<1000000x64xf32, #tpu.memory_space<hbm>> -> memref<1x64xf32, #tpu.memory_space<hbm>>
      %dma_start3A_621 = arith.constant 0 : i32
      %dma_start3A_622 = tpu.memref_slice %arg11[%dma_start3A_615, %add3A_614, %dma_start3A_621] : memref<2x128x64xf32, #tpu.memory_space<vmem>> -> memref<1x1x64xf32, #tpu.memory_space<vmem>>
      %dma_start3A_623 = tpu.memref_squeeze %dma_start3A_622 : memref<1x1x64xf32, #tpu.memory_space<vmem>> -> memref<1x64xf32, #tpu.memory_space<vmem>>
      %dma_start3A_624 = arith.constant 0 : i32
      %dma_start3A_625 = tpu.memref_slice %arg5[%squeeze3A_595, %dma_start3A_624] : memref<1000000x64xf32, #tpu.memory_space<hbm>> -> memref<1x64xf32, #tpu.memory_space<hbm>>
      tpu.enqueue_dma source(%dma_start3A_625 : memref<1x64xf32, #tpu.memory_space<hbm>>) target(%dma_start3A_623 : memref<1x64xf32, #tpu.memory_space<vmem>>) target_semaphore(%arg14 : memref<!tpu.dma_semaphore, #tpu.memory_space<semaphore_mem>>)
      %slice3A_626 = vector.extract_strided_slice %get3A_179 {offsets = [13], sizes = [1], strides = [1]} : vector<16xi32> to vector<1xi32>
      %squeeze3A_627 = vector.extract %slice3A_626[0] : i32 from vector<1xi32>
      %slice3A_628 = vector.extract_strided_slice %get3A_186 {offsets = [13], sizes = [1], strides = [1]} : vector<16xi32> to vector<1xi32>
      %squeeze3A_629 = vector.extract %slice3A_628[0] : i32 from vector<1xi32>
      %mul3A_630 = arith.constant 16 : i32
      %mul3A_631 = arith.muli %scan3A_172, %mul3A_630 : i32
      %add3A_632 = arith.constant 13 : i32
      %add3A_633 = arith.addi %mul3A_631, %add3A_632 : i32
      %dma_start3A_634 = arith.constant 0 : i32
      %dma_start3A_635 = arith.constant 0 : i32
      %dma_start3A_636 = tpu.memref_slice %arg10[%dma_start3A_634, %add3A_633, %dma_start3A_635] : memref<2x128x64xf32, #tpu.memory_space<vmem>> -> memref<1x1x64xf32, #tpu.memory_space<vmem>>
      %dma_start3A_637 = tpu.memref_squeeze %dma_start3A_636 : memref<1x1x64xf32, #tpu.memory_space<vmem>> -> memref<1x64xf32, #tpu.memory_space<vmem>>
      %dma_start3A_638 = arith.constant 0 : i32
      %dma_start3A_639 = tpu.memref_slice %arg4[%squeeze3A_627, %dma_start3A_638] : memref<1000000x64xf32, #tpu.memory_space<hbm>> -> memref<1x64xf32, #tpu.memory_space<hbm>>
      %dma_start3A_640 = arith.constant 0 : i32
      %dma_start3A_641 = tpu.memref_slice %arg10[%dma_start3A_634, %add3A_633, %dma_start3A_640] : memref<2x128x64xf32, #tpu.memory_space<vmem>> -> memref<1x1x64xf32, #tpu.memory_space<vmem>>
      %dma_start3A_642 = tpu.memref_squeeze %dma_start3A_641 : memref<1x1x64xf32, #tpu.memory_space<vmem>> -> memref<1x64xf32, #tpu.memory_space<vmem>>
      %dma_start3A_643 = arith.constant 0 : i32
      %dma_start3A_644 = tpu.memref_slice %arg4[%squeeze3A_627, %dma_start3A_643] : memref<1000000x64xf32, #tpu.memory_space<hbm>> -> memref<1x64xf32, #tpu.memory_space<hbm>>
      tpu.enqueue_dma source(%dma_start3A_644 : memref<1x64xf32, #tpu.memory_space<hbm>>) target(%dma_start3A_642 : memref<1x64xf32, #tpu.memory_space<vmem>>) target_semaphore(%arg12 : memref<!tpu.dma_semaphore, #tpu.memory_space<semaphore_mem>>)
      %mul3A_645 = arith.constant 16 : i32
      %mul3A_646 = arith.muli %scan3A_172, %mul3A_645 : i32
      %add3A_647 = arith.constant 13 : i32
      %add3A_648 = arith.addi %mul3A_646, %add3A_647 : i32
      %dma_start3A_649 = arith.constant 0 : i32
      %dma_start3A_650 = arith.constant 0 : i32
      %dma_start3A_651 = tpu.memref_slice %arg11[%dma_start3A_649, %add3A_648, %dma_start3A_650] : memref<2x128x64xf32, #tpu.memory_space<vmem>> -> memref<1x1x64xf32, #tpu.memory_space<vmem>>
      %dma_start3A_652 = tpu.memref_squeeze %dma_start3A_651 : memref<1x1x64xf32, #tpu.memory_space<vmem>> -> memref<1x64xf32, #tpu.memory_space<vmem>>
      %dma_start3A_653 = arith.constant 0 : i32
      %dma_start3A_654 = tpu.memref_slice %arg5[%squeeze3A_629, %dma_start3A_653] : memref<1000000x64xf32, #tpu.memory_space<hbm>> -> memref<1x64xf32, #tpu.memory_space<hbm>>
      %dma_start3A_655 = arith.constant 0 : i32
      %dma_start3A_656 = tpu.memref_slice %arg11[%dma_start3A_649, %add3A_648, %dma_start3A_655] : memref<2x128x64xf32, #tpu.memory_space<vmem>> -> memref<1x1x64xf32, #tpu.memory_space<vmem>>
      %dma_start3A_657 = tpu.memref_squeeze %dma_start3A_656 : memref<1x1x64xf32, #tpu.memory_space<vmem>> -> memref<1x64xf32, #tpu.memory_space<vmem>>
      %dma_start3A_658 = arith.constant 0 : i32
      %dma_start3A_659 = tpu.memref_slice %arg5[%squeeze3A_629, %dma_start3A_658] : memref<1000000x64xf32, #tpu.memory_space<hbm>> -> memref<1x64xf32, #tpu.memory_space<hbm>>
      tpu.enqueue_dma source(%dma_start3A_659 : memref<1x64xf32, #tpu.memory_space<hbm>>) target(%dma_start3A_657 : memref<1x64xf32, #tpu.memory_space<vmem>>) target_semaphore(%arg14 : memref<!tpu.dma_semaphore, #tpu.memory_space<semaphore_mem>>)
      %slice3A_660 = vector.extract_strided_slice %get3A_179 {offsets = [14], sizes = [1], strides = [1]} : vector<16xi32> to vector<1xi32>
      %squeeze3A_661 = vector.extract %slice3A_660[0] : i32 from vector<1xi32>
      %slice3A_662 = vector.extract_strided_slice %get3A_186 {offsets = [14], sizes = [1], strides = [1]} : vector<16xi32> to vector<1xi32>
      %squeeze3A_663 = vector.extract %slice3A_662[0] : i32 from vector<1xi32>
      %mul3A_664 = arith.constant 16 : i32
      %mul3A_665 = arith.muli %scan3A_172, %mul3A_664 : i32
      %add3A_666 = arith.constant 14 : i32
      %add3A_667 = arith.addi %mul3A_665, %add3A_666 : i32
      %dma_start3A_668 = arith.constant 0 : i32
      %dma_start3A_669 = arith.constant 0 : i32
      %dma_start3A_670 = tpu.memref_slice %arg10[%dma_start3A_668, %add3A_667, %dma_start3A_669] : memref<2x128x64xf32, #tpu.memory_space<vmem>> -> memref<1x1x64xf32, #tpu.memory_space<vmem>>
      %dma_start3A_671 = tpu.memref_squeeze %dma_start3A_670 : memref<1x1x64xf32, #tpu.memory_space<vmem>> -> memref<1x64xf32, #tpu.memory_space<vmem>>
      %dma_start3A_672 = arith.constant 0 : i32
      %dma_start3A_673 = tpu.memref_slice %arg4[%squeeze3A_661, %dma_start3A_672] : memref<1000000x64xf32, #tpu.memory_space<hbm>> -> memref<1x64xf32, #tpu.memory_space<hbm>>
      %dma_start3A_674 = arith.constant 0 : i32
      %dma_start3A_675 = tpu.memref_slice %arg10[%dma_start3A_668, %add3A_667, %dma_start3A_674] : memref<2x128x64xf32, #tpu.memory_space<vmem>> -> memref<1x1x64xf32, #tpu.memory_space<vmem>>
      %dma_start3A_676 = tpu.memref_squeeze %dma_start3A_675 : memref<1x1x64xf32, #tpu.memory_space<vmem>> -> memref<1x64xf32, #tpu.memory_space<vmem>>
      %dma_start3A_677 = arith.constant 0 : i32
      %dma_start3A_678 = tpu.memref_slice %arg4[%squeeze3A_661, %dma_start3A_677] : memref<1000000x64xf32, #tpu.memory_space<hbm>> -> memref<1x64xf32, #tpu.memory_space<hbm>>
      tpu.enqueue_dma source(%dma_start3A_678 : memref<1x64xf32, #tpu.memory_space<hbm>>) target(%dma_start3A_676 : memref<1x64xf32, #tpu.memory_space<vmem>>) target_semaphore(%arg12 : memref<!tpu.dma_semaphore, #tpu.memory_space<semaphore_mem>>)
      %mul3A_679 = arith.constant 16 : i32
      %mul3A_680 = arith.muli %scan3A_172, %mul3A_679 : i32
      %add3A_681 = arith.constant 14 : i32
      %add3A_682 = arith.addi %mul3A_680, %add3A_681 : i32
      %dma_start3A_683 = arith.constant 0 : i32
      %dma_start3A_684 = arith.constant 0 : i32
      %dma_start3A_685 = tpu.memref_slice %arg11[%dma_start3A_683, %add3A_682, %dma_start3A_684] : memref<2x128x64xf32, #tpu.memory_space<vmem>> -> memref<1x1x64xf32, #tpu.memory_space<vmem>>
      %dma_start3A_686 = tpu.memref_squeeze %dma_start3A_685 : memref<1x1x64xf32, #tpu.memory_space<vmem>> -> memref<1x64xf32, #tpu.memory_space<vmem>>
      %dma_start3A_687 = arith.constant 0 : i32
      %dma_start3A_688 = tpu.memref_slice %arg5[%squeeze3A_663, %dma_start3A_687] : memref<1000000x64xf32, #tpu.memory_space<hbm>> -> memref<1x64xf32, #tpu.memory_space<hbm>>
      %dma_start3A_689 = arith.constant 0 : i32
      %dma_start3A_690 = tpu.memref_slice %arg11[%dma_start3A_683, %add3A_682, %dma_start3A_689] : memref<2x128x64xf32, #tpu.memory_space<vmem>> -> memref<1x1x64xf32, #tpu.memory_space<vmem>>
      %dma_start3A_691 = tpu.memref_squeeze %dma_start3A_690 : memref<1x1x64xf32, #tpu.memory_space<vmem>> -> memref<1x64xf32, #tpu.memory_space<vmem>>
      %dma_start3A_692 = arith.constant 0 : i32
      %dma_start3A_693 = tpu.memref_slice %arg5[%squeeze3A_663, %dma_start3A_692] : memref<1000000x64xf32, #tpu.memory_space<hbm>> -> memref<1x64xf32, #tpu.memory_space<hbm>>
      tpu.enqueue_dma source(%dma_start3A_693 : memref<1x64xf32, #tpu.memory_space<hbm>>) target(%dma_start3A_691 : memref<1x64xf32, #tpu.memory_space<vmem>>) target_semaphore(%arg14 : memref<!tpu.dma_semaphore, #tpu.memory_space<semaphore_mem>>)
      %slice3A_694 = vector.extract_strided_slice %get3A_179 {offsets = [15], sizes = [1], strides = [1]} : vector<16xi32> to vector<1xi32>
      %squeeze3A_695 = vector.extract %slice3A_694[0] : i32 from vector<1xi32>
      %slice3A_696 = vector.extract_strided_slice %get3A_186 {offsets = [15], sizes = [1], strides = [1]} : vector<16xi32> to vector<1xi32>
      %squeeze3A_697 = vector.extract %slice3A_696[0] : i32 from vector<1xi32>
      %mul3A_698 = arith.constant 16 : i32
      %mul3A_699 = arith.muli %scan3A_172, %mul3A_698 : i32
      %add3A_700 = arith.constant 15 : i32
      %add3A_701 = arith.addi %mul3A_699, %add3A_700 : i32
      %dma_start3A_702 = arith.constant 0 : i32
      %dma_start3A_703 = arith.constant 0 : i32
      %dma_start3A_704 = tpu.memref_slice %arg10[%dma_start3A_702, %add3A_701, %dma_start3A_703] : memref<2x128x64xf32, #tpu.memory_space<vmem>> -> memref<1x1x64xf32, #tpu.memory_space<vmem>>
      %dma_start3A_705 = tpu.memref_squeeze %dma_start3A_704 : memref<1x1x64xf32, #tpu.memory_space<vmem>> -> memref<1x64xf32, #tpu.memory_space<vmem>>
      %dma_start3A_706 = arith.constant 0 : i32
      %dma_start3A_707 = tpu.memref_slice %arg4[%squeeze3A_695, %dma_start3A_706] : memref<1000000x64xf32, #tpu.memory_space<hbm>> -> memref<1x64xf32, #tpu.memory_space<hbm>>
      %dma_start3A_708 = arith.constant 0 : i32
      %dma_start3A_709 = tpu.memref_slice %arg10[%dma_start3A_702, %add3A_701, %dma_start3A_708] : memref<2x128x64xf32, #tpu.memory_space<vmem>> -> memref<1x1x64xf32, #tpu.memory_space<vmem>>
      %dma_start3A_710 = tpu.memref_squeeze %dma_start3A_709 : memref<1x1x64xf32, #tpu.memory_space<vmem>> -> memref<1x64xf32, #tpu.memory_space<vmem>>
      %dma_start3A_711 = arith.constant 0 : i32
      %dma_start3A_712 = tpu.memref_slice %arg4[%squeeze3A_695, %dma_start3A_711] : memref<1000000x64xf32, #tpu.memory_space<hbm>> -> memref<1x64xf32, #tpu.memory_space<hbm>>
      tpu.enqueue_dma source(%dma_start3A_712 : memref<1x64xf32, #tpu.memory_space<hbm>>) target(%dma_start3A_710 : memref<1x64xf32, #tpu.memory_space<vmem>>) target_semaphore(%arg12 : memref<!tpu.dma_semaphore, #tpu.memory_space<semaphore_mem>>)
      %mul3A_713 = arith.constant 16 : i32
      %mul3A_714 = arith.muli %scan3A_172, %mul3A_713 : i32
      %add3A_715 = arith.constant 15 : i32
      %add3A_716 = arith.addi %mul3A_714, %add3A_715 : i32
      %dma_start3A_717 = arith.constant 0 : i32
      %dma_start3A_718 = arith.constant 0 : i32
      %dma_start3A_719 = tpu.memref_slice %arg11[%dma_start3A_717, %add3A_716, %dma_start3A_718] : memref<2x128x64xf32, #tpu.memory_space<vmem>> -> memref<1x1x64xf32, #tpu.memory_space<vmem>>
      %dma_start3A_720 = tpu.memref_squeeze %dma_start3A_719 : memref<1x1x64xf32, #tpu.memory_space<vmem>> -> memref<1x64xf32, #tpu.memory_space<vmem>>
      %dma_start3A_721 = arith.constant 0 : i32
      %dma_start3A_722 = tpu.memref_slice %arg5[%squeeze3A_697, %dma_start3A_721] : memref<1000000x64xf32, #tpu.memory_space<hbm>> -> memref<1x64xf32, #tpu.memory_space<hbm>>
      %dma_start3A_723 = arith.constant 0 : i32
      %dma_start3A_724 = tpu.memref_slice %arg11[%dma_start3A_717, %add3A_716, %dma_start3A_723] : memref<2x128x64xf32, #tpu.memory_space<vmem>> -> memref<1x1x64xf32, #tpu.memory_space<vmem>>
      %dma_start3A_725 = tpu.memref_squeeze %dma_start3A_724 : memref<1x1x64xf32, #tpu.memory_space<vmem>> -> memref<1x64xf32, #tpu.memory_space<vmem>>
      %dma_start3A_726 = arith.constant 0 : i32
      %dma_start3A_727 = tpu.memref_slice %arg5[%squeeze3A_697, %dma_start3A_726] : memref<1000000x64xf32, #tpu.memory_space<hbm>> -> memref<1x64xf32, #tpu.memory_space<hbm>>
      tpu.enqueue_dma source(%dma_start3A_727 : memref<1x64xf32, #tpu.memory_space<hbm>>) target(%dma_start3A_725 : memref<1x64xf32, #tpu.memory_space<vmem>>) target_semaphore(%arg14 : memref<!tpu.dma_semaphore, #tpu.memory_space<semaphore_mem>>)
      %scan3A_728 = arith.constant 0 : i32
      scf.yield %scan3A_728 : i32
    }
    %scan3A_56 = arith.constant 8 : i32
    %dma_wait3A_57 = arith.constant 1 : i32
    %dma_wait3A_58 = arith.constant 0 : i32
    %dma_wait3A_59 = arith.constant 0 : i32
    %dma_wait3A_60 = tpu.memref_slice %arg10[%dma_wait3A_57, %dma_wait3A_58, %dma_wait3A_59] : memref<2x128x64xf32, #tpu.memory_space<vmem>> -> memref<1x128x64xf32, #tpu.memory_space<vmem>>
    %dma_wait3A_61 = tpu.memref_squeeze %dma_wait3A_60 : memref<1x128x64xf32, #tpu.memory_space<vmem>> -> memref<128x64xf32, #tpu.memory_space<vmem>>
    %dma_wait3A_62 = arith.constant 0 : i32
    %dma_wait3A_63 = arith.constant 0 : i32
    %dma_wait3A_64 = tpu.memref_slice %arg4[%dma_wait3A_62, %dma_wait3A_63] : memref<1000000x64xf32, #tpu.memory_space<hbm>> -> memref<128x64xf32, #tpu.memory_space<hbm>>
    %dma_wait3A_65 = arith.constant 0 : i32
    %dma_wait3A_66 = arith.constant 0 : i32
    %dma_wait3A_67 = tpu.memref_slice %arg10[%dma_wait3A_57, %dma_wait3A_65, %dma_wait3A_66] : memref<2x128x64xf32, #tpu.memory_space<vmem>> -> memref<1x128x64xf32, #tpu.memory_space<vmem>>
    %dma_wait3A_68 = tpu.memref_squeeze %dma_wait3A_67 : memref<1x128x64xf32, #tpu.memory_space<vmem>> -> memref<128x64xf32, #tpu.memory_space<vmem>>
    %dma_wait3A_69 = arith.constant 0 : i32
    %dma_wait3A_70 = arith.constant 0 : i32
    %dma_wait3A_71 = tpu.memref_slice %arg4[%dma_wait3A_69, %dma_wait3A_70] : memref<1000000x64xf32, #tpu.memory_space<hbm>> -> memref<128x64xf32, #tpu.memory_space<hbm>>
    tpu.wait_dma2 semaphore(%arg13 : memref<!tpu.dma_semaphore, #tpu.memory_space<semaphore_mem>>) src(%dma_wait3A_71 : memref<128x64xf32, #tpu.memory_space<hbm>>) dst(%dma_wait3A_68 : memref<128x64xf32, #tpu.memory_space<vmem>>)
    %dma_wait3A_72 = arith.constant 1 : i32
    %dma_wait3A_73 = arith.constant 0 : i32
    %dma_wait3A_74 = arith.constant 0 : i32
    %dma_wait3A_75 = tpu.memref_slice %arg11[%dma_wait3A_72, %dma_wait3A_73, %dma_wait3A_74] : memref<2x128x64xf32, #tpu.memory_space<vmem>> -> memref<1x128x64xf32, #tpu.memory_space<vmem>>
    %dma_wait3A_76 = tpu.memref_squeeze %dma_wait3A_75 : memref<1x128x64xf32, #tpu.memory_space<vmem>> -> memref<128x64xf32, #tpu.memory_space<vmem>>
    %dma_wait3A_77 = arith.constant 0 : i32
    %dma_wait3A_78 = arith.constant 0 : i32
    %dma_wait3A_79 = tpu.memref_slice %arg5[%dma_wait3A_77, %dma_wait3A_78] : memref<1000000x64xf32, #tpu.memory_space<hbm>> -> memref<128x64xf32, #tpu.memory_space<hbm>>
    %dma_wait3A_80 = arith.constant 0 : i32
    %dma_wait3A_81 = arith.constant 0 : i32
    %dma_wait3A_82 = tpu.memref_slice %arg11[%dma_wait3A_72, %dma_wait3A_80, %dma_wait3A_81] : memref<2x128x64xf32, #tpu.memory_space<vmem>> -> memref<1x128x64xf32, #tpu.memory_space<vmem>>
    %dma_wait3A_83 = tpu.memref_squeeze %dma_wait3A_82 : memref<1x128x64xf32, #tpu.memory_space<vmem>> -> memref<128x64xf32, #tpu.memory_space<vmem>>
    %dma_wait3A_84 = arith.constant 0 : i32
    %dma_wait3A_85 = arith.constant 0 : i32
    %dma_wait3A_86 = tpu.memref_slice %arg5[%dma_wait3A_84, %dma_wait3A_85] : memref<1000000x64xf32, #tpu.memory_space<hbm>> -> memref<128x64xf32, #tpu.memory_space<hbm>>
    tpu.wait_dma2 semaphore(%arg15 : memref<!tpu.dma_semaphore, #tpu.memory_space<semaphore_mem>>) src(%dma_wait3A_86 : memref<128x64xf32, #tpu.memory_space<hbm>>) dst(%dma_wait3A_83 : memref<128x64xf32, #tpu.memory_space<vmem>>)
    %add3A_87 = arith.constant 128 : i32
    %add3A_88 = arith.addi %mul3A_2, %add3A_87 : i32
    %run_scoped3A_89 = arith.constant 1 : i32
    "tpu.region"() ({
      %run_scoped3A_172 = tpu.sem_alloc : memref<!tpu.dma_semaphore, #tpu.memory_space<semaphore_mem>>
      %dma_start3A = arith.constant 0 : i32
      %dma_start3A_173 = arith.constant 0 : i32
      %dma_start3A_174 = tpu.memref_slice %arg10[%run_scoped3A_89, %dma_start3A, %dma_start3A_173] : memref<2x128x64xf32, #tpu.memory_space<vmem>> -> memref<1x128x64xf32, #tpu.memory_space<vmem>>
      %dma_start3A_175 = tpu.memref_squeeze %dma_start3A_174 : memref<1x128x64xf32, #tpu.memory_space<vmem>> -> memref<128x64xf32, #tpu.memory_space<vmem>>
      %dma_start3A_176 = arith.constant 0 : i32
      %dma_start3A_177 = tpu.memref_slice %arg6[%add3A_88, %dma_start3A_176] : memref<16384x64xf32, #tpu.memory_space<hbm>> -> memref<128x64xf32, #tpu.memory_space<hbm>>
      %dma_start3A_178 = arith.constant 0 : i32
      %dma_start3A_179 = tpu.memref_slice %arg6[%add3A_88, %dma_start3A_178] : memref<16384x64xf32, #tpu.memory_space<hbm>> -> memref<128x64xf32, #tpu.memory_space<hbm>>
      %dma_start3A_180 = arith.constant 0 : i32
      %dma_start3A_181 = arith.constant 0 : i32
      %dma_start3A_182 = tpu.memref_slice %arg10[%run_scoped3A_89, %dma_start3A_180, %dma_start3A_181] : memref<2x128x64xf32, #tpu.memory_space<vmem>> -> memref<1x128x64xf32, #tpu.memory_space<vmem>>
      %dma_start3A_183 = tpu.memref_squeeze %dma_start3A_182 : memref<1x128x64xf32, #tpu.memory_space<vmem>> -> memref<128x64xf32, #tpu.memory_space<vmem>>
      tpu.enqueue_dma source(%dma_start3A_183 : memref<128x64xf32, #tpu.memory_space<vmem>>) target(%dma_start3A_179 : memref<128x64xf32, #tpu.memory_space<hbm>>) target_semaphore(%run_scoped3A_172 : memref<!tpu.dma_semaphore, #tpu.memory_space<semaphore_mem>>)
      %dma_wait3A_184 = arith.constant 0 : i32
      %dma_wait3A_185 = arith.constant 0 : i32
      %dma_wait3A_186 = tpu.memref_slice %arg10[%run_scoped3A_89, %dma_wait3A_184, %dma_wait3A_185] : memref<2x128x64xf32, #tpu.memory_space<vmem>> -> memref<1x128x64xf32, #tpu.memory_space<vmem>>
      %dma_wait3A_187 = tpu.memref_squeeze %dma_wait3A_186 : memref<1x128x64xf32, #tpu.memory_space<vmem>> -> memref<128x64xf32, #tpu.memory_space<vmem>>
      %dma_wait3A_188 = arith.constant 0 : i32
      %dma_wait3A_189 = tpu.memref_slice %arg6[%add3A_88, %dma_wait3A_188] : memref<16384x64xf32, #tpu.memory_space<hbm>> -> memref<128x64xf32, #tpu.memory_space<hbm>>
      %dma_wait3A_190 = arith.constant 0 : i32
      %dma_wait3A_191 = tpu.memref_slice %arg6[%add3A_88, %dma_wait3A_190] : memref<16384x64xf32, #tpu.memory_space<hbm>> -> memref<128x64xf32, #tpu.memory_space<hbm>>
      %dma_wait3A_192 = arith.constant 0 : i32
      %dma_wait3A_193 = arith.constant 0 : i32
      %dma_wait3A_194 = tpu.memref_slice %arg10[%run_scoped3A_89, %dma_wait3A_192, %dma_wait3A_193] : memref<2x128x64xf32, #tpu.memory_space<vmem>> -> memref<1x128x64xf32, #tpu.memory_space<vmem>>
      %dma_wait3A_195 = tpu.memref_squeeze %dma_wait3A_194 : memref<1x128x64xf32, #tpu.memory_space<vmem>> -> memref<128x64xf32, #tpu.memory_space<vmem>>
      tpu.wait_dma2 semaphore(%run_scoped3A_172 : memref<!tpu.dma_semaphore, #tpu.memory_space<semaphore_mem>>) src(%dma_wait3A_195 : memref<128x64xf32, #tpu.memory_space<vmem>>) dst(%dma_wait3A_191 : memref<128x64xf32, #tpu.memory_space<hbm>>)
      tpu.yield
    }) : () -> ()
    %add3A_90 = arith.constant 128 : i32
    %add3A_91 = arith.addi %mul3A_2, %add3A_90 : i32
    %run_scoped3A_92 = arith.constant 1 : i32
    "tpu.region"() ({
      %run_scoped3A_172 = tpu.sem_alloc : memref<!tpu.dma_semaphore, #tpu.memory_space<semaphore_mem>>
      %dma_start3A = arith.constant 0 : i32
      %dma_start3A_173 = arith.constant 0 : i32
      %dma_start3A_174 = tpu.memref_slice %arg11[%run_scoped3A_92, %dma_start3A, %dma_start3A_173] : memref<2x128x64xf32, #tpu.memory_space<vmem>> -> memref<1x128x64xf32, #tpu.memory_space<vmem>>
      %dma_start3A_175 = tpu.memref_squeeze %dma_start3A_174 : memref<1x128x64xf32, #tpu.memory_space<vmem>> -> memref<128x64xf32, #tpu.memory_space<vmem>>
      %dma_start3A_176 = arith.constant 0 : i32
      %dma_start3A_177 = tpu.memref_slice %arg7[%add3A_91, %dma_start3A_176] : memref<16384x64xf32, #tpu.memory_space<hbm>> -> memref<128x64xf32, #tpu.memory_space<hbm>>
      %dma_start3A_178 = arith.constant 0 : i32
      %dma_start3A_179 = tpu.memref_slice %arg7[%add3A_91, %dma_start3A_178] : memref<16384x64xf32, #tpu.memory_space<hbm>> -> memref<128x64xf32, #tpu.memory_space<hbm>>
      %dma_start3A_180 = arith.constant 0 : i32
      %dma_start3A_181 = arith.constant 0 : i32
      %dma_start3A_182 = tpu.memref_slice %arg11[%run_scoped3A_92, %dma_start3A_180, %dma_start3A_181] : memref<2x128x64xf32, #tpu.memory_space<vmem>> -> memref<1x128x64xf32, #tpu.memory_space<vmem>>
      %dma_start3A_183 = tpu.memref_squeeze %dma_start3A_182 : memref<1x128x64xf32, #tpu.memory_space<vmem>> -> memref<128x64xf32, #tpu.memory_space<vmem>>
      tpu.enqueue_dma source(%dma_start3A_183 : memref<128x64xf32, #tpu.memory_space<vmem>>) target(%dma_start3A_179 : memref<128x64xf32, #tpu.memory_space<hbm>>) target_semaphore(%run_scoped3A_172 : memref<!tpu.dma_semaphore, #tpu.memory_space<semaphore_mem>>)
      %dma_wait3A_184 = arith.constant 0 : i32
      %dma_wait3A_185 = arith.constant 0 : i32
      %dma_wait3A_186 = tpu.memref_slice %arg11[%run_scoped3A_92, %dma_wait3A_184, %dma_wait3A_185] : memref<2x128x64xf32, #tpu.memory_space<vmem>> -> memref<1x128x64xf32, #tpu.memory_space<vmem>>
      %dma_wait3A_187 = tpu.memref_squeeze %dma_wait3A_186 : memref<1x128x64xf32, #tpu.memory_space<vmem>> -> memref<128x64xf32, #tpu.memory_space<vmem>>
      %dma_wait3A_188 = arith.constant 0 : i32
      %dma_wait3A_189 = tpu.memref_slice %arg7[%add3A_91, %dma_wait3A_188] : memref<16384x64xf32, #tpu.memory_space<hbm>> -> memref<128x64xf32, #tpu.memory_space<hbm>>
      %dma_wait3A_190 = arith.constant 0 : i32
      %dma_wait3A_191 = tpu.memref_slice %arg7[%add3A_91, %dma_wait3A_190] : memref<16384x64xf32, #tpu.memory_space<hbm>> -> memref<128x64xf32, #tpu.memory_space<hbm>>
      %dma_wait3A_192 = arith.constant 0 : i32
      %dma_wait3A_193 = arith.constant 0 : i32
      %dma_wait3A_194 = tpu.memref_slice %arg11[%run_scoped3A_92, %dma_wait3A_192, %dma_wait3A_193] : memref<2x128x64xf32, #tpu.memory_space<vmem>> -> memref<1x128x64xf32, #tpu.memory_space<vmem>>
      %dma_wait3A_195 = tpu.memref_squeeze %dma_wait3A_194 : memref<1x128x64xf32, #tpu.memory_space<vmem>> -> memref<128x64xf32, #tpu.memory_space<vmem>>
      tpu.wait_dma2 semaphore(%run_scoped3A_172 : memref<!tpu.dma_semaphore, #tpu.memory_space<semaphore_mem>>) src(%dma_wait3A_195 : memref<128x64xf32, #tpu.memory_space<vmem>>) dst(%dma_wait3A_191 : memref<128x64xf32, #tpu.memory_space<hbm>>)
      tpu.yield
    }) : () -> ()
    %scan3A_93 = arith.constant 0 : i32
    %scan3A_94 = arith.constant 0 : i32
    %scan3A_95 = arith.constant 8 : i32
    %scan3A_96 = arith.addi %scan3A_94, %scan3A_95 : i32
    %scan3A_97 = arith.constant 1 : i32
    %scan3A_98 = scf.for %scan3A_172 = %scan3A_94 to %scan3A_96 step %scan3A_97 iter_args(%scan3A_173 = %scan3A_93) -> (i32)  : i32 {
      %mul3A_174 = arith.constant 16 : i32
      %mul3A_175 = arith.muli %scan3A_172, %mul3A_174 : i32
      %add3A_176 = arith.constant 384 : i32
      %add3A_177 = arith.addi %add3A_176, %mul3A_175 : i32
      %get3A = arith.index_cast %add3A_177 : i32 to index
      %get3A_178 = tpu.vector_load %arg8[%get3A] {strides = array<i32>} : memref<512xi32, #tpu.memory_space<vmem>>, vector<16xi32>,
      %get3A_179 = vector.shape_cast %get3A_178 : vector<16xi32> to vector<16xi32>
      %mul3A_180 = arith.constant 16 : i32
      %mul3A_181 = arith.muli %scan3A_172, %mul3A_180 : i32
      %add3A_182 = arith.constant 384 : i32
      %add3A_183 = arith.addi %add3A_182, %mul3A_181 : i32
      %get3A_184 = arith.index_cast %add3A_183 : i32 to index
      %get3A_185 = tpu.vector_load %arg9[%get3A_184] {strides = array<i32>} : memref<512xi32, #tpu.memory_space<vmem>>, vector<16xi32>,
      %get3A_186 = vector.shape_cast %get3A_185 : vector<16xi32> to vector<16xi32>
      %slice3A = vector.extract_strided_slice %get3A_179 {offsets = [0], sizes = [1], strides = [1]} : vector<16xi32> to vector<1xi32>
      %squeeze3A = vector.extract %slice3A[0] : i32 from vector<1xi32>
      %slice3A_187 = vector.extract_strided_slice %get3A_186 {offsets = [0], sizes = [1], strides = [1]} : vector<16xi32> to vector<1xi32>
      %squeeze3A_188 = vector.extract %slice3A_187[0] : i32 from vector<1xi32>
      %mul3A_189 = arith.constant 16 : i32
      %mul3A_190 = arith.muli %scan3A_172, %mul3A_189 : i32
      %add3A_191 = arith.constant 0 : i32
      %add3A_192 = arith.addi %mul3A_190, %add3A_191 : i32
      %dma_start3A = arith.constant 1 : i32
      %dma_start3A_193 = arith.constant 0 : i32
      %dma_start3A_194 = tpu.memref_slice %arg10[%dma_start3A, %add3A_192, %dma_start3A_193] : memref<2x128x64xf32, #tpu.memory_space<vmem>> -> memref<1x1x64xf32, #tpu.memory_space<vmem>>
      %dma_start3A_195 = tpu.memref_squeeze %dma_start3A_194 : memref<1x1x64xf32, #tpu.memory_space<vmem>> -> memref<1x64xf32, #tpu.memory_space<vmem>>
      %dma_start3A_196 = arith.constant 0 : i32
      %dma_start3A_197 = tpu.memref_slice %arg4[%squeeze3A, %dma_start3A_196] : memref<1000000x64xf32, #tpu.memory_space<hbm>> -> memref<1x64xf32, #tpu.memory_space<hbm>>
      %dma_start3A_198 = arith.constant 0 : i32
      %dma_start3A_199 = tpu.memref_slice %arg10[%dma_start3A, %add3A_192, %dma_start3A_198] : memref<2x128x64xf32, #tpu.memory_space<vmem>> -> memref<1x1x64xf32, #tpu.memory_space<vmem>>
      %dma_start3A_200 = tpu.memref_squeeze %dma_start3A_199 : memref<1x1x64xf32, #tpu.memory_space<vmem>> -> memref<1x64xf32, #tpu.memory_space<vmem>>
      %dma_start3A_201 = arith.constant 0 : i32
      %dma_start3A_202 = tpu.memref_slice %arg4[%squeeze3A, %dma_start3A_201] : memref<1000000x64xf32, #tpu.memory_space<hbm>> -> memref<1x64xf32, #tpu.memory_space<hbm>>
      tpu.enqueue_dma source(%dma_start3A_202 : memref<1x64xf32, #tpu.memory_space<hbm>>) target(%dma_start3A_200 : memref<1x64xf32, #tpu.memory_space<vmem>>) target_semaphore(%arg13 : memref<!tpu.dma_semaphore, #tpu.memory_space<semaphore_mem>>)
      %mul3A_203 = arith.constant 16 : i32
      %mul3A_204 = arith.muli %scan3A_172, %mul3A_203 : i32
      %add3A_205 = arith.constant 0 : i32
      %add3A_206 = arith.addi %mul3A_204, %add3A_205 : i32
      %dma_start3A_207 = arith.constant 1 : i32
      %dma_start3A_208 = arith.constant 0 : i32
      %dma_start3A_209 = tpu.memref_slice %arg11[%dma_start3A_207, %add3A_206, %dma_start3A_208] : memref<2x128x64xf32, #tpu.memory_space<vmem>> -> memref<1x1x64xf32, #tpu.memory_space<vmem>>
      %dma_start3A_210 = tpu.memref_squeeze %dma_start3A_209 : memref<1x1x64xf32, #tpu.memory_space<vmem>> -> memref<1x64xf32, #tpu.memory_space<vmem>>
      %dma_start3A_211 = arith.constant 0 : i32
      %dma_start3A_212 = tpu.memref_slice %arg5[%squeeze3A_188, %dma_start3A_211] : memref<1000000x64xf32, #tpu.memory_space<hbm>> -> memref<1x64xf32, #tpu.memory_space<hbm>>
      %dma_start3A_213 = arith.constant 0 : i32
      %dma_start3A_214 = tpu.memref_slice %arg11[%dma_start3A_207, %add3A_206, %dma_start3A_213] : memref<2x128x64xf32, #tpu.memory_space<vmem>> -> memref<1x1x64xf32, #tpu.memory_space<vmem>>
      %dma_start3A_215 = tpu.memref_squeeze %dma_start3A_214 : memref<1x1x64xf32, #tpu.memory_space<vmem>> -> memref<1x64xf32, #tpu.memory_space<vmem>>
      %dma_start3A_216 = arith.constant 0 : i32
      %dma_start3A_217 = tpu.memref_slice %arg5[%squeeze3A_188, %dma_start3A_216] : memref<1000000x64xf32, #tpu.memory_space<hbm>> -> memref<1x64xf32, #tpu.memory_space<hbm>>
      tpu.enqueue_dma source(%dma_start3A_217 : memref<1x64xf32, #tpu.memory_space<hbm>>) target(%dma_start3A_215 : memref<1x64xf32, #tpu.memory_space<vmem>>) target_semaphore(%arg15 : memref<!tpu.dma_semaphore, #tpu.memory_space<semaphore_mem>>)
      %slice3A_218 = vector.extract_strided_slice %get3A_179 {offsets = [1], sizes = [1], strides = [1]} : vector<16xi32> to vector<1xi32>
      %squeeze3A_219 = vector.extract %slice3A_218[0] : i32 from vector<1xi32>
      %slice3A_220 = vector.extract_strided_slice %get3A_186 {offsets = [1], sizes = [1], strides = [1]} : vector<16xi32> to vector<1xi32>
      %squeeze3A_221 = vector.extract %slice3A_220[0] : i32 from vector<1xi32>
      %mul3A_222 = arith.constant 16 : i32
      %mul3A_223 = arith.muli %scan3A_172, %mul3A_222 : i32
      %add3A_224 = arith.constant 1 : i32
      %add3A_225 = arith.addi %mul3A_223, %add3A_224 : i32
      %dma_start3A_226 = arith.constant 1 : i32
      %dma_start3A_227 = arith.constant 0 : i32
      %dma_start3A_228 = tpu.memref_slice %arg10[%dma_start3A_226, %add3A_225, %dma_start3A_227] : memref<2x128x64xf32, #tpu.memory_space<vmem>> -> memref<1x1x64xf32, #tpu.memory_space<vmem>>
      %dma_start3A_229 = tpu.memref_squeeze %dma_start3A_228 : memref<1x1x64xf32, #tpu.memory_space<vmem>> -> memref<1x64xf32, #tpu.memory_space<vmem>>
      %dma_start3A_230 = arith.constant 0 : i32
      %dma_start3A_231 = tpu.memref_slice %arg4[%squeeze3A_219, %dma_start3A_230] : memref<1000000x64xf32, #tpu.memory_space<hbm>> -> memref<1x64xf32, #tpu.memory_space<hbm>>
      %dma_start3A_232 = arith.constant 0 : i32
      %dma_start3A_233 = tpu.memref_slice %arg10[%dma_start3A_226, %add3A_225, %dma_start3A_232] : memref<2x128x64xf32, #tpu.memory_space<vmem>> -> memref<1x1x64xf32, #tpu.memory_space<vmem>>
      %dma_start3A_234 = tpu.memref_squeeze %dma_start3A_233 : memref<1x1x64xf32, #tpu.memory_space<vmem>> -> memref<1x64xf32, #tpu.memory_space<vmem>>
      %dma_start3A_235 = arith.constant 0 : i32
      %dma_start3A_236 = tpu.memref_slice %arg4[%squeeze3A_219, %dma_start3A_235] : memref<1000000x64xf32, #tpu.memory_space<hbm>> -> memref<1x64xf32, #tpu.memory_space<hbm>>
      tpu.enqueue_dma source(%dma_start3A_236 : memref<1x64xf32, #tpu.memory_space<hbm>>) target(%dma_start3A_234 : memref<1x64xf32, #tpu.memory_space<vmem>>) target_semaphore(%arg13 : memref<!tpu.dma_semaphore, #tpu.memory_space<semaphore_mem>>)
      %mul3A_237 = arith.constant 16 : i32
      %mul3A_238 = arith.muli %scan3A_172, %mul3A_237 : i32
      %add3A_239 = arith.constant 1 : i32
      %add3A_240 = arith.addi %mul3A_238, %add3A_239 : i32
      %dma_start3A_241 = arith.constant 1 : i32
      %dma_start3A_242 = arith.constant 0 : i32
      %dma_start3A_243 = tpu.memref_slice %arg11[%dma_start3A_241, %add3A_240, %dma_start3A_242] : memref<2x128x64xf32, #tpu.memory_space<vmem>> -> memref<1x1x64xf32, #tpu.memory_space<vmem>>
      %dma_start3A_244 = tpu.memref_squeeze %dma_start3A_243 : memref<1x1x64xf32, #tpu.memory_space<vmem>> -> memref<1x64xf32, #tpu.memory_space<vmem>>
      %dma_start3A_245 = arith.constant 0 : i32
      %dma_start3A_246 = tpu.memref_slice %arg5[%squeeze3A_221, %dma_start3A_245] : memref<1000000x64xf32, #tpu.memory_space<hbm>> -> memref<1x64xf32, #tpu.memory_space<hbm>>
      %dma_start3A_247 = arith.constant 0 : i32
      %dma_start3A_248 = tpu.memref_slice %arg11[%dma_start3A_241, %add3A_240, %dma_start3A_247] : memref<2x128x64xf32, #tpu.memory_space<vmem>> -> memref<1x1x64xf32, #tpu.memory_space<vmem>>
      %dma_start3A_249 = tpu.memref_squeeze %dma_start3A_248 : memref<1x1x64xf32, #tpu.memory_space<vmem>> -> memref<1x64xf32, #tpu.memory_space<vmem>>
      %dma_start3A_250 = arith.constant 0 : i32
      %dma_start3A_251 = tpu.memref_slice %arg5[%squeeze3A_221, %dma_start3A_250] : memref<1000000x64xf32, #tpu.memory_space<hbm>> -> memref<1x64xf32, #tpu.memory_space<hbm>>
      tpu.enqueue_dma source(%dma_start3A_251 : memref<1x64xf32, #tpu.memory_space<hbm>>) target(%dma_start3A_249 : memref<1x64xf32, #tpu.memory_space<vmem>>) target_semaphore(%arg15 : memref<!tpu.dma_semaphore, #tpu.memory_space<semaphore_mem>>)
      %slice3A_252 = vector.extract_strided_slice %get3A_179 {offsets = [2], sizes = [1], strides = [1]} : vector<16xi32> to vector<1xi32>
      %squeeze3A_253 = vector.extract %slice3A_252[0] : i32 from vector<1xi32>
      %slice3A_254 = vector.extract_strided_slice %get3A_186 {offsets = [2], sizes = [1], strides = [1]} : vector<16xi32> to vector<1xi32>
      %squeeze3A_255 = vector.extract %slice3A_254[0] : i32 from vector<1xi32>
      %mul3A_256 = arith.constant 16 : i32
      %mul3A_257 = arith.muli %scan3A_172, %mul3A_256 : i32
      %add3A_258 = arith.constant 2 : i32
      %add3A_259 = arith.addi %mul3A_257, %add3A_258 : i32
      %dma_start3A_260 = arith.constant 1 : i32
      %dma_start3A_261 = arith.constant 0 : i32
      %dma_start3A_262 = tpu.memref_slice %arg10[%dma_start3A_260, %add3A_259, %dma_start3A_261] : memref<2x128x64xf32, #tpu.memory_space<vmem>> -> memref<1x1x64xf32, #tpu.memory_space<vmem>>
      %dma_start3A_263 = tpu.memref_squeeze %dma_start3A_262 : memref<1x1x64xf32, #tpu.memory_space<vmem>> -> memref<1x64xf32, #tpu.memory_space<vmem>>
      %dma_start3A_264 = arith.constant 0 : i32
      %dma_start3A_265 = tpu.memref_slice %arg4[%squeeze3A_253, %dma_start3A_264] : memref<1000000x64xf32, #tpu.memory_space<hbm>> -> memref<1x64xf32, #tpu.memory_space<hbm>>
      %dma_start3A_266 = arith.constant 0 : i32
      %dma_start3A_267 = tpu.memref_slice %arg10[%dma_start3A_260, %add3A_259, %dma_start3A_266] : memref<2x128x64xf32, #tpu.memory_space<vmem>> -> memref<1x1x64xf32, #tpu.memory_space<vmem>>
      %dma_start3A_268 = tpu.memref_squeeze %dma_start3A_267 : memref<1x1x64xf32, #tpu.memory_space<vmem>> -> memref<1x64xf32, #tpu.memory_space<vmem>>
      %dma_start3A_269 = arith.constant 0 : i32
      %dma_start3A_270 = tpu.memref_slice %arg4[%squeeze3A_253, %dma_start3A_269] : memref<1000000x64xf32, #tpu.memory_space<hbm>> -> memref<1x64xf32, #tpu.memory_space<hbm>>
      tpu.enqueue_dma source(%dma_start3A_270 : memref<1x64xf32, #tpu.memory_space<hbm>>) target(%dma_start3A_268 : memref<1x64xf32, #tpu.memory_space<vmem>>) target_semaphore(%arg13 : memref<!tpu.dma_semaphore, #tpu.memory_space<semaphore_mem>>)
      %mul3A_271 = arith.constant 16 : i32
      %mul3A_272 = arith.muli %scan3A_172, %mul3A_271 : i32
      %add3A_273 = arith.constant 2 : i32
      %add3A_274 = arith.addi %mul3A_272, %add3A_273 : i32
      %dma_start3A_275 = arith.constant 1 : i32
      %dma_start3A_276 = arith.constant 0 : i32
      %dma_start3A_277 = tpu.memref_slice %arg11[%dma_start3A_275, %add3A_274, %dma_start3A_276] : memref<2x128x64xf32, #tpu.memory_space<vmem>> -> memref<1x1x64xf32, #tpu.memory_space<vmem>>
      %dma_start3A_278 = tpu.memref_squeeze %dma_start3A_277 : memref<1x1x64xf32, #tpu.memory_space<vmem>> -> memref<1x64xf32, #tpu.memory_space<vmem>>
      %dma_start3A_279 = arith.constant 0 : i32
      %dma_start3A_280 = tpu.memref_slice %arg5[%squeeze3A_255, %dma_start3A_279] : memref<1000000x64xf32, #tpu.memory_space<hbm>> -> memref<1x64xf32, #tpu.memory_space<hbm>>
      %dma_start3A_281 = arith.constant 0 : i32
      %dma_start3A_282 = tpu.memref_slice %arg11[%dma_start3A_275, %add3A_274, %dma_start3A_281] : memref<2x128x64xf32, #tpu.memory_space<vmem>> -> memref<1x1x64xf32, #tpu.memory_space<vmem>>
      %dma_start3A_283 = tpu.memref_squeeze %dma_start3A_282 : memref<1x1x64xf32, #tpu.memory_space<vmem>> -> memref<1x64xf32, #tpu.memory_space<vmem>>
      %dma_start3A_284 = arith.constant 0 : i32
      %dma_start3A_285 = tpu.memref_slice %arg5[%squeeze3A_255, %dma_start3A_284] : memref<1000000x64xf32, #tpu.memory_space<hbm>> -> memref<1x64xf32, #tpu.memory_space<hbm>>
      tpu.enqueue_dma source(%dma_start3A_285 : memref<1x64xf32, #tpu.memory_space<hbm>>) target(%dma_start3A_283 : memref<1x64xf32, #tpu.memory_space<vmem>>) target_semaphore(%arg15 : memref<!tpu.dma_semaphore, #tpu.memory_space<semaphore_mem>>)
      %slice3A_286 = vector.extract_strided_slice %get3A_179 {offsets = [3], sizes = [1], strides = [1]} : vector<16xi32> to vector<1xi32>
      %squeeze3A_287 = vector.extract %slice3A_286[0] : i32 from vector<1xi32>
      %slice3A_288 = vector.extract_strided_slice %get3A_186 {offsets = [3], sizes = [1], strides = [1]} : vector<16xi32> to vector<1xi32>
      %squeeze3A_289 = vector.extract %slice3A_288[0] : i32 from vector<1xi32>
      %mul3A_290 = arith.constant 16 : i32
      %mul3A_291 = arith.muli %scan3A_172, %mul3A_290 : i32
      %add3A_292 = arith.constant 3 : i32
      %add3A_293 = arith.addi %mul3A_291, %add3A_292 : i32
      %dma_start3A_294 = arith.constant 1 : i32
      %dma_start3A_295 = arith.constant 0 : i32
      %dma_start3A_296 = tpu.memref_slice %arg10[%dma_start3A_294, %add3A_293, %dma_start3A_295] : memref<2x128x64xf32, #tpu.memory_space<vmem>> -> memref<1x1x64xf32, #tpu.memory_space<vmem>>
      %dma_start3A_297 = tpu.memref_squeeze %dma_start3A_296 : memref<1x1x64xf32, #tpu.memory_space<vmem>> -> memref<1x64xf32, #tpu.memory_space<vmem>>
      %dma_start3A_298 = arith.constant 0 : i32
      %dma_start3A_299 = tpu.memref_slice %arg4[%squeeze3A_287, %dma_start3A_298] : memref<1000000x64xf32, #tpu.memory_space<hbm>> -> memref<1x64xf32, #tpu.memory_space<hbm>>
      %dma_start3A_300 = arith.constant 0 : i32
      %dma_start3A_301 = tpu.memref_slice %arg10[%dma_start3A_294, %add3A_293, %dma_start3A_300] : memref<2x128x64xf32, #tpu.memory_space<vmem>> -> memref<1x1x64xf32, #tpu.memory_space<vmem>>
      %dma_start3A_302 = tpu.memref_squeeze %dma_start3A_301 : memref<1x1x64xf32, #tpu.memory_space<vmem>> -> memref<1x64xf32, #tpu.memory_space<vmem>>
      %dma_start3A_303 = arith.constant 0 : i32
      %dma_start3A_304 = tpu.memref_slice %arg4[%squeeze3A_287, %dma_start3A_303] : memref<1000000x64xf32, #tpu.memory_space<hbm>> -> memref<1x64xf32, #tpu.memory_space<hbm>>
      tpu.enqueue_dma source(%dma_start3A_304 : memref<1x64xf32, #tpu.memory_space<hbm>>) target(%dma_start3A_302 : memref<1x64xf32, #tpu.memory_space<vmem>>) target_semaphore(%arg13 : memref<!tpu.dma_semaphore, #tpu.memory_space<semaphore_mem>>)
      %mul3A_305 = arith.constant 16 : i32
      %mul3A_306 = arith.muli %scan3A_172, %mul3A_305 : i32
      %add3A_307 = arith.constant 3 : i32
      %add3A_308 = arith.addi %mul3A_306, %add3A_307 : i32
      %dma_start3A_309 = arith.constant 1 : i32
      %dma_start3A_310 = arith.constant 0 : i32
      %dma_start3A_311 = tpu.memref_slice %arg11[%dma_start3A_309, %add3A_308, %dma_start3A_310] : memref<2x128x64xf32, #tpu.memory_space<vmem>> -> memref<1x1x64xf32, #tpu.memory_space<vmem>>
      %dma_start3A_312 = tpu.memref_squeeze %dma_start3A_311 : memref<1x1x64xf32, #tpu.memory_space<vmem>> -> memref<1x64xf32, #tpu.memory_space<vmem>>
      %dma_start3A_313 = arith.constant 0 : i32
      %dma_start3A_314 = tpu.memref_slice %arg5[%squeeze3A_289, %dma_start3A_313] : memref<1000000x64xf32, #tpu.memory_space<hbm>> -> memref<1x64xf32, #tpu.memory_space<hbm>>
      %dma_start3A_315 = arith.constant 0 : i32
      %dma_start3A_316 = tpu.memref_slice %arg11[%dma_start3A_309, %add3A_308, %dma_start3A_315] : memref<2x128x64xf32, #tpu.memory_space<vmem>> -> memref<1x1x64xf32, #tpu.memory_space<vmem>>
      %dma_start3A_317 = tpu.memref_squeeze %dma_start3A_316 : memref<1x1x64xf32, #tpu.memory_space<vmem>> -> memref<1x64xf32, #tpu.memory_space<vmem>>
      %dma_start3A_318 = arith.constant 0 : i32
      %dma_start3A_319 = tpu.memref_slice %arg5[%squeeze3A_289, %dma_start3A_318] : memref<1000000x64xf32, #tpu.memory_space<hbm>> -> memref<1x64xf32, #tpu.memory_space<hbm>>
      tpu.enqueue_dma source(%dma_start3A_319 : memref<1x64xf32, #tpu.memory_space<hbm>>) target(%dma_start3A_317 : memref<1x64xf32, #tpu.memory_space<vmem>>) target_semaphore(%arg15 : memref<!tpu.dma_semaphore, #tpu.memory_space<semaphore_mem>>)
      %slice3A_320 = vector.extract_strided_slice %get3A_179 {offsets = [4], sizes = [1], strides = [1]} : vector<16xi32> to vector<1xi32>
      %squeeze3A_321 = vector.extract %slice3A_320[0] : i32 from vector<1xi32>
      %slice3A_322 = vector.extract_strided_slice %get3A_186 {offsets = [4], sizes = [1], strides = [1]} : vector<16xi32> to vector<1xi32>
      %squeeze3A_323 = vector.extract %slice3A_322[0] : i32 from vector<1xi32>
      %mul3A_324 = arith.constant 16 : i32
      %mul3A_325 = arith.muli %scan3A_172, %mul3A_324 : i32
      %add3A_326 = arith.constant 4 : i32
      %add3A_327 = arith.addi %mul3A_325, %add3A_326 : i32
      %dma_start3A_328 = arith.constant 1 : i32
      %dma_start3A_329 = arith.constant 0 : i32
      %dma_start3A_330 = tpu.memref_slice %arg10[%dma_start3A_328, %add3A_327, %dma_start3A_329] : memref<2x128x64xf32, #tpu.memory_space<vmem>> -> memref<1x1x64xf32, #tpu.memory_space<vmem>>
      %dma_start3A_331 = tpu.memref_squeeze %dma_start3A_330 : memref<1x1x64xf32, #tpu.memory_space<vmem>> -> memref<1x64xf32, #tpu.memory_space<vmem>>
      %dma_start3A_332 = arith.constant 0 : i32
      %dma_start3A_333 = tpu.memref_slice %arg4[%squeeze3A_321, %dma_start3A_332] : memref<1000000x64xf32, #tpu.memory_space<hbm>> -> memref<1x64xf32, #tpu.memory_space<hbm>>
      %dma_start3A_334 = arith.constant 0 : i32
      %dma_start3A_335 = tpu.memref_slice %arg10[%dma_start3A_328, %add3A_327, %dma_start3A_334] : memref<2x128x64xf32, #tpu.memory_space<vmem>> -> memref<1x1x64xf32, #tpu.memory_space<vmem>>
      %dma_start3A_336 = tpu.memref_squeeze %dma_start3A_335 : memref<1x1x64xf32, #tpu.memory_space<vmem>> -> memref<1x64xf32, #tpu.memory_space<vmem>>
      %dma_start3A_337 = arith.constant 0 : i32
      %dma_start3A_338 = tpu.memref_slice %arg4[%squeeze3A_321, %dma_start3A_337] : memref<1000000x64xf32, #tpu.memory_space<hbm>> -> memref<1x64xf32, #tpu.memory_space<hbm>>
      tpu.enqueue_dma source(%dma_start3A_338 : memref<1x64xf32, #tpu.memory_space<hbm>>) target(%dma_start3A_336 : memref<1x64xf32, #tpu.memory_space<vmem>>) target_semaphore(%arg13 : memref<!tpu.dma_semaphore, #tpu.memory_space<semaphore_mem>>)
      %mul3A_339 = arith.constant 16 : i32
      %mul3A_340 = arith.muli %scan3A_172, %mul3A_339 : i32
      %add3A_341 = arith.constant 4 : i32
      %add3A_342 = arith.addi %mul3A_340, %add3A_341 : i32
      %dma_start3A_343 = arith.constant 1 : i32
      %dma_start3A_344 = arith.constant 0 : i32
      %dma_start3A_345 = tpu.memref_slice %arg11[%dma_start3A_343, %add3A_342, %dma_start3A_344] : memref<2x128x64xf32, #tpu.memory_space<vmem>> -> memref<1x1x64xf32, #tpu.memory_space<vmem>>
      %dma_start3A_346 = tpu.memref_squeeze %dma_start3A_345 : memref<1x1x64xf32, #tpu.memory_space<vmem>> -> memref<1x64xf32, #tpu.memory_space<vmem>>
      %dma_start3A_347 = arith.constant 0 : i32
      %dma_start3A_348 = tpu.memref_slice %arg5[%squeeze3A_323, %dma_start3A_347] : memref<1000000x64xf32, #tpu.memory_space<hbm>> -> memref<1x64xf32, #tpu.memory_space<hbm>>
      %dma_start3A_349 = arith.constant 0 : i32
      %dma_start3A_350 = tpu.memref_slice %arg11[%dma_start3A_343, %add3A_342, %dma_start3A_349] : memref<2x128x64xf32, #tpu.memory_space<vmem>> -> memref<1x1x64xf32, #tpu.memory_space<vmem>>
      %dma_start3A_351 = tpu.memref_squeeze %dma_start3A_350 : memref<1x1x64xf32, #tpu.memory_space<vmem>> -> memref<1x64xf32, #tpu.memory_space<vmem>>
      %dma_start3A_352 = arith.constant 0 : i32
      %dma_start3A_353 = tpu.memref_slice %arg5[%squeeze3A_323, %dma_start3A_352] : memref<1000000x64xf32, #tpu.memory_space<hbm>> -> memref<1x64xf32, #tpu.memory_space<hbm>>
      tpu.enqueue_dma source(%dma_start3A_353 : memref<1x64xf32, #tpu.memory_space<hbm>>) target(%dma_start3A_351 : memref<1x64xf32, #tpu.memory_space<vmem>>) target_semaphore(%arg15 : memref<!tpu.dma_semaphore, #tpu.memory_space<semaphore_mem>>)
      %slice3A_354 = vector.extract_strided_slice %get3A_179 {offsets = [5], sizes = [1], strides = [1]} : vector<16xi32> to vector<1xi32>
      %squeeze3A_355 = vector.extract %slice3A_354[0] : i32 from vector<1xi32>
      %slice3A_356 = vector.extract_strided_slice %get3A_186 {offsets = [5], sizes = [1], strides = [1]} : vector<16xi32> to vector<1xi32>
      %squeeze3A_357 = vector.extract %slice3A_356[0] : i32 from vector<1xi32>
      %mul3A_358 = arith.constant 16 : i32
      %mul3A_359 = arith.muli %scan3A_172, %mul3A_358 : i32
      %add3A_360 = arith.constant 5 : i32
      %add3A_361 = arith.addi %mul3A_359, %add3A_360 : i32
      %dma_start3A_362 = arith.constant 1 : i32
      %dma_start3A_363 = arith.constant 0 : i32
      %dma_start3A_364 = tpu.memref_slice %arg10[%dma_start3A_362, %add3A_361, %dma_start3A_363] : memref<2x128x64xf32, #tpu.memory_space<vmem>> -> memref<1x1x64xf32, #tpu.memory_space<vmem>>
      %dma_start3A_365 = tpu.memref_squeeze %dma_start3A_364 : memref<1x1x64xf32, #tpu.memory_space<vmem>> -> memref<1x64xf32, #tpu.memory_space<vmem>>
      %dma_start3A_366 = arith.constant 0 : i32
      %dma_start3A_367 = tpu.memref_slice %arg4[%squeeze3A_355, %dma_start3A_366] : memref<1000000x64xf32, #tpu.memory_space<hbm>> -> memref<1x64xf32, #tpu.memory_space<hbm>>
      %dma_start3A_368 = arith.constant 0 : i32
      %dma_start3A_369 = tpu.memref_slice %arg10[%dma_start3A_362, %add3A_361, %dma_start3A_368] : memref<2x128x64xf32, #tpu.memory_space<vmem>> -> memref<1x1x64xf32, #tpu.memory_space<vmem>>
      %dma_start3A_370 = tpu.memref_squeeze %dma_start3A_369 : memref<1x1x64xf32, #tpu.memory_space<vmem>> -> memref<1x64xf32, #tpu.memory_space<vmem>>
      %dma_start3A_371 = arith.constant 0 : i32
      %dma_start3A_372 = tpu.memref_slice %arg4[%squeeze3A_355, %dma_start3A_371] : memref<1000000x64xf32, #tpu.memory_space<hbm>> -> memref<1x64xf32, #tpu.memory_space<hbm>>
      tpu.enqueue_dma source(%dma_start3A_372 : memref<1x64xf32, #tpu.memory_space<hbm>>) target(%dma_start3A_370 : memref<1x64xf32, #tpu.memory_space<vmem>>) target_semaphore(%arg13 : memref<!tpu.dma_semaphore, #tpu.memory_space<semaphore_mem>>)
      %mul3A_373 = arith.constant 16 : i32
      %mul3A_374 = arith.muli %scan3A_172, %mul3A_373 : i32
      %add3A_375 = arith.constant 5 : i32
      %add3A_376 = arith.addi %mul3A_374, %add3A_375 : i32
      %dma_start3A_377 = arith.constant 1 : i32
      %dma_start3A_378 = arith.constant 0 : i32
      %dma_start3A_379 = tpu.memref_slice %arg11[%dma_start3A_377, %add3A_376, %dma_start3A_378] : memref<2x128x64xf32, #tpu.memory_space<vmem>> -> memref<1x1x64xf32, #tpu.memory_space<vmem>>
      %dma_start3A_380 = tpu.memref_squeeze %dma_start3A_379 : memref<1x1x64xf32, #tpu.memory_space<vmem>> -> memref<1x64xf32, #tpu.memory_space<vmem>>
      %dma_start3A_381 = arith.constant 0 : i32
      %dma_start3A_382 = tpu.memref_slice %arg5[%squeeze3A_357, %dma_start3A_381] : memref<1000000x64xf32, #tpu.memory_space<hbm>> -> memref<1x64xf32, #tpu.memory_space<hbm>>
      %dma_start3A_383 = arith.constant 0 : i32
      %dma_start3A_384 = tpu.memref_slice %arg11[%dma_start3A_377, %add3A_376, %dma_start3A_383] : memref<2x128x64xf32, #tpu.memory_space<vmem>> -> memref<1x1x64xf32, #tpu.memory_space<vmem>>
      %dma_start3A_385 = tpu.memref_squeeze %dma_start3A_384 : memref<1x1x64xf32, #tpu.memory_space<vmem>> -> memref<1x64xf32, #tpu.memory_space<vmem>>
      %dma_start3A_386 = arith.constant 0 : i32
      %dma_start3A_387 = tpu.memref_slice %arg5[%squeeze3A_357, %dma_start3A_386] : memref<1000000x64xf32, #tpu.memory_space<hbm>> -> memref<1x64xf32, #tpu.memory_space<hbm>>
      tpu.enqueue_dma source(%dma_start3A_387 : memref<1x64xf32, #tpu.memory_space<hbm>>) target(%dma_start3A_385 : memref<1x64xf32, #tpu.memory_space<vmem>>) target_semaphore(%arg15 : memref<!tpu.dma_semaphore, #tpu.memory_space<semaphore_mem>>)
      %slice3A_388 = vector.extract_strided_slice %get3A_179 {offsets = [6], sizes = [1], strides = [1]} : vector<16xi32> to vector<1xi32>
      %squeeze3A_389 = vector.extract %slice3A_388[0] : i32 from vector<1xi32>
      %slice3A_390 = vector.extract_strided_slice %get3A_186 {offsets = [6], sizes = [1], strides = [1]} : vector<16xi32> to vector<1xi32>
      %squeeze3A_391 = vector.extract %slice3A_390[0] : i32 from vector<1xi32>
      %mul3A_392 = arith.constant 16 : i32
      %mul3A_393 = arith.muli %scan3A_172, %mul3A_392 : i32
      %add3A_394 = arith.constant 6 : i32
      %add3A_395 = arith.addi %mul3A_393, %add3A_394 : i32
      %dma_start3A_396 = arith.constant 1 : i32
      %dma_start3A_397 = arith.constant 0 : i32
      %dma_start3A_398 = tpu.memref_slice %arg10[%dma_start3A_396, %add3A_395, %dma_start3A_397] : memref<2x128x64xf32, #tpu.memory_space<vmem>> -> memref<1x1x64xf32, #tpu.memory_space<vmem>>
      %dma_start3A_399 = tpu.memref_squeeze %dma_start3A_398 : memref<1x1x64xf32, #tpu.memory_space<vmem>> -> memref<1x64xf32, #tpu.memory_space<vmem>>
      %dma_start3A_400 = arith.constant 0 : i32
      %dma_start3A_401 = tpu.memref_slice %arg4[%squeeze3A_389, %dma_start3A_400] : memref<1000000x64xf32, #tpu.memory_space<hbm>> -> memref<1x64xf32, #tpu.memory_space<hbm>>
      %dma_start3A_402 = arith.constant 0 : i32
      %dma_start3A_403 = tpu.memref_slice %arg10[%dma_start3A_396, %add3A_395, %dma_start3A_402] : memref<2x128x64xf32, #tpu.memory_space<vmem>> -> memref<1x1x64xf32, #tpu.memory_space<vmem>>
      %dma_start3A_404 = tpu.memref_squeeze %dma_start3A_403 : memref<1x1x64xf32, #tpu.memory_space<vmem>> -> memref<1x64xf32, #tpu.memory_space<vmem>>
      %dma_start3A_405 = arith.constant 0 : i32
      %dma_start3A_406 = tpu.memref_slice %arg4[%squeeze3A_389, %dma_start3A_405] : memref<1000000x64xf32, #tpu.memory_space<hbm>> -> memref<1x64xf32, #tpu.memory_space<hbm>>
      tpu.enqueue_dma source(%dma_start3A_406 : memref<1x64xf32, #tpu.memory_space<hbm>>) target(%dma_start3A_404 : memref<1x64xf32, #tpu.memory_space<vmem>>) target_semaphore(%arg13 : memref<!tpu.dma_semaphore, #tpu.memory_space<semaphore_mem>>)
      %mul3A_407 = arith.constant 16 : i32
      %mul3A_408 = arith.muli %scan3A_172, %mul3A_407 : i32
      %add3A_409 = arith.constant 6 : i32
      %add3A_410 = arith.addi %mul3A_408, %add3A_409 : i32
      %dma_start3A_411 = arith.constant 1 : i32
      %dma_start3A_412 = arith.constant 0 : i32
      %dma_start3A_413 = tpu.memref_slice %arg11[%dma_start3A_411, %add3A_410, %dma_start3A_412] : memref<2x128x64xf32, #tpu.memory_space<vmem>> -> memref<1x1x64xf32, #tpu.memory_space<vmem>>
      %dma_start3A_414 = tpu.memref_squeeze %dma_start3A_413 : memref<1x1x64xf32, #tpu.memory_space<vmem>> -> memref<1x64xf32, #tpu.memory_space<vmem>>
      %dma_start3A_415 = arith.constant 0 : i32
      %dma_start3A_416 = tpu.memref_slice %arg5[%squeeze3A_391, %dma_start3A_415] : memref<1000000x64xf32, #tpu.memory_space<hbm>> -> memref<1x64xf32, #tpu.memory_space<hbm>>
      %dma_start3A_417 = arith.constant 0 : i32
      %dma_start3A_418 = tpu.memref_slice %arg11[%dma_start3A_411, %add3A_410, %dma_start3A_417] : memref<2x128x64xf32, #tpu.memory_space<vmem>> -> memref<1x1x64xf32, #tpu.memory_space<vmem>>
      %dma_start3A_419 = tpu.memref_squeeze %dma_start3A_418 : memref<1x1x64xf32, #tpu.memory_space<vmem>> -> memref<1x64xf32, #tpu.memory_space<vmem>>
      %dma_start3A_420 = arith.constant 0 : i32
      %dma_start3A_421 = tpu.memref_slice %arg5[%squeeze3A_391, %dma_start3A_420] : memref<1000000x64xf32, #tpu.memory_space<hbm>> -> memref<1x64xf32, #tpu.memory_space<hbm>>
      tpu.enqueue_dma source(%dma_start3A_421 : memref<1x64xf32, #tpu.memory_space<hbm>>) target(%dma_start3A_419 : memref<1x64xf32, #tpu.memory_space<vmem>>) target_semaphore(%arg15 : memref<!tpu.dma_semaphore, #tpu.memory_space<semaphore_mem>>)
      %slice3A_422 = vector.extract_strided_slice %get3A_179 {offsets = [7], sizes = [1], strides = [1]} : vector<16xi32> to vector<1xi32>
      %squeeze3A_423 = vector.extract %slice3A_422[0] : i32 from vector<1xi32>
      %slice3A_424 = vector.extract_strided_slice %get3A_186 {offsets = [7], sizes = [1], strides = [1]} : vector<16xi32> to vector<1xi32>
      %squeeze3A_425 = vector.extract %slice3A_424[0] : i32 from vector<1xi32>
      %mul3A_426 = arith.constant 16 : i32
      %mul3A_427 = arith.muli %scan3A_172, %mul3A_426 : i32
      %add3A_428 = arith.constant 7 : i32
      %add3A_429 = arith.addi %mul3A_427, %add3A_428 : i32
      %dma_start3A_430 = arith.constant 1 : i32
      %dma_start3A_431 = arith.constant 0 : i32
      %dma_start3A_432 = tpu.memref_slice %arg10[%dma_start3A_430, %add3A_429, %dma_start3A_431] : memref<2x128x64xf32, #tpu.memory_space<vmem>> -> memref<1x1x64xf32, #tpu.memory_space<vmem>>
      %dma_start3A_433 = tpu.memref_squeeze %dma_start3A_432 : memref<1x1x64xf32, #tpu.memory_space<vmem>> -> memref<1x64xf32, #tpu.memory_space<vmem>>
      %dma_start3A_434 = arith.constant 0 : i32
      %dma_start3A_435 = tpu.memref_slice %arg4[%squeeze3A_423, %dma_start3A_434] : memref<1000000x64xf32, #tpu.memory_space<hbm>> -> memref<1x64xf32, #tpu.memory_space<hbm>>
      %dma_start3A_436 = arith.constant 0 : i32
      %dma_start3A_437 = tpu.memref_slice %arg10[%dma_start3A_430, %add3A_429, %dma_start3A_436] : memref<2x128x64xf32, #tpu.memory_space<vmem>> -> memref<1x1x64xf32, #tpu.memory_space<vmem>>
      %dma_start3A_438 = tpu.memref_squeeze %dma_start3A_437 : memref<1x1x64xf32, #tpu.memory_space<vmem>> -> memref<1x64xf32, #tpu.memory_space<vmem>>
      %dma_start3A_439 = arith.constant 0 : i32
      %dma_start3A_440 = tpu.memref_slice %arg4[%squeeze3A_423, %dma_start3A_439] : memref<1000000x64xf32, #tpu.memory_space<hbm>> -> memref<1x64xf32, #tpu.memory_space<hbm>>
      tpu.enqueue_dma source(%dma_start3A_440 : memref<1x64xf32, #tpu.memory_space<hbm>>) target(%dma_start3A_438 : memref<1x64xf32, #tpu.memory_space<vmem>>) target_semaphore(%arg13 : memref<!tpu.dma_semaphore, #tpu.memory_space<semaphore_mem>>)
      %mul3A_441 = arith.constant 16 : i32
      %mul3A_442 = arith.muli %scan3A_172, %mul3A_441 : i32
      %add3A_443 = arith.constant 7 : i32
      %add3A_444 = arith.addi %mul3A_442, %add3A_443 : i32
      %dma_start3A_445 = arith.constant 1 : i32
      %dma_start3A_446 = arith.constant 0 : i32
      %dma_start3A_447 = tpu.memref_slice %arg11[%dma_start3A_445, %add3A_444, %dma_start3A_446] : memref<2x128x64xf32, #tpu.memory_space<vmem>> -> memref<1x1x64xf32, #tpu.memory_space<vmem>>
      %dma_start3A_448 = tpu.memref_squeeze %dma_start3A_447 : memref<1x1x64xf32, #tpu.memory_space<vmem>> -> memref<1x64xf32, #tpu.memory_space<vmem>>
      %dma_start3A_449 = arith.constant 0 : i32
      %dma_start3A_450 = tpu.memref_slice %arg5[%squeeze3A_425, %dma_start3A_449] : memref<1000000x64xf32, #tpu.memory_space<hbm>> -> memref<1x64xf32, #tpu.memory_space<hbm>>
      %dma_start3A_451 = arith.constant 0 : i32
      %dma_start3A_452 = tpu.memref_slice %arg11[%dma_start3A_445, %add3A_444, %dma_start3A_451] : memref<2x128x64xf32, #tpu.memory_space<vmem>> -> memref<1x1x64xf32, #tpu.memory_space<vmem>>
      %dma_start3A_453 = tpu.memref_squeeze %dma_start3A_452 : memref<1x1x64xf32, #tpu.memory_space<vmem>> -> memref<1x64xf32, #tpu.memory_space<vmem>>
      %dma_start3A_454 = arith.constant 0 : i32
      %dma_start3A_455 = tpu.memref_slice %arg5[%squeeze3A_425, %dma_start3A_454] : memref<1000000x64xf32, #tpu.memory_space<hbm>> -> memref<1x64xf32, #tpu.memory_space<hbm>>
      tpu.enqueue_dma source(%dma_start3A_455 : memref<1x64xf32, #tpu.memory_space<hbm>>) target(%dma_start3A_453 : memref<1x64xf32, #tpu.memory_space<vmem>>) target_semaphore(%arg15 : memref<!tpu.dma_semaphore, #tpu.memory_space<semaphore_mem>>)
      %slice3A_456 = vector.extract_strided_slice %get3A_179 {offsets = [8], sizes = [1], strides = [1]} : vector<16xi32> to vector<1xi32>
      %squeeze3A_457 = vector.extract %slice3A_456[0] : i32 from vector<1xi32>
      %slice3A_458 = vector.extract_strided_slice %get3A_186 {offsets = [8], sizes = [1], strides = [1]} : vector<16xi32> to vector<1xi32>
      %squeeze3A_459 = vector.extract %slice3A_458[0] : i32 from vector<1xi32>
      %mul3A_460 = arith.constant 16 : i32
      %mul3A_461 = arith.muli %scan3A_172, %mul3A_460 : i32
      %add3A_462 = arith.constant 8 : i32
      %add3A_463 = arith.addi %mul3A_461, %add3A_462 : i32
      %dma_start3A_464 = arith.constant 1 : i32
      %dma_start3A_465 = arith.constant 0 : i32
      %dma_start3A_466 = tpu.memref_slice %arg10[%dma_start3A_464, %add3A_463, %dma_start3A_465] : memref<2x128x64xf32, #tpu.memory_space<vmem>> -> memref<1x1x64xf32, #tpu.memory_space<vmem>>
      %dma_start3A_467 = tpu.memref_squeeze %dma_start3A_466 : memref<1x1x64xf32, #tpu.memory_space<vmem>> -> memref<1x64xf32, #tpu.memory_space<vmem>>
      %dma_start3A_468 = arith.constant 0 : i32
      %dma_start3A_469 = tpu.memref_slice %arg4[%squeeze3A_457, %dma_start3A_468] : memref<1000000x64xf32, #tpu.memory_space<hbm>> -> memref<1x64xf32, #tpu.memory_space<hbm>>
      %dma_start3A_470 = arith.constant 0 : i32
      %dma_start3A_471 = tpu.memref_slice %arg10[%dma_start3A_464, %add3A_463, %dma_start3A_470] : memref<2x128x64xf32, #tpu.memory_space<vmem>> -> memref<1x1x64xf32, #tpu.memory_space<vmem>>
      %dma_start3A_472 = tpu.memref_squeeze %dma_start3A_471 : memref<1x1x64xf32, #tpu.memory_space<vmem>> -> memref<1x64xf32, #tpu.memory_space<vmem>>
      %dma_start3A_473 = arith.constant 0 : i32
      %dma_start3A_474 = tpu.memref_slice %arg4[%squeeze3A_457, %dma_start3A_473] : memref<1000000x64xf32, #tpu.memory_space<hbm>> -> memref<1x64xf32, #tpu.memory_space<hbm>>
      tpu.enqueue_dma source(%dma_start3A_474 : memref<1x64xf32, #tpu.memory_space<hbm>>) target(%dma_start3A_472 : memref<1x64xf32, #tpu.memory_space<vmem>>) target_semaphore(%arg13 : memref<!tpu.dma_semaphore, #tpu.memory_space<semaphore_mem>>)
      %mul3A_475 = arith.constant 16 : i32
      %mul3A_476 = arith.muli %scan3A_172, %mul3A_475 : i32
      %add3A_477 = arith.constant 8 : i32
      %add3A_478 = arith.addi %mul3A_476, %add3A_477 : i32
      %dma_start3A_479 = arith.constant 1 : i32
      %dma_start3A_480 = arith.constant 0 : i32
      %dma_start3A_481 = tpu.memref_slice %arg11[%dma_start3A_479, %add3A_478, %dma_start3A_480] : memref<2x128x64xf32, #tpu.memory_space<vmem>> -> memref<1x1x64xf32, #tpu.memory_space<vmem>>
      %dma_start3A_482 = tpu.memref_squeeze %dma_start3A_481 : memref<1x1x64xf32, #tpu.memory_space<vmem>> -> memref<1x64xf32, #tpu.memory_space<vmem>>
      %dma_start3A_483 = arith.constant 0 : i32
      %dma_start3A_484 = tpu.memref_slice %arg5[%squeeze3A_459, %dma_start3A_483] : memref<1000000x64xf32, #tpu.memory_space<hbm>> -> memref<1x64xf32, #tpu.memory_space<hbm>>
      %dma_start3A_485 = arith.constant 0 : i32
      %dma_start3A_486 = tpu.memref_slice %arg11[%dma_start3A_479, %add3A_478, %dma_start3A_485] : memref<2x128x64xf32, #tpu.memory_space<vmem>> -> memref<1x1x64xf32, #tpu.memory_space<vmem>>
      %dma_start3A_487 = tpu.memref_squeeze %dma_start3A_486 : memref<1x1x64xf32, #tpu.memory_space<vmem>> -> memref<1x64xf32, #tpu.memory_space<vmem>>
      %dma_start3A_488 = arith.constant 0 : i32
      %dma_start3A_489 = tpu.memref_slice %arg5[%squeeze3A_459, %dma_start3A_488] : memref<1000000x64xf32, #tpu.memory_space<hbm>> -> memref<1x64xf32, #tpu.memory_space<hbm>>
      tpu.enqueue_dma source(%dma_start3A_489 : memref<1x64xf32, #tpu.memory_space<hbm>>) target(%dma_start3A_487 : memref<1x64xf32, #tpu.memory_space<vmem>>) target_semaphore(%arg15 : memref<!tpu.dma_semaphore, #tpu.memory_space<semaphore_mem>>)
      %slice3A_490 = vector.extract_strided_slice %get3A_179 {offsets = [9], sizes = [1], strides = [1]} : vector<16xi32> to vector<1xi32>
      %squeeze3A_491 = vector.extract %slice3A_490[0] : i32 from vector<1xi32>
      %slice3A_492 = vector.extract_strided_slice %get3A_186 {offsets = [9], sizes = [1], strides = [1]} : vector<16xi32> to vector<1xi32>
      %squeeze3A_493 = vector.extract %slice3A_492[0] : i32 from vector<1xi32>
      %mul3A_494 = arith.constant 16 : i32
      %mul3A_495 = arith.muli %scan3A_172, %mul3A_494 : i32
      %add3A_496 = arith.constant 9 : i32
      %add3A_497 = arith.addi %mul3A_495, %add3A_496 : i32
      %dma_start3A_498 = arith.constant 1 : i32
      %dma_start3A_499 = arith.constant 0 : i32
      %dma_start3A_500 = tpu.memref_slice %arg10[%dma_start3A_498, %add3A_497, %dma_start3A_499] : memref<2x128x64xf32, #tpu.memory_space<vmem>> -> memref<1x1x64xf32, #tpu.memory_space<vmem>>
      %dma_start3A_501 = tpu.memref_squeeze %dma_start3A_500 : memref<1x1x64xf32, #tpu.memory_space<vmem>> -> memref<1x64xf32, #tpu.memory_space<vmem>>
      %dma_start3A_502 = arith.constant 0 : i32
      %dma_start3A_503 = tpu.memref_slice %arg4[%squeeze3A_491, %dma_start3A_502] : memref<1000000x64xf32, #tpu.memory_space<hbm>> -> memref<1x64xf32, #tpu.memory_space<hbm>>
      %dma_start3A_504 = arith.constant 0 : i32
      %dma_start3A_505 = tpu.memref_slice %arg10[%dma_start3A_498, %add3A_497, %dma_start3A_504] : memref<2x128x64xf32, #tpu.memory_space<vmem>> -> memref<1x1x64xf32, #tpu.memory_space<vmem>>
      %dma_start3A_506 = tpu.memref_squeeze %dma_start3A_505 : memref<1x1x64xf32, #tpu.memory_space<vmem>> -> memref<1x64xf32, #tpu.memory_space<vmem>>
      %dma_start3A_507 = arith.constant 0 : i32
      %dma_start3A_508 = tpu.memref_slice %arg4[%squeeze3A_491, %dma_start3A_507] : memref<1000000x64xf32, #tpu.memory_space<hbm>> -> memref<1x64xf32, #tpu.memory_space<hbm>>
      tpu.enqueue_dma source(%dma_start3A_508 : memref<1x64xf32, #tpu.memory_space<hbm>>) target(%dma_start3A_506 : memref<1x64xf32, #tpu.memory_space<vmem>>) target_semaphore(%arg13 : memref<!tpu.dma_semaphore, #tpu.memory_space<semaphore_mem>>)
      %mul3A_509 = arith.constant 16 : i32
      %mul3A_510 = arith.muli %scan3A_172, %mul3A_509 : i32
      %add3A_511 = arith.constant 9 : i32
      %add3A_512 = arith.addi %mul3A_510, %add3A_511 : i32
      %dma_start3A_513 = arith.constant 1 : i32
      %dma_start3A_514 = arith.constant 0 : i32
      %dma_start3A_515 = tpu.memref_slice %arg11[%dma_start3A_513, %add3A_512, %dma_start3A_514] : memref<2x128x64xf32, #tpu.memory_space<vmem>> -> memref<1x1x64xf32, #tpu.memory_space<vmem>>
      %dma_start3A_516 = tpu.memref_squeeze %dma_start3A_515 : memref<1x1x64xf32, #tpu.memory_space<vmem>> -> memref<1x64xf32, #tpu.memory_space<vmem>>
      %dma_start3A_517 = arith.constant 0 : i32
      %dma_start3A_518 = tpu.memref_slice %arg5[%squeeze3A_493, %dma_start3A_517] : memref<1000000x64xf32, #tpu.memory_space<hbm>> -> memref<1x64xf32, #tpu.memory_space<hbm>>
      %dma_start3A_519 = arith.constant 0 : i32
      %dma_start3A_520 = tpu.memref_slice %arg11[%dma_start3A_513, %add3A_512, %dma_start3A_519] : memref<2x128x64xf32, #tpu.memory_space<vmem>> -> memref<1x1x64xf32, #tpu.memory_space<vmem>>
      %dma_start3A_521 = tpu.memref_squeeze %dma_start3A_520 : memref<1x1x64xf32, #tpu.memory_space<vmem>> -> memref<1x64xf32, #tpu.memory_space<vmem>>
      %dma_start3A_522 = arith.constant 0 : i32
      %dma_start3A_523 = tpu.memref_slice %arg5[%squeeze3A_493, %dma_start3A_522] : memref<1000000x64xf32, #tpu.memory_space<hbm>> -> memref<1x64xf32, #tpu.memory_space<hbm>>
      tpu.enqueue_dma source(%dma_start3A_523 : memref<1x64xf32, #tpu.memory_space<hbm>>) target(%dma_start3A_521 : memref<1x64xf32, #tpu.memory_space<vmem>>) target_semaphore(%arg15 : memref<!tpu.dma_semaphore, #tpu.memory_space<semaphore_mem>>)
      %slice3A_524 = vector.extract_strided_slice %get3A_179 {offsets = [10], sizes = [1], strides = [1]} : vector<16xi32> to vector<1xi32>
      %squeeze3A_525 = vector.extract %slice3A_524[0] : i32 from vector<1xi32>
      %slice3A_526 = vector.extract_strided_slice %get3A_186 {offsets = [10], sizes = [1], strides = [1]} : vector<16xi32> to vector<1xi32>
      %squeeze3A_527 = vector.extract %slice3A_526[0] : i32 from vector<1xi32>
      %mul3A_528 = arith.constant 16 : i32
      %mul3A_529 = arith.muli %scan3A_172, %mul3A_528 : i32
      %add3A_530 = arith.constant 10 : i32
      %add3A_531 = arith.addi %mul3A_529, %add3A_530 : i32
      %dma_start3A_532 = arith.constant 1 : i32
      %dma_start3A_533 = arith.constant 0 : i32
      %dma_start3A_534 = tpu.memref_slice %arg10[%dma_start3A_532, %add3A_531, %dma_start3A_533] : memref<2x128x64xf32, #tpu.memory_space<vmem>> -> memref<1x1x64xf32, #tpu.memory_space<vmem>>
      %dma_start3A_535 = tpu.memref_squeeze %dma_start3A_534 : memref<1x1x64xf32, #tpu.memory_space<vmem>> -> memref<1x64xf32, #tpu.memory_space<vmem>>
      %dma_start3A_536 = arith.constant 0 : i32
      %dma_start3A_537 = tpu.memref_slice %arg4[%squeeze3A_525, %dma_start3A_536] : memref<1000000x64xf32, #tpu.memory_space<hbm>> -> memref<1x64xf32, #tpu.memory_space<hbm>>
      %dma_start3A_538 = arith.constant 0 : i32
      %dma_start3A_539 = tpu.memref_slice %arg10[%dma_start3A_532, %add3A_531, %dma_start3A_538] : memref<2x128x64xf32, #tpu.memory_space<vmem>> -> memref<1x1x64xf32, #tpu.memory_space<vmem>>
      %dma_start3A_540 = tpu.memref_squeeze %dma_start3A_539 : memref<1x1x64xf32, #tpu.memory_space<vmem>> -> memref<1x64xf32, #tpu.memory_space<vmem>>
      %dma_start3A_541 = arith.constant 0 : i32
      %dma_start3A_542 = tpu.memref_slice %arg4[%squeeze3A_525, %dma_start3A_541] : memref<1000000x64xf32, #tpu.memory_space<hbm>> -> memref<1x64xf32, #tpu.memory_space<hbm>>
      tpu.enqueue_dma source(%dma_start3A_542 : memref<1x64xf32, #tpu.memory_space<hbm>>) target(%dma_start3A_540 : memref<1x64xf32, #tpu.memory_space<vmem>>) target_semaphore(%arg13 : memref<!tpu.dma_semaphore, #tpu.memory_space<semaphore_mem>>)
      %mul3A_543 = arith.constant 16 : i32
      %mul3A_544 = arith.muli %scan3A_172, %mul3A_543 : i32
      %add3A_545 = arith.constant 10 : i32
      %add3A_546 = arith.addi %mul3A_544, %add3A_545 : i32
      %dma_start3A_547 = arith.constant 1 : i32
      %dma_start3A_548 = arith.constant 0 : i32
      %dma_start3A_549 = tpu.memref_slice %arg11[%dma_start3A_547, %add3A_546, %dma_start3A_548] : memref<2x128x64xf32, #tpu.memory_space<vmem>> -> memref<1x1x64xf32, #tpu.memory_space<vmem>>
      %dma_start3A_550 = tpu.memref_squeeze %dma_start3A_549 : memref<1x1x64xf32, #tpu.memory_space<vmem>> -> memref<1x64xf32, #tpu.memory_space<vmem>>
      %dma_start3A_551 = arith.constant 0 : i32
      %dma_start3A_552 = tpu.memref_slice %arg5[%squeeze3A_527, %dma_start3A_551] : memref<1000000x64xf32, #tpu.memory_space<hbm>> -> memref<1x64xf32, #tpu.memory_space<hbm>>
      %dma_start3A_553 = arith.constant 0 : i32
      %dma_start3A_554 = tpu.memref_slice %arg11[%dma_start3A_547, %add3A_546, %dma_start3A_553] : memref<2x128x64xf32, #tpu.memory_space<vmem>> -> memref<1x1x64xf32, #tpu.memory_space<vmem>>
      %dma_start3A_555 = tpu.memref_squeeze %dma_start3A_554 : memref<1x1x64xf32, #tpu.memory_space<vmem>> -> memref<1x64xf32, #tpu.memory_space<vmem>>
      %dma_start3A_556 = arith.constant 0 : i32
      %dma_start3A_557 = tpu.memref_slice %arg5[%squeeze3A_527, %dma_start3A_556] : memref<1000000x64xf32, #tpu.memory_space<hbm>> -> memref<1x64xf32, #tpu.memory_space<hbm>>
      tpu.enqueue_dma source(%dma_start3A_557 : memref<1x64xf32, #tpu.memory_space<hbm>>) target(%dma_start3A_555 : memref<1x64xf32, #tpu.memory_space<vmem>>) target_semaphore(%arg15 : memref<!tpu.dma_semaphore, #tpu.memory_space<semaphore_mem>>)
      %slice3A_558 = vector.extract_strided_slice %get3A_179 {offsets = [11], sizes = [1], strides = [1]} : vector<16xi32> to vector<1xi32>
      %squeeze3A_559 = vector.extract %slice3A_558[0] : i32 from vector<1xi32>
      %slice3A_560 = vector.extract_strided_slice %get3A_186 {offsets = [11], sizes = [1], strides = [1]} : vector<16xi32> to vector<1xi32>
      %squeeze3A_561 = vector.extract %slice3A_560[0] : i32 from vector<1xi32>
      %mul3A_562 = arith.constant 16 : i32
      %mul3A_563 = arith.muli %scan3A_172, %mul3A_562 : i32
      %add3A_564 = arith.constant 11 : i32
      %add3A_565 = arith.addi %mul3A_563, %add3A_564 : i32
      %dma_start3A_566 = arith.constant 1 : i32
      %dma_start3A_567 = arith.constant 0 : i32
      %dma_start3A_568 = tpu.memref_slice %arg10[%dma_start3A_566, %add3A_565, %dma_start3A_567] : memref<2x128x64xf32, #tpu.memory_space<vmem>> -> memref<1x1x64xf32, #tpu.memory_space<vmem>>
      %dma_start3A_569 = tpu.memref_squeeze %dma_start3A_568 : memref<1x1x64xf32, #tpu.memory_space<vmem>> -> memref<1x64xf32, #tpu.memory_space<vmem>>
      %dma_start3A_570 = arith.constant 0 : i32
      %dma_start3A_571 = tpu.memref_slice %arg4[%squeeze3A_559, %dma_start3A_570] : memref<1000000x64xf32, #tpu.memory_space<hbm>> -> memref<1x64xf32, #tpu.memory_space<hbm>>
      %dma_start3A_572 = arith.constant 0 : i32
      %dma_start3A_573 = tpu.memref_slice %arg10[%dma_start3A_566, %add3A_565, %dma_start3A_572] : memref<2x128x64xf32, #tpu.memory_space<vmem>> -> memref<1x1x64xf32, #tpu.memory_space<vmem>>
      %dma_start3A_574 = tpu.memref_squeeze %dma_start3A_573 : memref<1x1x64xf32, #tpu.memory_space<vmem>> -> memref<1x64xf32, #tpu.memory_space<vmem>>
      %dma_start3A_575 = arith.constant 0 : i32
      %dma_start3A_576 = tpu.memref_slice %arg4[%squeeze3A_559, %dma_start3A_575] : memref<1000000x64xf32, #tpu.memory_space<hbm>> -> memref<1x64xf32, #tpu.memory_space<hbm>>
      tpu.enqueue_dma source(%dma_start3A_576 : memref<1x64xf32, #tpu.memory_space<hbm>>) target(%dma_start3A_574 : memref<1x64xf32, #tpu.memory_space<vmem>>) target_semaphore(%arg13 : memref<!tpu.dma_semaphore, #tpu.memory_space<semaphore_mem>>)
      %mul3A_577 = arith.constant 16 : i32
      %mul3A_578 = arith.muli %scan3A_172, %mul3A_577 : i32
      %add3A_579 = arith.constant 11 : i32
      %add3A_580 = arith.addi %mul3A_578, %add3A_579 : i32
      %dma_start3A_581 = arith.constant 1 : i32
      %dma_start3A_582 = arith.constant 0 : i32
      %dma_start3A_583 = tpu.memref_slice %arg11[%dma_start3A_581, %add3A_580, %dma_start3A_582] : memref<2x128x64xf32, #tpu.memory_space<vmem>> -> memref<1x1x64xf32, #tpu.memory_space<vmem>>
      %dma_start3A_584 = tpu.memref_squeeze %dma_start3A_583 : memref<1x1x64xf32, #tpu.memory_space<vmem>> -> memref<1x64xf32, #tpu.memory_space<vmem>>
      %dma_start3A_585 = arith.constant 0 : i32
      %dma_start3A_586 = tpu.memref_slice %arg5[%squeeze3A_561, %dma_start3A_585] : memref<1000000x64xf32, #tpu.memory_space<hbm>> -> memref<1x64xf32, #tpu.memory_space<hbm>>
      %dma_start3A_587 = arith.constant 0 : i32
      %dma_start3A_588 = tpu.memref_slice %arg11[%dma_start3A_581, %add3A_580, %dma_start3A_587] : memref<2x128x64xf32, #tpu.memory_space<vmem>> -> memref<1x1x64xf32, #tpu.memory_space<vmem>>
      %dma_start3A_589 = tpu.memref_squeeze %dma_start3A_588 : memref<1x1x64xf32, #tpu.memory_space<vmem>> -> memref<1x64xf32, #tpu.memory_space<vmem>>
      %dma_start3A_590 = arith.constant 0 : i32
      %dma_start3A_591 = tpu.memref_slice %arg5[%squeeze3A_561, %dma_start3A_590] : memref<1000000x64xf32, #tpu.memory_space<hbm>> -> memref<1x64xf32, #tpu.memory_space<hbm>>
      tpu.enqueue_dma source(%dma_start3A_591 : memref<1x64xf32, #tpu.memory_space<hbm>>) target(%dma_start3A_589 : memref<1x64xf32, #tpu.memory_space<vmem>>) target_semaphore(%arg15 : memref<!tpu.dma_semaphore, #tpu.memory_space<semaphore_mem>>)
      %slice3A_592 = vector.extract_strided_slice %get3A_179 {offsets = [12], sizes = [1], strides = [1]} : vector<16xi32> to vector<1xi32>
      %squeeze3A_593 = vector.extract %slice3A_592[0] : i32 from vector<1xi32>
      %slice3A_594 = vector.extract_strided_slice %get3A_186 {offsets = [12], sizes = [1], strides = [1]} : vector<16xi32> to vector<1xi32>
      %squeeze3A_595 = vector.extract %slice3A_594[0] : i32 from vector<1xi32>
      %mul3A_596 = arith.constant 16 : i32
      %mul3A_597 = arith.muli %scan3A_172, %mul3A_596 : i32
      %add3A_598 = arith.constant 12 : i32
      %add3A_599 = arith.addi %mul3A_597, %add3A_598 : i32
      %dma_start3A_600 = arith.constant 1 : i32
      %dma_start3A_601 = arith.constant 0 : i32
      %dma_start3A_602 = tpu.memref_slice %arg10[%dma_start3A_600, %add3A_599, %dma_start3A_601] : memref<2x128x64xf32, #tpu.memory_space<vmem>> -> memref<1x1x64xf32, #tpu.memory_space<vmem>>
      %dma_start3A_603 = tpu.memref_squeeze %dma_start3A_602 : memref<1x1x64xf32, #tpu.memory_space<vmem>> -> memref<1x64xf32, #tpu.memory_space<vmem>>
      %dma_start3A_604 = arith.constant 0 : i32
      %dma_start3A_605 = tpu.memref_slice %arg4[%squeeze3A_593, %dma_start3A_604] : memref<1000000x64xf32, #tpu.memory_space<hbm>> -> memref<1x64xf32, #tpu.memory_space<hbm>>
      %dma_start3A_606 = arith.constant 0 : i32
      %dma_start3A_607 = tpu.memref_slice %arg10[%dma_start3A_600, %add3A_599, %dma_start3A_606] : memref<2x128x64xf32, #tpu.memory_space<vmem>> -> memref<1x1x64xf32, #tpu.memory_space<vmem>>
      %dma_start3A_608 = tpu.memref_squeeze %dma_start3A_607 : memref<1x1x64xf32, #tpu.memory_space<vmem>> -> memref<1x64xf32, #tpu.memory_space<vmem>>
      %dma_start3A_609 = arith.constant 0 : i32
      %dma_start3A_610 = tpu.memref_slice %arg4[%squeeze3A_593, %dma_start3A_609] : memref<1000000x64xf32, #tpu.memory_space<hbm>> -> memref<1x64xf32, #tpu.memory_space<hbm>>
      tpu.enqueue_dma source(%dma_start3A_610 : memref<1x64xf32, #tpu.memory_space<hbm>>) target(%dma_start3A_608 : memref<1x64xf32, #tpu.memory_space<vmem>>) target_semaphore(%arg13 : memref<!tpu.dma_semaphore, #tpu.memory_space<semaphore_mem>>)
      %mul3A_611 = arith.constant 16 : i32
      %mul3A_612 = arith.muli %scan3A_172, %mul3A_611 : i32
      %add3A_613 = arith.constant 12 : i32
      %add3A_614 = arith.addi %mul3A_612, %add3A_613 : i32
      %dma_start3A_615 = arith.constant 1 : i32
      %dma_start3A_616 = arith.constant 0 : i32
      %dma_start3A_617 = tpu.memref_slice %arg11[%dma_start3A_615, %add3A_614, %dma_start3A_616] : memref<2x128x64xf32, #tpu.memory_space<vmem>> -> memref<1x1x64xf32, #tpu.memory_space<vmem>>
      %dma_start3A_618 = tpu.memref_squeeze %dma_start3A_617 : memref<1x1x64xf32, #tpu.memory_space<vmem>> -> memref<1x64xf32, #tpu.memory_space<vmem>>
      %dma_start3A_619 = arith.constant 0 : i32
      %dma_start3A_620 = tpu.memref_slice %arg5[%squeeze3A_595, %dma_start3A_619] : memref<1000000x64xf32, #tpu.memory_space<hbm>> -> memref<1x64xf32, #tpu.memory_space<hbm>>
      %dma_start3A_621 = arith.constant 0 : i32
      %dma_start3A_622 = tpu.memref_slice %arg11[%dma_start3A_615, %add3A_614, %dma_start3A_621] : memref<2x128x64xf32, #tpu.memory_space<vmem>> -> memref<1x1x64xf32, #tpu.memory_space<vmem>>
      %dma_start3A_623 = tpu.memref_squeeze %dma_start3A_622 : memref<1x1x64xf32, #tpu.memory_space<vmem>> -> memref<1x64xf32, #tpu.memory_space<vmem>>
      %dma_start3A_624 = arith.constant 0 : i32
      %dma_start3A_625 = tpu.memref_slice %arg5[%squeeze3A_595, %dma_start3A_624] : memref<1000000x64xf32, #tpu.memory_space<hbm>> -> memref<1x64xf32, #tpu.memory_space<hbm>>
      tpu.enqueue_dma source(%dma_start3A_625 : memref<1x64xf32, #tpu.memory_space<hbm>>) target(%dma_start3A_623 : memref<1x64xf32, #tpu.memory_space<vmem>>) target_semaphore(%arg15 : memref<!tpu.dma_semaphore, #tpu.memory_space<semaphore_mem>>)
      %slice3A_626 = vector.extract_strided_slice %get3A_179 {offsets = [13], sizes = [1], strides = [1]} : vector<16xi32> to vector<1xi32>
      %squeeze3A_627 = vector.extract %slice3A_626[0] : i32 from vector<1xi32>
      %slice3A_628 = vector.extract_strided_slice %get3A_186 {offsets = [13], sizes = [1], strides = [1]} : vector<16xi32> to vector<1xi32>
      %squeeze3A_629 = vector.extract %slice3A_628[0] : i32 from vector<1xi32>
      %mul3A_630 = arith.constant 16 : i32
      %mul3A_631 = arith.muli %scan3A_172, %mul3A_630 : i32
      %add3A_632 = arith.constant 13 : i32
      %add3A_633 = arith.addi %mul3A_631, %add3A_632 : i32
      %dma_start3A_634 = arith.constant 1 : i32
      %dma_start3A_635 = arith.constant 0 : i32
      %dma_start3A_636 = tpu.memref_slice %arg10[%dma_start3A_634, %add3A_633, %dma_start3A_635] : memref<2x128x64xf32, #tpu.memory_space<vmem>> -> memref<1x1x64xf32, #tpu.memory_space<vmem>>
      %dma_start3A_637 = tpu.memref_squeeze %dma_start3A_636 : memref<1x1x64xf32, #tpu.memory_space<vmem>> -> memref<1x64xf32, #tpu.memory_space<vmem>>
      %dma_start3A_638 = arith.constant 0 : i32
      %dma_start3A_639 = tpu.memref_slice %arg4[%squeeze3A_627, %dma_start3A_638] : memref<1000000x64xf32, #tpu.memory_space<hbm>> -> memref<1x64xf32, #tpu.memory_space<hbm>>
      %dma_start3A_640 = arith.constant 0 : i32
      %dma_start3A_641 = tpu.memref_slice %arg10[%dma_start3A_634, %add3A_633, %dma_start3A_640] : memref<2x128x64xf32, #tpu.memory_space<vmem>> -> memref<1x1x64xf32, #tpu.memory_space<vmem>>
      %dma_start3A_642 = tpu.memref_squeeze %dma_start3A_641 : memref<1x1x64xf32, #tpu.memory_space<vmem>> -> memref<1x64xf32, #tpu.memory_space<vmem>>
      %dma_start3A_643 = arith.constant 0 : i32
      %dma_start3A_644 = tpu.memref_slice %arg4[%squeeze3A_627, %dma_start3A_643] : memref<1000000x64xf32, #tpu.memory_space<hbm>> -> memref<1x64xf32, #tpu.memory_space<hbm>>
      tpu.enqueue_dma source(%dma_start3A_644 : memref<1x64xf32, #tpu.memory_space<hbm>>) target(%dma_start3A_642 : memref<1x64xf32, #tpu.memory_space<vmem>>) target_semaphore(%arg13 : memref<!tpu.dma_semaphore, #tpu.memory_space<semaphore_mem>>)
      %mul3A_645 = arith.constant 16 : i32
      %mul3A_646 = arith.muli %scan3A_172, %mul3A_645 : i32
      %add3A_647 = arith.constant 13 : i32
      %add3A_648 = arith.addi %mul3A_646, %add3A_647 : i32
      %dma_start3A_649 = arith.constant 1 : i32
      %dma_start3A_650 = arith.constant 0 : i32
      %dma_start3A_651 = tpu.memref_slice %arg11[%dma_start3A_649, %add3A_648, %dma_start3A_650] : memref<2x128x64xf32, #tpu.memory_space<vmem>> -> memref<1x1x64xf32, #tpu.memory_space<vmem>>
      %dma_start3A_652 = tpu.memref_squeeze %dma_start3A_651 : memref<1x1x64xf32, #tpu.memory_space<vmem>> -> memref<1x64xf32, #tpu.memory_space<vmem>>
      %dma_start3A_653 = arith.constant 0 : i32
      %dma_start3A_654 = tpu.memref_slice %arg5[%squeeze3A_629, %dma_start3A_653] : memref<1000000x64xf32, #tpu.memory_space<hbm>> -> memref<1x64xf32, #tpu.memory_space<hbm>>
      %dma_start3A_655 = arith.constant 0 : i32
      %dma_start3A_656 = tpu.memref_slice %arg11[%dma_start3A_649, %add3A_648, %dma_start3A_655] : memref<2x128x64xf32, #tpu.memory_space<vmem>> -> memref<1x1x64xf32, #tpu.memory_space<vmem>>
      %dma_start3A_657 = tpu.memref_squeeze %dma_start3A_656 : memref<1x1x64xf32, #tpu.memory_space<vmem>> -> memref<1x64xf32, #tpu.memory_space<vmem>>
      %dma_start3A_658 = arith.constant 0 : i32
      %dma_start3A_659 = tpu.memref_slice %arg5[%squeeze3A_629, %dma_start3A_658] : memref<1000000x64xf32, #tpu.memory_space<hbm>> -> memref<1x64xf32, #tpu.memory_space<hbm>>
      tpu.enqueue_dma source(%dma_start3A_659 : memref<1x64xf32, #tpu.memory_space<hbm>>) target(%dma_start3A_657 : memref<1x64xf32, #tpu.memory_space<vmem>>) target_semaphore(%arg15 : memref<!tpu.dma_semaphore, #tpu.memory_space<semaphore_mem>>)
      %slice3A_660 = vector.extract_strided_slice %get3A_179 {offsets = [14], sizes = [1], strides = [1]} : vector<16xi32> to vector<1xi32>
      %squeeze3A_661 = vector.extract %slice3A_660[0] : i32 from vector<1xi32>
      %slice3A_662 = vector.extract_strided_slice %get3A_186 {offsets = [14], sizes = [1], strides = [1]} : vector<16xi32> to vector<1xi32>
      %squeeze3A_663 = vector.extract %slice3A_662[0] : i32 from vector<1xi32>
      %mul3A_664 = arith.constant 16 : i32
      %mul3A_665 = arith.muli %scan3A_172, %mul3A_664 : i32
      %add3A_666 = arith.constant 14 : i32
      %add3A_667 = arith.addi %mul3A_665, %add3A_666 : i32
      %dma_start3A_668 = arith.constant 1 : i32
      %dma_start3A_669 = arith.constant 0 : i32
      %dma_start3A_670 = tpu.memref_slice %arg10[%dma_start3A_668, %add3A_667, %dma_start3A_669] : memref<2x128x64xf32, #tpu.memory_space<vmem>> -> memref<1x1x64xf32, #tpu.memory_space<vmem>>
      %dma_start3A_671 = tpu.memref_squeeze %dma_start3A_670 : memref<1x1x64xf32, #tpu.memory_space<vmem>> -> memref<1x64xf32, #tpu.memory_space<vmem>>
      %dma_start3A_672 = arith.constant 0 : i32
      %dma_start3A_673 = tpu.memref_slice %arg4[%squeeze3A_661, %dma_start3A_672] : memref<1000000x64xf32, #tpu.memory_space<hbm>> -> memref<1x64xf32, #tpu.memory_space<hbm>>
      %dma_start3A_674 = arith.constant 0 : i32
      %dma_start3A_675 = tpu.memref_slice %arg10[%dma_start3A_668, %add3A_667, %dma_start3A_674] : memref<2x128x64xf32, #tpu.memory_space<vmem>> -> memref<1x1x64xf32, #tpu.memory_space<vmem>>
      %dma_start3A_676 = tpu.memref_squeeze %dma_start3A_675 : memref<1x1x64xf32, #tpu.memory_space<vmem>> -> memref<1x64xf32, #tpu.memory_space<vmem>>
      %dma_start3A_677 = arith.constant 0 : i32
      %dma_start3A_678 = tpu.memref_slice %arg4[%squeeze3A_661, %dma_start3A_677] : memref<1000000x64xf32, #tpu.memory_space<hbm>> -> memref<1x64xf32, #tpu.memory_space<hbm>>
      tpu.enqueue_dma source(%dma_start3A_678 : memref<1x64xf32, #tpu.memory_space<hbm>>) target(%dma_start3A_676 : memref<1x64xf32, #tpu.memory_space<vmem>>) target_semaphore(%arg13 : memref<!tpu.dma_semaphore, #tpu.memory_space<semaphore_mem>>)
      %mul3A_679 = arith.constant 16 : i32
      %mul3A_680 = arith.muli %scan3A_172, %mul3A_679 : i32
      %add3A_681 = arith.constant 14 : i32
      %add3A_682 = arith.addi %mul3A_680, %add3A_681 : i32
      %dma_start3A_683 = arith.constant 1 : i32
      %dma_start3A_684 = arith.constant 0 : i32
      %dma_start3A_685 = tpu.memref_slice %arg11[%dma_start3A_683, %add3A_682, %dma_start3A_684] : memref<2x128x64xf32, #tpu.memory_space<vmem>> -> memref<1x1x64xf32, #tpu.memory_space<vmem>>
      %dma_start3A_686 = tpu.memref_squeeze %dma_start3A_685 : memref<1x1x64xf32, #tpu.memory_space<vmem>> -> memref<1x64xf32, #tpu.memory_space<vmem>>
      %dma_start3A_687 = arith.constant 0 : i32
      %dma_start3A_688 = tpu.memref_slice %arg5[%squeeze3A_663, %dma_start3A_687] : memref<1000000x64xf32, #tpu.memory_space<hbm>> -> memref<1x64xf32, #tpu.memory_space<hbm>>
      %dma_start3A_689 = arith.constant 0 : i32
      %dma_start3A_690 = tpu.memref_slice %arg11[%dma_start3A_683, %add3A_682, %dma_start3A_689] : memref<2x128x64xf32, #tpu.memory_space<vmem>> -> memref<1x1x64xf32, #tpu.memory_space<vmem>>
      %dma_start3A_691 = tpu.memref_squeeze %dma_start3A_690 : memref<1x1x64xf32, #tpu.memory_space<vmem>> -> memref<1x64xf32, #tpu.memory_space<vmem>>
      %dma_start3A_692 = arith.constant 0 : i32
      %dma_start3A_693 = tpu.memref_slice %arg5[%squeeze3A_663, %dma_start3A_692] : memref<1000000x64xf32, #tpu.memory_space<hbm>> -> memref<1x64xf32, #tpu.memory_space<hbm>>
      tpu.enqueue_dma source(%dma_start3A_693 : memref<1x64xf32, #tpu.memory_space<hbm>>) target(%dma_start3A_691 : memref<1x64xf32, #tpu.memory_space<vmem>>) target_semaphore(%arg15 : memref<!tpu.dma_semaphore, #tpu.memory_space<semaphore_mem>>)
      %slice3A_694 = vector.extract_strided_slice %get3A_179 {offsets = [15], sizes = [1], strides = [1]} : vector<16xi32> to vector<1xi32>
      %squeeze3A_695 = vector.extract %slice3A_694[0] : i32 from vector<1xi32>
      %slice3A_696 = vector.extract_strided_slice %get3A_186 {offsets = [15], sizes = [1], strides = [1]} : vector<16xi32> to vector<1xi32>
      %squeeze3A_697 = vector.extract %slice3A_696[0] : i32 from vector<1xi32>
      %mul3A_698 = arith.constant 16 : i32
      %mul3A_699 = arith.muli %scan3A_172, %mul3A_698 : i32
      %add3A_700 = arith.constant 15 : i32
      %add3A_701 = arith.addi %mul3A_699, %add3A_700 : i32
      %dma_start3A_702 = arith.constant 1 : i32
      %dma_start3A_703 = arith.constant 0 : i32
      %dma_start3A_704 = tpu.memref_slice %arg10[%dma_start3A_702, %add3A_701, %dma_start3A_703] : memref<2x128x64xf32, #tpu.memory_space<vmem>> -> memref<1x1x64xf32, #tpu.memory_space<vmem>>
      %dma_start3A_705 = tpu.memref_squeeze %dma_start3A_704 : memref<1x1x64xf32, #tpu.memory_space<vmem>> -> memref<1x64xf32, #tpu.memory_space<vmem>>
      %dma_start3A_706 = arith.constant 0 : i32
      %dma_start3A_707 = tpu.memref_slice %arg4[%squeeze3A_695, %dma_start3A_706] : memref<1000000x64xf32, #tpu.memory_space<hbm>> -> memref<1x64xf32, #tpu.memory_space<hbm>>
      %dma_start3A_708 = arith.constant 0 : i32
      %dma_start3A_709 = tpu.memref_slice %arg10[%dma_start3A_702, %add3A_701, %dma_start3A_708] : memref<2x128x64xf32, #tpu.memory_space<vmem>> -> memref<1x1x64xf32, #tpu.memory_space<vmem>>
      %dma_start3A_710 = tpu.memref_squeeze %dma_start3A_709 : memref<1x1x64xf32, #tpu.memory_space<vmem>> -> memref<1x64xf32, #tpu.memory_space<vmem>>
      %dma_start3A_711 = arith.constant 0 : i32
      %dma_start3A_712 = tpu.memref_slice %arg4[%squeeze3A_695, %dma_start3A_711] : memref<1000000x64xf32, #tpu.memory_space<hbm>> -> memref<1x64xf32, #tpu.memory_space<hbm>>
      tpu.enqueue_dma source(%dma_start3A_712 : memref<1x64xf32, #tpu.memory_space<hbm>>) target(%dma_start3A_710 : memref<1x64xf32, #tpu.memory_space<vmem>>) target_semaphore(%arg13 : memref<!tpu.dma_semaphore, #tpu.memory_space<semaphore_mem>>)
      %mul3A_713 = arith.constant 16 : i32
      %mul3A_714 = arith.muli %scan3A_172, %mul3A_713 : i32
      %add3A_715 = arith.constant 15 : i32
      %add3A_716 = arith.addi %mul3A_714, %add3A_715 : i32
      %dma_start3A_717 = arith.constant 1 : i32
      %dma_start3A_718 = arith.constant 0 : i32
      %dma_start3A_719 = tpu.memref_slice %arg11[%dma_start3A_717, %add3A_716, %dma_start3A_718] : memref<2x128x64xf32, #tpu.memory_space<vmem>> -> memref<1x1x64xf32, #tpu.memory_space<vmem>>
      %dma_start3A_720 = tpu.memref_squeeze %dma_start3A_719 : memref<1x1x64xf32, #tpu.memory_space<vmem>> -> memref<1x64xf32, #tpu.memory_space<vmem>>
      %dma_start3A_721 = arith.constant 0 : i32
      %dma_start3A_722 = tpu.memref_slice %arg5[%squeeze3A_697, %dma_start3A_721] : memref<1000000x64xf32, #tpu.memory_space<hbm>> -> memref<1x64xf32, #tpu.memory_space<hbm>>
      %dma_start3A_723 = arith.constant 0 : i32
      %dma_start3A_724 = tpu.memref_slice %arg11[%dma_start3A_717, %add3A_716, %dma_start3A_723] : memref<2x128x64xf32, #tpu.memory_space<vmem>> -> memref<1x1x64xf32, #tpu.memory_space<vmem>>
      %dma_start3A_725 = tpu.memref_squeeze %dma_start3A_724 : memref<1x1x64xf32, #tpu.memory_space<vmem>> -> memref<1x64xf32, #tpu.memory_space<vmem>>
      %dma_start3A_726 = arith.constant 0 : i32
      %dma_start3A_727 = tpu.memref_slice %arg5[%squeeze3A_697, %dma_start3A_726] : memref<1000000x64xf32, #tpu.memory_space<hbm>> -> memref<1x64xf32, #tpu.memory_space<hbm>>
      tpu.enqueue_dma source(%dma_start3A_727 : memref<1x64xf32, #tpu.memory_space<hbm>>) target(%dma_start3A_725 : memref<1x64xf32, #tpu.memory_space<vmem>>) target_semaphore(%arg15 : memref<!tpu.dma_semaphore, #tpu.memory_space<semaphore_mem>>)
      %scan3A_728 = arith.constant 0 : i32
      scf.yield %scan3A_728 : i32
    }
    %scan3A_99 = arith.constant 8 : i32
    %dma_wait3A_100 = arith.constant 0 : i32
    %dma_wait3A_101 = arith.constant 0 : i32
    %dma_wait3A_102 = arith.constant 0 : i32
    %dma_wait3A_103 = tpu.memref_slice %arg10[%dma_wait3A_100, %dma_wait3A_101, %dma_wait3A_102] : memref<2x128x64xf32, #tpu.memory_space<vmem>> -> memref<1x128x64xf32, #tpu.memory_space<vmem>>
    %dma_wait3A_104 = tpu.memref_squeeze %dma_wait3A_103 : memref<1x128x64xf32, #tpu.memory_space<vmem>> -> memref<128x64xf32, #tpu.memory_space<vmem>>
    %dma_wait3A_105 = arith.constant 0 : i32
    %dma_wait3A_106 = arith.constant 0 : i32
    %dma_wait3A_107 = tpu.memref_slice %arg4[%dma_wait3A_105, %dma_wait3A_106] : memref<1000000x64xf32, #tpu.memory_space<hbm>> -> memref<128x64xf32, #tpu.memory_space<hbm>>
    %dma_wait3A_108 = arith.constant 0 : i32
    %dma_wait3A_109 = arith.constant 0 : i32
    %dma_wait3A_110 = tpu.memref_slice %arg10[%dma_wait3A_100, %dma_wait3A_108, %dma_wait3A_109] : memref<2x128x64xf32, #tpu.memory_space<vmem>> -> memref<1x128x64xf32, #tpu.memory_space<vmem>>
    %dma_wait3A_111 = tpu.memref_squeeze %dma_wait3A_110 : memref<1x128x64xf32, #tpu.memory_space<vmem>> -> memref<128x64xf32, #tpu.memory_space<vmem>>
    %dma_wait3A_112 = arith.constant 0 : i32
    %dma_wait3A_113 = arith.constant 0 : i32
    %dma_wait3A_114 = tpu.memref_slice %arg4[%dma_wait3A_112, %dma_wait3A_113] : memref<1000000x64xf32, #tpu.memory_space<hbm>> -> memref<128x64xf32, #tpu.memory_space<hbm>>
    tpu.wait_dma2 semaphore(%arg12 : memref<!tpu.dma_semaphore, #tpu.memory_space<semaphore_mem>>) src(%dma_wait3A_114 : memref<128x64xf32, #tpu.memory_space<hbm>>) dst(%dma_wait3A_111 : memref<128x64xf32, #tpu.memory_space<vmem>>)
    %dma_wait3A_115 = arith.constant 0 : i32
    %dma_wait3A_116 = arith.constant 0 : i32
    %dma_wait3A_117 = arith.constant 0 : i32
    %dma_wait3A_118 = tpu.memref_slice %arg11[%dma_wait3A_115, %dma_wait3A_116, %dma_wait3A_117] : memref<2x128x64xf32, #tpu.memory_space<vmem>> -> memref<1x128x64xf32, #tpu.memory_space<vmem>>
    %dma_wait3A_119 = tpu.memref_squeeze %dma_wait3A_118 : memref<1x128x64xf32, #tpu.memory_space<vmem>> -> memref<128x64xf32, #tpu.memory_space<vmem>>
    %dma_wait3A_120 = arith.constant 0 : i32
    %dma_wait3A_121 = arith.constant 0 : i32
    %dma_wait3A_122 = tpu.memref_slice %arg5[%dma_wait3A_120, %dma_wait3A_121] : memref<1000000x64xf32, #tpu.memory_space<hbm>> -> memref<128x64xf32, #tpu.memory_space<hbm>>
    %dma_wait3A_123 = arith.constant 0 : i32
    %dma_wait3A_124 = arith.constant 0 : i32
    %dma_wait3A_125 = tpu.memref_slice %arg11[%dma_wait3A_115, %dma_wait3A_123, %dma_wait3A_124] : memref<2x128x64xf32, #tpu.memory_space<vmem>> -> memref<1x128x64xf32, #tpu.memory_space<vmem>>
    %dma_wait3A_126 = tpu.memref_squeeze %dma_wait3A_125 : memref<1x128x64xf32, #tpu.memory_space<vmem>> -> memref<128x64xf32, #tpu.memory_space<vmem>>
    %dma_wait3A_127 = arith.constant 0 : i32
    %dma_wait3A_128 = arith.constant 0 : i32
    %dma_wait3A_129 = tpu.memref_slice %arg5[%dma_wait3A_127, %dma_wait3A_128] : memref<1000000x64xf32, #tpu.memory_space<hbm>> -> memref<128x64xf32, #tpu.memory_space<hbm>>
    tpu.wait_dma2 semaphore(%arg14 : memref<!tpu.dma_semaphore, #tpu.memory_space<semaphore_mem>>) src(%dma_wait3A_129 : memref<128x64xf32, #tpu.memory_space<hbm>>) dst(%dma_wait3A_126 : memref<128x64xf32, #tpu.memory_space<vmem>>)
    %add3A_130 = arith.constant 256 : i32
    %add3A_131 = arith.addi %mul3A_2, %add3A_130 : i32
    %run_scoped3A_132 = arith.constant 0 : i32
    "tpu.region"() ({
      %run_scoped3A_172 = tpu.sem_alloc : memref<!tpu.dma_semaphore, #tpu.memory_space<semaphore_mem>>
      %dma_start3A = arith.constant 0 : i32
      %dma_start3A_173 = arith.constant 0 : i32
      %dma_start3A_174 = tpu.memref_slice %arg10[%run_scoped3A_132, %dma_start3A, %dma_start3A_173] : memref<2x128x64xf32, #tpu.memory_space<vmem>> -> memref<1x128x64xf32, #tpu.memory_space<vmem>>
      %dma_start3A_175 = tpu.memref_squeeze %dma_start3A_174 : memref<1x128x64xf32, #tpu.memory_space<vmem>> -> memref<128x64xf32, #tpu.memory_space<vmem>>
      %dma_start3A_176 = arith.constant 0 : i32
      %dma_start3A_177 = tpu.memref_slice %arg6[%add3A_131, %dma_start3A_176] : memref<16384x64xf32, #tpu.memory_space<hbm>> -> memref<128x64xf32, #tpu.memory_space<hbm>>
      %dma_start3A_178 = arith.constant 0 : i32
      %dma_start3A_179 = tpu.memref_slice %arg6[%add3A_131, %dma_start3A_178] : memref<16384x64xf32, #tpu.memory_space<hbm>> -> memref<128x64xf32, #tpu.memory_space<hbm>>
      %dma_start3A_180 = arith.constant 0 : i32
      %dma_start3A_181 = arith.constant 0 : i32
      %dma_start3A_182 = tpu.memref_slice %arg10[%run_scoped3A_132, %dma_start3A_180, %dma_start3A_181] : memref<2x128x64xf32, #tpu.memory_space<vmem>> -> memref<1x128x64xf32, #tpu.memory_space<vmem>>
      %dma_start3A_183 = tpu.memref_squeeze %dma_start3A_182 : memref<1x128x64xf32, #tpu.memory_space<vmem>> -> memref<128x64xf32, #tpu.memory_space<vmem>>
      tpu.enqueue_dma source(%dma_start3A_183 : memref<128x64xf32, #tpu.memory_space<vmem>>) target(%dma_start3A_179 : memref<128x64xf32, #tpu.memory_space<hbm>>) target_semaphore(%run_scoped3A_172 : memref<!tpu.dma_semaphore, #tpu.memory_space<semaphore_mem>>)
      %dma_wait3A_184 = arith.constant 0 : i32
      %dma_wait3A_185 = arith.constant 0 : i32
      %dma_wait3A_186 = tpu.memref_slice %arg10[%run_scoped3A_132, %dma_wait3A_184, %dma_wait3A_185] : memref<2x128x64xf32, #tpu.memory_space<vmem>> -> memref<1x128x64xf32, #tpu.memory_space<vmem>>
      %dma_wait3A_187 = tpu.memref_squeeze %dma_wait3A_186 : memref<1x128x64xf32, #tpu.memory_space<vmem>> -> memref<128x64xf32, #tpu.memory_space<vmem>>
      %dma_wait3A_188 = arith.constant 0 : i32
      %dma_wait3A_189 = tpu.memref_slice %arg6[%add3A_131, %dma_wait3A_188] : memref<16384x64xf32, #tpu.memory_space<hbm>> -> memref<128x64xf32, #tpu.memory_space<hbm>>
      %dma_wait3A_190 = arith.constant 0 : i32
      %dma_wait3A_191 = tpu.memref_slice %arg6[%add3A_131, %dma_wait3A_190] : memref<16384x64xf32, #tpu.memory_space<hbm>> -> memref<128x64xf32, #tpu.memory_space<hbm>>
      %dma_wait3A_192 = arith.constant 0 : i32
      %dma_wait3A_193 = arith.constant 0 : i32
      %dma_wait3A_194 = tpu.memref_slice %arg10[%run_scoped3A_132, %dma_wait3A_192, %dma_wait3A_193] : memref<2x128x64xf32, #tpu.memory_space<vmem>> -> memref<1x128x64xf32, #tpu.memory_space<vmem>>
      %dma_wait3A_195 = tpu.memref_squeeze %dma_wait3A_194 : memref<1x128x64xf32, #tpu.memory_space<vmem>> -> memref<128x64xf32, #tpu.memory_space<vmem>>
      tpu.wait_dma2 semaphore(%run_scoped3A_172 : memref<!tpu.dma_semaphore, #tpu.memory_space<semaphore_mem>>) src(%dma_wait3A_195 : memref<128x64xf32, #tpu.memory_space<vmem>>) dst(%dma_wait3A_191 : memref<128x64xf32, #tpu.memory_space<hbm>>)
      tpu.yield
    }) : () -> ()
    %add3A_133 = arith.constant 256 : i32
    %add3A_134 = arith.addi %mul3A_2, %add3A_133 : i32
    %run_scoped3A_135 = arith.constant 0 : i32
    "tpu.region"() ({
      %run_scoped3A_172 = tpu.sem_alloc : memref<!tpu.dma_semaphore, #tpu.memory_space<semaphore_mem>>
      %dma_start3A = arith.constant 0 : i32
      %dma_start3A_173 = arith.constant 0 : i32
      %dma_start3A_174 = tpu.memref_slice %arg11[%run_scoped3A_135, %dma_start3A, %dma_start3A_173] : memref<2x128x64xf32, #tpu.memory_space<vmem>> -> memref<1x128x64xf32, #tpu.memory_space<vmem>>
      %dma_start3A_175 = tpu.memref_squeeze %dma_start3A_174 : memref<1x128x64xf32, #tpu.memory_space<vmem>> -> memref<128x64xf32, #tpu.memory_space<vmem>>
      %dma_start3A_176 = arith.constant 0 : i32
      %dma_start3A_177 = tpu.memref_slice %arg7[%add3A_134, %dma_start3A_176] : memref<16384x64xf32, #tpu.memory_space<hbm>> -> memref<128x64xf32, #tpu.memory_space<hbm>>
      %dma_start3A_178 = arith.constant 0 : i32
      %dma_start3A_179 = tpu.memref_slice %arg7[%add3A_134, %dma_start3A_178] : memref<16384x64xf32, #tpu.memory_space<hbm>> -> memref<128x64xf32, #tpu.memory_space<hbm>>
      %dma_start3A_180 = arith.constant 0 : i32
      %dma_start3A_181 = arith.constant 0 : i32
      %dma_start3A_182 = tpu.memref_slice %arg11[%run_scoped3A_135, %dma_start3A_180, %dma_start3A_181] : memref<2x128x64xf32, #tpu.memory_space<vmem>> -> memref<1x128x64xf32, #tpu.memory_space<vmem>>
      %dma_start3A_183 = tpu.memref_squeeze %dma_start3A_182 : memref<1x128x64xf32, #tpu.memory_space<vmem>> -> memref<128x64xf32, #tpu.memory_space<vmem>>
      tpu.enqueue_dma source(%dma_start3A_183 : memref<128x64xf32, #tpu.memory_space<vmem>>) target(%dma_start3A_179 : memref<128x64xf32, #tpu.memory_space<hbm>>) target_semaphore(%run_scoped3A_172 : memref<!tpu.dma_semaphore, #tpu.memory_space<semaphore_mem>>)
      %dma_wait3A_184 = arith.constant 0 : i32
      %dma_wait3A_185 = arith.constant 0 : i32
      %dma_wait3A_186 = tpu.memref_slice %arg11[%run_scoped3A_135, %dma_wait3A_184, %dma_wait3A_185] : memref<2x128x64xf32, #tpu.memory_space<vmem>> -> memref<1x128x64xf32, #tpu.memory_space<vmem>>
      %dma_wait3A_187 = tpu.memref_squeeze %dma_wait3A_186 : memref<1x128x64xf32, #tpu.memory_space<vmem>> -> memref<128x64xf32, #tpu.memory_space<vmem>>
      %dma_wait3A_188 = arith.constant 0 : i32
      %dma_wait3A_189 = tpu.memref_slice %arg7[%add3A_134, %dma_wait3A_188] : memref<16384x64xf32, #tpu.memory_space<hbm>> -> memref<128x64xf32, #tpu.memory_space<hbm>>
      %dma_wait3A_190 = arith.constant 0 : i32
      %dma_wait3A_191 = tpu.memref_slice %arg7[%add3A_134, %dma_wait3A_190] : memref<16384x64xf32, #tpu.memory_space<hbm>> -> memref<128x64xf32, #tpu.memory_space<hbm>>
      %dma_wait3A_192 = arith.constant 0 : i32
      %dma_wait3A_193 = arith.constant 0 : i32
      %dma_wait3A_194 = tpu.memref_slice %arg11[%run_scoped3A_135, %dma_wait3A_192, %dma_wait3A_193] : memref<2x128x64xf32, #tpu.memory_space<vmem>> -> memref<1x128x64xf32, #tpu.memory_space<vmem>>
      %dma_wait3A_195 = tpu.memref_squeeze %dma_wait3A_194 : memref<1x128x64xf32, #tpu.memory_space<vmem>> -> memref<128x64xf32, #tpu.memory_space<vmem>>
      tpu.wait_dma2 semaphore(%run_scoped3A_172 : memref<!tpu.dma_semaphore, #tpu.memory_space<semaphore_mem>>) src(%dma_wait3A_195 : memref<128x64xf32, #tpu.memory_space<vmem>>) dst(%dma_wait3A_191 : memref<128x64xf32, #tpu.memory_space<hbm>>)
      tpu.yield
    }) : () -> ()
    %dma_wait3A_136 = arith.constant 1 : i32
    %dma_wait3A_137 = arith.constant 0 : i32
    %dma_wait3A_138 = arith.constant 0 : i32
    %dma_wait3A_139 = tpu.memref_slice %arg10[%dma_wait3A_136, %dma_wait3A_137, %dma_wait3A_138] : memref<2x128x64xf32, #tpu.memory_space<vmem>> -> memref<1x128x64xf32, #tpu.memory_space<vmem>>
    %dma_wait3A_140 = tpu.memref_squeeze %dma_wait3A_139 : memref<1x128x64xf32, #tpu.memory_space<vmem>> -> memref<128x64xf32, #tpu.memory_space<vmem>>
    %dma_wait3A_141 = arith.constant 0 : i32
    %dma_wait3A_142 = arith.constant 0 : i32
    %dma_wait3A_143 = tpu.memref_slice %arg4[%dma_wait3A_141, %dma_wait3A_142] : memref<1000000x64xf32, #tpu.memory_space<hbm>> -> memref<128x64xf32, #tpu.memory_space<hbm>>
    %dma_wait3A_144 = arith.constant 0 : i32
    %dma_wait3A_145 = arith.constant 0 : i32
    %dma_wait3A_146 = tpu.memref_slice %arg10[%dma_wait3A_136, %dma_wait3A_144, %dma_wait3A_145] : memref<2x128x64xf32, #tpu.memory_space<vmem>> -> memref<1x128x64xf32, #tpu.memory_space<vmem>>
    %dma_wait3A_147 = tpu.memref_squeeze %dma_wait3A_146 : memref<1x128x64xf32, #tpu.memory_space<vmem>> -> memref<128x64xf32, #tpu.memory_space<vmem>>
    %dma_wait3A_148 = arith.constant 0 : i32
    %dma_wait3A_149 = arith.constant 0 : i32
    %dma_wait3A_150 = tpu.memref_slice %arg4[%dma_wait3A_148, %dma_wait3A_149] : memref<1000000x64xf32, #tpu.memory_space<hbm>> -> memref<128x64xf32, #tpu.memory_space<hbm>>
    tpu.wait_dma2 semaphore(%arg13 : memref<!tpu.dma_semaphore, #tpu.memory_space<semaphore_mem>>) src(%dma_wait3A_150 : memref<128x64xf32, #tpu.memory_space<hbm>>) dst(%dma_wait3A_147 : memref<128x64xf32, #tpu.memory_space<vmem>>)
    %dma_wait3A_151 = arith.constant 1 : i32
    %dma_wait3A_152 = arith.constant 0 : i32
    %dma_wait3A_153 = arith.constant 0 : i32
    %dma_wait3A_154 = tpu.memref_slice %arg11[%dma_wait3A_151, %dma_wait3A_152, %dma_wait3A_153] : memref<2x128x64xf32, #tpu.memory_space<vmem>> -> memref<1x128x64xf32, #tpu.memory_space<vmem>>
    %dma_wait3A_155 = tpu.memref_squeeze %dma_wait3A_154 : memref<1x128x64xf32, #tpu.memory_space<vmem>> -> memref<128x64xf32, #tpu.memory_space<vmem>>
    %dma_wait3A_156 = arith.constant 0 : i32
    %dma_wait3A_157 = arith.constant 0 : i32
    %dma_wait3A_158 = tpu.memref_slice %arg5[%dma_wait3A_156, %dma_wait3A_157] : memref<1000000x64xf32, #tpu.memory_space<hbm>> -> memref<128x64xf32, #tpu.memory_space<hbm>>
    %dma_wait3A_159 = arith.constant 0 : i32
    %dma_wait3A_160 = arith.constant 0 : i32
    %dma_wait3A_161 = tpu.memref_slice %arg11[%dma_wait3A_151, %dma_wait3A_159, %dma_wait3A_160] : memref<2x128x64xf32, #tpu.memory_space<vmem>> -> memref<1x128x64xf32, #tpu.memory_space<vmem>>
    %dma_wait3A_162 = tpu.memref_squeeze %dma_wait3A_161 : memref<1x128x64xf32, #tpu.memory_space<vmem>> -> memref<128x64xf32, #tpu.memory_space<vmem>>
    %dma_wait3A_163 = arith.constant 0 : i32
    %dma_wait3A_164 = arith.constant 0 : i32
    %dma_wait3A_165 = tpu.memref_slice %arg5[%dma_wait3A_163, %dma_wait3A_164] : memref<1000000x64xf32, #tpu.memory_space<hbm>> -> memref<128x64xf32, #tpu.memory_space<hbm>>
    tpu.wait_dma2 semaphore(%arg15 : memref<!tpu.dma_semaphore, #tpu.memory_space<semaphore_mem>>) src(%dma_wait3A_165 : memref<128x64xf32, #tpu.memory_space<hbm>>) dst(%dma_wait3A_162 : memref<128x64xf32, #tpu.memory_space<vmem>>)
    %add3A_166 = arith.constant 384 : i32
    %add3A_167 = arith.addi %mul3A_2, %add3A_166 : i32
    %run_scoped3A_168 = arith.constant 1 : i32
    "tpu.region"() ({
      %run_scoped3A_172 = tpu.sem_alloc : memref<!tpu.dma_semaphore, #tpu.memory_space<semaphore_mem>>
      %dma_start3A = arith.constant 0 : i32
      %dma_start3A_173 = arith.constant 0 : i32
      %dma_start3A_174 = tpu.memref_slice %arg10[%run_scoped3A_168, %dma_start3A, %dma_start3A_173] : memref<2x128x64xf32, #tpu.memory_space<vmem>> -> memref<1x128x64xf32, #tpu.memory_space<vmem>>
      %dma_start3A_175 = tpu.memref_squeeze %dma_start3A_174 : memref<1x128x64xf32, #tpu.memory_space<vmem>> -> memref<128x64xf32, #tpu.memory_space<vmem>>
      %dma_start3A_176 = arith.constant 0 : i32
      %dma_start3A_177 = tpu.memref_slice %arg6[%add3A_167, %dma_start3A_176] : memref<16384x64xf32, #tpu.memory_space<hbm>> -> memref<128x64xf32, #tpu.memory_space<hbm>>
      %dma_start3A_178 = arith.constant 0 : i32
      %dma_start3A_179 = tpu.memref_slice %arg6[%add3A_167, %dma_start3A_178] : memref<16384x64xf32, #tpu.memory_space<hbm>> -> memref<128x64xf32, #tpu.memory_space<hbm>>
      %dma_start3A_180 = arith.constant 0 : i32
      %dma_start3A_181 = arith.constant 0 : i32
      %dma_start3A_182 = tpu.memref_slice %arg10[%run_scoped3A_168, %dma_start3A_180, %dma_start3A_181] : memref<2x128x64xf32, #tpu.memory_space<vmem>> -> memref<1x128x64xf32, #tpu.memory_space<vmem>>
      %dma_start3A_183 = tpu.memref_squeeze %dma_start3A_182 : memref<1x128x64xf32, #tpu.memory_space<vmem>> -> memref<128x64xf32, #tpu.memory_space<vmem>>
      tpu.enqueue_dma source(%dma_start3A_183 : memref<128x64xf32, #tpu.memory_space<vmem>>) target(%dma_start3A_179 : memref<128x64xf32, #tpu.memory_space<hbm>>) target_semaphore(%run_scoped3A_172 : memref<!tpu.dma_semaphore, #tpu.memory_space<semaphore_mem>>)
      %dma_wait3A_184 = arith.constant 0 : i32
      %dma_wait3A_185 = arith.constant 0 : i32
      %dma_wait3A_186 = tpu.memref_slice %arg10[%run_scoped3A_168, %dma_wait3A_184, %dma_wait3A_185] : memref<2x128x64xf32, #tpu.memory_space<vmem>> -> memref<1x128x64xf32, #tpu.memory_space<vmem>>
      %dma_wait3A_187 = tpu.memref_squeeze %dma_wait3A_186 : memref<1x128x64xf32, #tpu.memory_space<vmem>> -> memref<128x64xf32, #tpu.memory_space<vmem>>
      %dma_wait3A_188 = arith.constant 0 : i32
      %dma_wait3A_189 = tpu.memref_slice %arg6[%add3A_167, %dma_wait3A_188] : memref<16384x64xf32, #tpu.memory_space<hbm>> -> memref<128x64xf32, #tpu.memory_space<hbm>>
      %dma_wait3A_190 = arith.constant 0 : i32
      %dma_wait3A_191 = tpu.memref_slice %arg6[%add3A_167, %dma_wait3A_190] : memref<16384x64xf32, #tpu.memory_space<hbm>> -> memref<128x64xf32, #tpu.memory_space<hbm>>
      %dma_wait3A_192 = arith.constant 0 : i32
      %dma_wait3A_193 = arith.constant 0 : i32
      %dma_wait3A_194 = tpu.memref_slice %arg10[%run_scoped3A_168, %dma_wait3A_192, %dma_wait3A_193] : memref<2x128x64xf32, #tpu.memory_space<vmem>> -> memref<1x128x64xf32, #tpu.memory_space<vmem>>
      %dma_wait3A_195 = tpu.memref_squeeze %dma_wait3A_194 : memref<1x128x64xf32, #tpu.memory_space<vmem>> -> memref<128x64xf32, #tpu.memory_space<vmem>>
      tpu.wait_dma2 semaphore(%run_scoped3A_172 : memref<!tpu.dma_semaphore, #tpu.memory_space<semaphore_mem>>) src(%dma_wait3A_195 : memref<128x64xf32, #tpu.memory_space<vmem>>) dst(%dma_wait3A_191 : memref<128x64xf32, #tpu.memory_space<hbm>>)
      tpu.yield
    }) : () -> ()
    %add3A_169 = arith.constant 384 : i32
    %add3A_170 = arith.addi %mul3A_2, %add3A_169 : i32
    %run_scoped3A_171 = arith.constant 1 : i32
    "tpu.region"() ({
      %run_scoped3A_172 = tpu.sem_alloc : memref<!tpu.dma_semaphore, #tpu.memory_space<semaphore_mem>>
      %dma_start3A = arith.constant 0 : i32
      %dma_start3A_173 = arith.constant 0 : i32
      %dma_start3A_174 = tpu.memref_slice %arg11[%run_scoped3A_171, %dma_start3A, %dma_start3A_173] : memref<2x128x64xf32, #tpu.memory_space<vmem>> -> memref<1x128x64xf32, #tpu.memory_space<vmem>>
      %dma_start3A_175 = tpu.memref_squeeze %dma_start3A_174 : memref<1x128x64xf32, #tpu.memory_space<vmem>> -> memref<128x64xf32, #tpu.memory_space<vmem>>
      %dma_start3A_176 = arith.constant 0 : i32
      %dma_start3A_177 = tpu.memref_slice %arg7[%add3A_170, %dma_start3A_176] : memref<16384x64xf32, #tpu.memory_space<hbm>> -> memref<128x64xf32, #tpu.memory_space<hbm>>
      %dma_start3A_178 = arith.constant 0 : i32
      %dma_start3A_179 = tpu.memref_slice %arg7[%add3A_170, %dma_start3A_178] : memref<16384x64xf32, #tpu.memory_space<hbm>> -> memref<128x64xf32, #tpu.memory_space<hbm>>
      %dma_start3A_180 = arith.constant 0 : i32
      %dma_start3A_181 = arith.constant 0 : i32
      %dma_start3A_182 = tpu.memref_slice %arg11[%run_scoped3A_171, %dma_start3A_180, %dma_start3A_181] : memref<2x128x64xf32, #tpu.memory_space<vmem>> -> memref<1x128x64xf32, #tpu.memory_space<vmem>>
      %dma_start3A_183 = tpu.memref_squeeze %dma_start3A_182 : memref<1x128x64xf32, #tpu.memory_space<vmem>> -> memref<128x64xf32, #tpu.memory_space<vmem>>
      tpu.enqueue_dma source(%dma_start3A_183 : memref<128x64xf32, #tpu.memory_space<vmem>>) target(%dma_start3A_179 : memref<128x64xf32, #tpu.memory_space<hbm>>) target_semaphore(%run_scoped3A_172 : memref<!tpu.dma_semaphore, #tpu.memory_space<semaphore_mem>>)
      %dma_wait3A_184 = arith.constant 0 : i32
      %dma_wait3A_185 = arith.constant 0 : i32
      %dma_wait3A_186 = tpu.memref_slice %arg11[%run_scoped3A_171, %dma_wait3A_184, %dma_wait3A_185] : memref<2x128x64xf32, #tpu.memory_space<vmem>> -> memref<1x128x64xf32, #tpu.memory_space<vmem>>
      %dma_wait3A_187 = tpu.memref_squeeze %dma_wait3A_186 : memref<1x128x64xf32, #tpu.memory_space<vmem>> -> memref<128x64xf32, #tpu.memory_space<vmem>>
      %dma_wait3A_188 = arith.constant 0 : i32
      %dma_wait3A_189 = tpu.memref_slice %arg7[%add3A_170, %dma_wait3A_188] : memref<16384x64xf32, #tpu.memory_space<hbm>> -> memref<128x64xf32, #tpu.memory_space<hbm>>
      %dma_wait3A_190 = arith.constant 0 : i32
      %dma_wait3A_191 = tpu.memref_slice %arg7[%add3A_170, %dma_wait3A_190] : memref<16384x64xf32, #tpu.memory_space<hbm>> -> memref<128x64xf32, #tpu.memory_space<hbm>>
      %dma_wait3A_192 = arith.constant 0 : i32
      %dma_wait3A_193 = arith.constant 0 : i32
      %dma_wait3A_194 = tpu.memref_slice %arg11[%run_scoped3A_171, %dma_wait3A_192, %dma_wait3A_193] : memref<2x128x64xf32, #tpu.memory_space<vmem>> -> memref<1x128x64xf32, #tpu.memory_space<vmem>>
      %dma_wait3A_195 = tpu.memref_squeeze %dma_wait3A_194 : memref<1x128x64xf32, #tpu.memory_space<vmem>> -> memref<128x64xf32, #tpu.memory_space<vmem>>
      tpu.wait_dma2 semaphore(%run_scoped3A_172 : memref<!tpu.dma_semaphore, #tpu.memory_space<semaphore_mem>>) src(%dma_wait3A_195 : memref<128x64xf32, #tpu.memory_space<vmem>>) dst(%dma_wait3A_191 : memref<128x64xf32, #tpu.memory_space<hbm>>)
      tpu.yield
    }) : () -> ()
    return
  }
}

module attributes {stable_mosaic.version = 14 : i64} {
  func.func @_mlp_body(%arg0: i32, %arg1: memref<2048x64xf32, #tpu.memory_space<vmem>>, %arg2: memref<2048x64xf32, #tpu.memory_space<vmem>>, %arg3: memref<64x64xf32, #tpu.memory_space<vmem>>, %arg4: memref<64x64xf32, #tpu.memory_space<vmem>>, %arg5: memref<1x64xf32, #tpu.memory_space<vmem>>, %arg6: memref<64x32xf32, #tpu.memory_space<vmem>>, %arg7: memref<1x32xf32, #tpu.memory_space<vmem>>, %arg8: memref<32x1xf32, #tpu.memory_space<vmem>>, %arg9: memref<1x1xf32, #tpu.memory_space<vmem>>, %arg10: memref<2048x1xf32, #tpu.memory_space<vmem>>) attributes {dimension_semantics = [#tpu.dimension_semantics<arbitrary>], iteration_bounds = array<i64: 8>, scalar_prefetch = 0 : i64, scratch_operands = 0 : i64, tpu.core_type = #tpu.core_type<tc>, window_params = [{transform_indices = @transform_0, window_bounds = array<i64: 2048, 64>}, {transform_indices = @transform_1, window_bounds = array<i64: 2048, 64>}, {pipeline_mode = #tpu.pipeline_mode<synchronous>, transform_indices = @transform_2, window_bounds = array<i64: 64, 64>}, {pipeline_mode = #tpu.pipeline_mode<synchronous>, transform_indices = @transform_3, window_bounds = array<i64: 64, 64>}, {pipeline_mode = #tpu.pipeline_mode<synchronous>, transform_indices = @transform_4, window_bounds = array<i64: 1, 64>}, {pipeline_mode = #tpu.pipeline_mode<synchronous>, transform_indices = @transform_5, window_bounds = array<i64: 64, 32>}, {pipeline_mode = #tpu.pipeline_mode<synchronous>, transform_indices = @transform_6, window_bounds = array<i64: 1, 32>}, {pipeline_mode = #tpu.pipeline_mode<synchronous>, transform_indices = @transform_7, window_bounds = array<i64: 32, 1>}, {pipeline_mode = #tpu.pipeline_mode<synchronous>, transform_indices = @transform_8, window_bounds = array<i64: 1, 1>}, {transform_indices = @transform_9, window_bounds = array<i64: 2048, 1>}]} {
    %get3A = arith.constant 0 : index
    %get3A_0 = arith.constant 0 : index
    %get3A_1 = vector.load %arg1[%get3A, %get3A_0] : memref<2048x64xf32, #tpu.memory_space<vmem>>, vector<2048x64xf32>
    %get3A_2 = arith.constant 0 : index
    %get3A_3 = arith.constant 0 : index
    %get3A_4 = vector.load %arg3[%get3A_2, %get3A_3] : memref<64x64xf32, #tpu.memory_space<vmem>>, vector<64x64xf32>
    %dot_general3A = arith.constant dense<0.000000e+00> : vector<2048x64xf32>
    %dot_general3A_5 = tpu.matmul %get3A_1, %get3A_4, %dot_general3A {dimension_numbers = #tpu.dot_dimension_numbers<[1], [0], [0], [1], [0, 0, 1, 1], [], []>, transpose_lhs_hint = false} : vector<2048x64xf32>, vector<64x64xf32>, vector<2048x64xf32> -> vector<2048x64xf32>
    %get3A_6 = arith.constant 0 : index
    %get3A_7 = arith.constant 0 : index
    %get3A_8 = vector.load %arg2[%get3A_6, %get3A_7] : memref<2048x64xf32, #tpu.memory_space<vmem>>, vector<2048x64xf32>
    %get3A_9 = arith.constant 0 : index
    %get3A_10 = arith.constant 0 : index
    %get3A_11 = vector.load %arg4[%get3A_9, %get3A_10] : memref<64x64xf32, #tpu.memory_space<vmem>>, vector<64x64xf32>
    %dot_general3A_12 = arith.constant dense<0.000000e+00> : vector<2048x64xf32>
    %dot_general3A_13 = tpu.matmul %get3A_8, %get3A_11, %dot_general3A_12 {dimension_numbers = #tpu.dot_dimension_numbers<[1], [0], [0], [1], [0, 0, 1, 1], [], []>, transpose_lhs_hint = false} : vector<2048x64xf32>, vector<64x64xf32>, vector<2048x64xf32> -> vector<2048x64xf32>
    %add3A = arith.addf %dot_general3A_5, %dot_general3A_13 : vector<2048x64xf32>
    %get3A_14 = arith.constant 0 : index
    %get3A_15 = arith.constant 0 : index
    %get3A_16 = vector.load %arg5[%get3A_14, %get3A_15] : memref<1x64xf32, #tpu.memory_space<vmem>>, vector<1x64xf32>
    %add3A_17 = vector.broadcast %get3A_16 : vector<1x64xf32> to vector<2048x64xf32>
    %add3A_18 = arith.addf %add3A, %add3A_17 : vector<2048x64xf32>
    %max3A = arith.constant 0.000000e+00 : f32
    %max3A_19 = vector.broadcast %max3A : f32 to vector<2048x64xf32>
    %max3A_20 = arith.maximumf %add3A_18, %max3A_19 : vector<2048x64xf32>
    %get3A_21 = arith.constant 0 : index
    %get3A_22 = arith.constant 0 : index
    %get3A_23 = vector.load %arg6[%get3A_21, %get3A_22] : memref<64x32xf32, #tpu.memory_space<vmem>>, vector<64x32xf32>
    %dot_general3A_24 = arith.constant dense<0.000000e+00> : vector<2048x32xf32>
    %dot_general3A_25 = tpu.matmul %max3A_20, %get3A_23, %dot_general3A_24 {dimension_numbers = #tpu.dot_dimension_numbers<[1], [0], [0], [1], [0, 0, 1, 1], [], []>, transpose_lhs_hint = false} : vector<2048x64xf32>, vector<64x32xf32>, vector<2048x32xf32> -> vector<2048x32xf32>
    %get3A_26 = arith.constant 0 : index
    %get3A_27 = arith.constant 0 : index
    %get3A_28 = vector.load %arg7[%get3A_26, %get3A_27] : memref<1x32xf32, #tpu.memory_space<vmem>>, vector<1x32xf32>
    %add3A_29 = vector.broadcast %get3A_28 : vector<1x32xf32> to vector<2048x32xf32>
    %add3A_30 = arith.addf %dot_general3A_25, %add3A_29 : vector<2048x32xf32>
    %max3A_31 = arith.constant 0.000000e+00 : f32
    %max3A_32 = vector.broadcast %max3A_31 : f32 to vector<2048x32xf32>
    %max3A_33 = arith.maximumf %add3A_30, %max3A_32 : vector<2048x32xf32>
    %get3A_34 = arith.constant 0 : index
    %get3A_35 = arith.constant 0 : index
    %get3A_36 = vector.load %arg8[%get3A_34, %get3A_35] : memref<32x1xf32, #tpu.memory_space<vmem>>, vector<32x1xf32>
    %dot_general3A_37 = arith.constant dense<0.000000e+00> : vector<2048x1xf32>
    %dot_general3A_38 = tpu.matmul %max3A_33, %get3A_36, %dot_general3A_37 {dimension_numbers = #tpu.dot_dimension_numbers<[1], [0], [0], [1], [0, 0, 1, 1], [], []>, transpose_lhs_hint = false} : vector<2048x32xf32>, vector<32x1xf32>, vector<2048x1xf32> -> vector<2048x1xf32>
    %get3A_39 = arith.constant 0 : index
    %get3A_40 = arith.constant 0 : index
    %get3A_41 = vector.load %arg9[%get3A_39, %get3A_40] : memref<1x1xf32, #tpu.memory_space<vmem>>, vector<1x1xf32>
    %add3A_42 = vector.broadcast %get3A_41 : vector<1x1xf32> to vector<2048x1xf32>
    %add3A_43 = arith.addf %dot_general3A_38, %add3A_42 : vector<2048x1xf32>
    %neg3A = arith.constant 0.000000e+00 : f32
    %neg3A_44 = vector.broadcast %neg3A : f32 to vector<2048x1xf32>
    %neg3A_45 = arith.subf %neg3A_44, %add3A_43 : vector<2048x1xf32>
    %exp3A = math.exp %neg3A_45 : vector<2048x1xf32>
    %add3A_46 = arith.constant 1.000000e+00 : f32
    %add3A_47 = vector.broadcast %add3A_46 : f32 to vector<2048x1xf32>
    %add3A_48 = arith.addf %add3A_47, %exp3A : vector<2048x1xf32>
    %div3A = arith.constant 1.000000e+00 : f32
    %div3A_49 = vector.broadcast %div3A : f32 to vector<2048x1xf32>
    %div3A_50 = arith.divf %div3A_49, %add3A_48 : vector<2048x1xf32>
    %swap3A = arith.constant 0 : index
    %swap3A_51 = arith.constant 0 : index
    %swap3A_52 = vector.load %arg10[%swap3A, %swap3A_51] : memref<2048x1xf32, #tpu.memory_space<vmem>>, vector<2048x1xf32>
    tpu.vector_store %arg10[%swap3A, %swap3A_51], %div3A_50 {strides = array<i32>} : memref<2048x1xf32, #tpu.memory_space<vmem>>, vector<2048x1xf32>,
    return
  }
  func.func @transform_0(%arg0: i32) -> (i32, i32) {
    %c0_i32 = arith.constant 0 : i32
    %c0_i32_0 = arith.constant 0 : i32
    return %arg0, %c0_i32 : i32, i32
  }
  func.func @transform_1(%arg0: i32) -> (i32, i32) {
    %c0_i32 = arith.constant 0 : i32
    %c0_i32_0 = arith.constant 0 : i32
    return %arg0, %c0_i32 : i32, i32
  }
  func.func @transform_2(%arg0: i32) -> (i32, i32) {
    %c0_i32 = arith.constant 0 : i32
    %c0_i32_0 = arith.constant 0 : i32
    %c0_i32_1 = arith.constant 0 : i32
    return %c0_i32, %c0_i32_0 : i32, i32
  }
  func.func @transform_3(%arg0: i32) -> (i32, i32) {
    %c0_i32 = arith.constant 0 : i32
    %c0_i32_0 = arith.constant 0 : i32
    %c0_i32_1 = arith.constant 0 : i32
    return %c0_i32, %c0_i32_0 : i32, i32
  }
  func.func @transform_4(%arg0: i32) -> (i32, i32) {
    %c0_i32 = arith.constant 0 : i32
    %c0_i32_0 = arith.constant 0 : i32
    %c0_i32_1 = arith.constant 0 : i32
    return %c0_i32, %c0_i32_0 : i32, i32
  }
  func.func @transform_5(%arg0: i32) -> (i32, i32) {
    %c0_i32 = arith.constant 0 : i32
    %c0_i32_0 = arith.constant 0 : i32
    %c0_i32_1 = arith.constant 0 : i32
    return %c0_i32, %c0_i32_0 : i32, i32
  }
  func.func @transform_6(%arg0: i32) -> (i32, i32) {
    %c0_i32 = arith.constant 0 : i32
    %c0_i32_0 = arith.constant 0 : i32
    %c0_i32_1 = arith.constant 0 : i32
    return %c0_i32, %c0_i32_0 : i32, i32
  }
  func.func @transform_7(%arg0: i32) -> (i32, i32) {
    %c0_i32 = arith.constant 0 : i32
    %c0_i32_0 = arith.constant 0 : i32
    %c0_i32_1 = arith.constant 0 : i32
    return %c0_i32, %c0_i32_0 : i32, i32
  }
  func.func @transform_8(%arg0: i32) -> (i32, i32) {
    %c0_i32 = arith.constant 0 : i32
    %c0_i32_0 = arith.constant 0 : i32
    %c0_i32_1 = arith.constant 0 : i32
    return %c0_i32, %c0_i32_0 : i32, i32
  }
  func.func @transform_9(%arg0: i32) -> (i32, i32) {
    %c0_i32 = arith.constant 0 : i32
    %c0_i32_0 = arith.constant 0 : i32
    return %arg0, %c0_i32 : i32, i32
  }
}

</mosaic_0001>

<sc_bundles>
// kernel: kernel.4.cloned.1.call-start
scs
__scs_entry_jumppad:
0x0: {  	(pc) =	sbr.rel $0x88, $3  }
0x1: {  	(tag) =	ssettag $0x0;
	lr =	simm.s32 $0x1  }
0x2: {  	[smem:$0x3F97] =	sst lr;
	_ =	strace $0xD0000000  }
0x3: {  	_ = 	snop  }
0x4: {  	_ = 	snop  }
0x5: {  	_ = 	snop  }
0x6: {  	_ = 	snop  }
0x7: {  	_ = 	snop  }
__scs_overlays_trampoline_lowered:
0x8: {  	[smem:$0x3FA6] =	sst s0  }
0x9: {  	[smem:$0x3FA7] =	sst s1  }
0xa: {  	[smem:$0x3FA8] =	sst s2  }
0xb: {  	[smem:$0x3FA9] =	sst s3  }
0xc: {  	[smem:$0x3FAA] =	sst s4  }
0xd: {  	[smem:$0x3FAB] =	sst s5  }
0xe: {  	[smem:$0x3FAC] =	sst s6  }
0xf: {  	[smem:$0x3FAD] =	sst s7  }
0x10: {  	[smem:$0x3FAE] =	sst s8  }
0x11: {  	[smem:$0x3FAF] =	sst s9;
	s0 =	simm.s32 @!p0 $0x0  }
0x12: {  	s1 =	sld [smem:$0x3F95];
	s0 =	simm.s32 @p0 $0x1  }
0x13: {  	[smem:$0x3FB0] =	sst s0;
	s0 =	simm.s32 @!p1 $0x0  }
0x14: {  	s2 =	sld [smem:$0x3F94];
	s0 =	simm.s32 @p1 $0x1  }
0x15: {  	[smem:$0x3FB1] =	sst s0;
	s0 =	simm.s32 @!p2 $0x0  }
0x16: {  	s3 =	sld [smem:$0x3FDB];
	s0 =	simm.s32 @p2 $0x1  }
0x17: {  	s4 =	simm.s32 $0x1BF5;
	[smem:$0x3FB3] =	sst s0  }
0x18: {  	s0 =	sld [smem:$0x3F96];
	_ =	swait.ge [sflag:s4], $0x0  }
0x19: {  	s7 =	sld [smem:$0x3F97]  }
0x1a: {  	s8 =	sadd.s32 $0xFFFFE003, lr  }
0x1b: {  	s9 =	sadd.s32 $0xFFFFFEF7, lr;
	s5 =	simm.s32 $0xFFFFFFFF;
	p2 =	slt.u32 s8, $0xFFFFF086  }
0x1c: {  	p1 =	slt.u32 s9, $0xF7A;
	s5 =	simm.s32 @!p2 $0x0  }
0x1d: {  	s5 =	simm.s32 @p1 $0x1;
	p0 =	seq.s32 s7, s2  }
0x1e: {  	s7 =	smul.u32 @!p0 $0xF7A, s2;
	p2 =	seq.s32 @!p0 s5, $0x0  }
0x1f: {  	s9 =	smul.u32 $0xF7A, s1;
	s8 =	simm.s32 @!p0 $0x1BF5;
	p2 =	por !p2, p0  }
0x20: {  	[sflag:s8] =	ssyncset.s32 @!p0 $0xFFFFF086;
	s6 =	sadd.s32 @!p0 s3, s7;
	s7 =	simm.s32 @!p0 $0x108  }
0x21: {  	s3 =	sadd.s32 s3, s9;
	s6 =	sadd.s32 @!p0 $0x88, s6;
	s7 =	simm.s32 @p2 $0x1082  }
0x22: {  	[simem:s7], [sflag:s8] =	dma.local @!p0 [hbm:s6], $0xF7A  }
0x23: {  	s9 =	sor.u32 $0xD0000000, s2;
	s6 =	simm.s32 $0x108;
	_ =	swait.ge @!p0 [sflag:s8], $0x0  }
0x24: {  	s3 =	sadd.s32 $0x88, s3;
	s6 =	simm.s32 @!p1 $0x1082;
	[sflag:s4] =	ssyncset.s32 $0xFFFFF086  }
0x25: {  	[simem:s6], [sflag:s4] =	dma.local [hbm:s3], $0xF7A  }
0x26: {  	[smem:$0x3F97] =	sst s1;
	(tag) =	ssettag s2;
	_ =	strace s9  }
0x27: {  	s1 =	sld [smem:$0x3FA7]  }
0x28: {  	s2 =	sld [smem:$0x3FA8]  }
0x29: {  	s4 =	sld [smem:$0x3FAA]  }
0x2a: {  	p0 =	seq.s32 s5, $0x0;
	s5 =	sld [smem:$0x3FAB]  }
0x2b: {  	s6 =	sld [smem:$0x3FAC]  }
0x2c: {  	s7 =	sld [smem:$0x3FAD]  }
0x2d: {  	s3 =	simm.s32 $0x108;
	s8 =	sld [smem:$0x3FAE]  }
0x2e: {  	s3 =	simm.s32 @!p0 $0x1082;
	s9 =	sld [smem:$0x3FAF]  }
0x2f: {  	lr =	sadd.s32 s0, s3;
	s0 =	sld [smem:$0x3FA6]  }
0x30: {  	s3 =	sld [smem:$0x3FA9]  }
0x31: {  	[smem:$0x3FB2] =	sst s10  }
0x32: {  	s10 =	sld [smem:$0x3FB0];
	_ =	sdelay $0x3  }
0x33: {  	p0 =	seq.s32 s10, $0x1;
	s10 =	sld [smem:$0x3FB2];
	_ =	sdelay $0x3  }
0x34: {  	[smem:$0x3FB2] =	sst s10  }
0x35: {  	s10 =	sld [smem:$0x3FB1];
	_ =	sdelay $0x3  }
0x36: {  	p1 =	seq.s32 s10, $0x1;
	s10 =	sld [smem:$0x3FB2];
	_ =	sdelay $0x3  }
0x37: {  	[smem:$0x3FB2] =	sst s10  }
0x38: {  	s10 =	sld [smem:$0x3FB3]  }
0x39: {  	_ = 	snop;
	(pc) =	sbr.ind lr, $3  }
0x3a: {  	_ = 	snop  }
0x3b: {  	_ = 	snop  }
0x3c: {  	p2 =	seq.s32 s10, $0x1;
	s10 =	sld [smem:$0x3FB2]  }
0x3d: {  	_ =	shalt  }
0x3e: {  	_ =	shalt  }
0x3f: {  	_ =	shalt  }
0x40: {  	_ =	shalt  }
0x41: {  	_ =	shalt  }
0x42: {  	_ =	shalt  }
0x43: {  	_ =	shalt  }
0x44: {  	_ =	shalt  }
0x45: {  	_ =	shalt  }
0x46: {  	_ =	shalt  }
0x47: {  	_ =	shalt  }
0x48: {  	_ =	shalt  }
0x49: {  	_ =	shalt  }
0x4a: {  	_ =	shalt  }
0x4b: {  	_ =	shalt  }
0x4c: {  	_ =	shalt  }
0x4d: {  	_ =	shalt  }
0x4e: {  	_ =	shalt  }
0x4f: {  	_ =	shalt  }
0x50: {  	_ =	shalt  }
0x51: {  	_ =	shalt  }
0x52: {  	_ =	shalt  }
0x53: {  	_ =	shalt  }
0x54: {  	_ =	shalt  }
0x55: {  	_ =	shalt  }
0x56: {  	_ =	shalt  }
0x57: {  	_ =	shalt  }
0x58: {  	_ =	shalt  }
0x59: {  	_ =	shalt  }
0x5a: {  	_ =	shalt  }
0x5b: {  	_ =	shalt  }
0x5c: {  	_ =	shalt  }
0x5d: {  	_ =	shalt  }
0x5e: {  	_ =	shalt  }
0x5f: {  	_ =	shalt  }
0x60: {  	_ =	shalt  }
0x61: {  	_ =	shalt  }
0x62: {  	_ =	shalt  }
0x63: {  	_ =	shalt  }
0x64: {  	_ =	shalt  }
0x65: {  	_ =	shalt  }
0x66: {  	_ =	shalt  }
0x67: {  	_ =	shalt  }
0x68: {  	_ =	shalt  }
0x69: {  	_ =	shalt  }
0x6a: {  	_ =	shalt  }
0x6b: {  	_ =	shalt  }
0x6c: {  	_ =	shalt  }
0x6d: {  	_ =	shalt  }
0x6e: {  	_ =	shalt  }
0x6f: {  	_ =	shalt  }
0x70: {  	_ =	shalt  }
0x71: {  	_ =	shalt  }
0x72: {  	_ =	shalt  }
0x73: {  	_ =	shalt  }
0x74: {  	_ =	shalt  }
0x75: {  	_ =	shalt  }
0x76: {  	_ =	shalt  }
0x77: {  	_ =	shalt  }
0x78: {  	_ =	shalt  }
0x79: {  	_ =	shalt  }
0x7a: {  	_ =	shalt  }
0x7b: {  	_ =	shalt  }
0x7c: {  	_ =	shalt  }
0x7d: {  	_ =	shalt  }
0x7e: {  	_ =	shalt  }
0x7f: {  	_ =	shalt  }
0x80: {  	_ =	shalt  }
0x81: {  	_ =	shalt  }
0x82: {  	_ =	shalt  }
0x83: {  	_ =	shalt  }
0x84: {  	_ =	shalt  }
0x85: {  	_ =	shalt  }
0x86: {  	_ =	shalt  }
0x87: {  	_ =	shalt  }
.Lfunc_end0:
.L_simem_size_0:
called_computation_lowered:
.L_overlay_start_0:
0x88: {  	s2 =	sld [smem:$0x3FD9]  }
0x89: {  	s3 =	sld [smem:$0x3FFE];
	_ =	sdelay $0x1  }
0x8a: {  	s1 =	srdreg.scid  }
0x8b: {  	s0 =	sand.u32 $0x1, s1  }
0x8c: {  	s17 =	sshll.u32 s0, $0xA;
	s2 =	sadd.s32 s3, s2  }
0x8d: {  	s2 =	sadd.s32 s2, s17  }
0x8e: {  	[smem:$0x3FBE] =	sst s2  }
0x8f: {  	_ = 	snop  }
0x90: {  	s2 =	sld [smem:$0x3FC9]  }
0x91: {  	s18 =	sld [smem:$0x3FC8];
	(tm) =	ssettm $0x1  }
0x92: {  	s4 =	sld [smem:$0x3FFB];
	_ =	sdelay $0x3  }
0x93: {  	_ =	strace s4  }
0x94: {  	s4 =	sld [smem:$0x3FFC];
	_ =	sdelay $0x3  }
0x95: {  	_ =	strace s4  }
0x96: {  	s4 =	sld [smem:$0x3FFD];
	_ =	sdelay $0x3  }
0x97: {  	_ =	strace s4  }
0x98: {  	_ =	strace $0x8FFFFFFF  }
0x99: {  	s19 =	sld [smem:$0x3FDB];
	_ =	sdelay $0x1  }
0x9a: {  	s5 =	simm.s32 $_scs_section_size  }
0x9b: {  	s6 =	simm.s32 $_size__tile_overlayer_lowered;
	s7 =	simm.s32 $_tile_overlayer_lowered  }
0x9c: {  	s22 =	simm.s32 $0x1BFF;
	s21 =	sshll.u32 s7, $0x1;
	s4 =	sadd.s32 s5, s19  }
0x9d: {  	s8 =	simm.s32 $0x0;
	s20 =	sshll.u32 s6, $0x1;
	s6 =	sadd.s32 s21, s4  }
0x9e: {  	[timem:s8], [sflag:s22] =	dma.local [hbm:s6], s20  }
0x9f: {  	_ =	swait.ge [sflag:s22], s20  }
0xa0: {  	s5 =	ssub.s32 $0x0, s20;
	[sflag:s22] =	ssyncset.done $0x0  }
0xa1: {  	[sflag:s22] =	ssyncadd.s32 s5;
	_ =	sdelay $0x1  }
0xa2: {  	s23 =	simm.s32 $0x1B8B  }
0xa3: {  	_ =	swait.ge [sflag:s23], $0x1  }
0xa4: {  	[sflag:s23] =	ssyncset.done $0x0  }
0xa5: {  	s25 =	simm.s32 $0x1B8E;
	s24 =	sld [smem:$0x3FFE];
	[sflag:s23] =	ssyncadd.s32 $0xFFFFFFFF  }
0xa6: {  	s26 =	simm.s32 $execute0_lowered;
	[smem:$0x3FD2] =	sst s25  }
0xa7: {  	s6 =	sshll.u32 s26, $0x1;
	_ =	strace $0x80000046;
	[dreg:$0x1] =	wrdreg $0xFFFFFFFF  }
0xa8: {  	s28 =	simm.s32 $_size_execute0_lowered;
	s4 =	sadd.s32 s4, s6;
	[dreg:$0x0] =	wrdreg $0x0  }
0xa9: {  	s6 =	sshll.u32 s28, $0x1;
	[dreg:$0x2] =	wrdreg s4  }
0xaa: {  	[dreg:$0x3] =	wrdreg s6  }
0xab: {  	[dreg:$0x4] =	wrdreg $0xC0  }
0xac: {  	_ =	task [dreg:s8], $0x5FFFF  }
0xad: {  	[dreg:$0x1] =	wrdreg $0xFFFFFFFF  }
0xae: {  	[dreg:$0x0] =	wrdreg $0x60  }
0xaf: {  	[dreg:$0x2] =	wrdreg s2  }
0xb0: {  	[dreg:$0x3] =	wrdreg s18  }
0xb1: {  	[dreg:$0x4] =	wrdreg s24  }
0xb2: {  	[dreg:$0x5] =	wrdreg $0x9  }
0xb3: {  	_ =	task.clear_ibuf [dreg:s8], $0x6FFFF;
	_ =	strace $0x90000046  }
0xb4: {  	s29 =	simm.s32 $0x9;
	_ =	strace $0x80000048  }
0xb5: {  	_ =	swait.ge [sflag:s29], $0x1  }
0xb6: {  	[sflag:s29] =	ssyncadd.s32 $0xFFFFFFFF  }
0xb7: {  	_ =	strace $0x90000048  }
0xb8: {  	_ =	sfence  }
0xb9: {  	s30 =	sld [smem:$0x0];
	_ =	sdelay $0x2  }
0xba: {  	s31 =	sshll.u32 s1, $0xD;
	s1 =	sshrl.u32 s1, $0x2  }
0xbb: {  	s3 =	sand.u32 $0x4000, s31;
	s1 =	sadd.s32 s1, s30  }
0xbc: {  	s0 =	sor.u32 s3, s0;
	s1 =	sshll.u32 s1, $0x11  }
0xbd: {  	s0 =	sor.u32 s1, s0  }
0xbe: {  	s0 =	sadd.s32 $0x8F2B, s0  }
0xbf: {  	[sflag:s0] =	ssyncadd.remote.s32 $0x1  }
0xc0: {  	_ =	sfence.sel $0xFFFF  }
0xc1: {  	[dreg:$0x0] =	wrdreg $0xFFFFFFFF;
	(pc) =	sbr.abs _section_cstart, $3  }
0xc2: {  	[dreg:$0x1] =	wrdreg $0xFFFFFFFF  }
0xc3: {  	_ =	task.clear_ibuf [dreg:s8], $0x2FFFF;
	_ =	strace $0x9FFFFFFF  }
0xc4: {  	(tm) =	ssettm $0x7FFFFFFF  }
0xc5: {  	_ =	shalt  }
tec
execute0_lowered:
.L_overlay_start_1:
0x0: {  	(tag) =	ssettag $0x1  }
0x1: {  	s0 =	rddreg [dreg:$0x0]  }
0x2: {  	s2 =	rddreg [dreg:$0x1]  }
0x3: {  	s5 =	rddreg [dreg:$0x2];
	s6 =	srdreg.scid  }
0x4: {  	s1 =	simm.s32 $0x0;
	s9 =	stileid.u32;
	s6 =	sand.u32 $0x1, s6  }
0x5: {  	s9 =	sshll.u32 s9, $0xA;
	s8 =	ssub.s32 $0x2, s6;
	s6 =	sshll.u32 s6, $0x9  }
0x6: {  	[smem:$0x7FF] =	sst s1;
	s3 =	sadd.s32 $0x1600, s5;
	s6 =	sor.u32 s6, s9  }
0x7: {  	s4 =	sadd.s32 $0xF43A00, s5;
	s7 =	sadd.s32 $0x1E85E00, s5;
	s9 =	sshrl.u32 s6, $0x3  }
0x8: {  	s5 =	sadd.s32 $0x1EC5E00, s5;
	_ =	strace $0x80000047;
	s0 =	sadd.s32 s0, s9  }
0x9: {  	s6 =	sshll.u32 s6, $0x4;
	s20 =	sadd.s32 s2, s9;
	[smem:$0x7F3] =	sst s0  }
0xa: {  	s10 =	sshrl.u32 s8, $0x1;
	s22 =	sadd.s32 s7, s6;
	[smem:$0x7F4] =	sst s20  }
0xb: {  	s8 =	ssub.s32 s8, s10;
	s23 =	sadd.s32 s5, s6;
	[smem:$0x7F5] =	sst s22  }
0xc: {  	s21 =	sor.u32 $0x800, s6;
	s31 =	smax.u32 s8, $0x1;
	[smem:$0x7F6] =	sst s23  }
0xd: {  	s24 =	sadd.s32 s7, s21;
	[smem:$0x7FD] =	sst s31  }
0xe: {  	s25 =	sor.u32 $0x1000, s6;
	s0 =	sadd.s32 s5, s21;
	[smem:$0x7F7] =	sst s24  }
0xf: {  	s26 =	sor.u32 $0x1800, s6;
	s28 =	sadd.s32 s7, s25;
	[smem:$0x7F8] =	sst s0  }
0x10: {  	s29 =	sadd.s32 s7, s26;
	[smem:$0x7F9] =	sst s28  }
0x11: {  	s30 =	sadd.s32 s5, s26;
	[smem:$0x7FB] =	sst s29  }
0x12: {  	s0 =	sadd.s32 s5, s25;
	[smem:$0x7FC] =	sst s30  }
0x13: {  	s2 =	simm.s32 $0x0;
	s5 =	simm.s32 $0x5;
	[smem:$0x7FA] =	sst s0  }
.LBB2_1:
0x14: {  	s0 =	sld [smem:$0x7F3];
	_ =	sdelay $0x1  }
0x15: {  	[smem:$0x7F2] =	sst s2  }
0x16: {  	[tilespmem:s1], [sflag:$0x5] =	stream.linear.gather [hbm4b:s0+s1], $0x200, $0x38;
	[tilespmem:$0x10400] =	vst v63  }
0x17: {  	_ =	swait.ge [sflag:s5], $0x200  }
0x18: {  	s16 =	sld [smem:$0x7F4]  }
0x19: {  	[sflag:s5] =	ssyncset.done $0x0  }
0x1a: {  	s15 =	simm.s32 $0x200;
	[sflag:s5] =	ssyncadd.s32 $0xFFFFFE00  }
0x1b: {  	[tilespmem:s15], [sflag:$0x5] =	stream.linear.gather [hbm4b:s16+s1], $0x200, $0x38;
	[tilespmem:$0x10400] =	vst v63  }
0x1c: {  	_ =	swait.ge [sflag:s5], $0x200  }
0x1d: {  	[sflag:s5] =	ssyncset.done $0x0  }
0x1e: {  	[sflag:s5] =	ssyncadd.s32 $0xFFFFFE00  }
0x1f: {  	v0 =	vld [tilespmem:s1+$0x0]  }
0x20: {  	v1 =	vld [tilespmem:s15+$0x0];
	_ =	sdelay $0x3  }
0x21: {  	v0 =	vshll.u32 v0, $0x4  }
0x22: {  	v1 =	vshll.u32 v1, $0x4;
	(v2sf) =	vpush v0, $0x0  }
0x23: {  	(v2sf) =	vpush v1, $0x0  }
0x24: {  	(v2sf) =	vpush v0, $0x1;
	_ =	sdelay $0x1  }
0x25: {  	(v2sf) =	vpush v1, $0x1;
	_ =	sdelay $0x2  }
0x26: {  	(v2sf) =	vpush v0, $0x2;
	_ =	sdelay $0x1  }
0x27: {  	(v2sf) =	vpush v1, $0x2;
	_ =	sdelay $0x1  }
0x28: {  	s28 =	simm.s32 $0x2000;
	s26 =	simm.s32 $0x0;
	(v2sf) =	vpush v0, $0x3  }
0x29: {  	s17 =	simm.s32 $0x8400;
	s6 =	simm.s32 $0x680;
	s2 =	simm.s32 $0x880  }
0x2a: {  	s7 =	simm.s32 $0x400;
	s13 =	simm.s32 $0x600;
	s10 =	simm.s32 $0x580  }
0x2b: {  	s11 =	simm.s32 $0x8580;
	s14 =	simm.s32 $0x8A00;
	s21 =	simm.s32 $0x480  }
0x2c: {  	s24 =	simm.s32 $0x8480;
	s29 =	simm.s32 $0x500;
	s8 =	spop (v2sf);
	(v2sf) =	vpush v1, $0x3  }
0x2d: {  	s9 =	simm.s32 $0x8500;
	s8 =	sand.u32 $0x1FFFFFF0, s8;
	s12 =	spop (v2sf)  }
0x2e: {  	s0 =	simm.s32 $0x8900;
	(v2sf) =	vpush v0, $0x4;
	s8 =	sadd.s32 s3, s8;
	s19 =	spop (v2sf)  }
0x2f: {  	(v2sf) =	vpush v1, $0x4;
	[tilespmem:s7], [sflag:$0x1] =	stream.linear.gather [hbm4b:s8+s1], $0x80, $0x38;
	[tilespmem:$0x10400] =	vst v63  }
0x30: {  	s5 =	simm.s32 $0x8980;
	s18 =	sand.u32 $0x1FFFFFF0, s12;
	s20 =	spop (v2sf)  }
0x31: {  	s7 =	sadd.s32 s4, s18;
	s8 =	sand.u32 $0x1FFFFFF0, s19;
	s23 =	sand.u32 $0x1FFFFFF0, s20  }
0x32: {  	(v2sf) =	vpush v0, $0x5;
	[tilespmem:s17], [sflag:$0x3] =	stream.linear.gather [hbm4b:s7+s1], $0x80, $0x38;
	[tilespmem:$0x10400] =	vst v63  }
0x33: {  	s22 =	sadd.s32 s3, s8;
	s25 =	spop (v2sf);
	s8 =	sadd.s32 s4, s23  }
0x34: {  	(v2sf) =	vpush v1, $0x5;
	[tilespmem:s21], [sflag:$0x1] =	stream.linear.gather [hbm4b:s22+s1], $0x80, $0x38;
	[tilespmem:$0x10400] =	vst v63  }
0x35: {  	s7 =	sand.u32 $0x1FFFFFF0, s25;
	s30 =	spop (v2sf);
	s17 =	simm.s32 $0x8600  }
0x36: {  	(v2sf) =	vpush v0, $0x6;
	[tilespmem:s24], [sflag:$0x3] =	stream.linear.gather [hbm4b:s8+s1], $0x80, $0x38;
	[tilespmem:$0x10400] =	vst v63  }
0x37: {  	s7 =	sadd.s32 s3, s7;
	s31 =	spop (v2sf);
	s8 =	sand.u32 $0x1FFFFFF0, s30  }
0x38: {  	(v2sf) =	vpush v1, $0x6;
	[tilespmem:s29], [sflag:$0x1] =	stream.linear.gather [hbm4b:s7+s1], $0x80, $0x38;
	[tilespmem:$0x10400] =	vst v63  }
0x39: {  	s23 =	simm.s32 $0x700;
	s16 =	sand.u32 $0x1FFFFFF0, s31;
	s15 =	sadd.s32 s4, s8  }
0x3a: {  	[tilespmem:s9], [sflag:$0x3] =	stream.linear.gather [hbm4b:s15+s1], $0x80, $0x38;
	[tilespmem:$0x10400] =	vst v63  }
0x3b: {  	s21 =	simm.s32 $0x8680;
	s8 =	sadd.s32 s3, s16;
	s18 =	spop (v2sf)  }
0x3c: {  	(v2sf) =	vpush v0, $0x7;
	[tilespmem:s10], [sflag:$0x1] =	stream.linear.gather [hbm4b:s8+s1], $0x80, $0x38;
	[tilespmem:$0x10400] =	vst v63  }
0x3d: {  	s15 =	simm.s32 $0xA80;
	s7 =	sand.u32 $0x1FFFFFF0, s18;
	s19 =	spop (v2sf)  }
0x3e: {  	(v2sf) =	vpush v1, $0x7;
	s7 =	sadd.s32 s4, s7;
	s10 =	sand.u32 $0x1FFFFFF0, s19;
	s20 =	spop (v2sf)  }
0x3f: {  	(v2sf) =	vpush v0, $0x8;
	[tilespmem:s11], [sflag:$0x3] =	stream.linear.gather [hbm4b:s7+s1], $0x80, $0x38;
	[tilespmem:$0x10400] =	vst v63  }
0x40: {  	s8 =	simm.s32 $0x8880;
	s10 =	sadd.s32 s3, s10;
	s22 =	sand.u32 $0x1FFFFFF0, s20  }
0x41: {  	s24 =	spop (v2sf);
	(v2sf) =	vpush v1, $0x8;
	s20 =	simm.s32 $0x8780;
	s11 =	sadd.s32 s4, s22  }
0x42: {  	(v2sf) =	vpush v0, $0x9;
	[tilespmem:s13], [sflag:$0x1] =	stream.linear.gather [hbm4b:s10+s1], $0x80, $0x38;
	[tilespmem:$0x10400] =	vst v63  }
0x43: {  	s25 =	spop (v2sf);
	s22 =	simm.s32 $0x800;
	s10 =	sand.u32 $0x1FFFFFF0, s24  }
0x44: {  	[tilespmem:s17], [sflag:$0x3] =	stream.linear.gather [hbm4b:s11+s1], $0x80, $0x38;
	[tilespmem:$0x10400] =	vst v63  }
0x45: {  	s9 =	sand.u32 $0x1FFFFFF0, s25;
	s29 =	spop (v2sf);
	(v2sf) =	vpush v1, $0x9;
	s10 =	sadd.s32 s3, s10  }
0x46: {  	[tilespmem:s6], [sflag:$0x1] =	stream.linear.gather [hbm4b:s10+s1], $0x80, $0x38;
	[tilespmem:$0x10400] =	vst v63  }
0x47: {  	s30 =	sadd.s32 s4, s9;
	s31 =	sand.u32 $0x1FFFFFF0, s29;
	s12 =	spop (v2sf);
	(v2sf) =	vpush v0, $0xA  }
0x48: {  	[tilespmem:s21], [sflag:$0x3] =	stream.linear.gather [hbm4b:s30+s1], $0x80, $0x38;
	[tilespmem:$0x10400] =	vst v63  }
0x49: {  	s25 =	simm.s32 $0x8800;
	(v2sf) =	vpush v1, $0xA;
	s7 =	sand.u32 $0x1FFFFFF0, s12;
	s10 =	sadd.s32 s3, s31  }
0x4a: {  	[tilespmem:s23], [sflag:$0x1] =	stream.linear.gather [hbm4b:s10+s1], $0x80, $0x38;
	[tilespmem:$0x10400] =	vst v63  }
0x4b: {  	s9 =	simm.s32 $0x8700;
	s7 =	sadd.s32 s4, s7;
	s13 =	spop (v2sf)  }
0x4c: {  	[tilespmem:s9], [sflag:$0x3] =	stream.linear.gather [hbm4b:s7+s1], $0x80, $0x38;
	[tilespmem:$0x10400] =	vst v63  }
0x4d: {  	s11 =	simm.s32 $0x8A80;
	(v2sf) =	vpush v0, $0xB;
	s10 =	sand.u32 $0x1FFFFFF0, s13;
	s16 =	spop (v2sf)  }
0x4e: {  	s17 =	simm.s32 $0x780;
	s18 =	sadd.s32 s3, s10;
	s21 =	spop (v2sf)  }
0x4f: {  	(v2sf) =	vpush v1, $0xB;
	[tilespmem:s17], [sflag:$0x1] =	stream.linear.gather [hbm4b:s18+s1], $0x80, $0x38;
	[tilespmem:$0x10400] =	vst v63  }
0x50: {  	s31 =	simm.s32 $0x900;
	s19 =	sand.u32 $0x1FFFFFF0, s16;
	s23 =	spop (v2sf)  }
0x51: {  	s10 =	sadd.s32 s4, s19;
	s7 =	sand.u32 $0x1FFFFFF0, s21;
	s24 =	spop (v2sf)  }
0x52: {  	[tilespmem:s20], [sflag:$0x3] =	stream.linear.gather [hbm4b:s10+s1], $0x80, $0x38;
	[tilespmem:$0x10400] =	vst v63  }
0x53: {  	(v2sf) =	vpush v0, $0xC;
	s7 =	sadd.s32 s3, s7;
	s10 =	sand.u32 $0x1FFFFFF0, s23;
	s30 =	sand.u32 $0x1FFFFFF0, s24  }
0x54: {  	s9 =	spop (v2sf);
	s23 =	simm.s32 $0xA00;
	s24 =	simm.s32 $0x980  }
0x55: {  	(v2sf) =	vpush v1, $0xC;
	[tilespmem:s22], [sflag:$0x1] =	stream.linear.gather [hbm4b:s7+s1], $0x80, $0x38;
	[tilespmem:$0x10400] =	vst v63  }
0x56: {  	s29 =	sadd.s32 s4, s10;
	s10 =	sadd.s32 s3, s30;
	s13 =	spop (v2sf)  }
0x57: {  	[tilespmem:s25], [sflag:$0x3] =	stream.linear.gather [hbm4b:s29+s1], $0x80, $0x38;
	[tilespmem:$0x10400] =	vst v63  }
0x58: {  	s12 =	sand.u32 $0x1FFFFFF0, s9;
	s7 =	sand.u32 $0x1FFFFFF0, s13;
	s16 =	spop (v2sf)  }
0x59: {  	[tilespmem:s2], [sflag:$0x1] =	stream.linear.gather [hbm4b:s10+s1], $0x80, $0x38;
	[tilespmem:$0x10400] =	vst v63  }
0x5a: {  	s13 =	simm.s32 $0x8B00;
	s18 =	sand.u32 $0x1FFFFFF0, s16;
	s2 =	sadd.s32 s4, s12  }
0x5b: {  	[tilespmem:s8], [sflag:$0x3] =	stream.linear.gather [hbm4b:s2+s1], $0x80, $0x38;
	[tilespmem:$0x10400] =	vst v63  }
0x5c: {  	s17 =	sadd.s32 s3, s7;
	s20 =	sadd.s32 s4, s18;
	s19 =	spop (v2sf)  }
0x5d: {  	[tilespmem:s31], [sflag:$0x1] =	stream.linear.gather [hbm4b:s17+s1], $0x80, $0x38;
	[tilespmem:$0x10400] =	vst v63  }
0x5e: {  	s2 =	simm.s32 $0x10;
	s21 =	sand.u32 $0x1FFFFFF0, s19;
	s22 =	spop (v2sf)  }
0x5f: {  	(v2sf) =	vpush v0, $0xD;
	[tilespmem:s0], [sflag:$0x3] =	stream.linear.gather [hbm4b:s20+s1], $0x80, $0x38;
	[tilespmem:$0x10400] =	vst v63  }
0x60: {  	(v2sf) =	vpush v1, $0xD;
	s19 =	simm.s32 $0x210;
	s25 =	sadd.s32 s3, s21;
	s29 =	sand.u32 $0x1FFFFFF0, s22  }
0x61: {  	(v2sf) =	vpush v0, $0xE;
	[tilespmem:s24], [sflag:$0x1] =	stream.linear.gather [hbm4b:s25+s1], $0x80, $0x38;
	[tilespmem:$0x10400] =	vst v63  }
0x62: {  	s0 =	simm.s32 $0x0;
	s30 =	sadd.s32 s4, s29;
	(v2sf) =	vpush v1, $0xE;
	s31 =	spop (v2sf)  }
0x63: {  	(v2sf) =	vpush v0, $0xF;
	[tilespmem:s5], [sflag:$0x3] =	stream.linear.gather [hbm4b:s30+s1], $0x80, $0x38;
	[tilespmem:$0x10400] =	vst v63  }
0x64: {  	s24 =	simm.s32 $0xB00;
	s6 =	spop (v2sf);
	(v2sf) =	vpush v1, $0xF;
	s5 =	sand.u32 $0x1FFFFFF0, s31  }
.LBB2_2:
0x65: {  	_ =	sdelay $0x4  }
0x66: {  	s5 =	sadd.s32 s3, s5;
	s6 =	sand.u32 $0x1FFFFFF0, s6  }
0x67: {  	[tilespmem:s23], [sflag:$0x1] =	stream.linear.gather [hbm4b:s5+s0], $0x80, $0x38;
	[tilespmem:$0x10400] =	vst v63  }
0x68: {  	s18 =	sadd.s32 s4, s6  }
0x69: {  	[tilespmem:s14], [sflag:$0x3] =	stream.linear.gather [hbm4b:s18+s0], $0x80, $0x38;
	[tilespmem:$0x10400] =	vst v63  }
0x6a: {  	s7 =	spop (v2sf)  }
0x6b: {  	s20 =	sand.u32 $0x1FFFFFF0, s7;
	s21 =	spop (v2sf)  }
0x6c: {  	s22 =	sadd.s32 s3, s20;
	s23 =	sand.u32 $0x1FFFFFF0, s21;
	s25 =	spop (v2sf)  }
0x6d: {  	[tilespmem:s15], [sflag:$0x1] =	stream.linear.gather [hbm4b:s22+s0], $0x80, $0x38;
	[tilespmem:$0x10400] =	vst v63  }
0x6e: {  	s29 =	sadd.s32 s4, s23;
	s30 =	sand.u32 $0x1FFFFFF0, s25;
	s31 =	spop (v2sf)  }
0x6f: {  	[tilespmem:s11], [sflag:$0x3] =	stream.linear.gather [hbm4b:s29+s0], $0x80, $0x38;
	[tilespmem:$0x10400] =	vst v63  }
0x70: {  	s6 =	sadd.s32 s3, s30;
	s8 =	sand.u32 $0x1FFFFFF0, s31;
	s9 =	spop (v2sf)  }
0x71: {  	[tilespmem:s24], [sflag:$0x1] =	stream.linear.gather [hbm4b:s6+s0], $0x80, $0x38;
	[tilespmem:$0x10400] =	vst v63  }
0x72: {  	s10 =	sadd.s32 s4, s8;
	s11 =	sand.u32 $0x1FFFFFF0, s9;
	s12 =	spop (v2sf)  }
0x73: {  	[tilespmem:s13], [sflag:$0x3] =	stream.linear.gather [hbm4b:s10+s0], $0x80, $0x38;
	[tilespmem:$0x10400] =	vst v63  }
0x74: {  	s7 =	sand.u32 $0x1FFFFFF0, s12;
	s6 =	sadd.s32 s3, s11;
	s13 =	sadd.s32 $0xB80, s26  }
0x75: {  	[tilespmem:s13], [sflag:$0x1] =	stream.linear.gather [hbm4b:s6+s0], $0x80, $0x38;
	[tilespmem:$0x10400] =	vst v63  }
0x76: {  	s14 =	sadd.s32 $0x8B80, s26;
	s15 =	sadd.s32 s4, s7  }
0x77: {  	[tilespmem:s14], [sflag:$0x3] =	stream.linear.gather [hbm4b:s15+s0], $0x80, $0x38;
	[tilespmem:$0x10400] =	vst v63  }
0x78: {  	v0 =	vld [tilespmem:s2+$0x0]  }
0x79: {  	v2 =	vld [tilespmem:s19+$0x0];
	_ =	sdelay $0x3  }
0x7a: {  	v1 =	vshll.u32 v0, $0x4  }
0x7b: {  	s16 =	smov.u32 s28;
	v63 =	vshll.u32 v2, $0x4;
	(v2sf) =	vpush v1, $0x0  }
0x7c: {  	s26 =	sshra.s32 s16, $0x2;
	(v2sf) =	vpush v63, $0x0  }
0x7d: {  	p0 =	sne.s32 s28, $0xE000;
	s28 =	sadd.s32 $0x2000, s28;
	s7 =	sadd.s32 $0x8400, s26;
	(v2sf) =	vpush v1, $0x1  }
0x7e: {  	s17 =	sadd.s32 $0x680, s26;
	s18 =	sadd.s32 $0x880, s26;
	s8 =	sadd.s32 $0x400, s26  }
0x7f: {  	s22 =	sadd.s32 $0x600, s26;
	s20 =	sadd.s32 $0x8900, s26;
	[smem:$0x7F1] =	sst s17;
	(v2sf) =	vpush v63, $0x1  }
0x80: {  	s5 =	sadd.s32 $0x580, s26;
	s16 =	sadd.s32 $0x8580, s26;
	[dreg:$0xc] =	wrdreg s18  }
0x81: {  	s21 =	sadd.s32 $0x8A00, s26;
	s25 =	sadd.s32 $0x8600, s26;
	[dreg:$0x4] =	wrdreg s20  }
0x82: {  	s9 =	sadd.s32 $0xA80, s26;
	s30 =	sadd.s32 $0x8480, s26;
	[dreg:$0x18] =	wrdreg s21;
	(v2sf) =	vpush v1, $0x2  }
0x83: {  	s29 =	sadd.s32 $0x8500, s26;
	s23 =	sadd.s32 $0x8980, s26;
	[dreg:$0x1d] =	wrdreg s9  }
0x84: {  	s12 =	sadd.s32 $0x8A80, s26;
	s24 =	sadd.s32 $0x8880, s26;
	[dreg:$0x8] =	wrdreg s23;
	(v2sf) =	vpush v63, $0x2  }
0x85: {  	s31 =	sadd.s32 $0x900, s26;
	s10 =	sadd.s32 $0x8800, s26;
	[dreg:$0x14] =	wrdreg s24  }
0x86: {  	s6 =	sadd.s32 $0x500, s26;
	s21 =	sadd.s32 $0x8680, s26;
	[dreg:$0x10] =	wrdreg s31;
	(v2sf) =	vpush v1, $0x3  }
0x87: {  	s18 =	sadd.s32 $0x700, s26;
	s17 =	sadd.s32 $0x8700, s26;
	[dreg:$0x19] =	wrdreg s10  }
0x88: {  	s23 =	sadd.s32 $0xA00, s26;
	s9 =	sadd.s32 $0x480, s26;
	s10 =	sadd.s32 $0x800, s26;
	(v2sf) =	vpush v63, $0x3  }
0x89: {  	s24 =	sadd.s32 $0xB00, s26;
	s13 =	sadd.s32 $0x8B00, s26;
	[dreg:$0x1e] =	wrdreg s10  }
0x8a: {  	s10 =	sadd.s32 $0x980, s26;
	s0 =	simm.s32 $0x0;
	(v2sf) =	vpush v1, $0x4;
	s11 =	spop (v2sf)  }
0x8b: {  	s15 =	sadd.s32 $0x780, s26;
	s31 =	sand.u32 $0x1FFFFFF0, s11;
	s20 =	spop (v2sf)  }
0x8c: {  	(v2sf) =	vpush v63, $0x4;
	s31 =	sadd.s32 s3, s31;
	s11 =	sand.u32 $0x1FFFFFF0, s20;
	s20 =	spop (v2sf)  }
0x8d: {  	[tilespmem:s8], [sflag:$0x1] =	stream.linear.gather [hbm4b:s31+s0], $0x80, $0x38;
	[tilespmem:$0x10400] =	vst v63  }
0x8e: {  	(v2sf) =	vpush v1, $0x5;
	s11 =	sadd.s32 s4, s11;
	s20 =	sand.u32 $0x1FFFFFF0, s20;
	s31 =	spop (v2sf)  }
0x8f: {  	(v2sf) =	vpush v63, $0x5;
	[tilespmem:s7], [sflag:$0x3] =	stream.linear.gather [hbm4b:s11+s0], $0x80, $0x38;
	[tilespmem:$0x10400] =	vst v63  }
0x90: {  	s14 =	sadd.s32 $0x8780, s26;
	s11 =	sadd.s32 s3, s20;
	s20 =	sand.u32 $0x1FFFFFF0, s31  }
0x91: {  	s2 =	sadd.s32 $0x10, s2;
	s31 =	spop (v2sf);
	(v2sf) =	vpush v1, $0x6;
	s8 =	sadd.s32 s4, s20  }
0x92: {  	[tilespmem:s9], [sflag:$0x1] =	stream.linear.gather [hbm4b:s11+s0], $0x80, $0x38;
	[tilespmem:$0x10400] =	vst v63  }
0x93: {  	s9 =	sand.u32 $0x1FFFFFF0, s31;
	s11 =	smov.u32 s12;
	s12 =	spop (v2sf);
	(v2sf) =	vpush v63, $0x6  }
0x94: {  	[tilespmem:s30], [sflag:$0x3] =	stream.linear.gather [hbm4b:s8+s0], $0x80, $0x38;
	[tilespmem:$0x10400] =	vst v63  }
0x95: {  	s20 =	sadd.s32 s3, s9;
	s31 =	spop (v2sf);
	s30 =	sand.u32 $0x1FFFFFF0, s12  }
0x96: {  	[tilespmem:s6], [sflag:$0x1] =	stream.linear.gather [hbm4b:s20+s0], $0x80, $0x38;
	[tilespmem:$0x10400] =	vst v63  }
0x97: {  	(v2sf) =	vpush v1, $0x7;
	s12 =	sand.u32 $0x1FFFFFF0, s31;
	s8 =	sadd.s32 s4, s30;
	s20 =	spop (v2sf)  }
0x98: {  	[tilespmem:s29], [sflag:$0x3] =	stream.linear.gather [hbm4b:s8+s0], $0x80, $0x38;
	[tilespmem:$0x10400] =	vst v63  }
0x99: {  	(v2sf) =	vpush v63, $0x7;
	s30 =	sand.u32 $0x1FFFFFF0, s20;
	s31 =	spop (v2sf);
	s29 =	sadd.s32 s3, s12  }
0x9a: {  	[tilespmem:s5], [sflag:$0x1] =	stream.linear.gather [hbm4b:s29+s0], $0x80, $0x38;
	[tilespmem:$0x10400] =	vst v63  }
0x9b: {  	s19 =	sadd.s32 $0x10, s19;
	(v2sf) =	vpush v1, $0x8;
	s7 =	sadd.s32 s4, s30;
	s9 =	spop (v2sf)  }
0x9c: {  	[tilespmem:s16], [sflag:$0x3] =	stream.linear.gather [hbm4b:s7+s0], $0x80, $0x38;
	[tilespmem:$0x10400] =	vst v63  }
0x9d: {  	s8 =	sand.u32 $0x1FFFFFF0, s31;
	s16 =	sand.u32 $0x1FFFFFF0, s9;
	s20 =	spop (v2sf)  }
0x9e: {  	s12 =	sadd.s32 s3, s8;
	(v2sf) =	vpush v63, $0x8;
	s29 =	sadd.s32 s4, s16;
	s31 =	spop (v2sf)  }
0x9f: {  	(v2sf) =	vpush v1, $0x9;
	[tilespmem:s22], [sflag:$0x1] =	stream.linear.gather [hbm4b:s12+s0], $0x80, $0x38;
	[tilespmem:$0x10400] =	vst v63  }
0xa0: {  	s30 =	sand.u32 $0x1FFFFFF0, s20;
	s16 =	sld [smem:$0x7F1];
	s12 =	spop (v2sf)  }
0xa1: {  	(v2sf) =	vpush v63, $0x9;
	[tilespmem:s25], [sflag:$0x3] =	stream.linear.gather [hbm4b:s29+s0], $0x80, $0x38;
	[tilespmem:$0x10400] =	vst v63  }
0xa2: {  	s8 =	sadd.s32 s3, s30;
	s9 =	sand.u32 $0x1FFFFFF0, s31;
	s25 =	spop (v2sf)  }
0xa3: {  	[tilespmem:s16], [sflag:$0x1] =	stream.linear.gather [hbm4b:s8+s0], $0x80, $0x38;
	[tilespmem:$0x10400] =	vst v63  }
0xa4: {  	s20 =	sadd.s32 s4, s9;
	s22 =	sand.u32 $0x1FFFFFF0, s12;
	s30 =	sand.u32 $0x1FFFFFF0, s25  }
0xa5: {  	(v2sf) =	vpush v1, $0xA;
	[tilespmem:s21], [sflag:$0x3] =	stream.linear.gather [hbm4b:s20+s0], $0x80, $0x38;
	[tilespmem:$0x10400] =	vst v63  }
0xa6: {  	s29 =	sadd.s32 s3, s22;
	s31 =	spop (v2sf);
	s8 =	sadd.s32 s4, s30  }
0xa7: {  	(v2sf) =	vpush v63, $0xA;
	[tilespmem:s18], [sflag:$0x1] =	stream.linear.gather [hbm4b:s29+s0], $0x80, $0x38;
	[tilespmem:$0x10400] =	vst v63  }
0xa8: {  	s9 =	sand.u32 $0x1FFFFFF0, s31;
	s31 =	rddreg [dreg:$0x1e];
	s12 =	spop (v2sf)  }
0xa9: {  	(v2sf) =	vpush v1, $0xB;
	[tilespmem:s17], [sflag:$0x3] =	stream.linear.gather [hbm4b:s8+s0], $0x80, $0x38;
	[tilespmem:$0x10400] =	vst v63  }
0xaa: {  	s16 =	sadd.s32 s3, s9;
	s18 =	spop (v2sf);
	s17 =	sand.u32 $0x1FFFFFF0, s12  }
0xab: {  	s21 =	sand.u32 $0x1FFFFFF0, s18;
	s20 =	sadd.s32 s4, s17;
	s17 =	rddreg [dreg:$0x19]  }
0xac: {  	[tilespmem:s15], [sflag:$0x1] =	stream.linear.gather [hbm4b:s16+s0], $0x80, $0x38;
	[tilespmem:$0x10400] =	vst v63  }
0xad: {  	(v2sf) =	vpush v63, $0xB;
	s25 =	sadd.s32 s3, s21;
	s15 =	rddreg [dreg:$0x1d];
	s22 =	spop (v2sf)  }
0xae: {  	(v2sf) =	vpush v1, $0xC;
	s29 =	sand.u32 $0x1FFFFFF0, s22;
	s30 =	spop (v2sf);
	s22 =	rddreg [dreg:$0xc]  }
0xaf: {  	[tilespmem:s14], [sflag:$0x3] =	stream.linear.gather [hbm4b:s20+s0], $0x80, $0x38;
	[tilespmem:$0x10400] =	vst v63  }
0xb0: {  	(v2sf) =	vpush v63, $0xC;
	s14 =	rddreg [dreg:$0x18];
	s12 =	sand.u32 $0x1FFFFFF0, s30;
	s16 =	spop (v2sf)  }
0xb1: {  	[tilespmem:s31], [sflag:$0x1] =	stream.linear.gather [hbm4b:s25+s0], $0x80, $0x38;
	[tilespmem:$0x10400] =	vst v63  }
0xb2: {  	s9 =	sadd.s32 s4, s29;
	s18 =	sadd.s32 s3, s12;
	s20 =	sand.u32 $0x1FFFFFF0, s16  }
0xb3: {  	[tilespmem:s17], [sflag:$0x3] =	stream.linear.gather [hbm4b:s9+s0], $0x80, $0x38;
	[tilespmem:$0x10400] =	vst v63  }
0xb4: {  	s16 =	rddreg [dreg:$0x10];
	s21 =	spop (v2sf);
	s25 =	sadd.s32 s4, s20  }
0xb5: {  	[tilespmem:s22], [sflag:$0x1] =	stream.linear.gather [hbm4b:s18+s0], $0x80, $0x38;
	[tilespmem:$0x10400] =	vst v63  }
0xb6: {  	s31 =	rddreg [dreg:$0x14];
	s29 =	sand.u32 $0x1FFFFFF0, s21;
	s30 =	spop (v2sf)  }
0xb7: {  	[tilespmem:s31], [sflag:$0x3] =	stream.linear.gather [hbm4b:s25+s0], $0x80, $0x38;
	[tilespmem:$0x10400] =	vst v63  }
0xb8: {  	s8 =	sadd.s32 s3, s29;
	s9 =	sand.u32 $0x1FFFFFF0, s30;
	s12 =	spop (v2sf)  }
0xb9: {  	[tilespmem:s16], [sflag:$0x1] =	stream.linear.gather [hbm4b:s8+s0], $0x80, $0x38;
	[tilespmem:$0x10400] =	vst v63  }
0xba: {  	s21 =	rddreg [dreg:$0x4];
	s17 =	sadd.s32 s4, s9;
	s18 =	sand.u32 $0x1FFFFFF0, s12  }
0xbb: {  	(v2sf) =	vpush v1, $0xD;
	[tilespmem:s21], [sflag:$0x3] =	stream.linear.gather [hbm4b:s17+s0], $0x80, $0x38;
	[tilespmem:$0x10400] =	vst v63  }
.Ltmp0:
0xbc: {  	(v2sf) =	vpush v63, $0xD;
	s22 =	sadd.s32 s3, s18;
	s20 =	spop (v2sf);
	(pc) =	sbr.rel @p0 .LBB2_2-.Ltmp0, $4  }
0xbd: {  	(v2sf) =	vpush v1, $0xE;
	s31 =	rddreg [dreg:$0x8];
	s25 =	sand.u32 $0x1FFFFFF0, s20;
	s29 =	spop (v2sf)  }
0xbe: {  	(v2sf) =	vpush v63, $0xE;
	[tilespmem:s10], [sflag:$0x1] =	stream.linear.gather [hbm4b:s22+s0], $0x80, $0x38;
	[tilespmem:$0x10400] =	vst v63  }
0xbf: {  	(v2sf) =	vpush v1, $0xF;
	s30 =	sadd.s32 s4, s25;
	s5 =	sand.u32 $0x1FFFFFF0, s29;
	s6 =	spop (v2sf)  }
0xc0: {  	(v2sf) =	vpush v63, $0xF;
	[tilespmem:s31], [sflag:$0x3] =	stream.linear.gather [hbm4b:s30+s0], $0x80, $0x38;
	[tilespmem:$0x10400] =	vst v63  }
0xc1: {  	_ =	sdelay $0x4  }
0xc2: {  	s2 =	sadd.s32 s3, s5;
	s17 =	sand.u32 $0x1FFFFFF0, s6  }
0xc3: {  	[tilespmem:s23], [sflag:$0x1] =	stream.linear.gather [hbm4b:s2+s0], $0x80, $0x38;
	[tilespmem:$0x10400] =	vst v63  }
0xc4: {  	s19 =	sadd.s32 s4, s17  }
0xc5: {  	[tilespmem:s14], [sflag:$0x3] =	stream.linear.gather [hbm4b:s19+s0], $0x80, $0x38;
	[tilespmem:$0x10400] =	vst v63  }
0xc6: {  	s18 =	spop (v2sf)  }
0xc7: {  	s20 =	sand.u32 $0x1FFFFFF0, s18;
	s21 =	spop (v2sf)  }
0xc8: {  	s22 =	sadd.s32 s3, s20;
	s23 =	sand.u32 $0x1FFFFFF0, s21;
	s25 =	spop (v2sf)  }
0xc9: {  	[tilespmem:s15], [sflag:$0x1] =	stream.linear.gather [hbm4b:s22+s0], $0x80, $0x38;
	[tilespmem:$0x10400] =	vst v63  }
0xca: {  	s29 =	sadd.s32 s4, s23;
	s30 =	sand.u32 $0x1FFFFFF0, s25;
	s31 =	spop (v2sf)  }
0xcb: {  	[tilespmem:s11], [sflag:$0x3] =	stream.linear.gather [hbm4b:s29+s0], $0x80, $0x38;
	[tilespmem:$0x10400] =	vst v63  }
0xcc: {  	s5 =	sadd.s32 s3, s30;
	s7 =	sand.u32 $0x1FFFFFF0, s31;
	s8 =	spop (v2sf)  }
0xcd: {  	[tilespmem:s24], [sflag:$0x1] =	stream.linear.gather [hbm4b:s5+s0], $0x80, $0x38;
	[tilespmem:$0x10400] =	vst v63  }
0xce: {  	s9 =	sadd.s32 s4, s7;
	s10 =	sand.u32 $0x1FFFFFF0, s8;
	s11 =	spop (v2sf)  }
0xcf: {  	[tilespmem:s13], [sflag:$0x3] =	stream.linear.gather [hbm4b:s9+s0], $0x80, $0x38;
	[tilespmem:$0x10400] =	vst v63  }
0xd0: {  	s12 =	sadd.s32 $0xB80, s26;
	s6 =	sand.u32 $0x1FFFFFF0, s11;
	s5 =	sadd.s32 s3, s10  }
0xd1: {  	[tilespmem:s12], [sflag:$0x1] =	stream.linear.gather [hbm4b:s5+s0], $0x80, $0x38;
	[tilespmem:$0x10400] =	vst v63  }
0xd2: {  	s15 =	simm.s32 $0x80;
	s14 =	sadd.s32 s4, s6;
	s13 =	sadd.s32 $0x8B80, s26  }
0xd3: {  	[tilespmem:s13], [sflag:$0x3] =	stream.linear.gather [hbm4b:s14+s0], $0x80, $0x38;
	[tilespmem:$0x10400] =	vst v63  }
0xd4: {  	s16 =	simm.s32 $0x280;
	v0 =	vld [tilespmem:s15+$0x0]  }
0xd5: {  	v2 =	vld [tilespmem:s16+$0x0];
	_ =	sdelay $0x3  }
0xd6: {  	v1 =	vshll.u32 v0, $0x4  }
0xd7: {  	v63 =	vshll.u32 v2, $0x4;
	(v2sf) =	vpush v1, $0x0  }
0xd8: {  	(v2sf) =	vpush v63, $0x0;
	_ =	sdelay $0x2  }
0xd9: {  	(v2sf) =	vpush v1, $0x1  }
0xda: {  	(v2sf) =	vpush v63, $0x1;
	_ =	sdelay $0x1  }
0xdb: {  	(v2sf) =	vpush v1, $0x2;
	_ =	sdelay $0x1  }
0xdc: {  	(v2sf) =	vpush v63, $0x2;
	_ =	sdelay $0x1  }
0xdd: {  	s28 =	simm.s32 $0x2000;
	(v2sf) =	vpush v1, $0x3  }
0xde: {  	s17 =	simm.s32 $0xC400;
	s2 =	simm.s32 $0x4880;
	s18 =	simm.s32 $0x4580  }
0xdf: {  	s22 =	simm.s32 $0x4480;
	s25 =	simm.s32 $0xC480;
	s30 =	simm.s32 $0x4500;
	(v2sf) =	vpush v63, $0x3  }
0xe0: {  	s7 =	simm.s32 $0x4400;
	s26 =	simm.s32 $0x0;
	s9 =	simm.s32 $0x4600  }
0xe1: {  	s5 =	simm.s32 $0x4680;
	s0 =	simm.s32 $0xC900;
	s8 =	spop (v2sf)  }
0xe2: {  	s14 =	simm.s32 $0xC500;
	s8 =	sand.u32 $0x1FFFFFF0, s8;
	s19 =	spop (v2sf)  }
0xe3: {  	s13 =	simm.s32 $0x4A80;
	(v2sf) =	vpush v1, $0x4;
	s8 =	sadd.s32 s3, s8;
	s20 =	sand.u32 $0x1FFFFFF0, s19  }
0xe4: {  	(v2sf) =	vpush v63, $0x4;
	[tilespmem:s7], [sflag:$0x2] =	stream.linear.gather [hbm4b:s8+s1], $0x80, $0x38;
	[tilespmem:$0x10400] =	vst v63  }
0xe5: {  	s21 =	spop (v2sf);
	s19 =	simm.s32 $0xCA00;
	s7 =	simm.s32 $0xC580  }
0xe6: {  	s8 =	sadd.s32 s4, s20;
	s11 =	sand.u32 $0x1FFFFFF0, s21;
	s12 =	spop (v2sf)  }
0xe7: {  	(v2sf) =	vpush v1, $0x5;
	[tilespmem:s17], [sflag:$0x4] =	stream.linear.gather [hbm4b:s8+s1], $0x80, $0x38;
	[tilespmem:$0x10400] =	vst v63  }
0xe8: {  	s23 =	sadd.s32 s3, s11;
	s24 =	sand.u32 $0x1FFFFFF0, s12;
	s29 =	spop (v2sf)  }
0xe9: {  	(v2sf) =	vpush v63, $0x5;
	[tilespmem:s22], [sflag:$0x2] =	stream.linear.gather [hbm4b:s23+s1], $0x80, $0x38;
	[tilespmem:$0x10400] =	vst v63  }
0xea: {  	s11 =	sadd.s32 s4, s24;
	(v2sf) =	vpush v1, $0x6;
	s8 =	sand.u32 $0x1FFFFFF0, s29;
	s31 =	spop (v2sf)  }
0xeb: {  	[tilespmem:s25], [sflag:$0x4] =	stream.linear.gather [hbm4b:s11+s1], $0x80, $0x38;
	[tilespmem:$0x10400] =	vst v63  }
0xec: {  	s8 =	sadd.s32 s3, s8;
	s10 =	spop (v2sf);
	s11 =	sand.u32 $0x1FFFFFF0, s31  }
0xed: {  	(v2sf) =	vpush v63, $0x6;
	[tilespmem:s30], [sflag:$0x2] =	stream.linear.gather [hbm4b:s8+s1], $0x80, $0x38;
	[tilespmem:$0x10400] =	vst v63  }
0xee: {  	s16 =	sand.u32 $0x1FFFFFF0, s10;
	s17 =	spop (v2sf);
	s15 =	sadd.s32 s4, s11  }
0xef: {  	(v2sf) =	vpush v1, $0x7;
	[tilespmem:s14], [sflag:$0x4] =	stream.linear.gather [hbm4b:s15+s1], $0x80, $0x38;
	[tilespmem:$0x10400] =	vst v63  }
0xf0: {  	s12 =	simm.s32 $0xCA80;
	s24 =	simm.s32 $0xC680;
	s11 =	sadd.s32 s3, s16  }
0xf1: {  	(v2sf) =	vpush v63, $0x7;
	[tilespmem:s18], [sflag:$0x2] =	stream.linear.gather [hbm4b:s11+s1], $0x80, $0x38;
	[tilespmem:$0x10400] =	vst v63  }
0xf2: {  	s29 =	simm.s32 $0x4700;
	s6 =	sand.u32 $0x1FFFFFF0, s17;
	s20 =	spop (v2sf)  }
0xf3: {  	s6 =	sadd.s32 s4, s6;
	s15 =	simm.s32 $0xC700;
	s21 =	spop (v2sf)  }
0xf4: {  	[tilespmem:s7], [sflag:$0x4] =	stream.linear.gather [hbm4b:s6+s1], $0x80, $0x38;
	[tilespmem:$0x10400] =	vst v63  }
0xf5: {  	s18 =	simm.s32 $0xC600;
	(v2sf) =	vpush v1, $0x8;
	s11 =	sand.u32 $0x1FFFFFF0, s20;
	s23 =	sand.u32 $0x1FFFFFF0, s21  }
0xf6: {  	s22 =	sadd.s32 s3, s11;
	s25 =	spop (v2sf);
	s7 =	sadd.s32 s4, s23  }
0xf7: {  	(v2sf) =	vpush v63, $0x8;
	[tilespmem:s9], [sflag:$0x2] =	stream.linear.gather [hbm4b:s22+s1], $0x80, $0x38;
	[tilespmem:$0x10400] =	vst v63  }
0xf8: {  	s9 =	sand.u32 $0x1FFFFFF0, s25;
	s30 =	spop (v2sf);
	s22 =	simm.s32 $0xC780  }
0xf9: {  	(v2sf) =	vpush v1, $0x9;
	s9 =	sadd.s32 s3, s9;
	s8 =	sand.u32 $0x1FFFFFF0, s30;
	s31 =	spop (v2sf)  }
0xfa: {  	(v2sf) =	vpush v63, $0x9;
	[tilespmem:s18], [sflag:$0x4] =	stream.linear.gather [hbm4b:s7+s1], $0x80, $0x38;
	[tilespmem:$0x10400] =	vst v63  }
0xfb: {  	s30 =	simm.s32 $0xC800;
	s8 =	sadd.s32 s4, s8;
	s10 =	sand.u32 $0x1FFFFFF0, s31  }
0xfc: {  	(v2sf) =	vpush v1, $0xA;
	s11 =	spop (v2sf);
	s18 =	simm.s32 $0x4780;
	s14 =	sadd.s32 s3, s10  }
0xfd: {  	[tilespmem:s5], [sflag:$0x2] =	stream.linear.gather [hbm4b:s9+s1], $0x80, $0x38;
	[tilespmem:$0x10400] =	vst v63  }
0xfe: {  	(v2sf) =	vpush v63, $0xA;
	s6 =	sand.u32 $0x1FFFFFF0, s11;
	s16 =	spop (v2sf);
	s10 =	simm.s32 $0xC880  }
0xff: {  	[tilespmem:s24], [sflag:$0x4] =	stream.linear.gather [hbm4b:s8+s1], $0x80, $0x38;
	[tilespmem:$0x10400] =	vst v63  }
0x100: {  	(v2sf) =	vpush v1, $0xB;
	s5 =	simm.s32 $0xC980;
	s9 =	sand.u32 $0x1FFFFFF0, s16;
	s17 =	spop (v2sf)  }
0x101: {  	[tilespmem:s29], [sflag:$0x2] =	stream.linear.gather [hbm4b:s14+s1], $0x80, $0x38;
	[tilespmem:$0x10400] =	vst v63  }
0x102: {  	s6 =	sadd.s32 s4, s6;
	s20 =	sadd.s32 s3, s9;
	s21 =	sand.u32 $0x1FFFFFF0, s17  }
0x103: {  	[tilespmem:s15], [sflag:$0x4] =	stream.linear.gather [hbm4b:s6+s1], $0x80, $0x38;
	[tilespmem:$0x10400] =	vst v63  }
0x104: {  	(v2sf) =	vpush v63, $0xB;
	s9 =	sadd.s32 s4, s21;
	s24 =	simm.s32 $0x4800;
	s23 =	spop (v2sf)  }
0x105: {  	[tilespmem:s18], [sflag:$0x2] =	stream.linear.gather [hbm4b:s20+s1], $0x80, $0x38;
	[tilespmem:$0x10400] =	vst v63  }
0x106: {  	s14 =	simm.s32 $0x4900;
	s7 =	sand.u32 $0x1FFFFFF0, s23;
	s25 =	spop (v2sf)  }
0x107: {  	[tilespmem:s22], [sflag:$0x4] =	stream.linear.gather [hbm4b:s9+s1], $0x80, $0x38;
	[tilespmem:$0x10400] =	vst v63  }
0x108: {  	(v2sf) =	vpush v1, $0xC;
	s7 =	sadd.s32 s3, s7;
	s9 =	sand.u32 $0x1FFFFFF0, s25;
	s29 =	spop (v2sf)  }
0x109: {  	s31 =	sadd.s32 s4, s9;
	s8 =	sand.u32 $0x1FFFFFF0, s29;
	s11 =	spop (v2sf)  }
0x10a: {  	(v2sf) =	vpush v63, $0xC;
	[tilespmem:s24], [sflag:$0x2] =	stream.linear.gather [hbm4b:s7+s1], $0x80, $0x38;
	[tilespmem:$0x10400] =	vst v63  }
0x10b: {  	s9 =	sadd.s32 s3, s8;
	s7 =	sand.u32 $0x1FFFFFF0, s11;
	s15 =	spop (v2sf)  }
0x10c: {  	[tilespmem:s30], [sflag:$0x4] =	stream.linear.gather [hbm4b:s31+s1], $0x80, $0x38;
	[tilespmem:$0x10400] =	vst v63  }
0x10d: {  	s24 =	simm.s32 $0x4980;
	s7 =	sadd.s32 s4, s7;
	s16 =	spop (v2sf)  }
0x10e: {  	[tilespmem:s2], [sflag:$0x2] =	stream.linear.gather [hbm4b:s9+s1], $0x80, $0x38;
	[tilespmem:$0x10400] =	vst v63  }
0x10f: {  	s18 =	sand.u32 $0x1FFFFFF0, s16;
	s20 =	spop (v2sf);
	s9 =	sand.u32 $0x1FFFFFF0, s15  }
0x110: {  	[tilespmem:s10], [sflag:$0x4] =	stream.linear.gather [hbm4b:s7+s1], $0x80, $0x38;
	[tilespmem:$0x10400] =	vst v63  }
0x111: {  	s21 =	sadd.s32 s4, s18;
	s22 =	sand.u32 $0x1FFFFFF0, s20;
	s17 =	sadd.s32 s3, s9  }
0x112: {  	[tilespmem:s14], [sflag:$0x2] =	stream.linear.gather [hbm4b:s17+s1], $0x80, $0x38;
	[tilespmem:$0x10400] =	vst v63  }
0x113: {  	s23 =	spop (v2sf);
	s20 =	simm.s32 $0x4B00;
	s25 =	sadd.s32 s3, s22  }
0x114: {  	(v2sf) =	vpush v1, $0xD;
	[tilespmem:s0], [sflag:$0x4] =	stream.linear.gather [hbm4b:s21+s1], $0x80, $0x38;
	[tilespmem:$0x10400] =	vst v63  }
0x115: {  	(v2sf) =	vpush v63, $0xD;
	s29 =	sand.u32 $0x1FFFFFF0, s23;
	s23 =	simm.s32 $0x4A00;
	s2 =	simm.s32 $0x90  }
0x116: {  	(v2sf) =	vpush v1, $0xE;
	[tilespmem:s24], [sflag:$0x2] =	stream.linear.gather [hbm4b:s25+s1], $0x80, $0x38;
	[tilespmem:$0x10400] =	vst v63  }
0x117: {  	s30 =	sadd.s32 s4, s29;
	(v2sf) =	vpush v63, $0xE;
	s14 =	simm.s32 $0xCB00;
	s31 =	spop (v2sf)  }
0x118: {  	(v2sf) =	vpush v1, $0xF;
	[tilespmem:s5], [sflag:$0x4] =	stream.linear.gather [hbm4b:s30+s1], $0x80, $0x38;
	[tilespmem:$0x10400] =	vst v63  }
0x119: {  	(v2sf) =	vpush v63, $0xF;
	s0 =	simm.s32 $0x290;
	s6 =	spop (v2sf);
	s5 =	sand.u32 $0x1FFFFFF0, s31  }
.LBB2_4:
0x11a: {  	_ =	sdelay $0x4  }
0x11b: {  	s5 =	sadd.s32 s3, s5;
	s6 =	sand.u32 $0x1FFFFFF0, s6  }
0x11c: {  	[tilespmem:s23], [sflag:$0x2] =	stream.linear.gather [hbm4b:s5+s1], $0x80, $0x38;
	[tilespmem:$0x10400] =	vst v63  }
0x11d: {  	s6 =	sadd.s32 s4, s6  }
0x11e: {  	[tilespmem:s19], [sflag:$0x4] =	stream.linear.gather [hbm4b:s6+s1], $0x80, $0x38;
	[tilespmem:$0x10400] =	vst v63  }
0x11f: {  	s7 =	spop (v2sf)  }
0x120: {  	s7 =	sand.u32 $0x1FFFFFF0, s7;
	s8 =	spop (v2sf)  }
0x121: {  	s9 =	sadd.s32 s3, s7;
	s10 =	sand.u32 $0x1FFFFFF0, s8;
	s11 =	spop (v2sf)  }
0x122: {  	[tilespmem:s13], [sflag:$0x2] =	stream.linear.gather [hbm4b:s9+s1], $0x80, $0x38;
	[tilespmem:$0x10400] =	vst v63  }
0x123: {  	s13 =	sadd.s32 s4, s10;
	s15 =	sand.u32 $0x1FFFFFF0, s11;
	s16 =	spop (v2sf)  }
0x124: {  	[tilespmem:s12], [sflag:$0x4] =	stream.linear.gather [hbm4b:s13+s1], $0x80, $0x38;
	[tilespmem:$0x10400] =	vst v63  }
0x125: {  	s17 =	sadd.s32 s3, s15;
	s18 =	sand.u32 $0x1FFFFFF0, s16;
	s19 =	spop (v2sf)  }
0x126: {  	[tilespmem:s20], [sflag:$0x2] =	stream.linear.gather [hbm4b:s17+s1], $0x80, $0x38;
	[tilespmem:$0x10400] =	vst v63  }
0x127: {  	s21 =	sand.u32 $0x1FFFFFF0, s19;
	s22 =	spop (v2sf);
	s20 =	sadd.s32 s4, s18  }
0x128: {  	[tilespmem:s14], [sflag:$0x4] =	stream.linear.gather [hbm4b:s20+s1], $0x80, $0x38;
	[tilespmem:$0x10400] =	vst v63  }
0x129: {  	s23 =	sadd.s32 $0x4B80, s26;
	s6 =	sadd.s32 s3, s21;
	s7 =	sand.u32 $0x1FFFFFF0, s22  }
0x12a: {  	[tilespmem:s23], [sflag:$0x2] =	stream.linear.gather [hbm4b:s6+s1], $0x80, $0x38;
	[tilespmem:$0x10400] =	vst v63  }
0x12b: {  	s24 =	sadd.s32 $0xCB80, s26;
	s25 =	sadd.s32 s4, s7  }
0x12c: {  	[tilespmem:s24], [sflag:$0x4] =	stream.linear.gather [hbm4b:s25+s1], $0x80, $0x38;
	[tilespmem:$0x10400] =	vst v63  }
0x12d: {  	v0 =	vld [tilespmem:s2+$0x0]  }
0x12e: {  	v2 =	vld [tilespmem:s0+$0x0];
	_ =	sdelay $0x3  }
0x12f: {  	v1 =	vshll.u32 v0, $0x4  }
0x130: {  	s26 =	smov.u32 s28;
	v63 =	vshll.u32 v2, $0x4;
	(v2sf) =	vpush v1, $0x0  }
0x131: {  	s26 =	sshra.s32 s26, $0x2;
	(v2sf) =	vpush v63, $0x0  }
0x132: {  	p0 =	sne.s32 s28, $0xE000;
	s5 =	sadd.s32 $0x4680, s26;
	(v2sf) =	vpush v1, $0x1  }
0x133: {  	s28 =	sadd.s32 $0x2000, s28;
	s29 =	sadd.s32 $0x4880, s26;
	[smem:$0x7EF] =	sst s5  }
0x134: {  	s30 =	sadd.s32 $0xC900, s26;
	s31 =	sadd.s32 $0xC880, s26;
	[dreg:$0xd] =	wrdreg s29;
	(v2sf) =	vpush v63, $0x1  }
0x135: {  	[dreg:$0x5] =	wrdreg s30;
	s29 =	sadd.s32 $0x4500, s26;
	s5 =	sadd.s32 $0xC500, s26  }
0x136: {  	[dreg:$0x15] =	wrdreg s31;
	s8 =	sadd.s32 $0x4400, s26;
	s9 =	sadd.s32 $0xC980, s26;
	(v2sf) =	vpush v1, $0x2  }
0x137: {  	s10 =	sadd.s32 $0x4900, s26;
	s11 =	sadd.s32 $0xC800, s26;
	[dreg:$0x9] =	wrdreg s9  }
0x138: {  	s16 =	sadd.s32 $0xC580, s26;
	[dreg:$0x11] =	wrdreg s10;
	s15 =	sadd.s32 $0x4780, s26;
	(v2sf) =	vpush v63, $0x2  }
0x139: {  	[dreg:$0x1a] =	wrdreg s11;
	s10 =	sadd.s32 $0x4480, s26;
	s9 =	sadd.s32 $0x4980, s26  }
0x13a: {  	s19 =	sadd.s32 $0xCA00, s26;
	s13 =	sadd.s32 $0x4A80, s26;
	s12 =	sadd.s32 $0xCA80, s26;
	(v2sf) =	vpush v1, $0x3  }
0x13b: {  	s22 =	sadd.s32 $0x4600, s26;
	s21 =	sadd.s32 $0xC680, s26;
	s14 =	sadd.s32 $0xC780, s26  }
0x13c: {  	s7 =	sadd.s32 $0xC480, s26;
	s20 =	sadd.s32 $0x4800, s26;
	[smem:$0x7F0] =	sst s14;
	(v2sf) =	vpush v63, $0x3  }
0x13d: {  	s18 =	sadd.s32 $0x4700, s26;
	s17 =	sadd.s32 $0xC700, s26;
	[dreg:$0x1f] =	wrdreg s20  }
0x13e: {  	s20 =	sadd.s32 $0x4B00, s26;
	s14 =	sadd.s32 $0xCB00, s26;
	s6 =	sadd.s32 $0xC400, s26;
	(v2sf) =	vpush v1, $0x4  }
0x13f: {  	s23 =	sadd.s32 $0x4A00, s26;
	s25 =	sadd.s32 $0x4580, s26;
	s30 =	spop (v2sf)  }
0x140: {  	s24 =	sadd.s32 $0xC600, s26;
	s30 =	sand.u32 $0x1FFFFFF0, s30;
	s31 =	spop (v2sf);
	(v2sf) =	vpush v63, $0x4  }
0x141: {  	s30 =	sadd.s32 s3, s30;
	s31 =	sand.u32 $0x1FFFFFF0, s31;
	s11 =	spop (v2sf)  }
0x142: {  	[tilespmem:s8], [sflag:$0x2] =	stream.linear.gather [hbm4b:s30+s1], $0x80, $0x38;
	[tilespmem:$0x10400] =	vst v63  }
0x143: {  	(v2sf) =	vpush v1, $0x5;
	s8 =	sadd.s32 s4, s31;
	s11 =	sand.u32 $0x1FFFFFF0, s11;
	s31 =	spop (v2sf)  }
0x144: {  	(v2sf) =	vpush v63, $0x5;
	[tilespmem:s6], [sflag:$0x4] =	stream.linear.gather [hbm4b:s8+s1], $0x80, $0x38;
	[tilespmem:$0x10400] =	vst v63  }
0x145: {  	s11 =	sadd.s32 s3, s11;
	s30 =	sand.u32 $0x1FFFFFF0, s31;
	s31 =	spop (v2sf)  }
0x146: {  	(v2sf) =	vpush v1, $0x6;
	[tilespmem:s10], [sflag:$0x2] =	stream.linear.gather [hbm4b:s11+s1], $0x80, $0x38;
	[tilespmem:$0x10400] =	vst v63  }
0x147: {  	s10 =	sadd.s32 s4, s30;
	s30 =	sand.u32 $0x1FFFFFF0, s31;
	s31 =	spop (v2sf)  }
0x148: {  	(v2sf) =	vpush v63, $0x6;
	[tilespmem:s7], [sflag:$0x4] =	stream.linear.gather [hbm4b:s10+s1], $0x80, $0x38;
	[tilespmem:$0x10400] =	vst v63  }
0x149: {  	s11 =	sadd.s32 s3, s30;
	s30 =	sand.u32 $0x1FFFFFF0, s31;
	s31 =	spop (v2sf)  }
0x14a: {  	(v2sf) =	vpush v1, $0x7;
	[tilespmem:s29], [sflag:$0x2] =	stream.linear.gather [hbm4b:s11+s1], $0x80, $0x38;
	[tilespmem:$0x10400] =	vst v63  }
0x14b: {  	s7 =	sadd.s32 s4, s30;
	s10 =	sand.u32 $0x1FFFFFF0, s31;
	s11 =	spop (v2sf)  }
0x14c: {  	(v2sf) =	vpush v63, $0x7;
	[tilespmem:s5], [sflag:$0x4] =	stream.linear.gather [hbm4b:s7+s1], $0x80, $0x38;
	[tilespmem:$0x10400] =	vst v63  }
0x14d: {  	s29 =	sadd.s32 s3, s10;
	s30 =	sand.u32 $0x1FFFFFF0, s11;
	s31 =	spop (v2sf)  }
0x14e: {  	(v2sf) =	vpush v1, $0x8;
	[tilespmem:s25], [sflag:$0x2] =	stream.linear.gather [hbm4b:s29+s1], $0x80, $0x38;
	[tilespmem:$0x10400] =	vst v63  }
0x14f: {  	s0 =	sadd.s32 $0x10, s0;
	s6 =	sadd.s32 s4, s30;
	s10 =	spop (v2sf)  }
0x150: {  	[tilespmem:s16], [sflag:$0x4] =	stream.linear.gather [hbm4b:s6+s1], $0x80, $0x38;
	[tilespmem:$0x10400] =	vst v63  }
0x151: {  	s2 =	sadd.s32 $0x10, s2;
	s8 =	sand.u32 $0x1FFFFFF0, s31;
	s16 =	sand.u32 $0x1FFFFFF0, s10  }
0x152: {  	s11 =	sadd.s32 s3, s8;
	(v2sf) =	vpush v63, $0x8;
	s25 =	spop (v2sf);
	s29 =	sadd.s32 s4, s16  }
0x153: {  	(v2sf) =	vpush v1, $0x9;
	s30 =	sand.u32 $0x1FFFFFF0, s25;
	s31 =	spop (v2sf);
	s16 =	sld [smem:$0x7EF]  }
0x154: {  	[tilespmem:s22], [sflag:$0x2] =	stream.linear.gather [hbm4b:s11+s1], $0x80, $0x38;
	[tilespmem:$0x10400] =	vst v63  }
0x155: {  	s8 =	sadd.s32 s3, s30;
	s10 =	sand.u32 $0x1FFFFFF0, s31;
	s11 =	spop (v2sf)  }
0x156: {  	[tilespmem:s24], [sflag:$0x4] =	stream.linear.gather [hbm4b:s29+s1], $0x80, $0x38;
	[tilespmem:$0x10400] =	vst v63  }
0x157: {  	(v2sf) =	vpush v63, $0x9;
	s22 =	sadd.s32 s4, s10;
	s24 =	sand.u32 $0x1FFFFFF0, s11;
	s25 =	spop (v2sf)  }
0x158: {  	[tilespmem:s16], [sflag:$0x2] =	stream.linear.gather [hbm4b:s8+s1], $0x80, $0x38;
	[tilespmem:$0x10400] =	vst v63  }
0x159: {  	(v2sf) =	vpush v1, $0xA;
	s29 =	sadd.s32 s3, s24;
	s30 =	sand.u32 $0x1FFFFFF0, s25;
	s31 =	spop (v2sf)  }
0x15a: {  	[tilespmem:s21], [sflag:$0x4] =	stream.linear.gather [hbm4b:s22+s1], $0x80, $0x38;
	[tilespmem:$0x10400] =	vst v63  }
0x15b: {  	(v2sf) =	vpush v63, $0xA;
	s25 =	sld [smem:$0x7F0];
	s10 =	sand.u32 $0x1FFFFFF0, s31;
	s11 =	spop (v2sf)  }
0x15c: {  	[tilespmem:s18], [sflag:$0x2] =	stream.linear.gather [hbm4b:s29+s1], $0x80, $0x38;
	[tilespmem:$0x10400] =	vst v63  }
0x15d: {  	(v2sf) =	vpush v1, $0xB;
	s8 =	sadd.s32 s4, s30;
	s16 =	sadd.s32 s3, s10;
	s18 =	spop (v2sf)  }
0x15e: {  	[tilespmem:s17], [sflag:$0x4] =	stream.linear.gather [hbm4b:s8+s1], $0x80, $0x38;
	[tilespmem:$0x10400] =	vst v63  }
0x15f: {  	s10 =	rddreg [dreg:$0x1f];
	s22 =	sand.u32 $0x1FFFFFF0, s18;
	s17 =	sand.u32 $0x1FFFFFF0, s11  }
0x160: {  	[tilespmem:s15], [sflag:$0x2] =	stream.linear.gather [hbm4b:s16+s1], $0x80, $0x38;
	[tilespmem:$0x10400] =	vst v63  }
0x161: {  	(v2sf) =	vpush v63, $0xB;
	s29 =	sadd.s32 s3, s22;
	s21 =	sadd.s32 s4, s17;
	s24 =	spop (v2sf)  }
0x162: {  	(v2sf) =	vpush v1, $0xC;
	s17 =	rddreg [dreg:$0x1a];
	s30 =	sand.u32 $0x1FFFFFF0, s24;
	s31 =	spop (v2sf)  }
0x163: {  	[tilespmem:s25], [sflag:$0x4] =	stream.linear.gather [hbm4b:s21+s1], $0x80, $0x38;
	[tilespmem:$0x10400] =	vst v63  }
0x164: {  	(v2sf) =	vpush v63, $0xC;
	s24 =	rddreg [dreg:$0xd];
	s11 =	sadd.s32 s4, s30;
	s15 =	sand.u32 $0x1FFFFFF0, s31  }
0x165: {  	[tilespmem:s10], [sflag:$0x2] =	stream.linear.gather [hbm4b:s29+s1], $0x80, $0x38;
	[tilespmem:$0x10400] =	vst v63  }
0x166: {  	s16 =	spop (v2sf);
	s31 =	rddreg [dreg:$0x15];
	s18 =	sadd.s32 s3, s15  }
0x167: {  	[tilespmem:s17], [sflag:$0x4] =	stream.linear.gather [hbm4b:s11+s1], $0x80, $0x38;
	[tilespmem:$0x10400] =	vst v63  }
0x168: {  	s21 =	sand.u32 $0x1FFFFFF0, s16;
	s22 =	spop (v2sf);
	s16 =	rddreg [dreg:$0x11]  }
0x169: {  	[tilespmem:s24], [sflag:$0x2] =	stream.linear.gather [hbm4b:s18+s1], $0x80, $0x38;
	[tilespmem:$0x10400] =	vst v63  }
0x16a: {  	s25 =	sadd.s32 s4, s21;
	s29 =	sand.u32 $0x1FFFFFF0, s22;
	s30 =	spop (v2sf)  }
0x16b: {  	[tilespmem:s31], [sflag:$0x4] =	stream.linear.gather [hbm4b:s25+s1], $0x80, $0x38;
	[tilespmem:$0x10400] =	vst v63  }
0x16c: {  	s10 =	sadd.s32 s3, s29;
	s11 =	sand.u32 $0x1FFFFFF0, s30;
	s15 =	spop (v2sf)  }
0x16d: {  	[tilespmem:s16], [sflag:$0x2] =	stream.linear.gather [hbm4b:s10+s1], $0x80, $0x38;
	[tilespmem:$0x10400] =	vst v63  }
0x16e: {  	s22 =	rddreg [dreg:$0x5];
	s17 =	sadd.s32 s4, s11;
	s18 =	sand.u32 $0x1FFFFFF0, s15  }
0x16f: {  	(v2sf) =	vpush v1, $0xD;
	[tilespmem:s22], [sflag:$0x4] =	stream.linear.gather [hbm4b:s17+s1], $0x80, $0x38;
	[tilespmem:$0x10400] =	vst v63  }
.Ltmp1:
0x170: {  	(v2sf) =	vpush v63, $0xD;
	s24 =	sadd.s32 s3, s18;
	s21 =	spop (v2sf);
	(pc) =	sbr.rel @p0 .LBB2_4-.Ltmp1, $4  }
0x171: {  	(v2sf) =	vpush v1, $0xE;
	s31 =	rddreg [dreg:$0x9];
	s25 =	sand.u32 $0x1FFFFFF0, s21;
	s29 =	spop (v2sf)  }
0x172: {  	(v2sf) =	vpush v63, $0xE;
	[tilespmem:s9], [sflag:$0x2] =	stream.linear.gather [hbm4b:s24+s1], $0x80, $0x38;
	[tilespmem:$0x10400] =	vst v63  }
0x173: {  	(v2sf) =	vpush v1, $0xF;
	s30 =	sadd.s32 s4, s25;
	s5 =	sand.u32 $0x1FFFFFF0, s29;
	s6 =	spop (v2sf)  }
0x174: {  	(v2sf) =	vpush v63, $0xF;
	[tilespmem:s31], [sflag:$0x4] =	stream.linear.gather [hbm4b:s30+s1], $0x80, $0x38;
	[tilespmem:$0x10400] =	vst v63  }
0x175: {  	_ =	sdelay $0x4  }
0x176: {  	s0 =	sadd.s32 s3, s5;
	s2 =	sand.u32 $0x1FFFFFF0, s6  }
0x177: {  	[tilespmem:s23], [sflag:$0x2] =	stream.linear.gather [hbm4b:s0+s1], $0x80, $0x38;
	[tilespmem:$0x10400] =	vst v63  }
0x178: {  	s9 =	sadd.s32 s4, s2  }
0x179: {  	[tilespmem:s19], [sflag:$0x4] =	stream.linear.gather [hbm4b:s9+s1], $0x80, $0x38;
	[tilespmem:$0x10400] =	vst v63  }
0x17a: {  	s8 =	spop (v2sf)  }
0x17b: {  	s10 =	sand.u32 $0x1FFFFFF0, s8;
	s11 =	spop (v2sf)  }
0x17c: {  	s15 =	sadd.s32 s3, s10;
	s16 =	sand.u32 $0x1FFFFFF0, s11;
	s17 =	spop (v2sf)  }
0x17d: {  	[tilespmem:s13], [sflag:$0x2] =	stream.linear.gather [hbm4b:s15+s1], $0x80, $0x38;
	[tilespmem:$0x10400] =	vst v63  }
0x17e: {  	s18 =	sadd.s32 s4, s16;
	s19 =	sand.u32 $0x1FFFFFF0, s17;
	s21 =	spop (v2sf)  }
0x17f: {  	[tilespmem:s12], [sflag:$0x4] =	stream.linear.gather [hbm4b:s18+s1], $0x80, $0x38;
	[tilespmem:$0x10400] =	vst v63  }
0x180: {  	s22 =	sadd.s32 s3, s19;
	s23 =	sand.u32 $0x1FFFFFF0, s21;
	s24 =	spop (v2sf)  }
0x181: {  	[tilespmem:s20], [sflag:$0x2] =	stream.linear.gather [hbm4b:s22+s1], $0x80, $0x38;
	[tilespmem:$0x10400] =	vst v63  }
0x182: {  	s25 =	sadd.s32 s4, s23;
	s29 =	sand.u32 $0x1FFFFFF0, s24;
	s30 =	spop (v2sf)  }
0x183: {  	[tilespmem:s14], [sflag:$0x4] =	stream.linear.gather [hbm4b:s25+s1], $0x80, $0x38;
	[tilespmem:$0x10400] =	vst v63  }
0x184: {  	s31 =	sadd.s32 $0x4B80, s26;
	s2 =	sadd.s32 s3, s29;
	s5 =	sand.u32 $0x1FFFFFF0, s30  }
0x185: {  	[tilespmem:s31], [sflag:$0x2] =	stream.linear.gather [hbm4b:s2+s1], $0x80, $0x38;
	[tilespmem:$0x10400] =	vst v63  }
0x186: {  	s7 =	simm.s32 $0x1;
	s6 =	sadd.s32 s4, s5;
	s2 =	sadd.s32 $0xCB80, s26  }
0x187: {  	[tilespmem:s2], [sflag:$0x4] =	stream.linear.gather [hbm4b:s6+s1], $0x80, $0x38;
	[tilespmem:$0x10400] =	vst v63  }
0x188: {  	_ =	swait.ge [sflag:s7], $0x4000  }
0x189: {  	[sflag:s7] =	ssyncset.done $0x0  }
0x18a: {  	s8 =	simm.s32 $0x3;
	[sflag:s7] =	ssyncadd.s32 $0xFFFFC000  }
0x18b: {  	_ =	swait.ge [sflag:s8], $0x4000  }
0x18c: {  	s10 =	sld [smem:$0x7F5]  }
0x18d: {  	s9 =	simm.s32 $0x0;
	[sflag:s8] =	ssyncset.done $0x0  }
0x18e: {  	s11 =	simm.s32 $0x400;
	s12 =	simm.s32 $0x5;
	[sflag:s8] =	ssyncadd.s32 $0xFFFFC000  }
0x18f: {  	[hbm4b:s10+s9] =	stream.linear.scatter [tilespmem:s11], [sflag:$0x5], $0x4000, $0x38;
	[tilespmem:$0x10400] =	vst v63  }
0x190: {  	_ =	swait.ge [sflag:s12], $0x4000  }
0x191: {  	s13 =	sld [smem:$0x7F6]  }
0x192: {  	[sflag:s12] =	ssyncset.done $0x0  }
0x193: {  	s14 =	simm.s32 $0x8400;
	[sflag:s12] =	ssyncadd.s32 $0xFFFFC000  }
0x194: {  	[hbm4b:s13+s9] =	stream.linear.scatter [tilespmem:s14], [sflag:$0x5], $0x4000, $0x38;
	[tilespmem:$0x10400] =	vst v63  }
0x195: {  	_ =	swait.ge [sflag:s12], $0x4000  }
0x196: {  	[sflag:s12] =	ssyncset.done $0x0  }
0x197: {  	s15 =	simm.s32 $0x100;
	[sflag:s12] =	ssyncadd.s32 $0xFFFFC000  }
0x198: {  	v0 =	vld [tilespmem:s15+$0x0]  }
0x199: {  	s16 =	simm.s32 $0x300  }
0x19a: {  	v2 =	vld [tilespmem:s16+$0x0];
	_ =	sdelay $0x2  }
0x19b: {  	v1 =	vshll.u32 v0, $0x4  }
0x19c: {  	(v2sf) =	vpush v1, $0x0  }
0x19d: {  	v63 =	vshll.u32 v2, $0x4  }
0x19e: {  	(v2sf) =	vpush v63, $0x0;
	_ =	sdelay $0x1  }
0x19f: {  	(v2sf) =	vpush v1, $0x1  }
0x1a0: {  	(v2sf) =	vpush v63, $0x1;
	_ =	sdelay $0x1  }
0x1a1: {  	(v2sf) =	vpush v1, $0x2;
	_ =	sdelay $0x1  }
0x1a2: {  	(v2sf) =	vpush v63, $0x2;
	_ =	sdelay $0x1  }
0x1a3: {  	s28 =	simm.s32 $0x2000;
	(v2sf) =	vpush v1, $0x3  }
0x1a4: {  	s0 =	simm.s32 $0x8900;
	s17 =	simm.s32 $0x8400;
	s18 =	simm.s32 $0x580  }
0x1a5: {  	s30 =	simm.s32 $0x500;
	s5 =	simm.s32 $0x680;
	s22 =	simm.s32 $0x480;
	(v2sf) =	vpush v63, $0x3  }
0x1a6: {  	s25 =	simm.s32 $0x8480;
	s26 =	simm.s32 $0x0;
	s2 =	simm.s32 $0x880  }
0x1a7: {  	s7 =	simm.s32 $0x400;
	s9 =	simm.s32 $0x600;
	s8 =	spop (v2sf)  }
0x1a8: {  	s14 =	simm.s32 $0x8500;
	s13 =	simm.s32 $0xA80;
	s8 =	sand.u32 $0x1FFFFFF0, s8  }
0x1a9: {  	s12 =	simm.s32 $0x8A80;
	(v2sf) =	vpush v1, $0x4;
	s11 =	spop (v2sf);
	s8 =	sadd.s32 s3, s8  }
0x1aa: {  	(v2sf) =	vpush v63, $0x4;
	[tilespmem:s7], [sflag:$0x1] =	stream.linear.gather [hbm4b:s8+s1], $0x80, $0x38;
	[tilespmem:$0x10400] =	vst v63  }
0x1ab: {  	s19 =	sand.u32 $0x1FFFFFF0, s11;
	s20 =	spop (v2sf);
	s7 =	simm.s32 $0x8580  }
0x1ac: {  	s8 =	sadd.s32 s4, s19;
	s11 =	sand.u32 $0x1FFFFFF0, s20;
	s21 =	spop (v2sf)  }
0x1ad: {  	(v2sf) =	vpush v1, $0x5;
	[tilespmem:s17], [sflag:$0x3] =	stream.linear.gather [hbm4b:s8+s1], $0x80, $0x38;
	[tilespmem:$0x10400] =	vst v63  }
0x1ae: {  	s23 =	sadd.s32 s3, s11;
	s24 =	sand.u32 $0x1FFFFFF0, s21;
	s29 =	spop (v2sf)  }
0x1af: {  	(v2sf) =	vpush v63, $0x5;
	[tilespmem:s22], [sflag:$0x1] =	stream.linear.gather [hbm4b:s23+s1], $0x80, $0x38;
	[tilespmem:$0x10400] =	vst v63  }
0x1b0: {  	s11 =	sadd.s32 s4, s24;
	(v2sf) =	vpush v1, $0x6;
	s8 =	sand.u32 $0x1FFFFFF0, s29;
	s31 =	spop (v2sf)  }
0x1b1: {  	[tilespmem:s25], [sflag:$0x3] =	stream.linear.gather [hbm4b:s11+s1], $0x80, $0x38;
	[tilespmem:$0x10400] =	vst v63  }
0x1b2: {  	s8 =	sadd.s32 s3, s8;
	s10 =	spop (v2sf);
	s11 =	sand.u32 $0x1FFFFFF0, s31  }
0x1b3: {  	(v2sf) =	vpush v63, $0x6;
	[tilespmem:s30], [sflag:$0x1] =	stream.linear.gather [hbm4b:s8+s1], $0x80, $0x38;
	[tilespmem:$0x10400] =	vst v63  }
0x1b4: {  	s16 =	sand.u32 $0x1FFFFFF0, s10;
	s17 =	spop (v2sf);
	s15 =	sadd.s32 s4, s11  }
0x1b5: {  	(v2sf) =	vpush v1, $0x7;
	[tilespmem:s14], [sflag:$0x3] =	stream.linear.gather [hbm4b:s15+s1], $0x80, $0x38;
	[tilespmem:$0x10400] =	vst v63  }
0x1b6: {  	s19 =	simm.s32 $0x8A00;
	s24 =	simm.s32 $0x8680;
	s11 =	sadd.s32 s3, s16  }
0x1b7: {  	(v2sf) =	vpush v63, $0x7;
	[tilespmem:s18], [sflag:$0x1] =	stream.linear.gather [hbm4b:s11+s1], $0x80, $0x38;
	[tilespmem:$0x10400] =	vst v63  }
0x1b8: {  	s29 =	simm.s32 $0x700;
	s6 =	sand.u32 $0x1FFFFFF0, s17;
	s20 =	spop (v2sf)  }
0x1b9: {  	s6 =	sadd.s32 s4, s6;
	s15 =	simm.s32 $0x8700;
	s21 =	spop (v2sf)  }
0x1ba: {  	[tilespmem:s7], [sflag:$0x3] =	stream.linear.gather [hbm4b:s6+s1], $0x80, $0x38;
	[tilespmem:$0x10400] =	vst v63  }
0x1bb: {  	s18 =	simm.s32 $0x8600;
	(v2sf) =	vpush v1, $0x8;
	s11 =	sand.u32 $0x1FFFFFF0, s20;
	s23 =	sand.u32 $0x1FFFFFF0, s21  }
0x1bc: {  	s22 =	sadd.s32 s3, s11;
	s25 =	spop (v2sf);
	s7 =	sadd.s32 s4, s23  }
0x1bd: {  	(v2sf) =	vpush v63, $0x8;
	[tilespmem:s9], [sflag:$0x1] =	stream.linear.gather [hbm4b:s22+s1], $0x80, $0x38;
	[tilespmem:$0x10400] =	vst v63  }
0x1be: {  	s9 =	sand.u32 $0x1FFFFFF0, s25;
	s30 =	spop (v2sf);
	s22 =	simm.s32 $0x8780  }
0x1bf: {  	(v2sf) =	vpush v1, $0x9;
	s9 =	sadd.s32 s3, s9;
	s8 =	sand.u32 $0x1FFFFFF0, s30;
	s31 =	spop (v2sf)  }
0x1c0: {  	(v2sf) =	vpush v63, $0x9;
	[tilespmem:s18], [sflag:$0x3] =	stream.linear.gather [hbm4b:s7+s1], $0x80, $0x38;
	[tilespmem:$0x10400] =	vst v63  }
0x1c1: {  	s30 =	simm.s32 $0x8800;
	s8 =	sadd.s32 s4, s8;
	s10 =	sand.u32 $0x1FFFFFF0, s31  }
0x1c2: {  	(v2sf) =	vpush v1, $0xA;
	s11 =	spop (v2sf);
	s18 =	simm.s32 $0x780;
	s14 =	sadd.s32 s3, s10  }
0x1c3: {  	[tilespmem:s5], [sflag:$0x1] =	stream.linear.gather [hbm4b:s9+s1], $0x80, $0x38;
	[tilespmem:$0x10400] =	vst v63  }
0x1c4: {  	(v2sf) =	vpush v63, $0xA;
	s6 =	sand.u32 $0x1FFFFFF0, s11;
	s16 =	spop (v2sf);
	s10 =	simm.s32 $0x8880  }
0x1c5: {  	[tilespmem:s24], [sflag:$0x3] =	stream.linear.gather [hbm4b:s8+s1], $0x80, $0x38;
	[tilespmem:$0x10400] =	vst v63  }
0x1c6: {  	(v2sf) =	vpush v1, $0xB;
	s5 =	simm.s32 $0x8980;
	s9 =	sand.u32 $0x1FFFFFF0, s16;
	s17 =	spop (v2sf)  }
0x1c7: {  	[tilespmem:s29], [sflag:$0x1] =	stream.linear.gather [hbm4b:s14+s1], $0x80, $0x38;
	[tilespmem:$0x10400] =	vst v63  }
0x1c8: {  	s6 =	sadd.s32 s4, s6;
	s20 =	sadd.s32 s3, s9;
	s21 =	sand.u32 $0x1FFFFFF0, s17  }
0x1c9: {  	[tilespmem:s15], [sflag:$0x3] =	stream.linear.gather [hbm4b:s6+s1], $0x80, $0x38;
	[tilespmem:$0x10400] =	vst v63  }
0x1ca: {  	(v2sf) =	vpush v63, $0xB;
	s9 =	sadd.s32 s4, s21;
	s24 =	simm.s32 $0x800;
	s23 =	spop (v2sf)  }
0x1cb: {  	[tilespmem:s18], [sflag:$0x1] =	stream.linear.gather [hbm4b:s20+s1], $0x80, $0x38;
	[tilespmem:$0x10400] =	vst v63  }
0x1cc: {  	s14 =	simm.s32 $0x900;
	s7 =	sand.u32 $0x1FFFFFF0, s23;
	s25 =	spop (v2sf)  }
0x1cd: {  	[tilespmem:s22], [sflag:$0x3] =	stream.linear.gather [hbm4b:s9+s1], $0x80, $0x38;
	[tilespmem:$0x10400] =	vst v63  }
0x1ce: {  	(v2sf) =	vpush v1, $0xC;
	s7 =	sadd.s32 s3, s7;
	s9 =	sand.u32 $0x1FFFFFF0, s25;
	s29 =	spop (v2sf)  }
0x1cf: {  	s31 =	sadd.s32 s4, s9;
	s8 =	sand.u32 $0x1FFFFFF0, s29;
	s11 =	spop (v2sf)  }
0x1d0: {  	(v2sf) =	vpush v63, $0xC;
	[tilespmem:s24], [sflag:$0x1] =	stream.linear.gather [hbm4b:s7+s1], $0x80, $0x38;
	[tilespmem:$0x10400] =	vst v63  }
0x1d1: {  	s9 =	sadd.s32 s3, s8;
	s7 =	sand.u32 $0x1FFFFFF0, s11;
	s15 =	spop (v2sf)  }
0x1d2: {  	[tilespmem:s30], [sflag:$0x3] =	stream.linear.gather [hbm4b:s31+s1], $0x80, $0x38;
	[tilespmem:$0x10400] =	vst v63  }
0x1d3: {  	s24 =	simm.s32 $0x980;
	s7 =	sadd.s32 s4, s7;
	s16 =	spop (v2sf)  }
0x1d4: {  	[tilespmem:s2], [sflag:$0x1] =	stream.linear.gather [hbm4b:s9+s1], $0x80, $0x38;
	[tilespmem:$0x10400] =	vst v63  }
0x1d5: {  	s18 =	sand.u32 $0x1FFFFFF0, s16;
	s20 =	spop (v2sf);
	s9 =	sand.u32 $0x1FFFFFF0, s15  }
0x1d6: {  	[tilespmem:s10], [sflag:$0x3] =	stream.linear.gather [hbm4b:s7+s1], $0x80, $0x38;
	[tilespmem:$0x10400] =	vst v63  }
0x1d7: {  	s21 =	sadd.s32 s4, s18;
	s22 =	sand.u32 $0x1FFFFFF0, s20;
	s17 =	sadd.s32 s3, s9  }
0x1d8: {  	[tilespmem:s14], [sflag:$0x1] =	stream.linear.gather [hbm4b:s17+s1], $0x80, $0x38;
	[tilespmem:$0x10400] =	vst v63  }
0x1d9: {  	s23 =	spop (v2sf);
	s20 =	simm.s32 $0xB00;
	s25 =	sadd.s32 s3, s22  }
0x1da: {  	(v2sf) =	vpush v1, $0xD;
	[tilespmem:s0], [sflag:$0x3] =	stream.linear.gather [hbm4b:s21+s1], $0x80, $0x38;
	[tilespmem:$0x10400] =	vst v63  }
0x1db: {  	(v2sf) =	vpush v63, $0xD;
	s29 =	sand.u32 $0x1FFFFFF0, s23;
	s23 =	simm.s32 $0xA00;
	s2 =	simm.s32 $0x110  }
0x1dc: {  	(v2sf) =	vpush v1, $0xE;
	[tilespmem:s24], [sflag:$0x1] =	stream.linear.gather [hbm4b:s25+s1], $0x80, $0x38;
	[tilespmem:$0x10400] =	vst v63  }
0x1dd: {  	s30 =	sadd.s32 s4, s29;
	(v2sf) =	vpush v63, $0xE;
	s14 =	simm.s32 $0x8B00;
	s31 =	spop (v2sf)  }
0x1de: {  	(v2sf) =	vpush v1, $0xF;
	[tilespmem:s5], [sflag:$0x3] =	stream.linear.gather [hbm4b:s30+s1], $0x80, $0x38;
	[tilespmem:$0x10400] =	vst v63  }
0x1df: {  	(v2sf) =	vpush v63, $0xF;
	s0 =	simm.s32 $0x310;
	s6 =	spop (v2sf);
	s5 =	sand.u32 $0x1FFFFFF0, s31  }
.LBB2_6:
0x1e0: {  	_ =	sdelay $0x4  }
0x1e1: {  	s5 =	sadd.s32 s3, s5;
	s6 =	sand.u32 $0x1FFFFFF0, s6  }
0x1e2: {  	[tilespmem:s23], [sflag:$0x1] =	stream.linear.gather [hbm4b:s5+s1], $0x80, $0x38;
	[tilespmem:$0x10400] =	vst v63  }
0x1e3: {  	s6 =	sadd.s32 s4, s6  }
0x1e4: {  	[tilespmem:s19], [sflag:$0x3] =	stream.linear.gather [hbm4b:s6+s1], $0x80, $0x38;
	[tilespmem:$0x10400] =	vst v63  }
0x1e5: {  	s7 =	spop (v2sf)  }
0x1e6: {  	s7 =	sand.u32 $0x1FFFFFF0, s7;
	s8 =	spop (v2sf)  }
0x1e7: {  	s9 =	sadd.s32 s3, s7;
	s10 =	sand.u32 $0x1FFFFFF0, s8;
	s11 =	spop (v2sf)  }
0x1e8: {  	[tilespmem:s13], [sflag:$0x1] =	stream.linear.gather [hbm4b:s9+s1], $0x80, $0x38;
	[tilespmem:$0x10400] =	vst v63  }
0x1e9: {  	s13 =	sadd.s32 s4, s10;
	s15 =	sand.u32 $0x1FFFFFF0, s11;
	s16 =	spop (v2sf)  }
0x1ea: {  	[tilespmem:s12], [sflag:$0x3] =	stream.linear.gather [hbm4b:s13+s1], $0x80, $0x38;
	[tilespmem:$0x10400] =	vst v63  }
0x1eb: {  	s17 =	sadd.s32 s3, s15;
	s18 =	sand.u32 $0x1FFFFFF0, s16;
	s19 =	spop (v2sf)  }
0x1ec: {  	[tilespmem:s20], [sflag:$0x1] =	stream.linear.gather [hbm4b:s17+s1], $0x80, $0x38;
	[tilespmem:$0x10400] =	vst v63  }
0x1ed: {  	s21 =	sand.u32 $0x1FFFFFF0, s19;
	s22 =	spop (v2sf);
	s20 =	sadd.s32 s4, s18  }
0x1ee: {  	[tilespmem:s14], [sflag:$0x3] =	stream.linear.gather [hbm4b:s20+s1], $0x80, $0x38;
	[tilespmem:$0x10400] =	vst v63  }
0x1ef: {  	s23 =	sadd.s32 $0xB80, s26;
	s6 =	sadd.s32 s3, s21;
	s7 =	sand.u32 $0x1FFFFFF0, s22  }
0x1f0: {  	[tilespmem:s23], [sflag:$0x1] =	stream.linear.gather [hbm4b:s6+s1], $0x80, $0x38;
	[tilespmem:$0x10400] =	vst v63  }
0x1f1: {  	s24 =	sadd.s32 $0x8B80, s26;
	s25 =	sadd.s32 s4, s7  }
0x1f2: {  	[tilespmem:s24], [sflag:$0x3] =	stream.linear.gather [hbm4b:s25+s1], $0x80, $0x38;
	[tilespmem:$0x10400] =	vst v63  }
0x1f3: {  	v0 =	vld [tilespmem:s2+$0x0]  }
0x1f4: {  	v2 =	vld [tilespmem:s0+$0x0];
	_ =	sdelay $0x3  }
0x1f5: {  	v1 =	vshll.u32 v0, $0x4  }
0x1f6: {  	s26 =	smov.u32 s28;
	v63 =	vshll.u32 v2, $0x4;
	(v2sf) =	vpush v1, $0x0  }
0x1f7: {  	s26 =	sshra.s32 s26, $0x2;
	(v2sf) =	vpush v63, $0x0  }
0x1f8: {  	p0 =	sne.s32 s28, $0xE000;
	s5 =	sadd.s32 $0x680, s26;
	(v2sf) =	vpush v1, $0x1  }
0x1f9: {  	s28 =	sadd.s32 $0x2000, s28;
	s29 =	sadd.s32 $0x880, s26;
	[smem:$0x7EC] =	sst s5  }
0x1fa: {  	s30 =	sadd.s32 $0x8900, s26;
	s31 =	sadd.s32 $0x8880, s26;
	[dreg:$0xe] =	wrdreg s29;
	(v2sf) =	vpush v63, $0x1  }
0x1fb: {  	[dreg:$0x6] =	wrdreg s30;
	s29 =	sadd.s32 $0x500, s26;
	s5 =	sadd.s32 $0x8500, s26  }
0x1fc: {  	[dreg:$0x16] =	wrdreg s31;
	s8 =	sadd.s32 $0x400, s26;
	s9 =	sadd.s32 $0x8980, s26;
	(v2sf) =	vpush v1, $0x2  }
0x1fd: {  	s10 =	sadd.s32 $0x900, s26;
	s11 =	sadd.s32 $0x8800, s26;
	[dreg:$0xa] =	wrdreg s9  }
0x1fe: {  	s16 =	sadd.s32 $0x8580, s26;
	[dreg:$0x12] =	wrdreg s10;
	s15 =	sadd.s32 $0x780, s26;
	(v2sf) =	vpush v63, $0x2  }
0x1ff: {  	[dreg:$0x1b] =	wrdreg s11;
	s10 =	sadd.s32 $0x480, s26;
	s9 =	sadd.s32 $0x980, s26  }
0x200: {  	s19 =	sadd.s32 $0x8A00, s26;
	s13 =	sadd.s32 $0xA80, s26;
	s12 =	sadd.s32 $0x8A80, s26;
	(v2sf) =	vpush v1, $0x3  }
0x201: {  	s22 =	sadd.s32 $0x600, s26;
	s21 =	sadd.s32 $0x8680, s26;
	s14 =	sadd.s32 $0x8780, s26  }
0x202: {  	s7 =	sadd.s32 $0x8480, s26;
	s20 =	sadd.s32 $0x800, s26;
	[smem:$0x7ED] =	sst s14;
	(v2sf) =	vpush v63, $0x3  }
0x203: {  	s18 =	sadd.s32 $0x700, s26;
	s17 =	sadd.s32 $0x8700, s26;
	[smem:$0x7EE] =	sst s20  }
0x204: {  	s20 =	sadd.s32 $0xB00, s26;
	s14 =	sadd.s32 $0x8B00, s26;
	s6 =	sadd.s32 $0x8400, s26;
	(v2sf) =	vpush v1, $0x4  }
0x205: {  	s23 =	sadd.s32 $0xA00, s26;
	s25 =	sadd.s32 $0x580, s26;
	s30 =	spop (v2sf)  }
0x206: {  	s24 =	sadd.s32 $0x8600, s26;
	s30 =	sand.u32 $0x1FFFFFF0, s30;
	s31 =	spop (v2sf);
	(v2sf) =	vpush v63, $0x4  }
0x207: {  	s30 =	sadd.s32 s3, s30;
	s31 =	sand.u32 $0x1FFFFFF0, s31;
	s11 =	spop (v2sf)  }
0x208: {  	[tilespmem:s8], [sflag:$0x1] =	stream.linear.gather [hbm4b:s30+s1], $0x80, $0x38;
	[tilespmem:$0x10400] =	vst v63  }
0x209: {  	(v2sf) =	vpush v1, $0x5;
	s8 =	sadd.s32 s4, s31;
	s11 =	sand.u32 $0x1FFFFFF0, s11;
	s31 =	spop (v2sf)  }
0x20a: {  	(v2sf) =	vpush v63, $0x5;
	[tilespmem:s6], [sflag:$0x3] =	stream.linear.gather [hbm4b:s8+s1], $0x80, $0x38;
	[tilespmem:$0x10400] =	vst v63  }
0x20b: {  	s11 =	sadd.s32 s3, s11;
	s30 =	sand.u32 $0x1FFFFFF0, s31;
	s31 =	spop (v2sf)  }
0x20c: {  	(v2sf) =	vpush v1, $0x6;
	[tilespmem:s10], [sflag:$0x1] =	stream.linear.gather [hbm4b:s11+s1], $0x80, $0x38;
	[tilespmem:$0x10400] =	vst v63  }
0x20d: {  	s10 =	sadd.s32 s4, s30;
	s30 =	sand.u32 $0x1FFFFFF0, s31;
	s31 =	spop (v2sf)  }
0x20e: {  	(v2sf) =	vpush v63, $0x6;
	[tilespmem:s7], [sflag:$0x3] =	stream.linear.gather [hbm4b:s10+s1], $0x80, $0x38;
	[tilespmem:$0x10400] =	vst v63  }
0x20f: {  	s11 =	sadd.s32 s3, s30;
	s30 =	sand.u32 $0x1FFFFFF0, s31;
	s31 =	spop (v2sf)  }
0x210: {  	(v2sf) =	vpush v1, $0x7;
	[tilespmem:s29], [sflag:$0x1] =	stream.linear.gather [hbm4b:s11+s1], $0x80, $0x38;
	[tilespmem:$0x10400] =	vst v63  }
0x211: {  	s7 =	sadd.s32 s4, s30;
	s10 =	sand.u32 $0x1FFFFFF0, s31;
	s11 =	spop (v2sf)  }
0x212: {  	(v2sf) =	vpush v63, $0x7;
	[tilespmem:s5], [sflag:$0x3] =	stream.linear.gather [hbm4b:s7+s1], $0x80, $0x38;
	[tilespmem:$0x10400] =	vst v63  }
0x213: {  	s29 =	sadd.s32 s3, s10;
	s30 =	sand.u32 $0x1FFFFFF0, s11;
	s31 =	spop (v2sf)  }
0x214: {  	(v2sf) =	vpush v1, $0x8;
	[tilespmem:s25], [sflag:$0x1] =	stream.linear.gather [hbm4b:s29+s1], $0x80, $0x38;
	[tilespmem:$0x10400] =	vst v63  }
0x215: {  	s0 =	sadd.s32 $0x10, s0;
	s6 =	sadd.s32 s4, s30;
	s10 =	spop (v2sf)  }
0x216: {  	[tilespmem:s16], [sflag:$0x3] =	stream.linear.gather [hbm4b:s6+s1], $0x80, $0x38;
	[tilespmem:$0x10400] =	vst v63  }
0x217: {  	s2 =	sadd.s32 $0x10, s2;
	s8 =	sand.u32 $0x1FFFFFF0, s31;
	s16 =	sand.u32 $0x1FFFFFF0, s10  }
0x218: {  	s11 =	sadd.s32 s3, s8;
	(v2sf) =	vpush v63, $0x8;
	s25 =	spop (v2sf);
	s29 =	sadd.s32 s4, s16  }
0x219: {  	(v2sf) =	vpush v1, $0x9;
	s30 =	sand.u32 $0x1FFFFFF0, s25;
	s31 =	spop (v2sf);
	s16 =	sld [smem:$0x7EC]  }
0x21a: {  	[tilespmem:s22], [sflag:$0x1] =	stream.linear.gather [hbm4b:s11+s1], $0x80, $0x38;
	[tilespmem:$0x10400] =	vst v63  }
0x21b: {  	s8 =	sadd.s32 s3, s30;
	s10 =	sand.u32 $0x1FFFFFF0, s31;
	s11 =	spop (v2sf)  }
0x21c: {  	[tilespmem:s24], [sflag:$0x3] =	stream.linear.gather [hbm4b:s29+s1], $0x80, $0x38;
	[tilespmem:$0x10400] =	vst v63  }
0x21d: {  	(v2sf) =	vpush v63, $0x9;
	s22 =	sadd.s32 s4, s10;
	s24 =	sand.u32 $0x1FFFFFF0, s11;
	s25 =	spop (v2sf)  }
0x21e: {  	[tilespmem:s16], [sflag:$0x1] =	stream.linear.gather [hbm4b:s8+s1], $0x80, $0x38;
	[tilespmem:$0x10400] =	vst v63  }
0x21f: {  	(v2sf) =	vpush v1, $0xA;
	s29 =	sadd.s32 s3, s24;
	s30 =	sand.u32 $0x1FFFFFF0, s25;
	s31 =	spop (v2sf)  }
0x220: {  	[tilespmem:s21], [sflag:$0x3] =	stream.linear.gather [hbm4b:s22+s1], $0x80, $0x38;
	[tilespmem:$0x10400] =	vst v63  }
0x221: {  	(v2sf) =	vpush v63, $0xA;
	s25 =	sld [smem:$0x7ED];
	s10 =	sand.u32 $0x1FFFFFF0, s31;
	s11 =	spop (v2sf)  }
0x222: {  	[tilespmem:s18], [sflag:$0x1] =	stream.linear.gather [hbm4b:s29+s1], $0x80, $0x38;
	[tilespmem:$0x10400] =	vst v63  }
0x223: {  	(v2sf) =	vpush v1, $0xB;
	s8 =	sadd.s32 s4, s30;
	s16 =	sadd.s32 s3, s10;
	s18 =	spop (v2sf)  }
0x224: {  	[tilespmem:s17], [sflag:$0x3] =	stream.linear.gather [hbm4b:s8+s1], $0x80, $0x38;
	[tilespmem:$0x10400] =	vst v63  }
0x225: {  	s10 =	sld [smem:$0x7EE];
	s22 =	sand.u32 $0x1FFFFFF0, s18;
	s17 =	sand.u32 $0x1FFFFFF0, s11  }
0x226: {  	[tilespmem:s15], [sflag:$0x1] =	stream.linear.gather [hbm4b:s16+s1], $0x80, $0x38;
	[tilespmem:$0x10400] =	vst v63  }
0x227: {  	(v2sf) =	vpush v63, $0xB;
	s29 =	sadd.s32 s3, s22;
	s21 =	sadd.s32 s4, s17;
	s24 =	spop (v2sf)  }
0x228: {  	(v2sf) =	vpush v1, $0xC;
	s17 =	rddreg [dreg:$0x1b];
	s30 =	sand.u32 $0x1FFFFFF0, s24;
	s31 =	spop (v2sf)  }
0x229: {  	[tilespmem:s25], [sflag:$0x3] =	stream.linear.gather [hbm4b:s21+s1], $0x80, $0x38;
	[tilespmem:$0x10400] =	vst v63  }
0x22a: {  	(v2sf) =	vpush v63, $0xC;
	s24 =	rddreg [dreg:$0xe];
	s11 =	sadd.s32 s4, s30;
	s15 =	sand.u32 $0x1FFFFFF0, s31  }
0x22b: {  	[tilespmem:s10], [sflag:$0x1] =	stream.linear.gather [hbm4b:s29+s1], $0x80, $0x38;
	[tilespmem:$0x10400] =	vst v63  }
0x22c: {  	s16 =	spop (v2sf);
	s31 =	rddreg [dreg:$0x16];
	s18 =	sadd.s32 s3, s15  }
0x22d: {  	[tilespmem:s17], [sflag:$0x3] =	stream.linear.gather [hbm4b:s11+s1], $0x80, $0x38;
	[tilespmem:$0x10400] =	vst v63  }
0x22e: {  	s21 =	sand.u32 $0x1FFFFFF0, s16;
	s22 =	spop (v2sf);
	s16 =	rddreg [dreg:$0x12]  }
0x22f: {  	[tilespmem:s24], [sflag:$0x1] =	stream.linear.gather [hbm4b:s18+s1], $0x80, $0x38;
	[tilespmem:$0x10400] =	vst v63  }
0x230: {  	s25 =	sadd.s32 s4, s21;
	s29 =	sand.u32 $0x1FFFFFF0, s22;
	s30 =	spop (v2sf)  }
0x231: {  	[tilespmem:s31], [sflag:$0x3] =	stream.linear.gather [hbm4b:s25+s1], $0x80, $0x38;
	[tilespmem:$0x10400] =	vst v63  }
0x232: {  	s10 =	sadd.s32 s3, s29;
	s11 =	sand.u32 $0x1FFFFFF0, s30;
	s15 =	spop (v2sf)  }
0x233: {  	[tilespmem:s16], [sflag:$0x1] =	stream.linear.gather [hbm4b:s10+s1], $0x80, $0x38;
	[tilespmem:$0x10400] =	vst v63  }
0x234: {  	s22 =	rddreg [dreg:$0x6];
	s17 =	sadd.s32 s4, s11;
	s18 =	sand.u32 $0x1FFFFFF0, s15  }
0x235: {  	(v2sf) =	vpush v1, $0xD;
	[tilespmem:s22], [sflag:$0x3] =	stream.linear.gather [hbm4b:s17+s1], $0x80, $0x38;
	[tilespmem:$0x10400] =	vst v63  }
.Ltmp2:
0x236: {  	(v2sf) =	vpush v63, $0xD;
	s24 =	sadd.s32 s3, s18;
	s21 =	spop (v2sf);
	(pc) =	sbr.rel @p0 .LBB2_6-.Ltmp2, $4  }
0x237: {  	(v2sf) =	vpush v1, $0xE;
	s31 =	rddreg [dreg:$0xa];
	s25 =	sand.u32 $0x1FFFFFF0, s21;
	s29 =	spop (v2sf)  }
0x238: {  	(v2sf) =	vpush v63, $0xE;
	[tilespmem:s9], [sflag:$0x1] =	stream.linear.gather [hbm4b:s24+s1], $0x80, $0x38;
	[tilespmem:$0x10400] =	vst v63  }
0x239: {  	(v2sf) =	vpush v1, $0xF;
	s30 =	sadd.s32 s4, s25;
	s5 =	sand.u32 $0x1FFFFFF0, s29;
	s6 =	spop (v2sf)  }
0x23a: {  	(v2sf) =	vpush v63, $0xF;
	[tilespmem:s31], [sflag:$0x3] =	stream.linear.gather [hbm4b:s30+s1], $0x80, $0x38;
	[tilespmem:$0x10400] =	vst v63  }
0x23b: {  	_ =	sdelay $0x4  }
0x23c: {  	s0 =	sadd.s32 s3, s5;
	s2 =	sand.u32 $0x1FFFFFF0, s6  }
0x23d: {  	[tilespmem:s23], [sflag:$0x1] =	stream.linear.gather [hbm4b:s0+s1], $0x80, $0x38;
	[tilespmem:$0x10400] =	vst v63  }
0x23e: {  	s9 =	sadd.s32 s4, s2  }
0x23f: {  	[tilespmem:s19], [sflag:$0x3] =	stream.linear.gather [hbm4b:s9+s1], $0x80, $0x38;
	[tilespmem:$0x10400] =	vst v63  }
0x240: {  	s8 =	spop (v2sf)  }
0x241: {  	s10 =	sand.u32 $0x1FFFFFF0, s8;
	s11 =	spop (v2sf)  }
0x242: {  	s15 =	sadd.s32 s3, s10;
	s16 =	sand.u32 $0x1FFFFFF0, s11;
	s17 =	spop (v2sf)  }
0x243: {  	[tilespmem:s13], [sflag:$0x1] =	stream.linear.gather [hbm4b:s15+s1], $0x80, $0x38;
	[tilespmem:$0x10400] =	vst v63  }
0x244: {  	s18 =	sadd.s32 s4, s16;
	s19 =	sand.u32 $0x1FFFFFF0, s17;
	s21 =	spop (v2sf)  }
0x245: {  	[tilespmem:s12], [sflag:$0x3] =	stream.linear.gather [hbm4b:s18+s1], $0x80, $0x38;
	[tilespmem:$0x10400] =	vst v63  }
0x246: {  	s22 =	sadd.s32 s3, s19;
	s23 =	sand.u32 $0x1FFFFFF0, s21;
	s24 =	spop (v2sf)  }
0x247: {  	[tilespmem:s20], [sflag:$0x1] =	stream.linear.gather [hbm4b:s22+s1], $0x80, $0x38;
	[tilespmem:$0x10400] =	vst v63  }
0x248: {  	s25 =	sadd.s32 s4, s23;
	s29 =	sand.u32 $0x1FFFFFF0, s24;
	s30 =	spop (v2sf)  }
0x249: {  	[tilespmem:s14], [sflag:$0x3] =	stream.linear.gather [hbm4b:s25+s1], $0x80, $0x38;
	[tilespmem:$0x10400] =	vst v63  }
0x24a: {  	s31 =	sadd.s32 $0xB80, s26;
	s2 =	sadd.s32 s3, s29;
	s5 =	sand.u32 $0x1FFFFFF0, s30  }
0x24b: {  	[tilespmem:s31], [sflag:$0x1] =	stream.linear.gather [hbm4b:s2+s1], $0x80, $0x38;
	[tilespmem:$0x10400] =	vst v63  }
0x24c: {  	s7 =	simm.s32 $0x2;
	s6 =	sadd.s32 s4, s5;
	s2 =	sadd.s32 $0x8B80, s26  }
0x24d: {  	[tilespmem:s2], [sflag:$0x3] =	stream.linear.gather [hbm4b:s6+s1], $0x80, $0x38;
	[tilespmem:$0x10400] =	vst v63  }
0x24e: {  	_ =	swait.ge [sflag:s7], $0x4000  }
0x24f: {  	[sflag:s7] =	ssyncset.done $0x0  }
0x250: {  	s8 =	simm.s32 $0x4;
	[sflag:s7] =	ssyncadd.s32 $0xFFFFC000  }
0x251: {  	_ =	swait.ge [sflag:s8], $0x4000  }
0x252: {  	s10 =	sld [smem:$0x7F7]  }
0x253: {  	s9 =	simm.s32 $0x0;
	[sflag:s8] =	ssyncset.done $0x0  }
0x254: {  	s11 =	simm.s32 $0x4400;
	s12 =	simm.s32 $0x5;
	[sflag:s8] =	ssyncadd.s32 $0xFFFFC000  }
0x255: {  	[hbm4b:s10+s9] =	stream.linear.scatter [tilespmem:s11], [sflag:$0x5], $0x4000, $0x38;
	[tilespmem:$0x10400] =	vst v63  }
0x256: {  	_ =	swait.ge [sflag:s12], $0x4000  }
0x257: {  	s13 =	sld [smem:$0x7F8]  }
0x258: {  	[sflag:s12] =	ssyncset.done $0x0  }
0x259: {  	s14 =	simm.s32 $0xC400;
	[sflag:s12] =	ssyncadd.s32 $0xFFFFC000  }
0x25a: {  	[hbm4b:s13+s9] =	stream.linear.scatter [tilespmem:s14], [sflag:$0x5], $0x4000, $0x38;
	[tilespmem:$0x10400] =	vst v63  }
0x25b: {  	_ =	swait.ge [sflag:s12], $0x4000  }
0x25c: {  	[sflag:s12] =	ssyncset.done $0x0  }
0x25d: {  	s15 =	simm.s32 $0x180;
	[sflag:s12] =	ssyncadd.s32 $0xFFFFC000  }
0x25e: {  	v0 =	vld [tilespmem:s15+$0x0]  }
0x25f: {  	s16 =	simm.s32 $0x380  }
0x260: {  	v2 =	vld [tilespmem:s16+$0x0];
	_ =	sdelay $0x2  }
0x261: {  	v1 =	vshll.u32 v0, $0x4  }
0x262: {  	(v2sf) =	vpush v1, $0x0  }
0x263: {  	v63 =	vshll.u32 v2, $0x4  }
0x264: {  	(v2sf) =	vpush v63, $0x0;
	_ =	sdelay $0x1  }
0x265: {  	(v2sf) =	vpush v1, $0x1  }
0x266: {  	(v2sf) =	vpush v63, $0x1;
	_ =	sdelay $0x1  }
0x267: {  	(v2sf) =	vpush v1, $0x2;
	_ =	sdelay $0x1  }
0x268: {  	(v2sf) =	vpush v63, $0x2;
	_ =	sdelay $0x1  }
0x269: {  	s28 =	simm.s32 $0x2000;
	(v2sf) =	vpush v1, $0x3  }
0x26a: {  	s0 =	simm.s32 $0xC900;
	s17 =	simm.s32 $0xC400;
	s18 =	simm.s32 $0x4580  }
0x26b: {  	s30 =	simm.s32 $0x4500;
	s5 =	simm.s32 $0x4680;
	s22 =	simm.s32 $0x4480;
	(v2sf) =	vpush v63, $0x3  }
0x26c: {  	s25 =	simm.s32 $0xC480;
	s26 =	simm.s32 $0x0;
	s2 =	simm.s32 $0x4880  }
0x26d: {  	s7 =	simm.s32 $0x4400;
	s9 =	simm.s32 $0x4600;
	s8 =	spop (v2sf)  }
0x26e: {  	s14 =	simm.s32 $0xC500;
	s13 =	simm.s32 $0x4A80;
	s8 =	sand.u32 $0x1FFFFFF0, s8  }
0x26f: {  	s12 =	simm.s32 $0xCA80;
	(v2sf) =	vpush v1, $0x4;
	s11 =	spop (v2sf);
	s8 =	sadd.s32 s3, s8  }
0x270: {  	(v2sf) =	vpush v63, $0x4;
	[tilespmem:s7], [sflag:$0x2] =	stream.linear.gather [hbm4b:s8+s1], $0x80, $0x38;
	[tilespmem:$0x10400] =	vst v63  }
0x271: {  	s19 =	sand.u32 $0x1FFFFFF0, s11;
	s20 =	spop (v2sf);
	s7 =	simm.s32 $0xC580  }
0x272: {  	s8 =	sadd.s32 s4, s19;
	s11 =	sand.u32 $0x1FFFFFF0, s20;
	s21 =	spop (v2sf)  }
0x273: {  	(v2sf) =	vpush v1, $0x5;
	[tilespmem:s17], [sflag:$0x4] =	stream.linear.gather [hbm4b:s8+s1], $0x80, $0x38;
	[tilespmem:$0x10400] =	vst v63  }
0x274: {  	s23 =	sadd.s32 s3, s11;
	s24 =	sand.u32 $0x1FFFFFF0, s21;
	s29 =	spop (v2sf)  }
0x275: {  	(v2sf) =	vpush v63, $0x5;
	[tilespmem:s22], [sflag:$0x2] =	stream.linear.gather [hbm4b:s23+s1], $0x80, $0x38;
	[tilespmem:$0x10400] =	vst v63  }
0x276: {  	s11 =	sadd.s32 s4, s24;
	(v2sf) =	vpush v1, $0x6;
	s8 =	sand.u32 $0x1FFFFFF0, s29;
	s31 =	spop (v2sf)  }
0x277: {  	[tilespmem:s25], [sflag:$0x4] =	stream.linear.gather [hbm4b:s11+s1], $0x80, $0x38;
	[tilespmem:$0x10400] =	vst v63  }
0x278: {  	s8 =	sadd.s32 s3, s8;
	s10 =	spop (v2sf);
	s11 =	sand.u32 $0x1FFFFFF0, s31  }
0x279: {  	(v2sf) =	vpush v63, $0x6;
	[tilespmem:s30], [sflag:$0x2] =	stream.linear.gather [hbm4b:s8+s1], $0x80, $0x38;
	[tilespmem:$0x10400] =	vst v63  }
0x27a: {  	s16 =	sand.u32 $0x1FFFFFF0, s10;
	s17 =	spop (v2sf);
	s15 =	sadd.s32 s4, s11  }
0x27b: {  	(v2sf) =	vpush v1, $0x7;
	[tilespmem:s14], [sflag:$0x4] =	stream.linear.gather [hbm4b:s15+s1], $0x80, $0x38;
	[tilespmem:$0x10400] =	vst v63  }
0x27c: {  	s19 =	simm.s32 $0xCA00;
	s24 =	simm.s32 $0xC680;
	s11 =	sadd.s32 s3, s16  }
0x27d: {  	(v2sf) =	vpush v63, $0x7;
	[tilespmem:s18], [sflag:$0x2] =	stream.linear.gather [hbm4b:s11+s1], $0x80, $0x38;
	[tilespmem:$0x10400] =	vst v63  }
0x27e: {  	s29 =	simm.s32 $0x4700;
	s6 =	sand.u32 $0x1FFFFFF0, s17;
	s20 =	spop (v2sf)  }
0x27f: {  	s6 =	sadd.s32 s4, s6;
	s15 =	simm.s32 $0xC700;
	s21 =	spop (v2sf)  }
0x280: {  	[tilespmem:s7], [sflag:$0x4] =	stream.linear.gather [hbm4b:s6+s1], $0x80, $0x38;
	[tilespmem:$0x10400] =	vst v63  }
0x281: {  	s18 =	simm.s32 $0xC600;
	(v2sf) =	vpush v1, $0x8;
	s11 =	sand.u32 $0x1FFFFFF0, s20;
	s23 =	sand.u32 $0x1FFFFFF0, s21  }
0x282: {  	s22 =	sadd.s32 s3, s11;
	s25 =	spop (v2sf);
	s7 =	sadd.s32 s4, s23  }
0x283: {  	(v2sf) =	vpush v63, $0x8;
	[tilespmem:s9], [sflag:$0x2] =	stream.linear.gather [hbm4b:s22+s1], $0x80, $0x38;
	[tilespmem:$0x10400] =	vst v63  }
0x284: {  	s9 =	sand.u32 $0x1FFFFFF0, s25;
	s30 =	spop (v2sf);
	s22 =	simm.s32 $0xC780  }
0x285: {  	(v2sf) =	vpush v1, $0x9;
	s9 =	sadd.s32 s3, s9;
	s8 =	sand.u32 $0x1FFFFFF0, s30;
	s31 =	spop (v2sf)  }
0x286: {  	(v2sf) =	vpush v63, $0x9;
	[tilespmem:s18], [sflag:$0x4] =	stream.linear.gather [hbm4b:s7+s1], $0x80, $0x38;
	[tilespmem:$0x10400] =	vst v63  }
0x287: {  	s30 =	simm.s32 $0xC800;
	s8 =	sadd.s32 s4, s8;
	s10 =	sand.u32 $0x1FFFFFF0, s31  }
0x288: {  	(v2sf) =	vpush v1, $0xA;
	s11 =	spop (v2sf);
	s18 =	simm.s32 $0x4780;
	s14 =	sadd.s32 s3, s10  }
0x289: {  	[tilespmem:s5], [sflag:$0x2] =	stream.linear.gather [hbm4b:s9+s1], $0x80, $0x38;
	[tilespmem:$0x10400] =	vst v63  }
0x28a: {  	(v2sf) =	vpush v63, $0xA;
	s6 =	sand.u32 $0x1FFFFFF0, s11;
	s16 =	spop (v2sf);
	s10 =	simm.s32 $0xC880  }
0x28b: {  	[tilespmem:s24], [sflag:$0x4] =	stream.linear.gather [hbm4b:s8+s1], $0x80, $0x38;
	[tilespmem:$0x10400] =	vst v63  }
0x28c: {  	(v2sf) =	vpush v1, $0xB;
	s5 =	simm.s32 $0xC980;
	s9 =	sand.u32 $0x1FFFFFF0, s16;
	s17 =	spop (v2sf)  }
0x28d: {  	[tilespmem:s29], [sflag:$0x2] =	stream.linear.gather [hbm4b:s14+s1], $0x80, $0x38;
	[tilespmem:$0x10400] =	vst v63  }
0x28e: {  	s6 =	sadd.s32 s4, s6;
	s20 =	sadd.s32 s3, s9;
	s21 =	sand.u32 $0x1FFFFFF0, s17  }
0x28f: {  	[tilespmem:s15], [sflag:$0x4] =	stream.linear.gather [hbm4b:s6+s1], $0x80, $0x38;
	[tilespmem:$0x10400] =	vst v63  }
0x290: {  	(v2sf) =	vpush v63, $0xB;
	s9 =	sadd.s32 s4, s21;
	s24 =	simm.s32 $0x4800;
	s23 =	spop (v2sf)  }
0x291: {  	[tilespmem:s18], [sflag:$0x2] =	stream.linear.gather [hbm4b:s20+s1], $0x80, $0x38;
	[tilespmem:$0x10400] =	vst v63  }
0x292: {  	s14 =	simm.s32 $0x4900;
	s7 =	sand.u32 $0x1FFFFFF0, s23;
	s25 =	spop (v2sf)  }
0x293: {  	[tilespmem:s22], [sflag:$0x4] =	stream.linear.gather [hbm4b:s9+s1], $0x80, $0x38;
	[tilespmem:$0x10400] =	vst v63  }
0x294: {  	(v2sf) =	vpush v1, $0xC;
	s7 =	sadd.s32 s3, s7;
	s9 =	sand.u32 $0x1FFFFFF0, s25;
	s29 =	spop (v2sf)  }
0x295: {  	s31 =	sadd.s32 s4, s9;
	s8 =	sand.u32 $0x1FFFFFF0, s29;
	s11 =	spop (v2sf)  }
0x296: {  	(v2sf) =	vpush v63, $0xC;
	[tilespmem:s24], [sflag:$0x2] =	stream.linear.gather [hbm4b:s7+s1], $0x80, $0x38;
	[tilespmem:$0x10400] =	vst v63  }
0x297: {  	s9 =	sadd.s32 s3, s8;
	s7 =	sand.u32 $0x1FFFFFF0, s11;
	s15 =	spop (v2sf)  }
0x298: {  	[tilespmem:s30], [sflag:$0x4] =	stream.linear.gather [hbm4b:s31+s1], $0x80, $0x38;
	[tilespmem:$0x10400] =	vst v63  }
0x299: {  	s24 =	simm.s32 $0x4980;
	s7 =	sadd.s32 s4, s7;
	s16 =	spop (v2sf)  }
0x29a: {  	[tilespmem:s2], [sflag:$0x2] =	stream.linear.gather [hbm4b:s9+s1], $0x80, $0x38;
	[tilespmem:$0x10400] =	vst v63  }
0x29b: {  	s18 =	sand.u32 $0x1FFFFFF0, s16;
	s20 =	spop (v2sf);
	s9 =	sand.u32 $0x1FFFFFF0, s15  }
0x29c: {  	[tilespmem:s10], [sflag:$0x4] =	stream.linear.gather [hbm4b:s7+s1], $0x80, $0x38;
	[tilespmem:$0x10400] =	vst v63  }
0x29d: {  	s21 =	sadd.s32 s4, s18;
	s22 =	sand.u32 $0x1FFFFFF0, s20;
	s17 =	sadd.s32 s3, s9  }
0x29e: {  	[tilespmem:s14], [sflag:$0x2] =	stream.linear.gather [hbm4b:s17+s1], $0x80, $0x38;
	[tilespmem:$0x10400] =	vst v63  }
0x29f: {  	s23 =	spop (v2sf);
	s20 =	simm.s32 $0x4B00;
	s25 =	sadd.s32 s3, s22  }
0x2a0: {  	(v2sf) =	vpush v1, $0xD;
	[tilespmem:s0], [sflag:$0x4] =	stream.linear.gather [hbm4b:s21+s1], $0x80, $0x38;
	[tilespmem:$0x10400] =	vst v63  }
0x2a1: {  	(v2sf) =	vpush v63, $0xD;
	s29 =	sand.u32 $0x1FFFFFF0, s23;
	s23 =	simm.s32 $0x4A00;
	s2 =	simm.s32 $0x190  }
0x2a2: {  	(v2sf) =	vpush v1, $0xE;
	[tilespmem:s24], [sflag:$0x2] =	stream.linear.gather [hbm4b:s25+s1], $0x80, $0x38;
	[tilespmem:$0x10400] =	vst v63  }
0x2a3: {  	s30 =	sadd.s32 s4, s29;
	(v2sf) =	vpush v63, $0xE;
	s14 =	simm.s32 $0xCB00;
	s31 =	spop (v2sf)  }
0x2a4: {  	(v2sf) =	vpush v1, $0xF;
	[tilespmem:s5], [sflag:$0x4] =	stream.linear.gather [hbm4b:s30+s1], $0x80, $0x38;
	[tilespmem:$0x10400] =	vst v63  }
0x2a5: {  	(v2sf) =	vpush v63, $0xF;
	s0 =	simm.s32 $0x390;
	s6 =	sand.u32 $0x1FFFFFF0, s31;
	s5 =	spop (v2sf)  }
.LBB2_8:
0x2a6: {  	_ =	sdelay $0x4  }
0x2a7: {  	s6 =	sadd.s32 s3, s6;
	s5 =	sand.u32 $0x1FFFFFF0, s5  }
0x2a8: {  	[tilespmem:s23], [sflag:$0x2] =	stream.linear.gather [hbm4b:s6+s1], $0x80, $0x38;
	[tilespmem:$0x10400] =	vst v63  }
0x2a9: {  	s5 =	sadd.s32 s4, s5  }
0x2aa: {  	[tilespmem:s19], [sflag:$0x4] =	stream.linear.gather [hbm4b:s5+s1], $0x80, $0x38;
	[tilespmem:$0x10400] =	vst v63  }
0x2ab: {  	s7 =	spop (v2sf)  }
0x2ac: {  	s7 =	sand.u32 $0x1FFFFFF0, s7;
	s8 =	spop (v2sf)  }
0x2ad: {  	s9 =	sadd.s32 s3, s7;
	s10 =	sand.u32 $0x1FFFFFF0, s8;
	s11 =	spop (v2sf)  }
0x2ae: {  	[tilespmem:s13], [sflag:$0x2] =	stream.linear.gather [hbm4b:s9+s1], $0x80, $0x38;
	[tilespmem:$0x10400] =	vst v63  }
0x2af: {  	s13 =	sadd.s32 s4, s10;
	s15 =	sand.u32 $0x1FFFFFF0, s11;
	s16 =	spop (v2sf)  }
0x2b0: {  	[tilespmem:s12], [sflag:$0x4] =	stream.linear.gather [hbm4b:s13+s1], $0x80, $0x38;
	[tilespmem:$0x10400] =	vst v63  }
0x2b1: {  	s17 =	sadd.s32 s3, s15;
	s18 =	sand.u32 $0x1FFFFFF0, s16;
	s19 =	spop (v2sf)  }
0x2b2: {  	[tilespmem:s20], [sflag:$0x2] =	stream.linear.gather [hbm4b:s17+s1], $0x80, $0x38;
	[tilespmem:$0x10400] =	vst v63  }
0x2b3: {  	s21 =	sand.u32 $0x1FFFFFF0, s19;
	s22 =	spop (v2sf);
	s20 =	sadd.s32 s4, s18  }
0x2b4: {  	[tilespmem:s14], [sflag:$0x4] =	stream.linear.gather [hbm4b:s20+s1], $0x80, $0x38;
	[tilespmem:$0x10400] =	vst v63  }
0x2b5: {  	s23 =	sadd.s32 $0x4B80, s26;
	s6 =	sadd.s32 s3, s21;
	s7 =	sand.u32 $0x1FFFFFF0, s22  }
0x2b6: {  	[tilespmem:s23], [sflag:$0x2] =	stream.linear.gather [hbm4b:s6+s1], $0x80, $0x38;
	[tilespmem:$0x10400] =	vst v63  }
0x2b7: {  	s24 =	sadd.s32 $0xCB80, s26;
	s25 =	sadd.s32 s4, s7  }
0x2b8: {  	[tilespmem:s24], [sflag:$0x4] =	stream.linear.gather [hbm4b:s25+s1], $0x80, $0x38;
	[tilespmem:$0x10400] =	vst v63  }
0x2b9: {  	v0 =	vld [tilespmem:s2+$0x0]  }
0x2ba: {  	v2 =	vld [tilespmem:s0+$0x0];
	_ =	sdelay $0x3  }
0x2bb: {  	v1 =	vshll.u32 v0, $0x4  }
0x2bc: {  	s26 =	smov.u32 s28;
	v63 =	vshll.u32 v2, $0x4;
	(v2sf) =	vpush v1, $0x0  }
0x2bd: {  	s26 =	sshra.s32 s26, $0x2;
	(v2sf) =	vpush v63, $0x0  }
0x2be: {  	p0 =	sne.s32 s28, $0xE000;
	s5 =	sadd.s32 $0x4680, s26;
	(v2sf) =	vpush v1, $0x1  }
0x2bf: {  	s28 =	sadd.s32 $0x2000, s28;
	s29 =	sadd.s32 $0x4880, s26;
	[smem:$0x7E9] =	sst s5  }
0x2c0: {  	s30 =	sadd.s32 $0xC900, s26;
	s31 =	sadd.s32 $0xC880, s26;
	[dreg:$0xf] =	wrdreg s29;
	(v2sf) =	vpush v63, $0x1  }
0x2c1: {  	[dreg:$0x7] =	wrdreg s30;
	s29 =	sadd.s32 $0x4500, s26;
	s5 =	sadd.s32 $0xC500, s26  }
0x2c2: {  	[dreg:$0x17] =	wrdreg s31;
	s8 =	sadd.s32 $0x4400, s26;
	s9 =	sadd.s32 $0xC980, s26;
	(v2sf) =	vpush v1, $0x2  }
0x2c3: {  	s10 =	sadd.s32 $0x4900, s26;
	s11 =	sadd.s32 $0xC800, s26;
	[dreg:$0xb] =	wrdreg s9  }
0x2c4: {  	s16 =	sadd.s32 $0xC580, s26;
	[dreg:$0x13] =	wrdreg s10;
	s15 =	sadd.s32 $0x4780, s26;
	(v2sf) =	vpush v63, $0x2  }
0x2c5: {  	[dreg:$0x1c] =	wrdreg s11;
	s10 =	sadd.s32 $0x4480, s26;
	s9 =	sadd.s32 $0x4980, s26  }
0x2c6: {  	s19 =	sadd.s32 $0xCA00, s26;
	s13 =	sadd.s32 $0x4A80, s26;
	s12 =	sadd.s32 $0xCA80, s26;
	(v2sf) =	vpush v1, $0x3  }
0x2c7: {  	s22 =	sadd.s32 $0x4600, s26;
	s21 =	sadd.s32 $0xC680, s26;
	s14 =	sadd.s32 $0xC780, s26  }
0x2c8: {  	s7 =	sadd.s32 $0xC480, s26;
	s20 =	sadd.s32 $0x4800, s26;
	[smem:$0x7EA] =	sst s14;
	(v2sf) =	vpush v63, $0x3  }
0x2c9: {  	s18 =	sadd.s32 $0x4700, s26;
	s17 =	sadd.s32 $0xC700, s26;
	[smem:$0x7EB] =	sst s20  }
0x2ca: {  	s20 =	sadd.s32 $0x4B00, s26;
	s14 =	sadd.s32 $0xCB00, s26;
	s6 =	sadd.s32 $0xC400, s26;
	(v2sf) =	vpush v1, $0x4  }
0x2cb: {  	s23 =	sadd.s32 $0x4A00, s26;
	s25 =	sadd.s32 $0x4580, s26;
	s30 =	spop (v2sf)  }
0x2cc: {  	s24 =	sadd.s32 $0xC600, s26;
	s30 =	sand.u32 $0x1FFFFFF0, s30;
	s31 =	spop (v2sf);
	(v2sf) =	vpush v63, $0x4  }
0x2cd: {  	s30 =	sadd.s32 s3, s30;
	s31 =	sand.u32 $0x1FFFFFF0, s31;
	s11 =	spop (v2sf)  }
0x2ce: {  	[tilespmem:s8], [sflag:$0x2] =	stream.linear.gather [hbm4b:s30+s1], $0x80, $0x38;
	[tilespmem:$0x10400] =	vst v63  }
0x2cf: {  	(v2sf) =	vpush v1, $0x5;
	s8 =	sadd.s32 s4, s31;
	s11 =	sand.u32 $0x1FFFFFF0, s11;
	s31 =	spop (v2sf)  }
0x2d0: {  	(v2sf) =	vpush v63, $0x5;
	[tilespmem:s6], [sflag:$0x4] =	stream.linear.gather [hbm4b:s8+s1], $0x80, $0x38;
	[tilespmem:$0x10400] =	vst v63  }
0x2d1: {  	s11 =	sadd.s32 s3, s11;
	s30 =	sand.u32 $0x1FFFFFF0, s31;
	s31 =	spop (v2sf)  }
0x2d2: {  	(v2sf) =	vpush v1, $0x6;
	[tilespmem:s10], [sflag:$0x2] =	stream.linear.gather [hbm4b:s11+s1], $0x80, $0x38;
	[tilespmem:$0x10400] =	vst v63  }
0x2d3: {  	s10 =	sadd.s32 s4, s30;
	s30 =	sand.u32 $0x1FFFFFF0, s31;
	s31 =	spop (v2sf)  }
0x2d4: {  	(v2sf) =	vpush v63, $0x6;
	[tilespmem:s7], [sflag:$0x4] =	stream.linear.gather [hbm4b:s10+s1], $0x80, $0x38;
	[tilespmem:$0x10400] =	vst v63  }
0x2d5: {  	s11 =	sadd.s32 s3, s30;
	s30 =	sand.u32 $0x1FFFFFF0, s31;
	s31 =	spop (v2sf)  }
0x2d6: {  	(v2sf) =	vpush v1, $0x7;
	[tilespmem:s29], [sflag:$0x2] =	stream.linear.gather [hbm4b:s11+s1], $0x80, $0x38;
	[tilespmem:$0x10400] =	vst v63  }
0x2d7: {  	s7 =	sadd.s32 s4, s30;
	s10 =	sand.u32 $0x1FFFFFF0, s31;
	s11 =	spop (v2sf)  }
0x2d8: {  	(v2sf) =	vpush v63, $0x7;
	[tilespmem:s5], [sflag:$0x4] =	stream.linear.gather [hbm4b:s7+s1], $0x80, $0x38;
	[tilespmem:$0x10400] =	vst v63  }
0x2d9: {  	s29 =	sadd.s32 s3, s10;
	s30 =	sand.u32 $0x1FFFFFF0, s11;
	s31 =	spop (v2sf)  }
0x2da: {  	(v2sf) =	vpush v1, $0x8;
	[tilespmem:s25], [sflag:$0x2] =	stream.linear.gather [hbm4b:s29+s1], $0x80, $0x38;
	[tilespmem:$0x10400] =	vst v63  }
0x2db: {  	s0 =	sadd.s32 $0x10, s0;
	s6 =	sadd.s32 s4, s30;
	s10 =	spop (v2sf)  }
0x2dc: {  	[tilespmem:s16], [sflag:$0x4] =	stream.linear.gather [hbm4b:s6+s1], $0x80, $0x38;
	[tilespmem:$0x10400] =	vst v63  }
0x2dd: {  	s2 =	sadd.s32 $0x10, s2;
	s8 =	sand.u32 $0x1FFFFFF0, s31;
	s16 =	sand.u32 $0x1FFFFFF0, s10  }
0x2de: {  	s11 =	sadd.s32 s3, s8;
	(v2sf) =	vpush v63, $0x8;
	s25 =	spop (v2sf);
	s29 =	sadd.s32 s4, s16  }
0x2df: {  	(v2sf) =	vpush v1, $0x9;
	s30 =	sand.u32 $0x1FFFFFF0, s25;
	s31 =	spop (v2sf);
	s16 =	sld [smem:$0x7E9]  }
0x2e0: {  	[tilespmem:s22], [sflag:$0x2] =	stream.linear.gather [hbm4b:s11+s1], $0x80, $0x38;
	[tilespmem:$0x10400] =	vst v63  }
0x2e1: {  	s8 =	sadd.s32 s3, s30;
	s10 =	sand.u32 $0x1FFFFFF0, s31;
	s11 =	spop (v2sf)  }
0x2e2: {  	[tilespmem:s24], [sflag:$0x4] =	stream.linear.gather [hbm4b:s29+s1], $0x80, $0x38;
	[tilespmem:$0x10400] =	vst v63  }
0x2e3: {  	(v2sf) =	vpush v63, $0x9;
	s22 =	sadd.s32 s4, s10;
	s24 =	sand.u32 $0x1FFFFFF0, s11;
	s25 =	spop (v2sf)  }
0x2e4: {  	[tilespmem:s16], [sflag:$0x2] =	stream.linear.gather [hbm4b:s8+s1], $0x80, $0x38;
	[tilespmem:$0x10400] =	vst v63  }
0x2e5: {  	(v2sf) =	vpush v1, $0xA;
	s29 =	sadd.s32 s3, s24;
	s30 =	sand.u32 $0x1FFFFFF0, s25;
	s31 =	spop (v2sf)  }
0x2e6: {  	[tilespmem:s21], [sflag:$0x4] =	stream.linear.gather [hbm4b:s22+s1], $0x80, $0x38;
	[tilespmem:$0x10400] =	vst v63  }
0x2e7: {  	(v2sf) =	vpush v63, $0xA;
	s25 =	sld [smem:$0x7EA];
	s10 =	sand.u32 $0x1FFFFFF0, s31;
	s11 =	spop (v2sf)  }
0x2e8: {  	[tilespmem:s18], [sflag:$0x2] =	stream.linear.gather [hbm4b:s29+s1], $0x80, $0x38;
	[tilespmem:$0x10400] =	vst v63  }
0x2e9: {  	(v2sf) =	vpush v1, $0xB;
	s8 =	sadd.s32 s4, s30;
	s16 =	sadd.s32 s3, s10;
	s18 =	spop (v2sf)  }
0x2ea: {  	[tilespmem:s17], [sflag:$0x4] =	stream.linear.gather [hbm4b:s8+s1], $0x80, $0x38;
	[tilespmem:$0x10400] =	vst v63  }
0x2eb: {  	s10 =	sld [smem:$0x7EB];
	s22 =	sand.u32 $0x1FFFFFF0, s18;
	s17 =	sand.u32 $0x1FFFFFF0, s11  }
0x2ec: {  	[tilespmem:s15], [sflag:$0x2] =	stream.linear.gather [hbm4b:s16+s1], $0x80, $0x38;
	[tilespmem:$0x10400] =	vst v63  }
0x2ed: {  	(v2sf) =	vpush v63, $0xB;
	s29 =	sadd.s32 s3, s22;
	s21 =	sadd.s32 s4, s17;
	s24 =	spop (v2sf)  }
0x2ee: {  	(v2sf) =	vpush v1, $0xC;
	s17 =	rddreg [dreg:$0x1c];
	s30 =	sand.u32 $0x1FFFFFF0, s24;
	s31 =	spop (v2sf)  }
0x2ef: {  	[tilespmem:s25], [sflag:$0x4] =	stream.linear.gather [hbm4b:s21+s1], $0x80, $0x38;
	[tilespmem:$0x10400] =	vst v63  }
0x2f0: {  	(v2sf) =	vpush v63, $0xC;
	s24 =	rddreg [dreg:$0xf];
	s11 =	sadd.s32 s4, s30;
	s15 =	sand.u32 $0x1FFFFFF0, s31  }
0x2f1: {  	[tilespmem:s10], [sflag:$0x2] =	stream.linear.gather [hbm4b:s29+s1], $0x80, $0x38;
	[tilespmem:$0x10400] =	vst v63  }
0x2f2: {  	s16 =	spop (v2sf);
	s31 =	rddreg [dreg:$0x17];
	s18 =	sadd.s32 s3, s15  }
0x2f3: {  	[tilespmem:s17], [sflag:$0x4] =	stream.linear.gather [hbm4b:s11+s1], $0x80, $0x38;
	[tilespmem:$0x10400] =	vst v63  }
0x2f4: {  	s21 =	sand.u32 $0x1FFFFFF0, s16;
	s22 =	spop (v2sf);
	s16 =	rddreg [dreg:$0x13]  }
0x2f5: {  	[tilespmem:s24], [sflag:$0x2] =	stream.linear.gather [hbm4b:s18+s1], $0x80, $0x38;
	[tilespmem:$0x10400] =	vst v63  }
0x2f6: {  	s25 =	sadd.s32 s4, s21;
	s29 =	sand.u32 $0x1FFFFFF0, s22;
	s30 =	spop (v2sf)  }
0x2f7: {  	[tilespmem:s31], [sflag:$0x4] =	stream.linear.gather [hbm4b:s25+s1], $0x80, $0x38;
	[tilespmem:$0x10400] =	vst v63  }
0x2f8: {  	s10 =	sadd.s32 s3, s29;
	s11 =	sand.u32 $0x1FFFFFF0, s30;
	s15 =	spop (v2sf)  }
0x2f9: {  	[tilespmem:s16], [sflag:$0x2] =	stream.linear.gather [hbm4b:s10+s1], $0x80, $0x38;
	[tilespmem:$0x10400] =	vst v63  }
0x2fa: {  	s22 =	rddreg [dreg:$0x7];
	s17 =	sadd.s32 s4, s11;
	s18 =	sand.u32 $0x1FFFFFF0, s15  }
0x2fb: {  	(v2sf) =	vpush v1, $0xD;
	[tilespmem:s22], [sflag:$0x4] =	stream.linear.gather [hbm4b:s17+s1], $0x80, $0x38;
	[tilespmem:$0x10400] =	vst v63  }
.Ltmp3:
0x2fc: {  	(v2sf) =	vpush v63, $0xD;
	s24 =	sadd.s32 s3, s18;
	s21 =	spop (v2sf);
	(pc) =	sbr.rel @p0 .LBB2_8-.Ltmp3, $4  }
0x2fd: {  	(v2sf) =	vpush v1, $0xE;
	s31 =	rddreg [dreg:$0xb];
	s25 =	sand.u32 $0x1FFFFFF0, s21;
	s29 =	spop (v2sf)  }
0x2fe: {  	(v2sf) =	vpush v63, $0xE;
	[tilespmem:s9], [sflag:$0x2] =	stream.linear.gather [hbm4b:s24+s1], $0x80, $0x38;
	[tilespmem:$0x10400] =	vst v63  }
0x2ff: {  	(v2sf) =	vpush v1, $0xF;
	s30 =	sadd.s32 s4, s25;
	s6 =	sand.u32 $0x1FFFFFF0, s29;
	s5 =	spop (v2sf)  }
0x300: {  	(v2sf) =	vpush v63, $0xF;
	[tilespmem:s31], [sflag:$0x4] =	stream.linear.gather [hbm4b:s30+s1], $0x80, $0x38;
	[tilespmem:$0x10400] =	vst v63  }
0x301: {  	_ =	sdelay $0x4  }
0x302: {  	s0 =	sadd.s32 s3, s6;
	s9 =	sand.u32 $0x1FFFFFF0, s5  }
0x303: {  	[tilespmem:s23], [sflag:$0x2] =	stream.linear.gather [hbm4b:s0+s1], $0x80, $0x38;
	[tilespmem:$0x10400] =	vst v63  }
0x304: {  	s0 =	sadd.s32 s4, s9  }
0x305: {  	[tilespmem:s19], [sflag:$0x4] =	stream.linear.gather [hbm4b:s0+s1], $0x80, $0x38;
	[tilespmem:$0x10400] =	vst v63  }
0x306: {  	s10 =	spop (v2sf)  }
0x307: {  	s0 =	sand.u32 $0x1FFFFFF0, s10  }
0x308: {  	s11 =	spop (v2sf);
	s0 =	sadd.s32 s3, s0  }
0x309: {  	[tilespmem:s13], [sflag:$0x2] =	stream.linear.gather [hbm4b:s0+s1], $0x80, $0x38;
	[tilespmem:$0x10400] =	vst v63  }
0x30a: {  	s0 =	sand.u32 $0x1FFFFFF0, s11  }
0x30b: {  	s0 =	sadd.s32 s4, s0  }
0x30c: {  	[tilespmem:s12], [sflag:$0x4] =	stream.linear.gather [hbm4b:s0+s1], $0x80, $0x38;
	[tilespmem:$0x10400] =	vst v63  }
0x30d: {  	s12 =	spop (v2sf)  }
0x30e: {  	s0 =	sand.u32 $0x1FFFFFF0, s12  }
0x30f: {  	s13 =	spop (v2sf);
	s0 =	sadd.s32 s3, s0  }
0x310: {  	[tilespmem:s20], [sflag:$0x2] =	stream.linear.gather [hbm4b:s0+s1], $0x80, $0x38;
	[tilespmem:$0x10400] =	vst v63  }
0x311: {  	s0 =	sand.u32 $0x1FFFFFF0, s13  }
0x312: {  	s0 =	sadd.s32 s4, s0  }
0x313: {  	[tilespmem:s14], [sflag:$0x4] =	stream.linear.gather [hbm4b:s0+s1], $0x80, $0x38;
	[tilespmem:$0x10400] =	vst v63  }
0x314: {  	s14 =	spop (v2sf)  }
0x315: {  	s0 =	sand.u32 $0x1FFFFFF0, s14  }
0x316: {  	s2 =	sadd.s32 $0x4B80, s26;
	s15 =	spop (v2sf);
	s0 =	sadd.s32 s3, s0  }
0x317: {  	[tilespmem:s2], [sflag:$0x2] =	stream.linear.gather [hbm4b:s0+s1], $0x80, $0x38;
	[tilespmem:$0x10400] =	vst v63  }
0x318: {  	s0 =	sand.u32 $0x1FFFFFF0, s15  }
0x319: {  	s16 =	sadd.s32 $0xCB80, s26;
	s17 =	simm.s32 $0x1;
	s0 =	sadd.s32 s4, s0  }
0x31a: {  	[tilespmem:s16], [sflag:$0x4] =	stream.linear.gather [hbm4b:s0+s1], $0x80, $0x38;
	[tilespmem:$0x10400] =	vst v63  }
0x31b: {  	_ =	swait.ge [sflag:s17], $0x4000  }
0x31c: {  	[sflag:s17] =	ssyncset.done $0x0  }
0x31d: {  	s18 =	simm.s32 $0x3;
	[sflag:s17] =	ssyncadd.s32 $0xFFFFC000  }
0x31e: {  	_ =	swait.ge [sflag:s18], $0x4000  }
0x31f: {  	s19 =	sld [smem:$0x7F9]  }
0x320: {  	[sflag:s18] =	ssyncset.done $0x0  }
0x321: {  	s5 =	simm.s32 $0x5;
	s20 =	simm.s32 $0x400;
	[sflag:s18] =	ssyncadd.s32 $0xFFFFC000  }
0x322: {  	[hbm4b:s19+s1] =	stream.linear.scatter [tilespmem:s20], [sflag:$0x5], $0x4000, $0x38;
	[tilespmem:$0x10400] =	vst v63  }
0x323: {  	_ =	swait.ge [sflag:s5], $0x4000  }
0x324: {  	s21 =	sld [smem:$0x7FA]  }
0x325: {  	[sflag:s5] =	ssyncset.done $0x0  }
0x326: {  	s22 =	simm.s32 $0x8400;
	[sflag:s5] =	ssyncadd.s32 $0xFFFFC000  }
0x327: {  	[hbm4b:s21+s1] =	stream.linear.scatter [tilespmem:s22], [sflag:$0x5], $0x4000, $0x38;
	[tilespmem:$0x10400] =	vst v63  }
0x328: {  	_ =	swait.ge [sflag:s5], $0x4000  }
0x329: {  	[sflag:s5] =	ssyncset.done $0x0  }
0x32a: {  	s23 =	simm.s32 $0x2;
	[sflag:s5] =	ssyncadd.s32 $0xFFFFC000  }
0x32b: {  	_ =	swait.ge [sflag:s23], $0x4000  }
0x32c: {  	[sflag:s23] =	ssyncset.done $0x0  }
0x32d: {  	s24 =	simm.s32 $0x4;
	[sflag:s23] =	ssyncadd.s32 $0xFFFFC000  }
0x32e: {  	_ =	swait.ge [sflag:s24], $0x4000  }
0x32f: {  	s25 =	sld [smem:$0x7FB]  }
0x330: {  	[sflag:s24] =	ssyncset.done $0x0  }
0x331: {  	s26 =	simm.s32 $0x4400;
	[sflag:s24] =	ssyncadd.s32 $0xFFFFC000  }
0x332: {  	[hbm4b:s25+s1] =	stream.linear.scatter [tilespmem:s26], [sflag:$0x5], $0x4000, $0x38;
	[tilespmem:$0x10400] =	vst v63  }
0x333: {  	_ =	swait.ge [sflag:s5], $0x4000  }
0x334: {  	s28 =	sld [smem:$0x7FC]  }
0x335: {  	[sflag:s5] =	ssyncset.done $0x0  }
0x336: {  	s29 =	simm.s32 $0xC400;
	[sflag:s5] =	ssyncadd.s32 $0xFFFFC000  }
0x337: {  	[hbm4b:s28+s1] =	stream.linear.scatter [tilespmem:s29], [sflag:$0x5], $0x4000, $0x38;
	[tilespmem:$0x10400] =	vst v63  }
0x338: {  	_ =	swait.ge [sflag:s5], $0x4000  }
0x339: {  	s30 =	sld [smem:$0x7F2]  }
0x33a: {  	s31 =	sld [smem:$0x7FD];
	_ =	sdelay $0x1  }
0x33b: {  	s2 =	sadd.s32 $0x1, s30  }
0x33c: {  	p0 =	sne.s32 s2, s31  }
.Ltmp4:
0x33d: {  	_ = 	snop;
	(pc) =	sbr.rel @p0 .LBB2_1-.Ltmp4, $3  }
0x33e: {  	_ =	sdelay $0x1  }
0x33f: {  	[sflag:s5] =	ssyncset.done $0x0  }
0x340: {  	[sflag:s5] =	ssyncadd.s32 $0xFFFFC000  }
0x341: {  	_ =	sfence.sel $0x180000  }
0x342: {  	[bflag:$0x0] =	sbarrier.arrive $0xFFFF  }
0x343: {  	_ =	strace $0x90000047  }
0x344: {  	s0 =	stileid.u32;
	[bflag:$0x2] =	sbarrier.arrive $0xFFFF  }
0x345: {  	p0 =	sne.s32 s0, $0x0;
	s0 =	rddreg [dreg:$0x3]  }
0x346: {  	s0 =	sadd.s32 @!p0 $0x100000, s0  }
0x347: {  	[sflag:s0] =	ssyncadd.tile.s32 @!p0 $0x1;
	_ =	shalt  }
.Lfunc_end2:
_tile_overlayer_lowered:
.L_overlay_start_2:
0x348: {  	(tag) =	ssettag $0x2  }
0x349: {  	s0 =	rddreg [dreg:$0x0];
	s2 =	stileid.u32  }
0x34a: {  	s1 =	rddreg [dreg:$0x1];
	p0 =	sne.s32 s2, $0x0  }
0x34b: {  	s3 =	rddreg [dreg:$0x2];
	[bflag:$0x3] =	sbarrier.arrive $0xFFFF;
	s2 =	simm.s32 @!p0 $0x1C05  }
0x34c: {  	[timem:s3], [sflag:s2] =	dma.local @!p0 [hbm:s0], s1  }
0x34d: {  	s0 =	simm.s32 @!p0 $0x5  }
0x34e: {  	_ =	swait.ge @!p0 [sflag:s0], s1  }
0x34f: {  	s1 =	ssub.s32 @!p0 $0x0, s1;
	[sflag:s0] =	ssyncset.done @!p0 $0x0  }
0x350: {  	[sflag:s0] =	ssyncadd.s32 @!p0 s1  }
0x351: {  	[bflag:$0x3] =	sbarrier.arrive $0xFFFF  }
0x352: {  	_ =	shalt  }

</sc_bundles>
